<compile_context>
chip_gen: v7x
topology: tpu7x:2x2x1
jax: 0.10.2.dev20260603
libtpu: 0.0.44.dev20260713+nightly
codegen_flags: <defaults>
</compile_context>

<pallas_src>
import functools

import jax
import jax.numpy as jnp
from jax import lax
from jax.experimental import pallas as pl
from jax.experimental.pallas import tpu as pltpu
from jax.experimental.pallas import tpu_sc as plsc

NP_ = 576
PD_ = 768
B_ = 256

NC_ = 2
NS_ = 16
NW_ = NC_ * NS_
BPW_ = B_ // NW_
PC_ = 32
NPC_ = NP_ // PC_
NCHUNK_ = NPC_ * BPW_
NBUF_ = 4
NVREG_ = PC_ * PD_ // 16
VPR_ = PD_ // 16

_mesh = plsc.VectorSubcoreMesh(core_axis_name="c", subcore_axis_name="s")


@functools.partial(
    pl.kernel,
    out_type=jax.ShapeDtypeStruct((B_, NP_, PD_), jnp.float32),
    mesh=_mesh,
    scratch_types=(
        [pltpu.VMEM((PC_, PD_), jnp.float32)]
        + [pltpu.VMEM((PC_, PD_), jnp.float32) for _ in range(NBUF_)]
        + [pltpu.SemaphoreType.DMA for _ in range(2 * NBUF_)]
    ),
)
def _sc_add(x_hbm, t_hbm, out_hbm, t_v, *bufs_and_sems):
    bufs = bufs_and_sems[:NBUF_]
    in_sems = bufs_and_sems[NBUF_:2 * NBUF_]
    out_sems = bufs_and_sems[2 * NBUF_:]

    w = lax.axis_index("s") * NC_ + lax.axis_index("c")
    b0 = w * BPW_

    def x_slice(ref, u):
        pc = u // BPW_
        b = b0 + (u % BPW_)
        return ref.at[b, pl.ds(pc * PC_, PC_)]

    pltpu.async_copy(x_slice(x_hbm, 0), bufs[0], in_sems[0])
    pltpu.async_copy(x_slice(x_hbm, 1), bufs[1], in_sems[1])

    def step(i, carry):
        for ph in range(NBUF_):
            u = i * NBUF_ + ph
            bph = (ph + NBUF_ // 2) % NBUF_

            if ph == 0:
                def load_t():
                    pc = i // 2
                    pltpu.sync_copy(t_hbm.at[pl.ds(pc * PC_, PC_)], t_v)

                pl.when(i % 2 == 0)(load_t)

            def drain_buddy():
                pltpu.make_async_copy(
                    bufs[bph], x_slice(out_hbm, u - NBUF_ // 2), out_sems[bph]
                ).wait()

            def prefetch_buddy():
                pltpu.async_copy(
                    x_slice(x_hbm, u + NBUF_ // 2), bufs[bph], in_sems[bph]
                )

            if ph < NBUF_ // 2:
                pl.when(i >= 1)(drain_buddy)
                prefetch_buddy()
            else:
                drain_buddy()
                pl.when(i < NCHUNK_ // NBUF_ - 1)(prefetch_buddy)

            pltpu.make_async_copy(x_slice(x_hbm, u), bufs[ph], in_sems[ph]).wait()

            buf = bufs[ph]

            @plsc.parallel_loop(0, PC_, unroll=4)
            def add_body(r):
                for c in range(VPR_):
                    plsc.addupdate(
                        buf.at[r, pl.ds(c * 16, 16)], t_v[r, pl.ds(c * 16, 16)]
                    )

            pltpu.async_copy(buf, x_slice(out_hbm, u), out_sems[ph])
        return carry

    lax.fori_loop(0, NCHUNK_ // NBUF_, step, 0)

    for ph in range(NBUF_ // 2, NBUF_):
        u = NCHUNK_ - NBUF_ + ph
        pltpu.make_async_copy(bufs[ph], x_slice(out_hbm, u), out_sems[ph]).wait()


def kernel(encoded_patches, pos_table):
    return _sc_add(encoded_patches, pos_table)

# --- scband reference (transcript-rebuilt; emitter-appended) ---
"""Pipeline reference for scband-patch-encoder-26834955665921 (READ-ONLY COPY).

The authoritative reference and input builder live on the scoring server;
editing this copy changes nothing except your own understanding.
"""

import jax, jax.numpy as jnp
import numpy as np

NUM_PATCHES = 576
PROJ_DIM = 768
BATCH = 256

def setup_inputs(seed: int = 0) -> dict:
    key = jax.random.key(seed)
    k1, k2 = jax.random.split(key)
    encoded_patches = jax.random.normal(k1, (BATCH, NUM_PATCHES, PROJ_DIM), dtype=jnp.float32)
    pos_table = jax.random.normal(k2, (NUM_PATCHES, PROJ_DIM), dtype=jnp.float32) * 0.02
    return {"encoded_patches": encoded_patches, "pos_table": pos_table}

def reference(encoded_patches, pos_table):
    positions = jnp.arange(NUM_PATCHES)
    encoded_positions = jnp.take(pos_table, positions, axis=0)
    return encoded_patches + encoded_positions[None, :, :]

if __name__ == "__main__":
    import jax
    _d = setup_inputs()
    print(jax.jit(kernel)(*tuple(_d.values())))

</pallas_src>

<mosaic_0001>
#map = affine_map<(d0, d1) -> (0, 0, 0)>
#map1 = affine_map<(d0, d1) -> (0, 0)>
module attributes {stable_mosaic.version = 14 : i64} {
  func.func @_sc_add(%arg0: i32, %arg1: i32, %arg2: memref<256x576x768xf32, #tpu.memory_space<hbm>>, %arg3: memref<576x768xf32, #tpu.memory_space<hbm>>, %arg4: memref<256x576x768xf32, #tpu.memory_space<hbm>>, %arg5: memref<32x768xf32, #tpu.memory_space<vmem>>, %arg6: memref<32x768xf32, #tpu.memory_space<vmem>>, %arg7: memref<32x768xf32, #tpu.memory_space<vmem>>, %arg8: memref<32x768xf32, #tpu.memory_space<vmem>>, %arg9: memref<32x768xf32, #tpu.memory_space<vmem>>, %arg10: memref<!tpu.dma_semaphore, #tpu.memory_space<semaphore_mem>>, %arg11: memref<!tpu.dma_semaphore, #tpu.memory_space<semaphore_mem>>, %arg12: memref<!tpu.dma_semaphore, #tpu.memory_space<semaphore_mem>>, %arg13: memref<!tpu.dma_semaphore, #tpu.memory_space<semaphore_mem>>, %arg14: memref<!tpu.dma_semaphore, #tpu.memory_space<semaphore_mem>>, %arg15: memref<!tpu.dma_semaphore, #tpu.memory_space<semaphore_mem>>, %arg16: memref<!tpu.dma_semaphore, #tpu.memory_space<semaphore_mem>>, %arg17: memref<!tpu.dma_semaphore, #tpu.memory_space<semaphore_mem>>) attributes {dimension_semantics = [#tpu.dimension_semantics<core_parallel>, #tpu.dimension_semantics<subcore_parallel>], iteration_bounds = array<i64: 2, 16>, scalar_prefetch = 0 : i64, scratch_operands = 13 : i64, tpu.core_type = #tpu.core_type<sc_vector_subcore>, window_params = [{transform_indices = #map}, {transform_indices = #map1}, {transform_indices = #map}]} {
    %mul3A = arith.constant 2 : i32
    %mul3A_0 = arith.muli %arg1, %mul3A : i32
    %add3A = arith.addi %mul3A_0, %arg0 : i32
    %mul3A_1 = arith.constant 8 : i32
    %mul3A_2 = arith.muli %add3A, %mul3A_1 : i32
    %add3A_3 = arith.constant 0 : i32
    %add3A_4 = arith.addi %mul3A_2, %add3A_3 : i32
    %dma_start3A = arith.constant 0 : i32
    %dma_start3A_5 = arith.constant 0 : i32
    %dma_start3A_6 = tpu.memref_slice %arg2[%add3A_4, %dma_start3A, %dma_start3A_5] : memref<256x576x768xf32, #tpu.memory_space<hbm>> -> memref<1x32x768xf32, #tpu.memory_space<hbm>>
    %dma_start3A_7 = tpu.memref_squeeze %dma_start3A_6 : memref<1x32x768xf32, #tpu.memory_space<hbm>> -> memref<32x768xf32, #tpu.memory_space<hbm>>
    %dma_start3A_8 = arith.constant 0 : i32
    %dma_start3A_9 = arith.constant 0 : i32
    %dma_start3A_10 = tpu.memref_slice %arg2[%add3A_4, %dma_start3A_8, %dma_start3A_9] : memref<256x576x768xf32, #tpu.memory_space<hbm>> -> memref<1x32x768xf32, #tpu.memory_space<hbm>>
    %dma_start3A_11 = tpu.memref_squeeze %dma_start3A_10 : memref<1x32x768xf32, #tpu.memory_space<hbm>> -> memref<32x768xf32, #tpu.memory_space<hbm>>
    tpu.enqueue_dma source(%dma_start3A_11 : memref<32x768xf32, #tpu.memory_space<hbm>>) target(%arg6 : memref<32x768xf32, #tpu.memory_space<vmem>>) target_semaphore(%arg10 : memref<!tpu.dma_semaphore, #tpu.memory_space<semaphore_mem>>)
    %add3A_12 = arith.constant 1 : i32
    %add3A_13 = arith.addi %mul3A_2, %add3A_12 : i32
    %dma_start3A_14 = arith.constant 0 : i32
    %dma_start3A_15 = arith.constant 0 : i32
    %dma_start3A_16 = tpu.memref_slice %arg2[%add3A_13, %dma_start3A_14, %dma_start3A_15] : memref<256x576x768xf32, #tpu.memory_space<hbm>> -> memref<1x32x768xf32, #tpu.memory_space<hbm>>
    %dma_start3A_17 = tpu.memref_squeeze %dma_start3A_16 : memref<1x32x768xf32, #tpu.memory_space<hbm>> -> memref<32x768xf32, #tpu.memory_space<hbm>>
    %dma_start3A_18 = arith.constant 0 : i32
    %dma_start3A_19 = arith.constant 0 : i32
    %dma_start3A_20 = tpu.memref_slice %arg2[%add3A_13, %dma_start3A_18, %dma_start3A_19] : memref<256x576x768xf32, #tpu.memory_space<hbm>> -> memref<1x32x768xf32, #tpu.memory_space<hbm>>
    %dma_start3A_21 = tpu.memref_squeeze %dma_start3A_20 : memref<1x32x768xf32, #tpu.memory_space<hbm>> -> memref<32x768xf32, #tpu.memory_space<hbm>>
    tpu.enqueue_dma source(%dma_start3A_21 : memref<32x768xf32, #tpu.memory_space<hbm>>) target(%arg7 : memref<32x768xf32, #tpu.memory_space<vmem>>) target_semaphore(%arg11 : memref<!tpu.dma_semaphore, #tpu.memory_space<semaphore_mem>>)
    %scan3A = arith.constant 0 : i32
    %scan3A_22 = arith.constant 0 : i32
    %scan3A_23 = arith.constant 36 : i32
    %scan3A_24 = arith.addi %scan3A_22, %scan3A_23 : i32
    %scan3A_25 = arith.constant 1 : i32
    scf.for %scan3A_46 = %scan3A_22 to %scan3A_24 step %scan3A_25  : i32 {
      %mul3A_47 = arith.constant 4 : i32
      %mul3A_48 = arith.muli %scan3A_46, %mul3A_47 : i32
      %add3A_49 = arith.constant 0 : i32
      %add3A_50 = arith.addi %mul3A_48, %add3A_49 : i32
      %jit3A = arith.constant 2 : i32
      %eq3A = arith.constant 0 : i32
      %eq3A_51 = arith.cmpi eq, %jit3A, %eq3A : i32
      %jit3A_52 = arith.constant 1 : i32
      %select_n3A = arith.select %eq3A_51, %jit3A_52, %jit3A : i32
      %rem3A = arith.remsi %scan3A_46, %select_n3A : i32
      %ne3A = arith.constant 0 : i32
      %ne3A_53 = arith.cmpi ne, %rem3A, %ne3A : i32
      %lt3A = arith.constant 0 : i32
      %lt3A_54 = arith.cmpi slt, %rem3A, %lt3A : i32
      %lt3A_55 = arith.constant 0 : i32
      %lt3A_56 = arith.cmpi slt, %select_n3A, %lt3A_55 : i32
      %ne3A_57 = arith.xori %lt3A_54, %lt3A_56 : i1
      %and3A = arith.andi %ne3A_57, %ne3A_53 : i1
      %add3A_58 = arith.addi %rem3A, %select_n3A : i32
      %select_n3A_59 = arith.select %and3A, %add3A_58, %rem3A : i32
      %eq3A_60 = arith.constant 0 : i32
      %eq3A_61 = arith.cmpi eq, %select_n3A_59, %eq3A_60 : i32
      %convert_element_type3A = arith.extui %eq3A_61 : i1 to i32
      %cond3A = arith.constant 0 : i32
      %cond3A_62 = arith.cmpi ne, %convert_element_type3A, %cond3A : i32
      scf.if %cond3A_62 {
        %jit3A_698 = arith.constant 2 : i32
        %div3A_699 = arith.divsi %scan3A_46, %jit3A_698 : i32
        %sign3A_700 = arith.constant 0 : i32
        %sign3A_701 = arith.cmpi sgt, %scan3A_46, %sign3A_700 : i32
        %sign3A_702 = arith.extui %sign3A_701 : i1 to i32
        %sign3A_703 = arith.constant 0 : i32
        %sign3A_704 = arith.cmpi slt, %scan3A_46, %sign3A_703 : i32
        %sign3A_705 = arith.extui %sign3A_704 : i1 to i32
        %sign3A_706 = arith.subi %sign3A_702, %sign3A_705 : i32
        %sign3A_707 = arith.constant 0 : i32
        %sign3A_708 = arith.cmpi sgt, %jit3A_698, %sign3A_707 : i32
        %sign3A_709 = arith.extui %sign3A_708 : i1 to i32
        %sign3A_710 = arith.constant 0 : i32
        %sign3A_711 = arith.cmpi slt, %jit3A_698, %sign3A_710 : i32
        %sign3A_712 = arith.extui %sign3A_711 : i1 to i32
        %sign3A_713 = arith.subi %sign3A_709, %sign3A_712 : i32
        %ne3A_714 = arith.cmpi ne, %sign3A_706, %sign3A_713 : i32
        %rem3A_715 = arith.remsi %scan3A_46, %jit3A_698 : i32
        %ne3A_716 = arith.constant 0 : i32
        %ne3A_717 = arith.cmpi ne, %rem3A_715, %ne3A_716 : i32
        %and3A_718 = arith.andi %ne3A_714, %ne3A_717 : i1
        %sub3A_719 = arith.constant 1 : i32
        %sub3A_720 = arith.subi %div3A_699, %sub3A_719 : i32
        %select_n3A_721 = arith.select %and3A_718, %sub3A_720, %div3A_699 : i32
        %mul3A_722 = arith.constant 32 : i32
        %mul3A_723 = arith.muli %select_n3A_721, %mul3A_722 : i32
        "tpu.region"() ({
          %run_scoped3A = tpu.sem_alloc : memref<!tpu.dma_semaphore, #tpu.memory_space<semaphore_mem>>
          %dma_start3A_724 = arith.constant 0 : i32
          %dma_start3A_725 = tpu.memref_slice %arg3[%mul3A_723, %dma_start3A_724] : memref<576x768xf32, #tpu.memory_space<hbm>> -> memref<32x768xf32, #tpu.memory_space<hbm>>
          %dma_start3A_726 = arith.constant 0 : i32
          %dma_start3A_727 = tpu.memref_slice %arg3[%mul3A_723, %dma_start3A_726] : memref<576x768xf32, #tpu.memory_space<hbm>> -> memref<32x768xf32, #tpu.memory_space<hbm>>
          tpu.enqueue_dma source(%dma_start3A_727 : memref<32x768xf32, #tpu.memory_space<hbm>>) target(%arg5 : memref<32x768xf32, #tpu.memory_space<vmem>>) target_semaphore(%run_scoped3A : memref<!tpu.dma_semaphore, #tpu.memory_space<semaphore_mem>>)
          %dma_wait3A_728 = arith.constant 0 : i32
          %dma_wait3A_729 = tpu.memref_slice %arg3[%mul3A_723, %dma_wait3A_728] : memref<576x768xf32, #tpu.memory_space<hbm>> -> memref<32x768xf32, #tpu.memory_space<hbm>>
          %dma_wait3A_730 = arith.constant 0 : i32
          %dma_wait3A_731 = tpu.memref_slice %arg3[%mul3A_723, %dma_wait3A_730] : memref<576x768xf32, #tpu.memory_space<hbm>> -> memref<32x768xf32, #tpu.memory_space<hbm>>
          tpu.wait_dma2 semaphore(%run_scoped3A : memref<!tpu.dma_semaphore, #tpu.memory_space<semaphore_mem>>) src(%dma_wait3A_731 : memref<32x768xf32, #tpu.memory_space<hbm>>) dst(%arg5 : memref<32x768xf32, #tpu.memory_space<vmem>>)
          tpu.yield
        }) : () -> ()
      } else {
      }
      %ge3A = arith.constant 1 : i32
      %ge3A_63 = arith.cmpi sge, %scan3A_46, %ge3A : i32
      %convert_element_type3A_64 = arith.extui %ge3A_63 : i1 to i32
      %cond3A_65 = arith.constant 0 : i32
      %cond3A_66 = arith.cmpi ne, %convert_element_type3A_64, %cond3A_65 : i32
      scf.if %cond3A_66 {
        %sub3A_698 = arith.constant 2 : i32
        %sub3A_699 = arith.subi %add3A_50, %sub3A_698 : i32
        %jit3A_700 = arith.constant 8 : i32
        %div3A_701 = arith.divsi %sub3A_699, %jit3A_700 : i32
        %sign3A_702 = arith.constant 0 : i32
        %sign3A_703 = arith.cmpi sgt, %sub3A_699, %sign3A_702 : i32
        %sign3A_704 = arith.extui %sign3A_703 : i1 to i32
        %sign3A_705 = arith.constant 0 : i32
        %sign3A_706 = arith.cmpi slt, %sub3A_699, %sign3A_705 : i32
        %sign3A_707 = arith.extui %sign3A_706 : i1 to i32
        %sign3A_708 = arith.subi %sign3A_704, %sign3A_707 : i32
        %sign3A_709 = arith.constant 0 : i32
        %sign3A_710 = arith.cmpi sgt, %jit3A_700, %sign3A_709 : i32
        %sign3A_711 = arith.extui %sign3A_710 : i1 to i32
        %sign3A_712 = arith.constant 0 : i32
        %sign3A_713 = arith.cmpi slt, %jit3A_700, %sign3A_712 : i32
        %sign3A_714 = arith.extui %sign3A_713 : i1 to i32
        %sign3A_715 = arith.subi %sign3A_711, %sign3A_714 : i32
        %ne3A_716 = arith.cmpi ne, %sign3A_708, %sign3A_715 : i32
        %rem3A_717 = arith.remsi %sub3A_699, %jit3A_700 : i32
        %ne3A_718 = arith.constant 0 : i32
        %ne3A_719 = arith.cmpi ne, %rem3A_717, %ne3A_718 : i32
        %and3A_720 = arith.andi %ne3A_716, %ne3A_719 : i1
        %sub3A_721 = arith.constant 1 : i32
        %sub3A_722 = arith.subi %div3A_701, %sub3A_721 : i32
        %select_n3A_723 = arith.select %and3A_720, %sub3A_722, %div3A_701 : i32
        %jit3A_724 = arith.constant 8 : i32
        %eq3A_725 = arith.constant 0 : i32
        %eq3A_726 = arith.cmpi eq, %jit3A_724, %eq3A_725 : i32
        %jit3A_727 = arith.constant 1 : i32
        %select_n3A_728 = arith.select %eq3A_726, %jit3A_727, %jit3A_724 : i32
        %rem3A_729 = arith.remsi %sub3A_699, %select_n3A_728 : i32
        %ne3A_730 = arith.constant 0 : i32
        %ne3A_731 = arith.cmpi ne, %rem3A_729, %ne3A_730 : i32
        %lt3A_732 = arith.constant 0 : i32
        %lt3A_733 = arith.cmpi slt, %rem3A_729, %lt3A_732 : i32
        %lt3A_734 = arith.constant 0 : i32
        %lt3A_735 = arith.cmpi slt, %select_n3A_728, %lt3A_734 : i32
        %ne3A_736 = arith.xori %lt3A_733, %lt3A_735 : i1
        %and3A_737 = arith.andi %ne3A_736, %ne3A_731 : i1
        %add3A_738 = arith.addi %rem3A_729, %select_n3A_728 : i32
        %select_n3A_739 = arith.select %and3A_737, %add3A_738, %rem3A_729 : i32
        %add3A_740 = arith.addi %mul3A_2, %select_n3A_739 : i32
        %mul3A_741 = arith.constant 32 : i32
        %mul3A_742 = arith.muli %select_n3A_723, %mul3A_741 : i32
        %dma_wait3A_743 = arith.constant 0 : i32
        %dma_wait3A_744 = tpu.memref_slice %arg4[%add3A_740, %mul3A_742, %dma_wait3A_743] : memref<256x576x768xf32, #tpu.memory_space<hbm>> -> memref<1x32x768xf32, #tpu.memory_space<hbm>>
        %dma_wait3A_745 = tpu.memref_squeeze %dma_wait3A_744 : memref<1x32x768xf32, #tpu.memory_space<hbm>> -> memref<32x768xf32, #tpu.memory_space<hbm>>
        %dma_wait3A_746 = arith.constant 0 : i32
        %dma_wait3A_747 = tpu.memref_slice %arg4[%add3A_740, %mul3A_742, %dma_wait3A_746] : memref<256x576x768xf32, #tpu.memory_space<hbm>> -> memref<1x32x768xf32, #tpu.memory_space<hbm>>
        %dma_wait3A_748 = tpu.memref_squeeze %dma_wait3A_747 : memref<1x32x768xf32, #tpu.memory_space<hbm>> -> memref<32x768xf32, #tpu.memory_space<hbm>>
        tpu.wait_dma2 semaphore(%arg16 : memref<!tpu.dma_semaphore, #tpu.memory_space<semaphore_mem>>) src(%arg8 : memref<32x768xf32, #tpu.memory_space<vmem>>) dst(%dma_wait3A_748 : memref<32x768xf32, #tpu.memory_space<hbm>>)
      } else {
      }
      %add3A_67 = arith.constant 2 : i32
      %add3A_68 = arith.addi %add3A_50, %add3A_67 : i32
      %jit3A_69 = arith.constant 8 : i32
      %div3A = arith.divsi %add3A_68, %jit3A_69 : i32
      %sign3A = arith.constant 0 : i32
      %sign3A_70 = arith.cmpi sgt, %add3A_68, %sign3A : i32
      %sign3A_71 = arith.extui %sign3A_70 : i1 to i32
      %sign3A_72 = arith.constant 0 : i32
      %sign3A_73 = arith.cmpi slt, %add3A_68, %sign3A_72 : i32
      %sign3A_74 = arith.extui %sign3A_73 : i1 to i32
      %sign3A_75 = arith.subi %sign3A_71, %sign3A_74 : i32
      %sign3A_76 = arith.constant 0 : i32
      %sign3A_77 = arith.cmpi sgt, %jit3A_69, %sign3A_76 : i32
      %sign3A_78 = arith.extui %sign3A_77 : i1 to i32
      %sign3A_79 = arith.constant 0 : i32
      %sign3A_80 = arith.cmpi slt, %jit3A_69, %sign3A_79 : i32
      %sign3A_81 = arith.extui %sign3A_80 : i1 to i32
      %sign3A_82 = arith.subi %sign3A_78, %sign3A_81 : i32
      %ne3A_83 = arith.cmpi ne, %sign3A_75, %sign3A_82 : i32
      %rem3A_84 = arith.remsi %add3A_68, %jit3A_69 : i32
      %ne3A_85 = arith.constant 0 : i32
      %ne3A_86 = arith.cmpi ne, %rem3A_84, %ne3A_85 : i32
      %and3A_87 = arith.andi %ne3A_83, %ne3A_86 : i1
      %sub3A = arith.constant 1 : i32
      %sub3A_88 = arith.subi %div3A, %sub3A : i32
      %select_n3A_89 = arith.select %and3A_87, %sub3A_88, %div3A : i32
      %jit3A_90 = arith.constant 8 : i32
      %eq3A_91 = arith.constant 0 : i32
      %eq3A_92 = arith.cmpi eq, %jit3A_90, %eq3A_91 : i32
      %jit3A_93 = arith.constant 1 : i32
      %select_n3A_94 = arith.select %eq3A_92, %jit3A_93, %jit3A_90 : i32
      %rem3A_95 = arith.remsi %add3A_68, %select_n3A_94 : i32
      %ne3A_96 = arith.constant 0 : i32
      %ne3A_97 = arith.cmpi ne, %rem3A_95, %ne3A_96 : i32
      %lt3A_98 = arith.constant 0 : i32
      %lt3A_99 = arith.cmpi slt, %rem3A_95, %lt3A_98 : i32
      %lt3A_100 = arith.constant 0 : i32
      %lt3A_101 = arith.cmpi slt, %select_n3A_94, %lt3A_100 : i32
      %ne3A_102 = arith.xori %lt3A_99, %lt3A_101 : i1
      %and3A_103 = arith.andi %ne3A_102, %ne3A_97 : i1
      %add3A_104 = arith.addi %rem3A_95, %select_n3A_94 : i32
      %select_n3A_105 = arith.select %and3A_103, %add3A_104, %rem3A_95 : i32
      %add3A_106 = arith.addi %mul3A_2, %select_n3A_105 : i32
      %mul3A_107 = arith.constant 32 : i32
      %mul3A_108 = arith.muli %select_n3A_89, %mul3A_107 : i32
      %dma_start3A_109 = arith.constant 0 : i32
      %dma_start3A_110 = tpu.memref_slice %arg2[%add3A_106, %mul3A_108, %dma_start3A_109] : memref<256x576x768xf32, #tpu.memory_space<hbm>> -> memref<1x32x768xf32, #tpu.memory_space<hbm>>
      %dma_start3A_111 = tpu.memref_squeeze %dma_start3A_110 : memref<1x32x768xf32, #tpu.memory_space<hbm>> -> memref<32x768xf32, #tpu.memory_space<hbm>>
      %dma_start3A_112 = arith.constant 0 : i32
      %dma_start3A_113 = tpu.memref_slice %arg2[%add3A_106, %mul3A_108, %dma_start3A_112] : memref<256x576x768xf32, #tpu.memory_space<hbm>> -> memref<1x32x768xf32, #tpu.memory_space<hbm>>
      %dma_start3A_114 = tpu.memref_squeeze %dma_start3A_113 : memref<1x32x768xf32, #tpu.memory_space<hbm>> -> memref<32x768xf32, #tpu.memory_space<hbm>>
      tpu.enqueue_dma source(%dma_start3A_114 : memref<32x768xf32, #tpu.memory_space<hbm>>) target(%arg8 : memref<32x768xf32, #tpu.memory_space<vmem>>) target_semaphore(%arg12 : memref<!tpu.dma_semaphore, #tpu.memory_space<semaphore_mem>>)
      %jit3A_115 = arith.constant 8 : i32
      %div3A_116 = arith.divsi %add3A_50, %jit3A_115 : i32
      %sign3A_117 = arith.constant 0 : i32
      %sign3A_118 = arith.cmpi sgt, %add3A_50, %sign3A_117 : i32
      %sign3A_119 = arith.extui %sign3A_118 : i1 to i32
      %sign3A_120 = arith.constant 0 : i32
      %sign3A_121 = arith.cmpi slt, %add3A_50, %sign3A_120 : i32
      %sign3A_122 = arith.extui %sign3A_121 : i1 to i32
      %sign3A_123 = arith.subi %sign3A_119, %sign3A_122 : i32
      %sign3A_124 = arith.constant 0 : i32
      %sign3A_125 = arith.cmpi sgt, %jit3A_115, %sign3A_124 : i32
      %sign3A_126 = arith.extui %sign3A_125 : i1 to i32
      %sign3A_127 = arith.constant 0 : i32
      %sign3A_128 = arith.cmpi slt, %jit3A_115, %sign3A_127 : i32
      %sign3A_129 = arith.extui %sign3A_128 : i1 to i32
      %sign3A_130 = arith.subi %sign3A_126, %sign3A_129 : i32
      %ne3A_131 = arith.cmpi ne, %sign3A_123, %sign3A_130 : i32
      %rem3A_132 = arith.remsi %add3A_50, %jit3A_115 : i32
      %ne3A_133 = arith.constant 0 : i32
      %ne3A_134 = arith.cmpi ne, %rem3A_132, %ne3A_133 : i32
      %and3A_135 = arith.andi %ne3A_131, %ne3A_134 : i1
      %sub3A_136 = arith.constant 1 : i32
      %sub3A_137 = arith.subi %div3A_116, %sub3A_136 : i32
      %select_n3A_138 = arith.select %and3A_135, %sub3A_137, %div3A_116 : i32
      %jit3A_139 = arith.constant 8 : i32
      %eq3A_140 = arith.constant 0 : i32
      %eq3A_141 = arith.cmpi eq, %jit3A_139, %eq3A_140 : i32
      %jit3A_142 = arith.constant 1 : i32
      %select_n3A_143 = arith.select %eq3A_141, %jit3A_142, %jit3A_139 : i32
      %rem3A_144 = arith.remsi %add3A_50, %select_n3A_143 : i32
      %ne3A_145 = arith.constant 0 : i32
      %ne3A_146 = arith.cmpi ne, %rem3A_144, %ne3A_145 : i32
      %lt3A_147 = arith.constant 0 : i32
      %lt3A_148 = arith.cmpi slt, %rem3A_144, %lt3A_147 : i32
      %lt3A_149 = arith.constant 0 : i32
      %lt3A_150 = arith.cmpi slt, %select_n3A_143, %lt3A_149 : i32
      %ne3A_151 = arith.xori %lt3A_148, %lt3A_150 : i1
      %and3A_152 = arith.andi %ne3A_151, %ne3A_146 : i1
      %add3A_153 = arith.addi %rem3A_144, %select_n3A_143 : i32
      %select_n3A_154 = arith.select %and3A_152, %add3A_153, %rem3A_144 : i32
      %add3A_155 = arith.addi %mul3A_2, %select_n3A_154 : i32
      %mul3A_156 = arith.constant 32 : i32
      %mul3A_157 = arith.muli %select_n3A_138, %mul3A_156 : i32
      %dma_wait3A_158 = arith.constant 0 : i32
      %dma_wait3A_159 = tpu.memref_slice %arg2[%add3A_155, %mul3A_157, %dma_wait3A_158] : memref<256x576x768xf32, #tpu.memory_space<hbm>> -> memref<1x32x768xf32, #tpu.memory_space<hbm>>
      %dma_wait3A_160 = tpu.memref_squeeze %dma_wait3A_159 : memref<1x32x768xf32, #tpu.memory_space<hbm>> -> memref<32x768xf32, #tpu.memory_space<hbm>>
      %dma_wait3A_161 = arith.constant 0 : i32
      %dma_wait3A_162 = tpu.memref_slice %arg2[%add3A_155, %mul3A_157, %dma_wait3A_161] : memref<256x576x768xf32, #tpu.memory_space<hbm>> -> memref<1x32x768xf32, #tpu.memory_space<hbm>>
      %dma_wait3A_163 = tpu.memref_squeeze %dma_wait3A_162 : memref<1x32x768xf32, #tpu.memory_space<hbm>> -> memref<32x768xf32, #tpu.memory_space<hbm>>
      tpu.wait_dma2 semaphore(%arg10 : memref<!tpu.dma_semaphore, #tpu.memory_space<semaphore_mem>>) src(%dma_wait3A_163 : memref<32x768xf32, #tpu.memory_space<hbm>>) dst(%arg6 : memref<32x768xf32, #tpu.memory_space<vmem>>)
      %parallel_loop3A = arith.constant 0 : i32
      %parallel_loop3A_164 = arith.constant 32 : i32
      %parallel_loop3A_165 = arith.constant 1 : i32
      scf.for %parallel_loop3A_698 = %parallel_loop3A to %parallel_loop3A_164 step %parallel_loop3A_165  : i32 {
        %parallel_loop3A_699 = arith.index_cast %parallel_loop3A_698 : i32 to index
        %parallel_loop3A_700 = arith.constant 0 : index
        %parallel_loop3A_701 = tpu.vector_load %arg5[%parallel_loop3A_699, %parallel_loop3A_700] {strides = array<i32>} : memref<32x768xf32, #tpu.memory_space<vmem>>, vector<1x16xf32>,
        %parallel_loop3A_702 = vector.shape_cast %parallel_loop3A_701 : vector<1x16xf32> to vector<16xf32>
        %parallel_loop3A_703 = arith.index_cast %parallel_loop3A_698 : i32 to index
        %parallel_loop3A_704 = arith.constant 0 : index
        %parallel_loop3A_705 = tpu.vector_load %arg6[%parallel_loop3A_703, %parallel_loop3A_704] {strides = array<i32>} : memref<32x768xf32, #tpu.memory_space<vmem>>, vector<1x16xf32>,
        %parallel_loop3A_706 = vector.shape_cast %parallel_loop3A_705 : vector<1x16xf32> to vector<16xf32>
        %parallel_loop3A_707 = vector.shape_cast %parallel_loop3A_702 : vector<16xf32> to vector<1x16xf32>
        tpu.vector_store %arg6[%parallel_loop3A_703, %parallel_loop3A_704], %parallel_loop3A_707 {add = true, strides = array<i32>} : memref<32x768xf32, #tpu.memory_space<vmem>>, vector<1x16xf32>,
        %parallel_loop3A_708 = arith.index_cast %parallel_loop3A_698 : i32 to index
        %parallel_loop3A_709 = arith.constant 16 : index
        %parallel_loop3A_710 = tpu.vector_load %arg5[%parallel_loop3A_708, %parallel_loop3A_709] {strides = array<i32>} : memref<32x768xf32, #tpu.memory_space<vmem>>, vector<1x16xf32>,
        %parallel_loop3A_711 = vector.shape_cast %parallel_loop3A_710 : vector<1x16xf32> to vector<16xf32>
        %parallel_loop3A_712 = arith.index_cast %parallel_loop3A_698 : i32 to index
        %parallel_loop3A_713 = arith.constant 16 : index
        %parallel_loop3A_714 = tpu.vector_load %arg6[%parallel_loop3A_712, %parallel_loop3A_713] {strides = array<i32>} : memref<32x768xf32, #tpu.memory_space<vmem>>, vector<1x16xf32>,
        %parallel_loop3A_715 = vector.shape_cast %parallel_loop3A_714 : vector<1x16xf32> to vector<16xf32>
        %parallel_loop3A_716 = vector.shape_cast %parallel_loop3A_711 : vector<16xf32> to vector<1x16xf32>
        tpu.vector_store %arg6[%parallel_loop3A_712, %parallel_loop3A_713], %parallel_loop3A_716 {add = true, strides = array<i32>} : memref<32x768xf32, #tpu.memory_space<vmem>>, vector<1x16xf32>,
        %parallel_loop3A_717 = arith.index_cast %parallel_loop3A_698 : i32 to index
        %parallel_loop3A_718 = arith.constant 32 : index
        %parallel_loop3A_719 = tpu.vector_load %arg5[%parallel_loop3A_717, %parallel_loop3A_718] {strides = array<i32>} : memref<32x768xf32, #tpu.memory_space<vmem>>, vector<1x16xf32>,
        %parallel_loop3A_720 = vector.shape_cast %parallel_loop3A_719 : vector<1x16xf32> to vector<16xf32>
        %parallel_loop3A_721 = arith.index_cast %parallel_loop3A_698 : i32 to index
        %parallel_loop3A_722 = arith.constant 32 : index
        %parallel_loop3A_723 = tpu.vector_load %arg6[%parallel_loop3A_721, %parallel_loop3A_722] {strides = array<i32>} : memref<32x768xf32, #tpu.memory_space<vmem>>, vector<1x16xf32>,
        %parallel_loop3A_724 = vector.shape_cast %parallel_loop3A_723 : vector<1x16xf32> to vector<16xf32>
        %parallel_loop3A_725 = vector.shape_cast %parallel_loop3A_720 : vector<16xf32> to vector<1x16xf32>
        tpu.vector_store %arg6[%parallel_loop3A_721, %parallel_loop3A_722], %parallel_loop3A_725 {add = true, strides = array<i32>} : memref<32x768xf32, #tpu.memory_space<vmem>>, vector<1x16xf32>,
        %parallel_loop3A_726 = arith.index_cast %parallel_loop3A_698 : i32 to index
        %parallel_loop3A_727 = arith.constant 48 : index
        %parallel_loop3A_728 = tpu.vector_load %arg5[%parallel_loop3A_726, %parallel_loop3A_727] {strides = array<i32>} : memref<32x768xf32, #tpu.memory_space<vmem>>, vector<1x16xf32>,
        %parallel_loop3A_729 = vector.shape_cast %parallel_loop3A_728 : vector<1x16xf32> to vector<16xf32>
        %parallel_loop3A_730 = arith.index_cast %parallel_loop3A_698 : i32 to index
        %parallel_loop3A_731 = arith.constant 48 : index
        %parallel_loop3A_732 = tpu.vector_load %arg6[%parallel_loop3A_730, %parallel_loop3A_731] {strides = array<i32>} : memref<32x768xf32, #tpu.memory_space<vmem>>, vector<1x16xf32>,
        %parallel_loop3A_733 = vector.shape_cast %parallel_loop3A_732 : vector<1x16xf32> to vector<16xf32>
        %parallel_loop3A_734 = vector.shape_cast %parallel_loop3A_729 : vector<16xf32> to vector<1x16xf32>
        tpu.vector_store %arg6[%parallel_loop3A_730, %parallel_loop3A_731], %parallel_loop3A_734 {add = true, strides = array<i32>} : memref<32x768xf32, #tpu.memory_space<vmem>>, vector<1x16xf32>,
        %parallel_loop3A_735 = arith.index_cast %parallel_loop3A_698 : i32 to index
        %parallel_loop3A_736 = arith.constant 64 : index
        %parallel_loop3A_737 = tpu.vector_load %arg5[%parallel_loop3A_735, %parallel_loop3A_736] {strides = array<i32>} : memref<32x768xf32, #tpu.memory_space<vmem>>, vector<1x16xf32>,
        %parallel_loop3A_738 = vector.shape_cast %parallel_loop3A_737 : vector<1x16xf32> to vector<16xf32>
        %parallel_loop3A_739 = arith.index_cast %parallel_loop3A_698 : i32 to index
        %parallel_loop3A_740 = arith.constant 64 : index
        %parallel_loop3A_741 = tpu.vector_load %arg6[%parallel_loop3A_739, %parallel_loop3A_740] {strides = array<i32>} : memref<32x768xf32, #tpu.memory_space<vmem>>, vector<1x16xf32>,
        %parallel_loop3A_742 = vector.shape_cast %parallel_loop3A_741 : vector<1x16xf32> to vector<16xf32>
        %parallel_loop3A_743 = vector.shape_cast %parallel_loop3A_738 : vector<16xf32> to vector<1x16xf32>
        tpu.vector_store %arg6[%parallel_loop3A_739, %parallel_loop3A_740], %parallel_loop3A_743 {add = true, strides = array<i32>} : memref<32x768xf32, #tpu.memory_space<vmem>>, vector<1x16xf32>,
        %parallel_loop3A_744 = arith.index_cast %parallel_loop3A_698 : i32 to index
        %parallel_loop3A_745 = arith.constant 80 : index
        %parallel_loop3A_746 = tpu.vector_load %arg5[%parallel_loop3A_744, %parallel_loop3A_745] {strides = array<i32>} : memref<32x768xf32, #tpu.memory_space<vmem>>, vector<1x16xf32>,
        %parallel_loop3A_747 = vector.shape_cast %parallel_loop3A_746 : vector<1x16xf32> to vector<16xf32>
        %parallel_loop3A_748 = arith.index_cast %parallel_loop3A_698 : i32 to index
        %parallel_loop3A_749 = arith.constant 80 : index
        %parallel_loop3A_750 = tpu.vector_load %arg6[%parallel_loop3A_748, %parallel_loop3A_749] {strides = array<i32>} : memref<32x768xf32, #tpu.memory_space<vmem>>, vector<1x16xf32>,
        %parallel_loop3A_751 = vector.shape_cast %parallel_loop3A_750 : vector<1x16xf32> to vector<16xf32>
        %parallel_loop3A_752 = vector.shape_cast %parallel_loop3A_747 : vector<16xf32> to vector<1x16xf32>
        tpu.vector_store %arg6[%parallel_loop3A_748, %parallel_loop3A_749], %parallel_loop3A_752 {add = true, strides = array<i32>} : memref<32x768xf32, #tpu.memory_space<vmem>>, vector<1x16xf32>,
        %parallel_loop3A_753 = arith.index_cast %parallel_loop3A_698 : i32 to index
        %parallel_loop3A_754 = arith.constant 96 : index
        %parallel_loop3A_755 = tpu.vector_load %arg5[%parallel_loop3A_753, %parallel_loop3A_754] {strides = array<i32>} : memref<32x768xf32, #tpu.memory_space<vmem>>, vector<1x16xf32>,
        %parallel_loop3A_756 = vector.shape_cast %parallel_loop3A_755 : vector<1x16xf32> to vector<16xf32>
        %parallel_loop3A_757 = arith.index_cast %parallel_loop3A_698 : i32 to index
        %parallel_loop3A_758 = arith.constant 96 : index
        %parallel_loop3A_759 = tpu.vector_load %arg6[%parallel_loop3A_757, %parallel_loop3A_758] {strides = array<i32>} : memref<32x768xf32, #tpu.memory_space<vmem>>, vector<1x16xf32>,
        %parallel_loop3A_760 = vector.shape_cast %parallel_loop3A_759 : vector<1x16xf32> to vector<16xf32>
        %parallel_loop3A_761 = vector.shape_cast %parallel_loop3A_756 : vector<16xf32> to vector<1x16xf32>
        tpu.vector_store %arg6[%parallel_loop3A_757, %parallel_loop3A_758], %parallel_loop3A_761 {add = true, strides = array<i32>} : memref<32x768xf32, #tpu.memory_space<vmem>>, vector<1x16xf32>,
        %parallel_loop3A_762 = arith.index_cast %parallel_loop3A_698 : i32 to index
        %parallel_loop3A_763 = arith.constant 112 : index
        %parallel_loop3A_764 = tpu.vector_load %arg5[%parallel_loop3A_762, %parallel_loop3A_763] {strides = array<i32>} : memref<32x768xf32, #tpu.memory_space<vmem>>, vector<1x16xf32>,
        %parallel_loop3A_765 = vector.shape_cast %parallel_loop3A_764 : vector<1x16xf32> to vector<16xf32>
        %parallel_loop3A_766 = arith.index_cast %parallel_loop3A_698 : i32 to index
        %parallel_loop3A_767 = arith.constant 112 : index
        %parallel_loop3A_768 = tpu.vector_load %arg6[%parallel_loop3A_766, %parallel_loop3A_767] {strides = array<i32>} : memref<32x768xf32, #tpu.memory_space<vmem>>, vector<1x16xf32>,
        %parallel_loop3A_769 = vector.shape_cast %parallel_loop3A_768 : vector<1x16xf32> to vector<16xf32>
        %parallel_loop3A_770 = vector.shape_cast %parallel_loop3A_765 : vector<16xf32> to vector<1x16xf32>
        tpu.vector_store %arg6[%parallel_loop3A_766, %parallel_loop3A_767], %parallel_loop3A_770 {add = true, strides = array<i32>} : memref<32x768xf32, #tpu.memory_space<vmem>>, vector<1x16xf32>,
        %parallel_loop3A_771 = arith.index_cast %parallel_loop3A_698 : i32 to index
        %parallel_loop3A_772 = arith.constant 128 : index
        %parallel_loop3A_773 = tpu.vector_load %arg5[%parallel_loop3A_771, %parallel_loop3A_772] {strides = array<i32>} : memref<32x768xf32, #tpu.memory_space<vmem>>, vector<1x16xf32>,
        %parallel_loop3A_774 = vector.shape_cast %parallel_loop3A_773 : vector<1x16xf32> to vector<16xf32>
        %parallel_loop3A_775 = arith.index_cast %parallel_loop3A_698 : i32 to index
        %parallel_loop3A_776 = arith.constant 128 : index
        %parallel_loop3A_777 = tpu.vector_load %arg6[%parallel_loop3A_775, %parallel_loop3A_776] {strides = array<i32>} : memref<32x768xf32, #tpu.memory_space<vmem>>, vector<1x16xf32>,
        %parallel_loop3A_778 = vector.shape_cast %parallel_loop3A_777 : vector<1x16xf32> to vector<16xf32>
        %parallel_loop3A_779 = vector.shape_cast %parallel_loop3A_774 : vector<16xf32> to vector<1x16xf32>
        tpu.vector_store %arg6[%parallel_loop3A_775, %parallel_loop3A_776], %parallel_loop3A_779 {add = true, strides = array<i32>} : memref<32x768xf32, #tpu.memory_space<vmem>>, vector<1x16xf32>,
        %parallel_loop3A_780 = arith.index_cast %parallel_loop3A_698 : i32 to index
        %parallel_loop3A_781 = arith.constant 144 : index
        %parallel_loop3A_782 = tpu.vector_load %arg5[%parallel_loop3A_780, %parallel_loop3A_781] {strides = array<i32>} : memref<32x768xf32, #tpu.memory_space<vmem>>, vector<1x16xf32>,
        %parallel_loop3A_783 = vector.shape_cast %parallel_loop3A_782 : vector<1x16xf32> to vector<16xf32>
        %parallel_loop3A_784 = arith.index_cast %parallel_loop3A_698 : i32 to index
        %parallel_loop3A_785 = arith.constant 144 : index
        %parallel_loop3A_786 = tpu.vector_load %arg6[%parallel_loop3A_784, %parallel_loop3A_785] {strides = array<i32>} : memref<32x768xf32, #tpu.memory_space<vmem>>, vector<1x16xf32>,
        %parallel_loop3A_787 = vector.shape_cast %parallel_loop3A_786 : vector<1x16xf32> to vector<16xf32>
        %parallel_loop3A_788 = vector.shape_cast %parallel_loop3A_783 : vector<16xf32> to vector<1x16xf32>
        tpu.vector_store %arg6[%parallel_loop3A_784, %parallel_loop3A_785], %parallel_loop3A_788 {add = true, strides = array<i32>} : memref<32x768xf32, #tpu.memory_space<vmem>>, vector<1x16xf32>,
        %parallel_loop3A_789 = arith.index_cast %parallel_loop3A_698 : i32 to index
        %parallel_loop3A_790 = arith.constant 160 : index
        %parallel_loop3A_791 = tpu.vector_load %arg5[%parallel_loop3A_789, %parallel_loop3A_790] {strides = array<i32>} : memref<32x768xf32, #tpu.memory_space<vmem>>, vector<1x16xf32>,
        %parallel_loop3A_792 = vector.shape_cast %parallel_loop3A_791 : vector<1x16xf32> to vector<16xf32>
        %parallel_loop3A_793 = arith.index_cast %parallel_loop3A_698 : i32 to index
        %parallel_loop3A_794 = arith.constant 160 : index
        %parallel_loop3A_795 = tpu.vector_load %arg6[%parallel_loop3A_793, %parallel_loop3A_794] {strides = array<i32>} : memref<32x768xf32, #tpu.memory_space<vmem>>, vector<1x16xf32>,
        %parallel_loop3A_796 = vector.shape_cast %parallel_loop3A_795 : vector<1x16xf32> to vector<16xf32>
        %parallel_loop3A_797 = vector.shape_cast %parallel_loop3A_792 : vector<16xf32> to vector<1x16xf32>
        tpu.vector_store %arg6[%parallel_loop3A_793, %parallel_loop3A_794], %parallel_loop3A_797 {add = true, strides = array<i32>} : memref<32x768xf32, #tpu.memory_space<vmem>>, vector<1x16xf32>,
        %parallel_loop3A_798 = arith.index_cast %parallel_loop3A_698 : i32 to index
        %parallel_loop3A_799 = arith.constant 176 : index
        %parallel_loop3A_800 = tpu.vector_load %arg5[%parallel_loop3A_798, %parallel_loop3A_799] {strides = array<i32>} : memref<32x768xf32, #tpu.memory_space<vmem>>, vector<1x16xf32>,
        %parallel_loop3A_801 = vector.shape_cast %parallel_loop3A_800 : vector<1x16xf32> to vector<16xf32>
        %parallel_loop3A_802 = arith.index_cast %parallel_loop3A_698 : i32 to index
        %parallel_loop3A_803 = arith.constant 176 : index
        %parallel_loop3A_804 = tpu.vector_load %arg6[%parallel_loop3A_802, %parallel_loop3A_803] {strides = array<i32>} : memref<32x768xf32, #tpu.memory_space<vmem>>, vector<1x16xf32>,
        %parallel_loop3A_805 = vector.shape_cast %parallel_loop3A_804 : vector<1x16xf32> to vector<16xf32>
        %parallel_loop3A_806 = vector.shape_cast %parallel_loop3A_801 : vector<16xf32> to vector<1x16xf32>
        tpu.vector_store %arg6[%parallel_loop3A_802, %parallel_loop3A_803], %parallel_loop3A_806 {add = true, strides = array<i32>} : memref<32x768xf32, #tpu.memory_space<vmem>>, vector<1x16xf32>,
        %parallel_loop3A_807 = arith.index_cast %parallel_loop3A_698 : i32 to index
        %parallel_loop3A_808 = arith.constant 192 : index
        %parallel_loop3A_809 = tpu.vector_load %arg5[%parallel_loop3A_807, %parallel_loop3A_808] {strides = array<i32>} : memref<32x768xf32, #tpu.memory_space<vmem>>, vector<1x16xf32>,
        %parallel_loop3A_810 = vector.shape_cast %parallel_loop3A_809 : vector<1x16xf32> to vector<16xf32>
        %parallel_loop3A_811 = arith.index_cast %parallel_loop3A_698 : i32 to index
        %parallel_loop3A_812 = arith.constant 192 : index
        %parallel_loop3A_813 = tpu.vector_load %arg6[%parallel_loop3A_811, %parallel_loop3A_812] {strides = array<i32>} : memref<32x768xf32, #tpu.memory_space<vmem>>, vector<1x16xf32>,
        %parallel_loop3A_814 = vector.shape_cast %parallel_loop3A_813 : vector<1x16xf32> to vector<16xf32>
        %parallel_loop3A_815 = vector.shape_cast %parallel_loop3A_810 : vector<16xf32> to vector<1x16xf32>
        tpu.vector_store %arg6[%parallel_loop3A_811, %parallel_loop3A_812], %parallel_loop3A_815 {add = true, strides = array<i32>} : memref<32x768xf32, #tpu.memory_space<vmem>>, vector<1x16xf32>,
        %parallel_loop3A_816 = arith.index_cast %parallel_loop3A_698 : i32 to index
        %parallel_loop3A_817 = arith.constant 208 : index
        %parallel_loop3A_818 = tpu.vector_load %arg5[%parallel_loop3A_816, %parallel_loop3A_817] {strides = array<i32>} : memref<32x768xf32, #tpu.memory_space<vmem>>, vector<1x16xf32>,
        %parallel_loop3A_819 = vector.shape_cast %parallel_loop3A_818 : vector<1x16xf32> to vector<16xf32>
        %parallel_loop3A_820 = arith.index_cast %parallel_loop3A_698 : i32 to index
        %parallel_loop3A_821 = arith.constant 208 : index
        %parallel_loop3A_822 = tpu.vector_load %arg6[%parallel_loop3A_820, %parallel_loop3A_821] {strides = array<i32>} : memref<32x768xf32, #tpu.memory_space<vmem>>, vector<1x16xf32>,
        %parallel_loop3A_823 = vector.shape_cast %parallel_loop3A_822 : vector<1x16xf32> to vector<16xf32>
        %parallel_loop3A_824 = vector.shape_cast %parallel_loop3A_819 : vector<16xf32> to vector<1x16xf32>
        tpu.vector_store %arg6[%parallel_loop3A_820, %parallel_loop3A_821], %parallel_loop3A_824 {add = true, strides = array<i32>} : memref<32x768xf32, #tpu.memory_space<vmem>>, vector<1x16xf32>,
        %parallel_loop3A_825 = arith.index_cast %parallel_loop3A_698 : i32 to index
        %parallel_loop3A_826 = arith.constant 224 : index
        %parallel_loop3A_827 = tpu.vector_load %arg5[%parallel_loop3A_825, %parallel_loop3A_826] {strides = array<i32>} : memref<32x768xf32, #tpu.memory_space<vmem>>, vector<1x16xf32>,
        %parallel_loop3A_828 = vector.shape_cast %parallel_loop3A_827 : vector<1x16xf32> to vector<16xf32>
        %parallel_loop3A_829 = arith.index_cast %parallel_loop3A_698 : i32 to index
        %parallel_loop3A_830 = arith.constant 224 : index
        %parallel_loop3A_831 = tpu.vector_load %arg6[%parallel_loop3A_829, %parallel_loop3A_830] {strides = array<i32>} : memref<32x768xf32, #tpu.memory_space<vmem>>, vector<1x16xf32>,
        %parallel_loop3A_832 = vector.shape_cast %parallel_loop3A_831 : vector<1x16xf32> to vector<16xf32>
        %parallel_loop3A_833 = vector.shape_cast %parallel_loop3A_828 : vector<16xf32> to vector<1x16xf32>
        tpu.vector_store %arg6[%parallel_loop3A_829, %parallel_loop3A_830], %parallel_loop3A_833 {add = true, strides = array<i32>} : memref<32x768xf32, #tpu.memory_space<vmem>>, vector<1x16xf32>,
        %parallel_loop3A_834 = arith.index_cast %parallel_loop3A_698 : i32 to index
        %parallel_loop3A_835 = arith.constant 240 : index
        %parallel_loop3A_836 = tpu.vector_load %arg5[%parallel_loop3A_834, %parallel_loop3A_835] {strides = array<i32>} : memref<32x768xf32, #tpu.memory_space<vmem>>, vector<1x16xf32>,
        %parallel_loop3A_837 = vector.shape_cast %parallel_loop3A_836 : vector<1x16xf32> to vector<16xf32>
        %parallel_loop3A_838 = arith.index_cast %parallel_loop3A_698 : i32 to index
        %parallel_loop3A_839 = arith.constant 240 : index
        %parallel_loop3A_840 = tpu.vector_load %arg6[%parallel_loop3A_838, %parallel_loop3A_839] {strides = array<i32>} : memref<32x768xf32, #tpu.memory_space<vmem>>, vector<1x16xf32>,
        %parallel_loop3A_841 = vector.shape_cast %parallel_loop3A_840 : vector<1x16xf32> to vector<16xf32>
        %parallel_loop3A_842 = vector.shape_cast %parallel_loop3A_837 : vector<16xf32> to vector<1x16xf32>
        tpu.vector_store %arg6[%parallel_loop3A_838, %parallel_loop3A_839], %parallel_loop3A_842 {add = true, strides = array<i32>} : memref<32x768xf32, #tpu.memory_space<vmem>>, vector<1x16xf32>,
        %parallel_loop3A_843 = arith.index_cast %parallel_loop3A_698 : i32 to index
        %parallel_loop3A_844 = arith.constant 256 : index
        %parallel_loop3A_845 = tpu.vector_load %arg5[%parallel_loop3A_843, %parallel_loop3A_844] {strides = array<i32>} : memref<32x768xf32, #tpu.memory_space<vmem>>, vector<1x16xf32>,
        %parallel_loop3A_846 = vector.shape_cast %parallel_loop3A_845 : vector<1x16xf32> to vector<16xf32>
        %parallel_loop3A_847 = arith.index_cast %parallel_loop3A_698 : i32 to index
        %parallel_loop3A_848 = arith.constant 256 : index
        %parallel_loop3A_849 = tpu.vector_load %arg6[%parallel_loop3A_847, %parallel_loop3A_848] {strides = array<i32>} : memref<32x768xf32, #tpu.memory_space<vmem>>, vector<1x16xf32>,
        %parallel_loop3A_850 = vector.shape_cast %parallel_loop3A_849 : vector<1x16xf32> to vector<16xf32>
        %parallel_loop3A_851 = vector.shape_cast %parallel_loop3A_846 : vector<16xf32> to vector<1x16xf32>
        tpu.vector_store %arg6[%parallel_loop3A_847, %parallel_loop3A_848], %parallel_loop3A_851 {add = true, strides = array<i32>} : memref<32x768xf32, #tpu.memory_space<vmem>>, vector<1x16xf32>,
        %parallel_loop3A_852 = arith.index_cast %parallel_loop3A_698 : i32 to index
        %parallel_loop3A_853 = arith.constant 272 : index
        %parallel_loop3A_854 = tpu.vector_load %arg5[%parallel_loop3A_852, %parallel_loop3A_853] {strides = array<i32>} : memref<32x768xf32, #tpu.memory_space<vmem>>, vector<1x16xf32>,
        %parallel_loop3A_855 = vector.shape_cast %parallel_loop3A_854 : vector<1x16xf32> to vector<16xf32>
        %parallel_loop3A_856 = arith.index_cast %parallel_loop3A_698 : i32 to index
        %parallel_loop3A_857 = arith.constant 272 : index
        %parallel_loop3A_858 = tpu.vector_load %arg6[%parallel_loop3A_856, %parallel_loop3A_857] {strides = array<i32>} : memref<32x768xf32, #tpu.memory_space<vmem>>, vector<1x16xf32>,
        %parallel_loop3A_859 = vector.shape_cast %parallel_loop3A_858 : vector<1x16xf32> to vector<16xf32>
        %parallel_loop3A_860 = vector.shape_cast %parallel_loop3A_855 : vector<16xf32> to vector<1x16xf32>
        tpu.vector_store %arg6[%parallel_loop3A_856, %parallel_loop3A_857], %parallel_loop3A_860 {add = true, strides = array<i32>} : memref<32x768xf32, #tpu.memory_space<vmem>>, vector<1x16xf32>,
        %parallel_loop3A_861 = arith.index_cast %parallel_loop3A_698 : i32 to index
        %parallel_loop3A_862 = arith.constant 288 : index
        %parallel_loop3A_863 = tpu.vector_load %arg5[%parallel_loop3A_861, %parallel_loop3A_862] {strides = array<i32>} : memref<32x768xf32, #tpu.memory_space<vmem>>, vector<1x16xf32>,
        %parallel_loop3A_864 = vector.shape_cast %parallel_loop3A_863 : vector<1x16xf32> to vector<16xf32>
        %parallel_loop3A_865 = arith.index_cast %parallel_loop3A_698 : i32 to index
        %parallel_loop3A_866 = arith.constant 288 : index
        %parallel_loop3A_867 = tpu.vector_load %arg6[%parallel_loop3A_865, %parallel_loop3A_866] {strides = array<i32>} : memref<32x768xf32, #tpu.memory_space<vmem>>, vector<1x16xf32>,
        %parallel_loop3A_868 = vector.shape_cast %parallel_loop3A_867 : vector<1x16xf32> to vector<16xf32>
        %parallel_loop3A_869 = vector.shape_cast %parallel_loop3A_864 : vector<16xf32> to vector<1x16xf32>
        tpu.vector_store %arg6[%parallel_loop3A_865, %parallel_loop3A_866], %parallel_loop3A_869 {add = true, strides = array<i32>} : memref<32x768xf32, #tpu.memory_space<vmem>>, vector<1x16xf32>,
        %parallel_loop3A_870 = arith.index_cast %parallel_loop3A_698 : i32 to index
        %parallel_loop3A_871 = arith.constant 304 : index
        %parallel_loop3A_872 = tpu.vector_load %arg5[%parallel_loop3A_870, %parallel_loop3A_871] {strides = array<i32>} : memref<32x768xf32, #tpu.memory_space<vmem>>, vector<1x16xf32>,
        %parallel_loop3A_873 = vector.shape_cast %parallel_loop3A_872 : vector<1x16xf32> to vector<16xf32>
        %parallel_loop3A_874 = arith.index_cast %parallel_loop3A_698 : i32 to index
        %parallel_loop3A_875 = arith.constant 304 : index
        %parallel_loop3A_876 = tpu.vector_load %arg6[%parallel_loop3A_874, %parallel_loop3A_875] {strides = array<i32>} : memref<32x768xf32, #tpu.memory_space<vmem>>, vector<1x16xf32>,
        %parallel_loop3A_877 = vector.shape_cast %parallel_loop3A_876 : vector<1x16xf32> to vector<16xf32>
        %parallel_loop3A_878 = vector.shape_cast %parallel_loop3A_873 : vector<16xf32> to vector<1x16xf32>
        tpu.vector_store %arg6[%parallel_loop3A_874, %parallel_loop3A_875], %parallel_loop3A_878 {add = true, strides = array<i32>} : memref<32x768xf32, #tpu.memory_space<vmem>>, vector<1x16xf32>,
        %parallel_loop3A_879 = arith.index_cast %parallel_loop3A_698 : i32 to index
        %parallel_loop3A_880 = arith.constant 320 : index
        %parallel_loop3A_881 = tpu.vector_load %arg5[%parallel_loop3A_879, %parallel_loop3A_880] {strides = array<i32>} : memref<32x768xf32, #tpu.memory_space<vmem>>, vector<1x16xf32>,
        %parallel_loop3A_882 = vector.shape_cast %parallel_loop3A_881 : vector<1x16xf32> to vector<16xf32>
        %parallel_loop3A_883 = arith.index_cast %parallel_loop3A_698 : i32 to index
        %parallel_loop3A_884 = arith.constant 320 : index
        %parallel_loop3A_885 = tpu.vector_load %arg6[%parallel_loop3A_883, %parallel_loop3A_884] {strides = array<i32>} : memref<32x768xf32, #tpu.memory_space<vmem>>, vector<1x16xf32>,
        %parallel_loop3A_886 = vector.shape_cast %parallel_loop3A_885 : vector<1x16xf32> to vector<16xf32>
        %parallel_loop3A_887 = vector.shape_cast %parallel_loop3A_882 : vector<16xf32> to vector<1x16xf32>
        tpu.vector_store %arg6[%parallel_loop3A_883, %parallel_loop3A_884], %parallel_loop3A_887 {add = true, strides = array<i32>} : memref<32x768xf32, #tpu.memory_space<vmem>>, vector<1x16xf32>,
        %parallel_loop3A_888 = arith.index_cast %parallel_loop3A_698 : i32 to index
        %parallel_loop3A_889 = arith.constant 336 : index
        %parallel_loop3A_890 = tpu.vector_load %arg5[%parallel_loop3A_888, %parallel_loop3A_889] {strides = array<i32>} : memref<32x768xf32, #tpu.memory_space<vmem>>, vector<1x16xf32>,
        %parallel_loop3A_891 = vector.shape_cast %parallel_loop3A_890 : vector<1x16xf32> to vector<16xf32>
        %parallel_loop3A_892 = arith.index_cast %parallel_loop3A_698 : i32 to index
        %parallel_loop3A_893 = arith.constant 336 : index
        %parallel_loop3A_894 = tpu.vector_load %arg6[%parallel_loop3A_892, %parallel_loop3A_893] {strides = array<i32>} : memref<32x768xf32, #tpu.memory_space<vmem>>, vector<1x16xf32>,
        %parallel_loop3A_895 = vector.shape_cast %parallel_loop3A_894 : vector<1x16xf32> to vector<16xf32>
        %parallel_loop3A_896 = vector.shape_cast %parallel_loop3A_891 : vector<16xf32> to vector<1x16xf32>
        tpu.vector_store %arg6[%parallel_loop3A_892, %parallel_loop3A_893], %parallel_loop3A_896 {add = true, strides = array<i32>} : memref<32x768xf32, #tpu.memory_space<vmem>>, vector<1x16xf32>,
        %parallel_loop3A_897 = arith.index_cast %parallel_loop3A_698 : i32 to index
        %parallel_loop3A_898 = arith.constant 352 : index
        %parallel_loop3A_899 = tpu.vector_load %arg5[%parallel_loop3A_897, %parallel_loop3A_898] {strides = array<i32>} : memref<32x768xf32, #tpu.memory_space<vmem>>, vector<1x16xf32>,
        %parallel_loop3A_900 = vector.shape_cast %parallel_loop3A_899 : vector<1x16xf32> to vector<16xf32>
        %parallel_loop3A_901 = arith.index_cast %parallel_loop3A_698 : i32 to index
        %parallel_loop3A_902 = arith.constant 352 : index
        %parallel_loop3A_903 = tpu.vector_load %arg6[%parallel_loop3A_901, %parallel_loop3A_902] {strides = array<i32>} : memref<32x768xf32, #tpu.memory_space<vmem>>, vector<1x16xf32>,
        %parallel_loop3A_904 = vector.shape_cast %parallel_loop3A_903 : vector<1x16xf32> to vector<16xf32>
        %parallel_loop3A_905 = vector.shape_cast %parallel_loop3A_900 : vector<16xf32> to vector<1x16xf32>
        tpu.vector_store %arg6[%parallel_loop3A_901, %parallel_loop3A_902], %parallel_loop3A_905 {add = true, strides = array<i32>} : memref<32x768xf32, #tpu.memory_space<vmem>>, vector<1x16xf32>,
        %parallel_loop3A_906 = arith.index_cast %parallel_loop3A_698 : i32 to index
        %parallel_loop3A_907 = arith.constant 368 : index
        %parallel_loop3A_908 = tpu.vector_load %arg5[%parallel_loop3A_906, %parallel_loop3A_907] {strides = array<i32>} : memref<32x768xf32, #tpu.memory_space<vmem>>, vector<1x16xf32>,
        %parallel_loop3A_909 = vector.shape_cast %parallel_loop3A_908 : vector<1x16xf32> to vector<16xf32>
        %parallel_loop3A_910 = arith.index_cast %parallel_loop3A_698 : i32 to index
        %parallel_loop3A_911 = arith.constant 368 : index
        %parallel_loop3A_912 = tpu.vector_load %arg6[%parallel_loop3A_910, %parallel_loop3A_911] {strides = array<i32>} : memref<32x768xf32, #tpu.memory_space<vmem>>, vector<1x16xf32>,
        %parallel_loop3A_913 = vector.shape_cast %parallel_loop3A_912 : vector<1x16xf32> to vector<16xf32>
        %parallel_loop3A_914 = vector.shape_cast %parallel_loop3A_909 : vector<16xf32> to vector<1x16xf32>
        tpu.vector_store %arg6[%parallel_loop3A_910, %parallel_loop3A_911], %parallel_loop3A_914 {add = true, strides = array<i32>} : memref<32x768xf32, #tpu.memory_space<vmem>>, vector<1x16xf32>,
        %parallel_loop3A_915 = arith.index_cast %parallel_loop3A_698 : i32 to index
        %parallel_loop3A_916 = arith.constant 384 : index
        %parallel_loop3A_917 = tpu.vector_load %arg5[%parallel_loop3A_915, %parallel_loop3A_916] {strides = array<i32>} : memref<32x768xf32, #tpu.memory_space<vmem>>, vector<1x16xf32>,
        %parallel_loop3A_918 = vector.shape_cast %parallel_loop3A_917 : vector<1x16xf32> to vector<16xf32>
        %parallel_loop3A_919 = arith.index_cast %parallel_loop3A_698 : i32 to index
        %parallel_loop3A_920 = arith.constant 384 : index
        %parallel_loop3A_921 = tpu.vector_load %arg6[%parallel_loop3A_919, %parallel_loop3A_920] {strides = array<i32>} : memref<32x768xf32, #tpu.memory_space<vmem>>, vector<1x16xf32>,
        %parallel_loop3A_922 = vector.shape_cast %parallel_loop3A_921 : vector<1x16xf32> to vector<16xf32>
        %parallel_loop3A_923 = vector.shape_cast %parallel_loop3A_918 : vector<16xf32> to vector<1x16xf32>
        tpu.vector_store %arg6[%parallel_loop3A_919, %parallel_loop3A_920], %parallel_loop3A_923 {add = true, strides = array<i32>} : memref<32x768xf32, #tpu.memory_space<vmem>>, vector<1x16xf32>,
        %parallel_loop3A_924 = arith.index_cast %parallel_loop3A_698 : i32 to index
        %parallel_loop3A_925 = arith.constant 400 : index
        %parallel_loop3A_926 = tpu.vector_load %arg5[%parallel_loop3A_924, %parallel_loop3A_925] {strides = array<i32>} : memref<32x768xf32, #tpu.memory_space<vmem>>, vector<1x16xf32>,
        %parallel_loop3A_927 = vector.shape_cast %parallel_loop3A_926 : vector<1x16xf32> to vector<16xf32>
        %parallel_loop3A_928 = arith.index_cast %parallel_loop3A_698 : i32 to index
        %parallel_loop3A_929 = arith.constant 400 : index
        %parallel_loop3A_930 = tpu.vector_load %arg6[%parallel_loop3A_928, %parallel_loop3A_929] {strides = array<i32>} : memref<32x768xf32, #tpu.memory_space<vmem>>, vector<1x16xf32>,
        %parallel_loop3A_931 = vector.shape_cast %parallel_loop3A_930 : vector<1x16xf32> to vector<16xf32>
        %parallel_loop3A_932 = vector.shape_cast %parallel_loop3A_927 : vector<16xf32> to vector<1x16xf32>
        tpu.vector_store %arg6[%parallel_loop3A_928, %parallel_loop3A_929], %parallel_loop3A_932 {add = true, strides = array<i32>} : memref<32x768xf32, #tpu.memory_space<vmem>>, vector<1x16xf32>,
        %parallel_loop3A_933 = arith.index_cast %parallel_loop3A_698 : i32 to index
        %parallel_loop3A_934 = arith.constant 416 : index
        %parallel_loop3A_935 = tpu.vector_load %arg5[%parallel_loop3A_933, %parallel_loop3A_934] {strides = array<i32>} : memref<32x768xf32, #tpu.memory_space<vmem>>, vector<1x16xf32>,
        %parallel_loop3A_936 = vector.shape_cast %parallel_loop3A_935 : vector<1x16xf32> to vector<16xf32>
        %parallel_loop3A_937 = arith.index_cast %parallel_loop3A_698 : i32 to index
        %parallel_loop3A_938 = arith.constant 416 : index
        %parallel_loop3A_939 = tpu.vector_load %arg6[%parallel_loop3A_937, %parallel_loop3A_938] {strides = array<i32>} : memref<32x768xf32, #tpu.memory_space<vmem>>, vector<1x16xf32>,
        %parallel_loop3A_940 = vector.shape_cast %parallel_loop3A_939 : vector<1x16xf32> to vector<16xf32>
        %parallel_loop3A_941 = vector.shape_cast %parallel_loop3A_936 : vector<16xf32> to vector<1x16xf32>
        tpu.vector_store %arg6[%parallel_loop3A_937, %parallel_loop3A_938], %parallel_loop3A_941 {add = true, strides = array<i32>} : memref<32x768xf32, #tpu.memory_space<vmem>>, vector<1x16xf32>,
        %parallel_loop3A_942 = arith.index_cast %parallel_loop3A_698 : i32 to index
        %parallel_loop3A_943 = arith.constant 432 : index
        %parallel_loop3A_944 = tpu.vector_load %arg5[%parallel_loop3A_942, %parallel_loop3A_943] {strides = array<i32>} : memref<32x768xf32, #tpu.memory_space<vmem>>, vector<1x16xf32>,
        %parallel_loop3A_945 = vector.shape_cast %parallel_loop3A_944 : vector<1x16xf32> to vector<16xf32>
        %parallel_loop3A_946 = arith.index_cast %parallel_loop3A_698 : i32 to index
        %parallel_loop3A_947 = arith.constant 432 : index
        %parallel_loop3A_948 = tpu.vector_load %arg6[%parallel_loop3A_946, %parallel_loop3A_947] {strides = array<i32>} : memref<32x768xf32, #tpu.memory_space<vmem>>, vector<1x16xf32>,
        %parallel_loop3A_949 = vector.shape_cast %parallel_loop3A_948 : vector<1x16xf32> to vector<16xf32>
        %parallel_loop3A_950 = vector.shape_cast %parallel_loop3A_945 : vector<16xf32> to vector<1x16xf32>
        tpu.vector_store %arg6[%parallel_loop3A_946, %parallel_loop3A_947], %parallel_loop3A_950 {add = true, strides = array<i32>} : memref<32x768xf32, #tpu.memory_space<vmem>>, vector<1x16xf32>,
        %parallel_loop3A_951 = arith.index_cast %parallel_loop3A_698 : i32 to index
        %parallel_loop3A_952 = arith.constant 448 : index
        %parallel_loop3A_953 = tpu.vector_load %arg5[%parallel_loop3A_951, %parallel_loop3A_952] {strides = array<i32>} : memref<32x768xf32, #tpu.memory_space<vmem>>, vector<1x16xf32>,
        %parallel_loop3A_954 = vector.shape_cast %parallel_loop3A_953 : vector<1x16xf32> to vector<16xf32>
        %parallel_loop3A_955 = arith.index_cast %parallel_loop3A_698 : i32 to index
        %parallel_loop3A_956 = arith.constant 448 : index
        %parallel_loop3A_957 = tpu.vector_load %arg6[%parallel_loop3A_955, %parallel_loop3A_956] {strides = array<i32>} : memref<32x768xf32, #tpu.memory_space<vmem>>, vector<1x16xf32>,
        %parallel_loop3A_958 = vector.shape_cast %parallel_loop3A_957 : vector<1x16xf32> to vector<16xf32>
        %parallel_loop3A_959 = vector.shape_cast %parallel_loop3A_954 : vector<16xf32> to vector<1x16xf32>
        tpu.vector_store %arg6[%parallel_loop3A_955, %parallel_loop3A_956], %parallel_loop3A_959 {add = true, strides = array<i32>} : memref<32x768xf32, #tpu.memory_space<vmem>>, vector<1x16xf32>,
        %parallel_loop3A_960 = arith.index_cast %parallel_loop3A_698 : i32 to index
        %parallel_loop3A_961 = arith.constant 464 : index
        %parallel_loop3A_962 = tpu.vector_load %arg5[%parallel_loop3A_960, %parallel_loop3A_961] {strides = array<i32>} : memref<32x768xf32, #tpu.memory_space<vmem>>, vector<1x16xf32>,
        %parallel_loop3A_963 = vector.shape_cast %parallel_loop3A_962 : vector<1x16xf32> to vector<16xf32>
        %parallel_loop3A_964 = arith.index_cast %parallel_loop3A_698 : i32 to index
        %parallel_loop3A_965 = arith.constant 464 : index
        %parallel_loop3A_966 = tpu.vector_load %arg6[%parallel_loop3A_964, %parallel_loop3A_965] {strides = array<i32>} : memref<32x768xf32, #tpu.memory_space<vmem>>, vector<1x16xf32>,
        %parallel_loop3A_967 = vector.shape_cast %parallel_loop3A_966 : vector<1x16xf32> to vector<16xf32>
        %parallel_loop3A_968 = vector.shape_cast %parallel_loop3A_963 : vector<16xf32> to vector<1x16xf32>
        tpu.vector_store %arg6[%parallel_loop3A_964, %parallel_loop3A_965], %parallel_loop3A_968 {add = true, strides = array<i32>} : memref<32x768xf32, #tpu.memory_space<vmem>>, vector<1x16xf32>,
        %parallel_loop3A_969 = arith.index_cast %parallel_loop3A_698 : i32 to index
        %parallel_loop3A_970 = arith.constant 480 : index
        %parallel_loop3A_971 = tpu.vector_load %arg5[%parallel_loop3A_969, %parallel_loop3A_970] {strides = array<i32>} : memref<32x768xf32, #tpu.memory_space<vmem>>, vector<1x16xf32>,
        %parallel_loop3A_972 = vector.shape_cast %parallel_loop3A_971 : vector<1x16xf32> to vector<16xf32>
        %parallel_loop3A_973 = arith.index_cast %parallel_loop3A_698 : i32 to index
        %parallel_loop3A_974 = arith.constant 480 : index
        %parallel_loop3A_975 = tpu.vector_load %arg6[%parallel_loop3A_973, %parallel_loop3A_974] {strides = array<i32>} : memref<32x768xf32, #tpu.memory_space<vmem>>, vector<1x16xf32>,
        %parallel_loop3A_976 = vector.shape_cast %parallel_loop3A_975 : vector<1x16xf32> to vector<16xf32>
        %parallel_loop3A_977 = vector.shape_cast %parallel_loop3A_972 : vector<16xf32> to vector<1x16xf32>
        tpu.vector_store %arg6[%parallel_loop3A_973, %parallel_loop3A_974], %parallel_loop3A_977 {add = true, strides = array<i32>} : memref<32x768xf32, #tpu.memory_space<vmem>>, vector<1x16xf32>,
        %parallel_loop3A_978 = arith.index_cast %parallel_loop3A_698 : i32 to index
        %parallel_loop3A_979 = arith.constant 496 : index
        %parallel_loop3A_980 = tpu.vector_load %arg5[%parallel_loop3A_978, %parallel_loop3A_979] {strides = array<i32>} : memref<32x768xf32, #tpu.memory_space<vmem>>, vector<1x16xf32>,
        %parallel_loop3A_981 = vector.shape_cast %parallel_loop3A_980 : vector<1x16xf32> to vector<16xf32>
        %parallel_loop3A_982 = arith.index_cast %parallel_loop3A_698 : i32 to index
        %parallel_loop3A_983 = arith.constant 496 : index
        %parallel_loop3A_984 = tpu.vector_load %arg6[%parallel_loop3A_982, %parallel_loop3A_983] {strides = array<i32>} : memref<32x768xf32, #tpu.memory_space<vmem>>, vector<1x16xf32>,
        %parallel_loop3A_985 = vector.shape_cast %parallel_loop3A_984 : vector<1x16xf32> to vector<16xf32>
        %parallel_loop3A_986 = vector.shape_cast %parallel_loop3A_981 : vector<16xf32> to vector<1x16xf32>
        tpu.vector_store %arg6[%parallel_loop3A_982, %parallel_loop3A_983], %parallel_loop3A_986 {add = true, strides = array<i32>} : memref<32x768xf32, #tpu.memory_space<vmem>>, vector<1x16xf32>,
        %parallel_loop3A_987 = arith.index_cast %parallel_loop3A_698 : i32 to index
        %parallel_loop3A_988 = arith.constant 512 : index
        %parallel_loop3A_989 = tpu.vector_load %arg5[%parallel_loop3A_987, %parallel_loop3A_988] {strides = array<i32>} : memref<32x768xf32, #tpu.memory_space<vmem>>, vector<1x16xf32>,
        %parallel_loop3A_990 = vector.shape_cast %parallel_loop3A_989 : vector<1x16xf32> to vector<16xf32>
        %parallel_loop3A_991 = arith.index_cast %parallel_loop3A_698 : i32 to index
        %parallel_loop3A_992 = arith.constant 512 : index
        %parallel_loop3A_993 = tpu.vector_load %arg6[%parallel_loop3A_991, %parallel_loop3A_992] {strides = array<i32>} : memref<32x768xf32, #tpu.memory_space<vmem>>, vector<1x16xf32>,
        %parallel_loop3A_994 = vector.shape_cast %parallel_loop3A_993 : vector<1x16xf32> to vector<16xf32>
        %parallel_loop3A_995 = vector.shape_cast %parallel_loop3A_990 : vector<16xf32> to vector<1x16xf32>
        tpu.vector_store %arg6[%parallel_loop3A_991, %parallel_loop3A_992], %parallel_loop3A_995 {add = true, strides = array<i32>} : memref<32x768xf32, #tpu.memory_space<vmem>>, vector<1x16xf32>,
        %parallel_loop3A_996 = arith.index_cast %parallel_loop3A_698 : i32 to index
        %parallel_loop3A_997 = arith.constant 528 : index
        %parallel_loop3A_998 = tpu.vector_load %arg5[%parallel_loop3A_996, %parallel_loop3A_997] {strides = array<i32>} : memref<32x768xf32, #tpu.memory_space<vmem>>, vector<1x16xf32>,
        %parallel_loop3A_999 = vector.shape_cast %parallel_loop3A_998 : vector<1x16xf32> to vector<16xf32>
        %parallel_loop3A_1000 = arith.index_cast %parallel_loop3A_698 : i32 to index
        %parallel_loop3A_1001 = arith.constant 528 : index
        %parallel_loop3A_1002 = tpu.vector_load %arg6[%parallel_loop3A_1000, %parallel_loop3A_1001] {strides = array<i32>} : memref<32x768xf32, #tpu.memory_space<vmem>>, vector<1x16xf32>,
        %parallel_loop3A_1003 = vector.shape_cast %parallel_loop3A_1002 : vector<1x16xf32> to vector<16xf32>
        %parallel_loop3A_1004 = vector.shape_cast %parallel_loop3A_999 : vector<16xf32> to vector<1x16xf32>
        tpu.vector_store %arg6[%parallel_loop3A_1000, %parallel_loop3A_1001], %parallel_loop3A_1004 {add = true, strides = array<i32>} : memref<32x768xf32, #tpu.memory_space<vmem>>, vector<1x16xf32>,
        %parallel_loop3A_1005 = arith.index_cast %parallel_loop3A_698 : i32 to index
        %parallel_loop3A_1006 = arith.constant 544 : index
        %parallel_loop3A_1007 = tpu.vector_load %arg5[%parallel_loop3A_1005, %parallel_loop3A_1006] {strides = array<i32>} : memref<32x768xf32, #tpu.memory_space<vmem>>, vector<1x16xf32>,
        %parallel_loop3A_1008 = vector.shape_cast %parallel_loop3A_1007 : vector<1x16xf32> to vector<16xf32>
        %parallel_loop3A_1009 = arith.index_cast %parallel_loop3A_698 : i32 to index
        %parallel_loop3A_1010 = arith.constant 544 : index
        %parallel_loop3A_1011 = tpu.vector_load %arg6[%parallel_loop3A_1009, %parallel_loop3A_1010] {strides = array<i32>} : memref<32x768xf32, #tpu.memory_space<vmem>>, vector<1x16xf32>,
        %parallel_loop3A_1012 = vector.shape_cast %parallel_loop3A_1011 : vector<1x16xf32> to vector<16xf32>
        %parallel_loop3A_1013 = vector.shape_cast %parallel_loop3A_1008 : vector<16xf32> to vector<1x16xf32>
        tpu.vector_store %arg6[%parallel_loop3A_1009, %parallel_loop3A_1010], %parallel_loop3A_1013 {add = true, strides = array<i32>} : memref<32x768xf32, #tpu.memory_space<vmem>>, vector<1x16xf32>,
        %parallel_loop3A_1014 = arith.index_cast %parallel_loop3A_698 : i32 to index
        %parallel_loop3A_1015 = arith.constant 560 : index
        %parallel_loop3A_1016 = tpu.vector_load %arg5[%parallel_loop3A_1014, %parallel_loop3A_1015] {strides = array<i32>} : memref<32x768xf32, #tpu.memory_space<vmem>>, vector<1x16xf32>,
        %parallel_loop3A_1017 = vector.shape_cast %parallel_loop3A_1016 : vector<1x16xf32> to vector<16xf32>
        %parallel_loop3A_1018 = arith.index_cast %parallel_loop3A_698 : i32 to index
        %parallel_loop3A_1019 = arith.constant 560 : index
        %parallel_loop3A_1020 = tpu.vector_load %arg6[%parallel_loop3A_1018, %parallel_loop3A_1019] {strides = array<i32>} : memref<32x768xf32, #tpu.memory_space<vmem>>, vector<1x16xf32>,
        %parallel_loop3A_1021 = vector.shape_cast %parallel_loop3A_1020 : vector<1x16xf32> to vector<16xf32>
        %parallel_loop3A_1022 = vector.shape_cast %parallel_loop3A_1017 : vector<16xf32> to vector<1x16xf32>
        tpu.vector_store %arg6[%parallel_loop3A_1018, %parallel_loop3A_1019], %parallel_loop3A_1022 {add = true, strides = array<i32>} : memref<32x768xf32, #tpu.memory_space<vmem>>, vector<1x16xf32>,
        %parallel_loop3A_1023 = arith.index_cast %parallel_loop3A_698 : i32 to index
        %parallel_loop3A_1024 = arith.constant 576 : index
        %parallel_loop3A_1025 = tpu.vector_load %arg5[%parallel_loop3A_1023, %parallel_loop3A_1024] {strides = array<i32>} : memref<32x768xf32, #tpu.memory_space<vmem>>, vector<1x16xf32>,
        %parallel_loop3A_1026 = vector.shape_cast %parallel_loop3A_1025 : vector<1x16xf32> to vector<16xf32>
        %parallel_loop3A_1027 = arith.index_cast %parallel_loop3A_698 : i32 to index
        %parallel_loop3A_1028 = arith.constant 576 : index
        %parallel_loop3A_1029 = tpu.vector_load %arg6[%parallel_loop3A_1027, %parallel_loop3A_1028] {strides = array<i32>} : memref<32x768xf32, #tpu.memory_space<vmem>>, vector<1x16xf32>,
        %parallel_loop3A_1030 = vector.shape_cast %parallel_loop3A_1029 : vector<1x16xf32> to vector<16xf32>
        %parallel_loop3A_1031 = vector.shape_cast %parallel_loop3A_1026 : vector<16xf32> to vector<1x16xf32>
        tpu.vector_store %arg6[%parallel_loop3A_1027, %parallel_loop3A_1028], %parallel_loop3A_1031 {add = true, strides = array<i32>} : memref<32x768xf32, #tpu.memory_space<vmem>>, vector<1x16xf32>,
        %parallel_loop3A_1032 = arith.index_cast %parallel_loop3A_698 : i32 to index
        %parallel_loop3A_1033 = arith.constant 592 : index
        %parallel_loop3A_1034 = tpu.vector_load %arg5[%parallel_loop3A_1032, %parallel_loop3A_1033] {strides = array<i32>} : memref<32x768xf32, #tpu.memory_space<vmem>>, vector<1x16xf32>,
        %parallel_loop3A_1035 = vector.shape_cast %parallel_loop3A_1034 : vector<1x16xf32> to vector<16xf32>
        %parallel_loop3A_1036 = arith.index_cast %parallel_loop3A_698 : i32 to index
        %parallel_loop3A_1037 = arith.constant 592 : index
        %parallel_loop3A_1038 = tpu.vector_load %arg6[%parallel_loop3A_1036, %parallel_loop3A_1037] {strides = array<i32>} : memref<32x768xf32, #tpu.memory_space<vmem>>, vector<1x16xf32>,
        %parallel_loop3A_1039 = vector.shape_cast %parallel_loop3A_1038 : vector<1x16xf32> to vector<16xf32>
        %parallel_loop3A_1040 = vector.shape_cast %parallel_loop3A_1035 : vector<16xf32> to vector<1x16xf32>
        tpu.vector_store %arg6[%parallel_loop3A_1036, %parallel_loop3A_1037], %parallel_loop3A_1040 {add = true, strides = array<i32>} : memref<32x768xf32, #tpu.memory_space<vmem>>, vector<1x16xf32>,
        %parallel_loop3A_1041 = arith.index_cast %parallel_loop3A_698 : i32 to index
        %parallel_loop3A_1042 = arith.constant 608 : index
        %parallel_loop3A_1043 = tpu.vector_load %arg5[%parallel_loop3A_1041, %parallel_loop3A_1042] {strides = array<i32>} : memref<32x768xf32, #tpu.memory_space<vmem>>, vector<1x16xf32>,
        %parallel_loop3A_1044 = vector.shape_cast %parallel_loop3A_1043 : vector<1x16xf32> to vector<16xf32>
        %parallel_loop3A_1045 = arith.index_cast %parallel_loop3A_698 : i32 to index
        %parallel_loop3A_1046 = arith.constant 608 : index
        %parallel_loop3A_1047 = tpu.vector_load %arg6[%parallel_loop3A_1045, %parallel_loop3A_1046] {strides = array<i32>} : memref<32x768xf32, #tpu.memory_space<vmem>>, vector<1x16xf32>,
        %parallel_loop3A_1048 = vector.shape_cast %parallel_loop3A_1047 : vector<1x16xf32> to vector<16xf32>
        %parallel_loop3A_1049 = vector.shape_cast %parallel_loop3A_1044 : vector<16xf32> to vector<1x16xf32>
        tpu.vector_store %arg6[%parallel_loop3A_1045, %parallel_loop3A_1046], %parallel_loop3A_1049 {add = true, strides = array<i32>} : memref<32x768xf32, #tpu.memory_space<vmem>>, vector<1x16xf32>,
        %parallel_loop3A_1050 = arith.index_cast %parallel_loop3A_698 : i32 to index
        %parallel_loop3A_1051 = arith.constant 624 : index
        %parallel_loop3A_1052 = tpu.vector_load %arg5[%parallel_loop3A_1050, %parallel_loop3A_1051] {strides = array<i32>} : memref<32x768xf32, #tpu.memory_space<vmem>>, vector<1x16xf32>,
        %parallel_loop3A_1053 = vector.shape_cast %parallel_loop3A_1052 : vector<1x16xf32> to vector<16xf32>
        %parallel_loop3A_1054 = arith.index_cast %parallel_loop3A_698 : i32 to index
        %parallel_loop3A_1055 = arith.constant 624 : index
        %parallel_loop3A_1056 = tpu.vector_load %arg6[%parallel_loop3A_1054, %parallel_loop3A_1055] {strides = array<i32>} : memref<32x768xf32, #tpu.memory_space<vmem>>, vector<1x16xf32>,
        %parallel_loop3A_1057 = vector.shape_cast %parallel_loop3A_1056 : vector<1x16xf32> to vector<16xf32>
        %parallel_loop3A_1058 = vector.shape_cast %parallel_loop3A_1053 : vector<16xf32> to vector<1x16xf32>
        tpu.vector_store %arg6[%parallel_loop3A_1054, %parallel_loop3A_1055], %parallel_loop3A_1058 {add = true, strides = array<i32>} : memref<32x768xf32, #tpu.memory_space<vmem>>, vector<1x16xf32>,
        %parallel_loop3A_1059 = arith.index_cast %parallel_loop3A_698 : i32 to index
        %parallel_loop3A_1060 = arith.constant 640 : index
        %parallel_loop3A_1061 = tpu.vector_load %arg5[%parallel_loop3A_1059, %parallel_loop3A_1060] {strides = array<i32>} : memref<32x768xf32, #tpu.memory_space<vmem>>, vector<1x16xf32>,
        %parallel_loop3A_1062 = vector.shape_cast %parallel_loop3A_1061 : vector<1x16xf32> to vector<16xf32>
        %parallel_loop3A_1063 = arith.index_cast %parallel_loop3A_698 : i32 to index
        %parallel_loop3A_1064 = arith.constant 640 : index
        %parallel_loop3A_1065 = tpu.vector_load %arg6[%parallel_loop3A_1063, %parallel_loop3A_1064] {strides = array<i32>} : memref<32x768xf32, #tpu.memory_space<vmem>>, vector<1x16xf32>,
        %parallel_loop3A_1066 = vector.shape_cast %parallel_loop3A_1065 : vector<1x16xf32> to vector<16xf32>
        %parallel_loop3A_1067 = vector.shape_cast %parallel_loop3A_1062 : vector<16xf32> to vector<1x16xf32>
        tpu.vector_store %arg6[%parallel_loop3A_1063, %parallel_loop3A_1064], %parallel_loop3A_1067 {add = true, strides = array<i32>} : memref<32x768xf32, #tpu.memory_space<vmem>>, vector<1x16xf32>,
        %parallel_loop3A_1068 = arith.index_cast %parallel_loop3A_698 : i32 to index
        %parallel_loop3A_1069 = arith.constant 656 : index
        %parallel_loop3A_1070 = tpu.vector_load %arg5[%parallel_loop3A_1068, %parallel_loop3A_1069] {strides = array<i32>} : memref<32x768xf32, #tpu.memory_space<vmem>>, vector<1x16xf32>,
        %parallel_loop3A_1071 = vector.shape_cast %parallel_loop3A_1070 : vector<1x16xf32> to vector<16xf32>
        %parallel_loop3A_1072 = arith.index_cast %parallel_loop3A_698 : i32 to index
        %parallel_loop3A_1073 = arith.constant 656 : index
        %parallel_loop3A_1074 = tpu.vector_load %arg6[%parallel_loop3A_1072, %parallel_loop3A_1073] {strides = array<i32>} : memref<32x768xf32, #tpu.memory_space<vmem>>, vector<1x16xf32>,
        %parallel_loop3A_1075 = vector.shape_cast %parallel_loop3A_1074 : vector<1x16xf32> to vector<16xf32>
        %parallel_loop3A_1076 = vector.shape_cast %parallel_loop3A_1071 : vector<16xf32> to vector<1x16xf32>
        tpu.vector_store %arg6[%parallel_loop3A_1072, %parallel_loop3A_1073], %parallel_loop3A_1076 {add = true, strides = array<i32>} : memref<32x768xf32, #tpu.memory_space<vmem>>, vector<1x16xf32>,
        %parallel_loop3A_1077 = arith.index_cast %parallel_loop3A_698 : i32 to index
        %parallel_loop3A_1078 = arith.constant 672 : index
        %parallel_loop3A_1079 = tpu.vector_load %arg5[%parallel_loop3A_1077, %parallel_loop3A_1078] {strides = array<i32>} : memref<32x768xf32, #tpu.memory_space<vmem>>, vector<1x16xf32>,
        %parallel_loop3A_1080 = vector.shape_cast %parallel_loop3A_1079 : vector<1x16xf32> to vector<16xf32>
        %parallel_loop3A_1081 = arith.index_cast %parallel_loop3A_698 : i32 to index
        %parallel_loop3A_1082 = arith.constant 672 : index
        %parallel_loop3A_1083 = tpu.vector_load %arg6[%parallel_loop3A_1081, %parallel_loop3A_1082] {strides = array<i32>} : memref<32x768xf32, #tpu.memory_space<vmem>>, vector<1x16xf32>,
        %parallel_loop3A_1084 = vector.shape_cast %parallel_loop3A_1083 : vector<1x16xf32> to vector<16xf32>
        %parallel_loop3A_1085 = vector.shape_cast %parallel_loop3A_1080 : vector<16xf32> to vector<1x16xf32>
        tpu.vector_store %arg6[%parallel_loop3A_1081, %parallel_loop3A_1082], %parallel_loop3A_1085 {add = true, strides = array<i32>} : memref<32x768xf32, #tpu.memory_space<vmem>>, vector<1x16xf32>,
        %parallel_loop3A_1086 = arith.index_cast %parallel_loop3A_698 : i32 to index
        %parallel_loop3A_1087 = arith.constant 688 : index
        %parallel_loop3A_1088 = tpu.vector_load %arg5[%parallel_loop3A_1086, %parallel_loop3A_1087] {strides = array<i32>} : memref<32x768xf32, #tpu.memory_space<vmem>>, vector<1x16xf32>,
        %parallel_loop3A_1089 = vector.shape_cast %parallel_loop3A_1088 : vector<1x16xf32> to vector<16xf32>
        %parallel_loop3A_1090 = arith.index_cast %parallel_loop3A_698 : i32 to index
        %parallel_loop3A_1091 = arith.constant 688 : index
        %parallel_loop3A_1092 = tpu.vector_load %arg6[%parallel_loop3A_1090, %parallel_loop3A_1091] {strides = array<i32>} : memref<32x768xf32, #tpu.memory_space<vmem>>, vector<1x16xf32>,
        %parallel_loop3A_1093 = vector.shape_cast %parallel_loop3A_1092 : vector<1x16xf32> to vector<16xf32>
        %parallel_loop3A_1094 = vector.shape_cast %parallel_loop3A_1089 : vector<16xf32> to vector<1x16xf32>
        tpu.vector_store %arg6[%parallel_loop3A_1090, %parallel_loop3A_1091], %parallel_loop3A_1094 {add = true, strides = array<i32>} : memref<32x768xf32, #tpu.memory_space<vmem>>, vector<1x16xf32>,
        %parallel_loop3A_1095 = arith.index_cast %parallel_loop3A_698 : i32 to index
        %parallel_loop3A_1096 = arith.constant 704 : index
        %parallel_loop3A_1097 = tpu.vector_load %arg5[%parallel_loop3A_1095, %parallel_loop3A_1096] {strides = array<i32>} : memref<32x768xf32, #tpu.memory_space<vmem>>, vector<1x16xf32>,
        %parallel_loop3A_1098 = vector.shape_cast %parallel_loop3A_1097 : vector<1x16xf32> to vector<16xf32>
        %parallel_loop3A_1099 = arith.index_cast %parallel_loop3A_698 : i32 to index
        %parallel_loop3A_1100 = arith.constant 704 : index
        %parallel_loop3A_1101 = tpu.vector_load %arg6[%parallel_loop3A_1099, %parallel_loop3A_1100] {strides = array<i32>} : memref<32x768xf32, #tpu.memory_space<vmem>>, vector<1x16xf32>,
        %parallel_loop3A_1102 = vector.shape_cast %parallel_loop3A_1101 : vector<1x16xf32> to vector<16xf32>
        %parallel_loop3A_1103 = vector.shape_cast %parallel_loop3A_1098 : vector<16xf32> to vector<1x16xf32>
        tpu.vector_store %arg6[%parallel_loop3A_1099, %parallel_loop3A_1100], %parallel_loop3A_1103 {add = true, strides = array<i32>} : memref<32x768xf32, #tpu.memory_space<vmem>>, vector<1x16xf32>,
        %parallel_loop3A_1104 = arith.index_cast %parallel_loop3A_698 : i32 to index
        %parallel_loop3A_1105 = arith.constant 720 : index
        %parallel_loop3A_1106 = tpu.vector_load %arg5[%parallel_loop3A_1104, %parallel_loop3A_1105] {strides = array<i32>} : memref<32x768xf32, #tpu.memory_space<vmem>>, vector<1x16xf32>,
        %parallel_loop3A_1107 = vector.shape_cast %parallel_loop3A_1106 : vector<1x16xf32> to vector<16xf32>
        %parallel_loop3A_1108 = arith.index_cast %parallel_loop3A_698 : i32 to index
        %parallel_loop3A_1109 = arith.constant 720 : index
        %parallel_loop3A_1110 = tpu.vector_load %arg6[%parallel_loop3A_1108, %parallel_loop3A_1109] {strides = array<i32>} : memref<32x768xf32, #tpu.memory_space<vmem>>, vector<1x16xf32>,
        %parallel_loop3A_1111 = vector.shape_cast %parallel_loop3A_1110 : vector<1x16xf32> to vector<16xf32>
        %parallel_loop3A_1112 = vector.shape_cast %parallel_loop3A_1107 : vector<16xf32> to vector<1x16xf32>
        tpu.vector_store %arg6[%parallel_loop3A_1108, %parallel_loop3A_1109], %parallel_loop3A_1112 {add = true, strides = array<i32>} : memref<32x768xf32, #tpu.memory_space<vmem>>, vector<1x16xf32>,
        %parallel_loop3A_1113 = arith.index_cast %parallel_loop3A_698 : i32 to index
        %parallel_loop3A_1114 = arith.constant 736 : index
        %parallel_loop3A_1115 = tpu.vector_load %arg5[%parallel_loop3A_1113, %parallel_loop3A_1114] {strides = array<i32>} : memref<32x768xf32, #tpu.memory_space<vmem>>, vector<1x16xf32>,
        %parallel_loop3A_1116 = vector.shape_cast %parallel_loop3A_1115 : vector<1x16xf32> to vector<16xf32>
        %parallel_loop3A_1117 = arith.index_cast %parallel_loop3A_698 : i32 to index
        %parallel_loop3A_1118 = arith.constant 736 : index
        %parallel_loop3A_1119 = tpu.vector_load %arg6[%parallel_loop3A_1117, %parallel_loop3A_1118] {strides = array<i32>} : memref<32x768xf32, #tpu.memory_space<vmem>>, vector<1x16xf32>,
        %parallel_loop3A_1120 = vector.shape_cast %parallel_loop3A_1119 : vector<1x16xf32> to vector<16xf32>
        %parallel_loop3A_1121 = vector.shape_cast %parallel_loop3A_1116 : vector<16xf32> to vector<1x16xf32>
        tpu.vector_store %arg6[%parallel_loop3A_1117, %parallel_loop3A_1118], %parallel_loop3A_1121 {add = true, strides = array<i32>} : memref<32x768xf32, #tpu.memory_space<vmem>>, vector<1x16xf32>,
        %parallel_loop3A_1122 = arith.index_cast %parallel_loop3A_698 : i32 to index
        %parallel_loop3A_1123 = arith.constant 752 : index
        %parallel_loop3A_1124 = tpu.vector_load %arg5[%parallel_loop3A_1122, %parallel_loop3A_1123] {strides = array<i32>} : memref<32x768xf32, #tpu.memory_space<vmem>>, vector<1x16xf32>,
        %parallel_loop3A_1125 = vector.shape_cast %parallel_loop3A_1124 : vector<1x16xf32> to vector<16xf32>
        %parallel_loop3A_1126 = arith.index_cast %parallel_loop3A_698 : i32 to index
        %parallel_loop3A_1127 = arith.constant 752 : index
        %parallel_loop3A_1128 = tpu.vector_load %arg6[%parallel_loop3A_1126, %parallel_loop3A_1127] {strides = array<i32>} : memref<32x768xf32, #tpu.memory_space<vmem>>, vector<1x16xf32>,
        %parallel_loop3A_1129 = vector.shape_cast %parallel_loop3A_1128 : vector<1x16xf32> to vector<16xf32>
        %parallel_loop3A_1130 = vector.shape_cast %parallel_loop3A_1125 : vector<16xf32> to vector<1x16xf32>
        tpu.vector_store %arg6[%parallel_loop3A_1126, %parallel_loop3A_1127], %parallel_loop3A_1130 {add = true, strides = array<i32>} : memref<32x768xf32, #tpu.memory_space<vmem>>, vector<1x16xf32>,
      } {sc.loop_unroll_factor = 4 : i64, sc.parallel_access}
      %jit3A_166 = arith.constant 8 : i32
      %div3A_167 = arith.divsi %add3A_50, %jit3A_166 : i32
      %sign3A_168 = arith.constant 0 : i32
      %sign3A_169 = arith.cmpi sgt, %add3A_50, %sign3A_168 : i32
      %sign3A_170 = arith.extui %sign3A_169 : i1 to i32
      %sign3A_171 = arith.constant 0 : i32
      %sign3A_172 = arith.cmpi slt, %add3A_50, %sign3A_171 : i32
      %sign3A_173 = arith.extui %sign3A_172 : i1 to i32
      %sign3A_174 = arith.subi %sign3A_170, %sign3A_173 : i32
      %sign3A_175 = arith.constant 0 : i32
      %sign3A_176 = arith.cmpi sgt, %jit3A_166, %sign3A_175 : i32
      %sign3A_177 = arith.extui %sign3A_176 : i1 to i32
      %sign3A_178 = arith.constant 0 : i32
      %sign3A_179 = arith.cmpi slt, %jit3A_166, %sign3A_178 : i32
      %sign3A_180 = arith.extui %sign3A_179 : i1 to i32
      %sign3A_181 = arith.subi %sign3A_177, %sign3A_180 : i32
      %ne3A_182 = arith.cmpi ne, %sign3A_174, %sign3A_181 : i32
      %rem3A_183 = arith.remsi %add3A_50, %jit3A_166 : i32
      %ne3A_184 = arith.constant 0 : i32
      %ne3A_185 = arith.cmpi ne, %rem3A_183, %ne3A_184 : i32
      %and3A_186 = arith.andi %ne3A_182, %ne3A_185 : i1
      %sub3A_187 = arith.constant 1 : i32
      %sub3A_188 = arith.subi %div3A_167, %sub3A_187 : i32
      %select_n3A_189 = arith.select %and3A_186, %sub3A_188, %div3A_167 : i32
      %jit3A_190 = arith.constant 8 : i32
      %eq3A_191 = arith.constant 0 : i32
      %eq3A_192 = arith.cmpi eq, %jit3A_190, %eq3A_191 : i32
      %jit3A_193 = arith.constant 1 : i32
      %select_n3A_194 = arith.select %eq3A_192, %jit3A_193, %jit3A_190 : i32
      %rem3A_195 = arith.remsi %add3A_50, %select_n3A_194 : i32
      %ne3A_196 = arith.constant 0 : i32
      %ne3A_197 = arith.cmpi ne, %rem3A_195, %ne3A_196 : i32
      %lt3A_198 = arith.constant 0 : i32
      %lt3A_199 = arith.cmpi slt, %rem3A_195, %lt3A_198 : i32
      %lt3A_200 = arith.constant 0 : i32
      %lt3A_201 = arith.cmpi slt, %select_n3A_194, %lt3A_200 : i32
      %ne3A_202 = arith.xori %lt3A_199, %lt3A_201 : i1
      %and3A_203 = arith.andi %ne3A_202, %ne3A_197 : i1
      %add3A_204 = arith.addi %rem3A_195, %select_n3A_194 : i32
      %select_n3A_205 = arith.select %and3A_203, %add3A_204, %rem3A_195 : i32
      %add3A_206 = arith.addi %mul3A_2, %select_n3A_205 : i32
      %mul3A_207 = arith.constant 32 : i32
      %mul3A_208 = arith.muli %select_n3A_189, %mul3A_207 : i32
      %dma_start3A_209 = arith.constant 0 : i32
      %dma_start3A_210 = tpu.memref_slice %arg4[%add3A_206, %mul3A_208, %dma_start3A_209] : memref<256x576x768xf32, #tpu.memory_space<hbm>> -> memref<1x32x768xf32, #tpu.memory_space<hbm>>
      %dma_start3A_211 = tpu.memref_squeeze %dma_start3A_210 : memref<1x32x768xf32, #tpu.memory_space<hbm>> -> memref<32x768xf32, #tpu.memory_space<hbm>>
      %dma_start3A_212 = arith.constant 0 : i32
      %dma_start3A_213 = tpu.memref_slice %arg4[%add3A_206, %mul3A_208, %dma_start3A_212] : memref<256x576x768xf32, #tpu.memory_space<hbm>> -> memref<1x32x768xf32, #tpu.memory_space<hbm>>
      %dma_start3A_214 = tpu.memref_squeeze %dma_start3A_213 : memref<1x32x768xf32, #tpu.memory_space<hbm>> -> memref<32x768xf32, #tpu.memory_space<hbm>>
      tpu.enqueue_dma source(%arg6 : memref<32x768xf32, #tpu.memory_space<vmem>>) target(%dma_start3A_214 : memref<32x768xf32, #tpu.memory_space<hbm>>) target_semaphore(%arg14 : memref<!tpu.dma_semaphore, #tpu.memory_space<semaphore_mem>>)
      %mul3A_215 = arith.constant 4 : i32
      %mul3A_216 = arith.muli %scan3A_46, %mul3A_215 : i32
      %add3A_217 = arith.constant 1 : i32
      %add3A_218 = arith.addi %mul3A_216, %add3A_217 : i32
      %ge3A_219 = arith.constant 1 : i32
      %ge3A_220 = arith.cmpi sge, %scan3A_46, %ge3A_219 : i32
      %convert_element_type3A_221 = arith.extui %ge3A_220 : i1 to i32
      %cond3A_222 = arith.constant 0 : i32
      %cond3A_223 = arith.cmpi ne, %convert_element_type3A_221, %cond3A_222 : i32
      scf.if %cond3A_223 {
        %sub3A_698 = arith.constant 2 : i32
        %sub3A_699 = arith.subi %add3A_218, %sub3A_698 : i32
        %jit3A_700 = arith.constant 8 : i32
        %div3A_701 = arith.divsi %sub3A_699, %jit3A_700 : i32
        %sign3A_702 = arith.constant 0 : i32
        %sign3A_703 = arith.cmpi sgt, %sub3A_699, %sign3A_702 : i32
        %sign3A_704 = arith.extui %sign3A_703 : i1 to i32
        %sign3A_705 = arith.constant 0 : i32
        %sign3A_706 = arith.cmpi slt, %sub3A_699, %sign3A_705 : i32
        %sign3A_707 = arith.extui %sign3A_706 : i1 to i32
        %sign3A_708 = arith.subi %sign3A_704, %sign3A_707 : i32
        %sign3A_709 = arith.constant 0 : i32
        %sign3A_710 = arith.cmpi sgt, %jit3A_700, %sign3A_709 : i32
        %sign3A_711 = arith.extui %sign3A_710 : i1 to i32
        %sign3A_712 = arith.constant 0 : i32
        %sign3A_713 = arith.cmpi slt, %jit3A_700, %sign3A_712 : i32
        %sign3A_714 = arith.extui %sign3A_713 : i1 to i32
        %sign3A_715 = arith.subi %sign3A_711, %sign3A_714 : i32
        %ne3A_716 = arith.cmpi ne, %sign3A_708, %sign3A_715 : i32
        %rem3A_717 = arith.remsi %sub3A_699, %jit3A_700 : i32
        %ne3A_718 = arith.constant 0 : i32
        %ne3A_719 = arith.cmpi ne, %rem3A_717, %ne3A_718 : i32
        %and3A_720 = arith.andi %ne3A_716, %ne3A_719 : i1
        %sub3A_721 = arith.constant 1 : i32
        %sub3A_722 = arith.subi %div3A_701, %sub3A_721 : i32
        %select_n3A_723 = arith.select %and3A_720, %sub3A_722, %div3A_701 : i32
        %jit3A_724 = arith.constant 8 : i32
        %eq3A_725 = arith.constant 0 : i32
        %eq3A_726 = arith.cmpi eq, %jit3A_724, %eq3A_725 : i32
        %jit3A_727 = arith.constant 1 : i32
        %select_n3A_728 = arith.select %eq3A_726, %jit3A_727, %jit3A_724 : i32
        %rem3A_729 = arith.remsi %sub3A_699, %select_n3A_728 : i32
        %ne3A_730 = arith.constant 0 : i32
        %ne3A_731 = arith.cmpi ne, %rem3A_729, %ne3A_730 : i32
        %lt3A_732 = arith.constant 0 : i32
        %lt3A_733 = arith.cmpi slt, %rem3A_729, %lt3A_732 : i32
        %lt3A_734 = arith.constant 0 : i32
        %lt3A_735 = arith.cmpi slt, %select_n3A_728, %lt3A_734 : i32
        %ne3A_736 = arith.xori %lt3A_733, %lt3A_735 : i1
        %and3A_737 = arith.andi %ne3A_736, %ne3A_731 : i1
        %add3A_738 = arith.addi %rem3A_729, %select_n3A_728 : i32
        %select_n3A_739 = arith.select %and3A_737, %add3A_738, %rem3A_729 : i32
        %add3A_740 = arith.addi %mul3A_2, %select_n3A_739 : i32
        %mul3A_741 = arith.constant 32 : i32
        %mul3A_742 = arith.muli %select_n3A_723, %mul3A_741 : i32
        %dma_wait3A_743 = arith.constant 0 : i32
        %dma_wait3A_744 = tpu.memref_slice %arg4[%add3A_740, %mul3A_742, %dma_wait3A_743] : memref<256x576x768xf32, #tpu.memory_space<hbm>> -> memref<1x32x768xf32, #tpu.memory_space<hbm>>
        %dma_wait3A_745 = tpu.memref_squeeze %dma_wait3A_744 : memref<1x32x768xf32, #tpu.memory_space<hbm>> -> memref<32x768xf32, #tpu.memory_space<hbm>>
        %dma_wait3A_746 = arith.constant 0 : i32
        %dma_wait3A_747 = tpu.memref_slice %arg4[%add3A_740, %mul3A_742, %dma_wait3A_746] : memref<256x576x768xf32, #tpu.memory_space<hbm>> -> memref<1x32x768xf32, #tpu.memory_space<hbm>>
        %dma_wait3A_748 = tpu.memref_squeeze %dma_wait3A_747 : memref<1x32x768xf32, #tpu.memory_space<hbm>> -> memref<32x768xf32, #tpu.memory_space<hbm>>
        tpu.wait_dma2 semaphore(%arg17 : memref<!tpu.dma_semaphore, #tpu.memory_space<semaphore_mem>>) src(%arg9 : memref<32x768xf32, #tpu.memory_space<vmem>>) dst(%dma_wait3A_748 : memref<32x768xf32, #tpu.memory_space<hbm>>)
      } else {
      }
      %add3A_224 = arith.constant 2 : i32
      %add3A_225 = arith.addi %add3A_218, %add3A_224 : i32
      %jit3A_226 = arith.constant 8 : i32
      %div3A_227 = arith.divsi %add3A_225, %jit3A_226 : i32
      %sign3A_228 = arith.constant 0 : i32
      %sign3A_229 = arith.cmpi sgt, %add3A_225, %sign3A_228 : i32
      %sign3A_230 = arith.extui %sign3A_229 : i1 to i32
      %sign3A_231 = arith.constant 0 : i32
      %sign3A_232 = arith.cmpi slt, %add3A_225, %sign3A_231 : i32
      %sign3A_233 = arith.extui %sign3A_232 : i1 to i32
      %sign3A_234 = arith.subi %sign3A_230, %sign3A_233 : i32
      %sign3A_235 = arith.constant 0 : i32
      %sign3A_236 = arith.cmpi sgt, %jit3A_226, %sign3A_235 : i32
      %sign3A_237 = arith.extui %sign3A_236 : i1 to i32
      %sign3A_238 = arith.constant 0 : i32
      %sign3A_239 = arith.cmpi slt, %jit3A_226, %sign3A_238 : i32
      %sign3A_240 = arith.extui %sign3A_239 : i1 to i32
      %sign3A_241 = arith.subi %sign3A_237, %sign3A_240 : i32
      %ne3A_242 = arith.cmpi ne, %sign3A_234, %sign3A_241 : i32
      %rem3A_243 = arith.remsi %add3A_225, %jit3A_226 : i32
      %ne3A_244 = arith.constant 0 : i32
      %ne3A_245 = arith.cmpi ne, %rem3A_243, %ne3A_244 : i32
      %and3A_246 = arith.andi %ne3A_242, %ne3A_245 : i1
      %sub3A_247 = arith.constant 1 : i32
      %sub3A_248 = arith.subi %div3A_227, %sub3A_247 : i32
      %select_n3A_249 = arith.select %and3A_246, %sub3A_248, %div3A_227 : i32
      %jit3A_250 = arith.constant 8 : i32
      %eq3A_251 = arith.constant 0 : i32
      %eq3A_252 = arith.cmpi eq, %jit3A_250, %eq3A_251 : i32
      %jit3A_253 = arith.constant 1 : i32
      %select_n3A_254 = arith.select %eq3A_252, %jit3A_253, %jit3A_250 : i32
      %rem3A_255 = arith.remsi %add3A_225, %select_n3A_254 : i32
      %ne3A_256 = arith.constant 0 : i32
      %ne3A_257 = arith.cmpi ne, %rem3A_255, %ne3A_256 : i32
      %lt3A_258 = arith.constant 0 : i32
      %lt3A_259 = arith.cmpi slt, %rem3A_255, %lt3A_258 : i32
      %lt3A_260 = arith.constant 0 : i32
      %lt3A_261 = arith.cmpi slt, %select_n3A_254, %lt3A_260 : i32
      %ne3A_262 = arith.xori %lt3A_259, %lt3A_261 : i1
      %and3A_263 = arith.andi %ne3A_262, %ne3A_257 : i1
      %add3A_264 = arith.addi %rem3A_255, %select_n3A_254 : i32
      %select_n3A_265 = arith.select %and3A_263, %add3A_264, %rem3A_255 : i32
      %add3A_266 = arith.addi %mul3A_2, %select_n3A_265 : i32
      %mul3A_267 = arith.constant 32 : i32
      %mul3A_268 = arith.muli %select_n3A_249, %mul3A_267 : i32
      %dma_start3A_269 = arith.constant 0 : i32
      %dma_start3A_270 = tpu.memref_slice %arg2[%add3A_266, %mul3A_268, %dma_start3A_269] : memref<256x576x768xf32, #tpu.memory_space<hbm>> -> memref<1x32x768xf32, #tpu.memory_space<hbm>>
      %dma_start3A_271 = tpu.memref_squeeze %dma_start3A_270 : memref<1x32x768xf32, #tpu.memory_space<hbm>> -> memref<32x768xf32, #tpu.memory_space<hbm>>
      %dma_start3A_272 = arith.constant 0 : i32
      %dma_start3A_273 = tpu.memref_slice %arg2[%add3A_266, %mul3A_268, %dma_start3A_272] : memref<256x576x768xf32, #tpu.memory_space<hbm>> -> memref<1x32x768xf32, #tpu.memory_space<hbm>>
      %dma_start3A_274 = tpu.memref_squeeze %dma_start3A_273 : memref<1x32x768xf32, #tpu.memory_space<hbm>> -> memref<32x768xf32, #tpu.memory_space<hbm>>
      tpu.enqueue_dma source(%dma_start3A_274 : memref<32x768xf32, #tpu.memory_space<hbm>>) target(%arg9 : memref<32x768xf32, #tpu.memory_space<vmem>>) target_semaphore(%arg13 : memref<!tpu.dma_semaphore, #tpu.memory_space<semaphore_mem>>)
      %jit3A_275 = arith.constant 8 : i32
      %div3A_276 = arith.divsi %add3A_218, %jit3A_275 : i32
      %sign3A_277 = arith.constant 0 : i32
      %sign3A_278 = arith.cmpi sgt, %add3A_218, %sign3A_277 : i32
      %sign3A_279 = arith.extui %sign3A_278 : i1 to i32
      %sign3A_280 = arith.constant 0 : i32
      %sign3A_281 = arith.cmpi slt, %add3A_218, %sign3A_280 : i32
      %sign3A_282 = arith.extui %sign3A_281 : i1 to i32
      %sign3A_283 = arith.subi %sign3A_279, %sign3A_282 : i32
      %sign3A_284 = arith.constant 0 : i32
      %sign3A_285 = arith.cmpi sgt, %jit3A_275, %sign3A_284 : i32
      %sign3A_286 = arith.extui %sign3A_285 : i1 to i32
      %sign3A_287 = arith.constant 0 : i32
      %sign3A_288 = arith.cmpi slt, %jit3A_275, %sign3A_287 : i32
      %sign3A_289 = arith.extui %sign3A_288 : i1 to i32
      %sign3A_290 = arith.subi %sign3A_286, %sign3A_289 : i32
      %ne3A_291 = arith.cmpi ne, %sign3A_283, %sign3A_290 : i32
      %rem3A_292 = arith.remsi %add3A_218, %jit3A_275 : i32
      %ne3A_293 = arith.constant 0 : i32
      %ne3A_294 = arith.cmpi ne, %rem3A_292, %ne3A_293 : i32
      %and3A_295 = arith.andi %ne3A_291, %ne3A_294 : i1
      %sub3A_296 = arith.constant 1 : i32
      %sub3A_297 = arith.subi %div3A_276, %sub3A_296 : i32
      %select_n3A_298 = arith.select %and3A_295, %sub3A_297, %div3A_276 : i32
      %jit3A_299 = arith.constant 8 : i32
      %eq3A_300 = arith.constant 0 : i32
      %eq3A_301 = arith.cmpi eq, %jit3A_299, %eq3A_300 : i32
      %jit3A_302 = arith.constant 1 : i32
      %select_n3A_303 = arith.select %eq3A_301, %jit3A_302, %jit3A_299 : i32
      %rem3A_304 = arith.remsi %add3A_218, %select_n3A_303 : i32
      %ne3A_305 = arith.constant 0 : i32
      %ne3A_306 = arith.cmpi ne, %rem3A_304, %ne3A_305 : i32
      %lt3A_307 = arith.constant 0 : i32
      %lt3A_308 = arith.cmpi slt, %rem3A_304, %lt3A_307 : i32
      %lt3A_309 = arith.constant 0 : i32
      %lt3A_310 = arith.cmpi slt, %select_n3A_303, %lt3A_309 : i32
      %ne3A_311 = arith.xori %lt3A_308, %lt3A_310 : i1
      %and3A_312 = arith.andi %ne3A_311, %ne3A_306 : i1
      %add3A_313 = arith.addi %rem3A_304, %select_n3A_303 : i32
      %select_n3A_314 = arith.select %and3A_312, %add3A_313, %rem3A_304 : i32
      %add3A_315 = arith.addi %mul3A_2, %select_n3A_314 : i32
      %mul3A_316 = arith.constant 32 : i32
      %mul3A_317 = arith.muli %select_n3A_298, %mul3A_316 : i32
      %dma_wait3A_318 = arith.constant 0 : i32
      %dma_wait3A_319 = tpu.memref_slice %arg2[%add3A_315, %mul3A_317, %dma_wait3A_318] : memref<256x576x768xf32, #tpu.memory_space<hbm>> -> memref<1x32x768xf32, #tpu.memory_space<hbm>>
      %dma_wait3A_320 = tpu.memref_squeeze %dma_wait3A_319 : memref<1x32x768xf32, #tpu.memory_space<hbm>> -> memref<32x768xf32, #tpu.memory_space<hbm>>
      %dma_wait3A_321 = arith.constant 0 : i32
      %dma_wait3A_322 = tpu.memref_slice %arg2[%add3A_315, %mul3A_317, %dma_wait3A_321] : memref<256x576x768xf32, #tpu.memory_space<hbm>> -> memref<1x32x768xf32, #tpu.memory_space<hbm>>
      %dma_wait3A_323 = tpu.memref_squeeze %dma_wait3A_322 : memref<1x32x768xf32, #tpu.memory_space<hbm>> -> memref<32x768xf32, #tpu.memory_space<hbm>>
      tpu.wait_dma2 semaphore(%arg11 : memref<!tpu.dma_semaphore, #tpu.memory_space<semaphore_mem>>) src(%dma_wait3A_323 : memref<32x768xf32, #tpu.memory_space<hbm>>) dst(%arg7 : memref<32x768xf32, #tpu.memory_space<vmem>>)
      %parallel_loop3A_324 = arith.constant 0 : i32
      %parallel_loop3A_325 = arith.constant 32 : i32
      %parallel_loop3A_326 = arith.constant 1 : i32
      scf.for %parallel_loop3A_698 = %parallel_loop3A_324 to %parallel_loop3A_325 step %parallel_loop3A_326  : i32 {
        %parallel_loop3A_699 = arith.index_cast %parallel_loop3A_698 : i32 to index
        %parallel_loop3A_700 = arith.constant 0 : index
        %parallel_loop3A_701 = tpu.vector_load %arg5[%parallel_loop3A_699, %parallel_loop3A_700] {strides = array<i32>} : memref<32x768xf32, #tpu.memory_space<vmem>>, vector<1x16xf32>,
        %parallel_loop3A_702 = vector.shape_cast %parallel_loop3A_701 : vector<1x16xf32> to vector<16xf32>
        %parallel_loop3A_703 = arith.index_cast %parallel_loop3A_698 : i32 to index
        %parallel_loop3A_704 = arith.constant 0 : index
        %parallel_loop3A_705 = tpu.vector_load %arg7[%parallel_loop3A_703, %parallel_loop3A_704] {strides = array<i32>} : memref<32x768xf32, #tpu.memory_space<vmem>>, vector<1x16xf32>,
        %parallel_loop3A_706 = vector.shape_cast %parallel_loop3A_705 : vector<1x16xf32> to vector<16xf32>
        %parallel_loop3A_707 = vector.shape_cast %parallel_loop3A_702 : vector<16xf32> to vector<1x16xf32>
        tpu.vector_store %arg7[%parallel_loop3A_703, %parallel_loop3A_704], %parallel_loop3A_707 {add = true, strides = array<i32>} : memref<32x768xf32, #tpu.memory_space<vmem>>, vector<1x16xf32>,
        %parallel_loop3A_708 = arith.index_cast %parallel_loop3A_698 : i32 to index
        %parallel_loop3A_709 = arith.constant 16 : index
        %parallel_loop3A_710 = tpu.vector_load %arg5[%parallel_loop3A_708, %parallel_loop3A_709] {strides = array<i32>} : memref<32x768xf32, #tpu.memory_space<vmem>>, vector<1x16xf32>,
        %parallel_loop3A_711 = vector.shape_cast %parallel_loop3A_710 : vector<1x16xf32> to vector<16xf32>
        %parallel_loop3A_712 = arith.index_cast %parallel_loop3A_698 : i32 to index
        %parallel_loop3A_713 = arith.constant 16 : index
        %parallel_loop3A_714 = tpu.vector_load %arg7[%parallel_loop3A_712, %parallel_loop3A_713] {strides = array<i32>} : memref<32x768xf32, #tpu.memory_space<vmem>>, vector<1x16xf32>,
        %parallel_loop3A_715 = vector.shape_cast %parallel_loop3A_714 : vector<1x16xf32> to vector<16xf32>
        %parallel_loop3A_716 = vector.shape_cast %parallel_loop3A_711 : vector<16xf32> to vector<1x16xf32>
        tpu.vector_store %arg7[%parallel_loop3A_712, %parallel_loop3A_713], %parallel_loop3A_716 {add = true, strides = array<i32>} : memref<32x768xf32, #tpu.memory_space<vmem>>, vector<1x16xf32>,
        %parallel_loop3A_717 = arith.index_cast %parallel_loop3A_698 : i32 to index
        %parallel_loop3A_718 = arith.constant 32 : index
        %parallel_loop3A_719 = tpu.vector_load %arg5[%parallel_loop3A_717, %parallel_loop3A_718] {strides = array<i32>} : memref<32x768xf32, #tpu.memory_space<vmem>>, vector<1x16xf32>,
        %parallel_loop3A_720 = vector.shape_cast %parallel_loop3A_719 : vector<1x16xf32> to vector<16xf32>
        %parallel_loop3A_721 = arith.index_cast %parallel_loop3A_698 : i32 to index
        %parallel_loop3A_722 = arith.constant 32 : index
        %parallel_loop3A_723 = tpu.vector_load %arg7[%parallel_loop3A_721, %parallel_loop3A_722] {strides = array<i32>} : memref<32x768xf32, #tpu.memory_space<vmem>>, vector<1x16xf32>,
        %parallel_loop3A_724 = vector.shape_cast %parallel_loop3A_723 : vector<1x16xf32> to vector<16xf32>
        %parallel_loop3A_725 = vector.shape_cast %parallel_loop3A_720 : vector<16xf32> to vector<1x16xf32>
        tpu.vector_store %arg7[%parallel_loop3A_721, %parallel_loop3A_722], %parallel_loop3A_725 {add = true, strides = array<i32>} : memref<32x768xf32, #tpu.memory_space<vmem>>, vector<1x16xf32>,
        %parallel_loop3A_726 = arith.index_cast %parallel_loop3A_698 : i32 to index
        %parallel_loop3A_727 = arith.constant 48 : index
        %parallel_loop3A_728 = tpu.vector_load %arg5[%parallel_loop3A_726, %parallel_loop3A_727] {strides = array<i32>} : memref<32x768xf32, #tpu.memory_space<vmem>>, vector<1x16xf32>,
        %parallel_loop3A_729 = vector.shape_cast %parallel_loop3A_728 : vector<1x16xf32> to vector<16xf32>
        %parallel_loop3A_730 = arith.index_cast %parallel_loop3A_698 : i32 to index
        %parallel_loop3A_731 = arith.constant 48 : index
        %parallel_loop3A_732 = tpu.vector_load %arg7[%parallel_loop3A_730, %parallel_loop3A_731] {strides = array<i32>} : memref<32x768xf32, #tpu.memory_space<vmem>>, vector<1x16xf32>,
        %parallel_loop3A_733 = vector.shape_cast %parallel_loop3A_732 : vector<1x16xf32> to vector<16xf32>
        %parallel_loop3A_734 = vector.shape_cast %parallel_loop3A_729 : vector<16xf32> to vector<1x16xf32>
        tpu.vector_store %arg7[%parallel_loop3A_730, %parallel_loop3A_731], %parallel_loop3A_734 {add = true, strides = array<i32>} : memref<32x768xf32, #tpu.memory_space<vmem>>, vector<1x16xf32>,
        %parallel_loop3A_735 = arith.index_cast %parallel_loop3A_698 : i32 to index
        %parallel_loop3A_736 = arith.constant 64 : index
        %parallel_loop3A_737 = tpu.vector_load %arg5[%parallel_loop3A_735, %parallel_loop3A_736] {strides = array<i32>} : memref<32x768xf32, #tpu.memory_space<vmem>>, vector<1x16xf32>,
        %parallel_loop3A_738 = vector.shape_cast %parallel_loop3A_737 : vector<1x16xf32> to vector<16xf32>
        %parallel_loop3A_739 = arith.index_cast %parallel_loop3A_698 : i32 to index
        %parallel_loop3A_740 = arith.constant 64 : index
        %parallel_loop3A_741 = tpu.vector_load %arg7[%parallel_loop3A_739, %parallel_loop3A_740] {strides = array<i32>} : memref<32x768xf32, #tpu.memory_space<vmem>>, vector<1x16xf32>,
        %parallel_loop3A_742 = vector.shape_cast %parallel_loop3A_741 : vector<1x16xf32> to vector<16xf32>
        %parallel_loop3A_743 = vector.shape_cast %parallel_loop3A_738 : vector<16xf32> to vector<1x16xf32>
        tpu.vector_store %arg7[%parallel_loop3A_739, %parallel_loop3A_740], %parallel_loop3A_743 {add = true, strides = array<i32>} : memref<32x768xf32, #tpu.memory_space<vmem>>, vector<1x16xf32>,
        %parallel_loop3A_744 = arith.index_cast %parallel_loop3A_698 : i32 to index
        %parallel_loop3A_745 = arith.constant 80 : index
        %parallel_loop3A_746 = tpu.vector_load %arg5[%parallel_loop3A_744, %parallel_loop3A_745] {strides = array<i32>} : memref<32x768xf32, #tpu.memory_space<vmem>>, vector<1x16xf32>,
        %parallel_loop3A_747 = vector.shape_cast %parallel_loop3A_746 : vector<1x16xf32> to vector<16xf32>
        %parallel_loop3A_748 = arith.index_cast %parallel_loop3A_698 : i32 to index
        %parallel_loop3A_749 = arith.constant 80 : index
        %parallel_loop3A_750 = tpu.vector_load %arg7[%parallel_loop3A_748, %parallel_loop3A_749] {strides = array<i32>} : memref<32x768xf32, #tpu.memory_space<vmem>>, vector<1x16xf32>,
        %parallel_loop3A_751 = vector.shape_cast %parallel_loop3A_750 : vector<1x16xf32> to vector<16xf32>
        %parallel_loop3A_752 = vector.shape_cast %parallel_loop3A_747 : vector<16xf32> to vector<1x16xf32>
        tpu.vector_store %arg7[%parallel_loop3A_748, %parallel_loop3A_749], %parallel_loop3A_752 {add = true, strides = array<i32>} : memref<32x768xf32, #tpu.memory_space<vmem>>, vector<1x16xf32>,
        %parallel_loop3A_753 = arith.index_cast %parallel_loop3A_698 : i32 to index
        %parallel_loop3A_754 = arith.constant 96 : index
        %parallel_loop3A_755 = tpu.vector_load %arg5[%parallel_loop3A_753, %parallel_loop3A_754] {strides = array<i32>} : memref<32x768xf32, #tpu.memory_space<vmem>>, vector<1x16xf32>,
        %parallel_loop3A_756 = vector.shape_cast %parallel_loop3A_755 : vector<1x16xf32> to vector<16xf32>
        %parallel_loop3A_757 = arith.index_cast %parallel_loop3A_698 : i32 to index
        %parallel_loop3A_758 = arith.constant 96 : index
        %parallel_loop3A_759 = tpu.vector_load %arg7[%parallel_loop3A_757, %parallel_loop3A_758] {strides = array<i32>} : memref<32x768xf32, #tpu.memory_space<vmem>>, vector<1x16xf32>,
        %parallel_loop3A_760 = vector.shape_cast %parallel_loop3A_759 : vector<1x16xf32> to vector<16xf32>
        %parallel_loop3A_761 = vector.shape_cast %parallel_loop3A_756 : vector<16xf32> to vector<1x16xf32>
        tpu.vector_store %arg7[%parallel_loop3A_757, %parallel_loop3A_758], %parallel_loop3A_761 {add = true, strides = array<i32>} : memref<32x768xf32, #tpu.memory_space<vmem>>, vector<1x16xf32>,
        %parallel_loop3A_762 = arith.index_cast %parallel_loop3A_698 : i32 to index
        %parallel_loop3A_763 = arith.constant 112 : index
        %parallel_loop3A_764 = tpu.vector_load %arg5[%parallel_loop3A_762, %parallel_loop3A_763] {strides = array<i32>} : memref<32x768xf32, #tpu.memory_space<vmem>>, vector<1x16xf32>,
        %parallel_loop3A_765 = vector.shape_cast %parallel_loop3A_764 : vector<1x16xf32> to vector<16xf32>
        %parallel_loop3A_766 = arith.index_cast %parallel_loop3A_698 : i32 to index
        %parallel_loop3A_767 = arith.constant 112 : index
        %parallel_loop3A_768 = tpu.vector_load %arg7[%parallel_loop3A_766, %parallel_loop3A_767] {strides = array<i32>} : memref<32x768xf32, #tpu.memory_space<vmem>>, vector<1x16xf32>,
        %parallel_loop3A_769 = vector.shape_cast %parallel_loop3A_768 : vector<1x16xf32> to vector<16xf32>
        %parallel_loop3A_770 = vector.shape_cast %parallel_loop3A_765 : vector<16xf32> to vector<1x16xf32>
        tpu.vector_store %arg7[%parallel_loop3A_766, %parallel_loop3A_767], %parallel_loop3A_770 {add = true, strides = array<i32>} : memref<32x768xf32, #tpu.memory_space<vmem>>, vector<1x16xf32>,
        %parallel_loop3A_771 = arith.index_cast %parallel_loop3A_698 : i32 to index
        %parallel_loop3A_772 = arith.constant 128 : index
        %parallel_loop3A_773 = tpu.vector_load %arg5[%parallel_loop3A_771, %parallel_loop3A_772] {strides = array<i32>} : memref<32x768xf32, #tpu.memory_space<vmem>>, vector<1x16xf32>,
        %parallel_loop3A_774 = vector.shape_cast %parallel_loop3A_773 : vector<1x16xf32> to vector<16xf32>
        %parallel_loop3A_775 = arith.index_cast %parallel_loop3A_698 : i32 to index
        %parallel_loop3A_776 = arith.constant 128 : index
        %parallel_loop3A_777 = tpu.vector_load %arg7[%parallel_loop3A_775, %parallel_loop3A_776] {strides = array<i32>} : memref<32x768xf32, #tpu.memory_space<vmem>>, vector<1x16xf32>,
        %parallel_loop3A_778 = vector.shape_cast %parallel_loop3A_777 : vector<1x16xf32> to vector<16xf32>
        %parallel_loop3A_779 = vector.shape_cast %parallel_loop3A_774 : vector<16xf32> to vector<1x16xf32>
        tpu.vector_store %arg7[%parallel_loop3A_775, %parallel_loop3A_776], %parallel_loop3A_779 {add = true, strides = array<i32>} : memref<32x768xf32, #tpu.memory_space<vmem>>, vector<1x16xf32>,
        %parallel_loop3A_780 = arith.index_cast %parallel_loop3A_698 : i32 to index
        %parallel_loop3A_781 = arith.constant 144 : index
        %parallel_loop3A_782 = tpu.vector_load %arg5[%parallel_loop3A_780, %parallel_loop3A_781] {strides = array<i32>} : memref<32x768xf32, #tpu.memory_space<vmem>>, vector<1x16xf32>,
        %parallel_loop3A_783 = vector.shape_cast %parallel_loop3A_782 : vector<1x16xf32> to vector<16xf32>
        %parallel_loop3A_784 = arith.index_cast %parallel_loop3A_698 : i32 to index
        %parallel_loop3A_785 = arith.constant 144 : index
        %parallel_loop3A_786 = tpu.vector_load %arg7[%parallel_loop3A_784, %parallel_loop3A_785] {strides = array<i32>} : memref<32x768xf32, #tpu.memory_space<vmem>>, vector<1x16xf32>,
        %parallel_loop3A_787 = vector.shape_cast %parallel_loop3A_786 : vector<1x16xf32> to vector<16xf32>
        %parallel_loop3A_788 = vector.shape_cast %parallel_loop3A_783 : vector<16xf32> to vector<1x16xf32>
        tpu.vector_store %arg7[%parallel_loop3A_784, %parallel_loop3A_785], %parallel_loop3A_788 {add = true, strides = array<i32>} : memref<32x768xf32, #tpu.memory_space<vmem>>, vector<1x16xf32>,
        %parallel_loop3A_789 = arith.index_cast %parallel_loop3A_698 : i32 to index
        %parallel_loop3A_790 = arith.constant 160 : index
        %parallel_loop3A_791 = tpu.vector_load %arg5[%parallel_loop3A_789, %parallel_loop3A_790] {strides = array<i32>} : memref<32x768xf32, #tpu.memory_space<vmem>>, vector<1x16xf32>,
        %parallel_loop3A_792 = vector.shape_cast %parallel_loop3A_791 : vector<1x16xf32> to vector<16xf32>
        %parallel_loop3A_793 = arith.index_cast %parallel_loop3A_698 : i32 to index
        %parallel_loop3A_794 = arith.constant 160 : index
        %parallel_loop3A_795 = tpu.vector_load %arg7[%parallel_loop3A_793, %parallel_loop3A_794] {strides = array<i32>} : memref<32x768xf32, #tpu.memory_space<vmem>>, vector<1x16xf32>,
        %parallel_loop3A_796 = vector.shape_cast %parallel_loop3A_795 : vector<1x16xf32> to vector<16xf32>
        %parallel_loop3A_797 = vector.shape_cast %parallel_loop3A_792 : vector<16xf32> to vector<1x16xf32>
        tpu.vector_store %arg7[%parallel_loop3A_793, %parallel_loop3A_794], %parallel_loop3A_797 {add = true, strides = array<i32>} : memref<32x768xf32, #tpu.memory_space<vmem>>, vector<1x16xf32>,
        %parallel_loop3A_798 = arith.index_cast %parallel_loop3A_698 : i32 to index
        %parallel_loop3A_799 = arith.constant 176 : index
        %parallel_loop3A_800 = tpu.vector_load %arg5[%parallel_loop3A_798, %parallel_loop3A_799] {strides = array<i32>} : memref<32x768xf32, #tpu.memory_space<vmem>>, vector<1x16xf32>,
        %parallel_loop3A_801 = vector.shape_cast %parallel_loop3A_800 : vector<1x16xf32> to vector<16xf32>
        %parallel_loop3A_802 = arith.index_cast %parallel_loop3A_698 : i32 to index
        %parallel_loop3A_803 = arith.constant 176 : index
        %parallel_loop3A_804 = tpu.vector_load %arg7[%parallel_loop3A_802, %parallel_loop3A_803] {strides = array<i32>} : memref<32x768xf32, #tpu.memory_space<vmem>>, vector<1x16xf32>,
        %parallel_loop3A_805 = vector.shape_cast %parallel_loop3A_804 : vector<1x16xf32> to vector<16xf32>
        %parallel_loop3A_806 = vector.shape_cast %parallel_loop3A_801 : vector<16xf32> to vector<1x16xf32>
        tpu.vector_store %arg7[%parallel_loop3A_802, %parallel_loop3A_803], %parallel_loop3A_806 {add = true, strides = array<i32>} : memref<32x768xf32, #tpu.memory_space<vmem>>, vector<1x16xf32>,
        %parallel_loop3A_807 = arith.index_cast %parallel_loop3A_698 : i32 to index
        %parallel_loop3A_808 = arith.constant 192 : index
        %parallel_loop3A_809 = tpu.vector_load %arg5[%parallel_loop3A_807, %parallel_loop3A_808] {strides = array<i32>} : memref<32x768xf32, #tpu.memory_space<vmem>>, vector<1x16xf32>,
        %parallel_loop3A_810 = vector.shape_cast %parallel_loop3A_809 : vector<1x16xf32> to vector<16xf32>
        %parallel_loop3A_811 = arith.index_cast %parallel_loop3A_698 : i32 to index
        %parallel_loop3A_812 = arith.constant 192 : index
        %parallel_loop3A_813 = tpu.vector_load %arg7[%parallel_loop3A_811, %parallel_loop3A_812] {strides = array<i32>} : memref<32x768xf32, #tpu.memory_space<vmem>>, vector<1x16xf32>,
        %parallel_loop3A_814 = vector.shape_cast %parallel_loop3A_813 : vector<1x16xf32> to vector<16xf32>
        %parallel_loop3A_815 = vector.shape_cast %parallel_loop3A_810 : vector<16xf32> to vector<1x16xf32>
        tpu.vector_store %arg7[%parallel_loop3A_811, %parallel_loop3A_812], %parallel_loop3A_815 {add = true, strides = array<i32>} : memref<32x768xf32, #tpu.memory_space<vmem>>, vector<1x16xf32>,
        %parallel_loop3A_816 = arith.index_cast %parallel_loop3A_698 : i32 to index
        %parallel_loop3A_817 = arith.constant 208 : index
        %parallel_loop3A_818 = tpu.vector_load %arg5[%parallel_loop3A_816, %parallel_loop3A_817] {strides = array<i32>} : memref<32x768xf32, #tpu.memory_space<vmem>>, vector<1x16xf32>,
        %parallel_loop3A_819 = vector.shape_cast %parallel_loop3A_818 : vector<1x16xf32> to vector<16xf32>
        %parallel_loop3A_820 = arith.index_cast %parallel_loop3A_698 : i32 to index
        %parallel_loop3A_821 = arith.constant 208 : index
        %parallel_loop3A_822 = tpu.vector_load %arg7[%parallel_loop3A_820, %parallel_loop3A_821] {strides = array<i32>} : memref<32x768xf32, #tpu.memory_space<vmem>>, vector<1x16xf32>,
        %parallel_loop3A_823 = vector.shape_cast %parallel_loop3A_822 : vector<1x16xf32> to vector<16xf32>
        %parallel_loop3A_824 = vector.shape_cast %parallel_loop3A_819 : vector<16xf32> to vector<1x16xf32>
        tpu.vector_store %arg7[%parallel_loop3A_820, %parallel_loop3A_821], %parallel_loop3A_824 {add = true, strides = array<i32>} : memref<32x768xf32, #tpu.memory_space<vmem>>, vector<1x16xf32>,
        %parallel_loop3A_825 = arith.index_cast %parallel_loop3A_698 : i32 to index
        %parallel_loop3A_826 = arith.constant 224 : index
        %parallel_loop3A_827 = tpu.vector_load %arg5[%parallel_loop3A_825, %parallel_loop3A_826] {strides = array<i32>} : memref<32x768xf32, #tpu.memory_space<vmem>>, vector<1x16xf32>,
        %parallel_loop3A_828 = vector.shape_cast %parallel_loop3A_827 : vector<1x16xf32> to vector<16xf32>
        %parallel_loop3A_829 = arith.index_cast %parallel_loop3A_698 : i32 to index
        %parallel_loop3A_830 = arith.constant 224 : index
        %parallel_loop3A_831 = tpu.vector_load %arg7[%parallel_loop3A_829, %parallel_loop3A_830] {strides = array<i32>} : memref<32x768xf32, #tpu.memory_space<vmem>>, vector<1x16xf32>,
        %parallel_loop3A_832 = vector.shape_cast %parallel_loop3A_831 : vector<1x16xf32> to vector<16xf32>
        %parallel_loop3A_833 = vector.shape_cast %parallel_loop3A_828 : vector<16xf32> to vector<1x16xf32>
        tpu.vector_store %arg7[%parallel_loop3A_829, %parallel_loop3A_830], %parallel_loop3A_833 {add = true, strides = array<i32>} : memref<32x768xf32, #tpu.memory_space<vmem>>, vector<1x16xf32>,
        %parallel_loop3A_834 = arith.index_cast %parallel_loop3A_698 : i32 to index
        %parallel_loop3A_835 = arith.constant 240 : index
        %parallel_loop3A_836 = tpu.vector_load %arg5[%parallel_loop3A_834, %parallel_loop3A_835] {strides = array<i32>} : memref<32x768xf32, #tpu.memory_space<vmem>>, vector<1x16xf32>,
        %parallel_loop3A_837 = vector.shape_cast %parallel_loop3A_836 : vector<1x16xf32> to vector<16xf32>
        %parallel_loop3A_838 = arith.index_cast %parallel_loop3A_698 : i32 to index
        %parallel_loop3A_839 = arith.constant 240 : index
        %parallel_loop3A_840 = tpu.vector_load %arg7[%parallel_loop3A_838, %parallel_loop3A_839] {strides = array<i32>} : memref<32x768xf32, #tpu.memory_space<vmem>>, vector<1x16xf32>,
        %parallel_loop3A_841 = vector.shape_cast %parallel_loop3A_840 : vector<1x16xf32> to vector<16xf32>
        %parallel_loop3A_842 = vector.shape_cast %parallel_loop3A_837 : vector<16xf32> to vector<1x16xf32>
        tpu.vector_store %arg7[%parallel_loop3A_838, %parallel_loop3A_839], %parallel_loop3A_842 {add = true, strides = array<i32>} : memref<32x768xf32, #tpu.memory_space<vmem>>, vector<1x16xf32>,
        %parallel_loop3A_843 = arith.index_cast %parallel_loop3A_698 : i32 to index
        %parallel_loop3A_844 = arith.constant 256 : index
        %parallel_loop3A_845 = tpu.vector_load %arg5[%parallel_loop3A_843, %parallel_loop3A_844] {strides = array<i32>} : memref<32x768xf32, #tpu.memory_space<vmem>>, vector<1x16xf32>,
        %parallel_loop3A_846 = vector.shape_cast %parallel_loop3A_845 : vector<1x16xf32> to vector<16xf32>
        %parallel_loop3A_847 = arith.index_cast %parallel_loop3A_698 : i32 to index
        %parallel_loop3A_848 = arith.constant 256 : index
        %parallel_loop3A_849 = tpu.vector_load %arg7[%parallel_loop3A_847, %parallel_loop3A_848] {strides = array<i32>} : memref<32x768xf32, #tpu.memory_space<vmem>>, vector<1x16xf32>,
        %parallel_loop3A_850 = vector.shape_cast %parallel_loop3A_849 : vector<1x16xf32> to vector<16xf32>
        %parallel_loop3A_851 = vector.shape_cast %parallel_loop3A_846 : vector<16xf32> to vector<1x16xf32>
        tpu.vector_store %arg7[%parallel_loop3A_847, %parallel_loop3A_848], %parallel_loop3A_851 {add = true, strides = array<i32>} : memref<32x768xf32, #tpu.memory_space<vmem>>, vector<1x16xf32>,
        %parallel_loop3A_852 = arith.index_cast %parallel_loop3A_698 : i32 to index
        %parallel_loop3A_853 = arith.constant 272 : index
        %parallel_loop3A_854 = tpu.vector_load %arg5[%parallel_loop3A_852, %parallel_loop3A_853] {strides = array<i32>} : memref<32x768xf32, #tpu.memory_space<vmem>>, vector<1x16xf32>,
        %parallel_loop3A_855 = vector.shape_cast %parallel_loop3A_854 : vector<1x16xf32> to vector<16xf32>
        %parallel_loop3A_856 = arith.index_cast %parallel_loop3A_698 : i32 to index
        %parallel_loop3A_857 = arith.constant 272 : index
        %parallel_loop3A_858 = tpu.vector_load %arg7[%parallel_loop3A_856, %parallel_loop3A_857] {strides = array<i32>} : memref<32x768xf32, #tpu.memory_space<vmem>>, vector<1x16xf32>,
        %parallel_loop3A_859 = vector.shape_cast %parallel_loop3A_858 : vector<1x16xf32> to vector<16xf32>
        %parallel_loop3A_860 = vector.shape_cast %parallel_loop3A_855 : vector<16xf32> to vector<1x16xf32>
        tpu.vector_store %arg7[%parallel_loop3A_856, %parallel_loop3A_857], %parallel_loop3A_860 {add = true, strides = array<i32>} : memref<32x768xf32, #tpu.memory_space<vmem>>, vector<1x16xf32>,
        %parallel_loop3A_861 = arith.index_cast %parallel_loop3A_698 : i32 to index
        %parallel_loop3A_862 = arith.constant 288 : index
        %parallel_loop3A_863 = tpu.vector_load %arg5[%parallel_loop3A_861, %parallel_loop3A_862] {strides = array<i32>} : memref<32x768xf32, #tpu.memory_space<vmem>>, vector<1x16xf32>,
        %parallel_loop3A_864 = vector.shape_cast %parallel_loop3A_863 : vector<1x16xf32> to vector<16xf32>
        %parallel_loop3A_865 = arith.index_cast %parallel_loop3A_698 : i32 to index
        %parallel_loop3A_866 = arith.constant 288 : index
        %parallel_loop3A_867 = tpu.vector_load %arg7[%parallel_loop3A_865, %parallel_loop3A_866] {strides = array<i32>} : memref<32x768xf32, #tpu.memory_space<vmem>>, vector<1x16xf32>,
        %parallel_loop3A_868 = vector.shape_cast %parallel_loop3A_867 : vector<1x16xf32> to vector<16xf32>
        %parallel_loop3A_869 = vector.shape_cast %parallel_loop3A_864 : vector<16xf32> to vector<1x16xf32>
        tpu.vector_store %arg7[%parallel_loop3A_865, %parallel_loop3A_866], %parallel_loop3A_869 {add = true, strides = array<i32>} : memref<32x768xf32, #tpu.memory_space<vmem>>, vector<1x16xf32>,
        %parallel_loop3A_870 = arith.index_cast %parallel_loop3A_698 : i32 to index
        %parallel_loop3A_871 = arith.constant 304 : index
        %parallel_loop3A_872 = tpu.vector_load %arg5[%parallel_loop3A_870, %parallel_loop3A_871] {strides = array<i32>} : memref<32x768xf32, #tpu.memory_space<vmem>>, vector<1x16xf32>,
        %parallel_loop3A_873 = vector.shape_cast %parallel_loop3A_872 : vector<1x16xf32> to vector<16xf32>
        %parallel_loop3A_874 = arith.index_cast %parallel_loop3A_698 : i32 to index
        %parallel_loop3A_875 = arith.constant 304 : index
        %parallel_loop3A_876 = tpu.vector_load %arg7[%parallel_loop3A_874, %parallel_loop3A_875] {strides = array<i32>} : memref<32x768xf32, #tpu.memory_space<vmem>>, vector<1x16xf32>,
        %parallel_loop3A_877 = vector.shape_cast %parallel_loop3A_876 : vector<1x16xf32> to vector<16xf32>
        %parallel_loop3A_878 = vector.shape_cast %parallel_loop3A_873 : vector<16xf32> to vector<1x16xf32>
        tpu.vector_store %arg7[%parallel_loop3A_874, %parallel_loop3A_875], %parallel_loop3A_878 {add = true, strides = array<i32>} : memref<32x768xf32, #tpu.memory_space<vmem>>, vector<1x16xf32>,
        %parallel_loop3A_879 = arith.index_cast %parallel_loop3A_698 : i32 to index
        %parallel_loop3A_880 = arith.constant 320 : index
        %parallel_loop3A_881 = tpu.vector_load %arg5[%parallel_loop3A_879, %parallel_loop3A_880] {strides = array<i32>} : memref<32x768xf32, #tpu.memory_space<vmem>>, vector<1x16xf32>,
        %parallel_loop3A_882 = vector.shape_cast %parallel_loop3A_881 : vector<1x16xf32> to vector<16xf32>
        %parallel_loop3A_883 = arith.index_cast %parallel_loop3A_698 : i32 to index
        %parallel_loop3A_884 = arith.constant 320 : index
        %parallel_loop3A_885 = tpu.vector_load %arg7[%parallel_loop3A_883, %parallel_loop3A_884] {strides = array<i32>} : memref<32x768xf32, #tpu.memory_space<vmem>>, vector<1x16xf32>,
        %parallel_loop3A_886 = vector.shape_cast %parallel_loop3A_885 : vector<1x16xf32> to vector<16xf32>
        %parallel_loop3A_887 = vector.shape_cast %parallel_loop3A_882 : vector<16xf32> to vector<1x16xf32>
        tpu.vector_store %arg7[%parallel_loop3A_883, %parallel_loop3A_884], %parallel_loop3A_887 {add = true, strides = array<i32>} : memref<32x768xf32, #tpu.memory_space<vmem>>, vector<1x16xf32>,
        %parallel_loop3A_888 = arith.index_cast %parallel_loop3A_698 : i32 to index
        %parallel_loop3A_889 = arith.constant 336 : index
        %parallel_loop3A_890 = tpu.vector_load %arg5[%parallel_loop3A_888, %parallel_loop3A_889] {strides = array<i32>} : memref<32x768xf32, #tpu.memory_space<vmem>>, vector<1x16xf32>,
        %parallel_loop3A_891 = vector.shape_cast %parallel_loop3A_890 : vector<1x16xf32> to vector<16xf32>
        %parallel_loop3A_892 = arith.index_cast %parallel_loop3A_698 : i32 to index
        %parallel_loop3A_893 = arith.constant 336 : index
        %parallel_loop3A_894 = tpu.vector_load %arg7[%parallel_loop3A_892, %parallel_loop3A_893] {strides = array<i32>} : memref<32x768xf32, #tpu.memory_space<vmem>>, vector<1x16xf32>,
        %parallel_loop3A_895 = vector.shape_cast %parallel_loop3A_894 : vector<1x16xf32> to vector<16xf32>
        %parallel_loop3A_896 = vector.shape_cast %parallel_loop3A_891 : vector<16xf32> to vector<1x16xf32>
        tpu.vector_store %arg7[%parallel_loop3A_892, %parallel_loop3A_893], %parallel_loop3A_896 {add = true, strides = array<i32>} : memref<32x768xf32, #tpu.memory_space<vmem>>, vector<1x16xf32>,
        %parallel_loop3A_897 = arith.index_cast %parallel_loop3A_698 : i32 to index
        %parallel_loop3A_898 = arith.constant 352 : index
        %parallel_loop3A_899 = tpu.vector_load %arg5[%parallel_loop3A_897, %parallel_loop3A_898] {strides = array<i32>} : memref<32x768xf32, #tpu.memory_space<vmem>>, vector<1x16xf32>,
        %parallel_loop3A_900 = vector.shape_cast %parallel_loop3A_899 : vector<1x16xf32> to vector<16xf32>
        %parallel_loop3A_901 = arith.index_cast %parallel_loop3A_698 : i32 to index
        %parallel_loop3A_902 = arith.constant 352 : index
        %parallel_loop3A_903 = tpu.vector_load %arg7[%parallel_loop3A_901, %parallel_loop3A_902] {strides = array<i32>} : memref<32x768xf32, #tpu.memory_space<vmem>>, vector<1x16xf32>,
        %parallel_loop3A_904 = vector.shape_cast %parallel_loop3A_903 : vector<1x16xf32> to vector<16xf32>
        %parallel_loop3A_905 = vector.shape_cast %parallel_loop3A_900 : vector<16xf32> to vector<1x16xf32>
        tpu.vector_store %arg7[%parallel_loop3A_901, %parallel_loop3A_902], %parallel_loop3A_905 {add = true, strides = array<i32>} : memref<32x768xf32, #tpu.memory_space<vmem>>, vector<1x16xf32>,
        %parallel_loop3A_906 = arith.index_cast %parallel_loop3A_698 : i32 to index
        %parallel_loop3A_907 = arith.constant 368 : index
        %parallel_loop3A_908 = tpu.vector_load %arg5[%parallel_loop3A_906, %parallel_loop3A_907] {strides = array<i32>} : memref<32x768xf32, #tpu.memory_space<vmem>>, vector<1x16xf32>,
        %parallel_loop3A_909 = vector.shape_cast %parallel_loop3A_908 : vector<1x16xf32> to vector<16xf32>
        %parallel_loop3A_910 = arith.index_cast %parallel_loop3A_698 : i32 to index
        %parallel_loop3A_911 = arith.constant 368 : index
        %parallel_loop3A_912 = tpu.vector_load %arg7[%parallel_loop3A_910, %parallel_loop3A_911] {strides = array<i32>} : memref<32x768xf32, #tpu.memory_space<vmem>>, vector<1x16xf32>,
        %parallel_loop3A_913 = vector.shape_cast %parallel_loop3A_912 : vector<1x16xf32> to vector<16xf32>
        %parallel_loop3A_914 = vector.shape_cast %parallel_loop3A_909 : vector<16xf32> to vector<1x16xf32>
        tpu.vector_store %arg7[%parallel_loop3A_910, %parallel_loop3A_911], %parallel_loop3A_914 {add = true, strides = array<i32>} : memref<32x768xf32, #tpu.memory_space<vmem>>, vector<1x16xf32>,
        %parallel_loop3A_915 = arith.index_cast %parallel_loop3A_698 : i32 to index
        %parallel_loop3A_916 = arith.constant 384 : index
        %parallel_loop3A_917 = tpu.vector_load %arg5[%parallel_loop3A_915, %parallel_loop3A_916] {strides = array<i32>} : memref<32x768xf32, #tpu.memory_space<vmem>>, vector<1x16xf32>,
        %parallel_loop3A_918 = vector.shape_cast %parallel_loop3A_917 : vector<1x16xf32> to vector<16xf32>
        %parallel_loop3A_919 = arith.index_cast %parallel_loop3A_698 : i32 to index
        %parallel_loop3A_920 = arith.constant 384 : index
        %parallel_loop3A_921 = tpu.vector_load %arg7[%parallel_loop3A_919, %parallel_loop3A_920] {strides = array<i32>} : memref<32x768xf32, #tpu.memory_space<vmem>>, vector<1x16xf32>,
        %parallel_loop3A_922 = vector.shape_cast %parallel_loop3A_921 : vector<1x16xf32> to vector<16xf32>
        %parallel_loop3A_923 = vector.shape_cast %parallel_loop3A_918 : vector<16xf32> to vector<1x16xf32>
        tpu.vector_store %arg7[%parallel_loop3A_919, %parallel_loop3A_920], %parallel_loop3A_923 {add = true, strides = array<i32>} : memref<32x768xf32, #tpu.memory_space<vmem>>, vector<1x16xf32>,
        %parallel_loop3A_924 = arith.index_cast %parallel_loop3A_698 : i32 to index
        %parallel_loop3A_925 = arith.constant 400 : index
        %parallel_loop3A_926 = tpu.vector_load %arg5[%parallel_loop3A_924, %parallel_loop3A_925] {strides = array<i32>} : memref<32x768xf32, #tpu.memory_space<vmem>>, vector<1x16xf32>,
        %parallel_loop3A_927 = vector.shape_cast %parallel_loop3A_926 : vector<1x16xf32> to vector<16xf32>
        %parallel_loop3A_928 = arith.index_cast %parallel_loop3A_698 : i32 to index
        %parallel_loop3A_929 = arith.constant 400 : index
        %parallel_loop3A_930 = tpu.vector_load %arg7[%parallel_loop3A_928, %parallel_loop3A_929] {strides = array<i32>} : memref<32x768xf32, #tpu.memory_space<vmem>>, vector<1x16xf32>,
        %parallel_loop3A_931 = vector.shape_cast %parallel_loop3A_930 : vector<1x16xf32> to vector<16xf32>
        %parallel_loop3A_932 = vector.shape_cast %parallel_loop3A_927 : vector<16xf32> to vector<1x16xf32>
        tpu.vector_store %arg7[%parallel_loop3A_928, %parallel_loop3A_929], %parallel_loop3A_932 {add = true, strides = array<i32>} : memref<32x768xf32, #tpu.memory_space<vmem>>, vector<1x16xf32>,
        %parallel_loop3A_933 = arith.index_cast %parallel_loop3A_698 : i32 to index
        %parallel_loop3A_934 = arith.constant 416 : index
        %parallel_loop3A_935 = tpu.vector_load %arg5[%parallel_loop3A_933, %parallel_loop3A_934] {strides = array<i32>} : memref<32x768xf32, #tpu.memory_space<vmem>>, vector<1x16xf32>,
        %parallel_loop3A_936 = vector.shape_cast %parallel_loop3A_935 : vector<1x16xf32> to vector<16xf32>
        %parallel_loop3A_937 = arith.index_cast %parallel_loop3A_698 : i32 to index
        %parallel_loop3A_938 = arith.constant 416 : index
        %parallel_loop3A_939 = tpu.vector_load %arg7[%parallel_loop3A_937, %parallel_loop3A_938] {strides = array<i32>} : memref<32x768xf32, #tpu.memory_space<vmem>>, vector<1x16xf32>,
        %parallel_loop3A_940 = vector.shape_cast %parallel_loop3A_939 : vector<1x16xf32> to vector<16xf32>
        %parallel_loop3A_941 = vector.shape_cast %parallel_loop3A_936 : vector<16xf32> to vector<1x16xf32>
        tpu.vector_store %arg7[%parallel_loop3A_937, %parallel_loop3A_938], %parallel_loop3A_941 {add = true, strides = array<i32>} : memref<32x768xf32, #tpu.memory_space<vmem>>, vector<1x16xf32>,
        %parallel_loop3A_942 = arith.index_cast %parallel_loop3A_698 : i32 to index
        %parallel_loop3A_943 = arith.constant 432 : index
        %parallel_loop3A_944 = tpu.vector_load %arg5[%parallel_loop3A_942, %parallel_loop3A_943] {strides = array<i32>} : memref<32x768xf32, #tpu.memory_space<vmem>>, vector<1x16xf32>,
        %parallel_loop3A_945 = vector.shape_cast %parallel_loop3A_944 : vector<1x16xf32> to vector<16xf32>
        %parallel_loop3A_946 = arith.index_cast %parallel_loop3A_698 : i32 to index
        %parallel_loop3A_947 = arith.constant 432 : index
        %parallel_loop3A_948 = tpu.vector_load %arg7[%parallel_loop3A_946, %parallel_loop3A_947] {strides = array<i32>} : memref<32x768xf32, #tpu.memory_space<vmem>>, vector<1x16xf32>,
        %parallel_loop3A_949 = vector.shape_cast %parallel_loop3A_948 : vector<1x16xf32> to vector<16xf32>
        %parallel_loop3A_950 = vector.shape_cast %parallel_loop3A_945 : vector<16xf32> to vector<1x16xf32>
        tpu.vector_store %arg7[%parallel_loop3A_946, %parallel_loop3A_947], %parallel_loop3A_950 {add = true, strides = array<i32>} : memref<32x768xf32, #tpu.memory_space<vmem>>, vector<1x16xf32>,
        %parallel_loop3A_951 = arith.index_cast %parallel_loop3A_698 : i32 to index
        %parallel_loop3A_952 = arith.constant 448 : index
        %parallel_loop3A_953 = tpu.vector_load %arg5[%parallel_loop3A_951, %parallel_loop3A_952] {strides = array<i32>} : memref<32x768xf32, #tpu.memory_space<vmem>>, vector<1x16xf32>,
        %parallel_loop3A_954 = vector.shape_cast %parallel_loop3A_953 : vector<1x16xf32> to vector<16xf32>
        %parallel_loop3A_955 = arith.index_cast %parallel_loop3A_698 : i32 to index
        %parallel_loop3A_956 = arith.constant 448 : index
        %parallel_loop3A_957 = tpu.vector_load %arg7[%parallel_loop3A_955, %parallel_loop3A_956] {strides = array<i32>} : memref<32x768xf32, #tpu.memory_space<vmem>>, vector<1x16xf32>,
        %parallel_loop3A_958 = vector.shape_cast %parallel_loop3A_957 : vector<1x16xf32> to vector<16xf32>
        %parallel_loop3A_959 = vector.shape_cast %parallel_loop3A_954 : vector<16xf32> to vector<1x16xf32>
        tpu.vector_store %arg7[%parallel_loop3A_955, %parallel_loop3A_956], %parallel_loop3A_959 {add = true, strides = array<i32>} : memref<32x768xf32, #tpu.memory_space<vmem>>, vector<1x16xf32>,
        %parallel_loop3A_960 = arith.index_cast %parallel_loop3A_698 : i32 to index
        %parallel_loop3A_961 = arith.constant 464 : index
        %parallel_loop3A_962 = tpu.vector_load %arg5[%parallel_loop3A_960, %parallel_loop3A_961] {strides = array<i32>} : memref<32x768xf32, #tpu.memory_space<vmem>>, vector<1x16xf32>,
        %parallel_loop3A_963 = vector.shape_cast %parallel_loop3A_962 : vector<1x16xf32> to vector<16xf32>
        %parallel_loop3A_964 = arith.index_cast %parallel_loop3A_698 : i32 to index
        %parallel_loop3A_965 = arith.constant 464 : index
        %parallel_loop3A_966 = tpu.vector_load %arg7[%parallel_loop3A_964, %parallel_loop3A_965] {strides = array<i32>} : memref<32x768xf32, #tpu.memory_space<vmem>>, vector<1x16xf32>,
        %parallel_loop3A_967 = vector.shape_cast %parallel_loop3A_966 : vector<1x16xf32> to vector<16xf32>
        %parallel_loop3A_968 = vector.shape_cast %parallel_loop3A_963 : vector<16xf32> to vector<1x16xf32>
        tpu.vector_store %arg7[%parallel_loop3A_964, %parallel_loop3A_965], %parallel_loop3A_968 {add = true, strides = array<i32>} : memref<32x768xf32, #tpu.memory_space<vmem>>, vector<1x16xf32>,
        %parallel_loop3A_969 = arith.index_cast %parallel_loop3A_698 : i32 to index
        %parallel_loop3A_970 = arith.constant 480 : index
        %parallel_loop3A_971 = tpu.vector_load %arg5[%parallel_loop3A_969, %parallel_loop3A_970] {strides = array<i32>} : memref<32x768xf32, #tpu.memory_space<vmem>>, vector<1x16xf32>,
        %parallel_loop3A_972 = vector.shape_cast %parallel_loop3A_971 : vector<1x16xf32> to vector<16xf32>
        %parallel_loop3A_973 = arith.index_cast %parallel_loop3A_698 : i32 to index
        %parallel_loop3A_974 = arith.constant 480 : index
        %parallel_loop3A_975 = tpu.vector_load %arg7[%parallel_loop3A_973, %parallel_loop3A_974] {strides = array<i32>} : memref<32x768xf32, #tpu.memory_space<vmem>>, vector<1x16xf32>,
        %parallel_loop3A_976 = vector.shape_cast %parallel_loop3A_975 : vector<1x16xf32> to vector<16xf32>
        %parallel_loop3A_977 = vector.shape_cast %parallel_loop3A_972 : vector<16xf32> to vector<1x16xf32>
        tpu.vector_store %arg7[%parallel_loop3A_973, %parallel_loop3A_974], %parallel_loop3A_977 {add = true, strides = array<i32>} : memref<32x768xf32, #tpu.memory_space<vmem>>, vector<1x16xf32>,
        %parallel_loop3A_978 = arith.index_cast %parallel_loop3A_698 : i32 to index
        %parallel_loop3A_979 = arith.constant 496 : index
        %parallel_loop3A_980 = tpu.vector_load %arg5[%parallel_loop3A_978, %parallel_loop3A_979] {strides = array<i32>} : memref<32x768xf32, #tpu.memory_space<vmem>>, vector<1x16xf32>,
        %parallel_loop3A_981 = vector.shape_cast %parallel_loop3A_980 : vector<1x16xf32> to vector<16xf32>
        %parallel_loop3A_982 = arith.index_cast %parallel_loop3A_698 : i32 to index
        %parallel_loop3A_983 = arith.constant 496 : index
        %parallel_loop3A_984 = tpu.vector_load %arg7[%parallel_loop3A_982, %parallel_loop3A_983] {strides = array<i32>} : memref<32x768xf32, #tpu.memory_space<vmem>>, vector<1x16xf32>,
        %parallel_loop3A_985 = vector.shape_cast %parallel_loop3A_984 : vector<1x16xf32> to vector<16xf32>
        %parallel_loop3A_986 = vector.shape_cast %parallel_loop3A_981 : vector<16xf32> to vector<1x16xf32>
        tpu.vector_store %arg7[%parallel_loop3A_982, %parallel_loop3A_983], %parallel_loop3A_986 {add = true, strides = array<i32>} : memref<32x768xf32, #tpu.memory_space<vmem>>, vector<1x16xf32>,
        %parallel_loop3A_987 = arith.index_cast %parallel_loop3A_698 : i32 to index
        %parallel_loop3A_988 = arith.constant 512 : index
        %parallel_loop3A_989 = tpu.vector_load %arg5[%parallel_loop3A_987, %parallel_loop3A_988] {strides = array<i32>} : memref<32x768xf32, #tpu.memory_space<vmem>>, vector<1x16xf32>,
        %parallel_loop3A_990 = vector.shape_cast %parallel_loop3A_989 : vector<1x16xf32> to vector<16xf32>
        %parallel_loop3A_991 = arith.index_cast %parallel_loop3A_698 : i32 to index
        %parallel_loop3A_992 = arith.constant 512 : index
        %parallel_loop3A_993 = tpu.vector_load %arg7[%parallel_loop3A_991, %parallel_loop3A_992] {strides = array<i32>} : memref<32x768xf32, #tpu.memory_space<vmem>>, vector<1x16xf32>,
        %parallel_loop3A_994 = vector.shape_cast %parallel_loop3A_993 : vector<1x16xf32> to vector<16xf32>
        %parallel_loop3A_995 = vector.shape_cast %parallel_loop3A_990 : vector<16xf32> to vector<1x16xf32>
        tpu.vector_store %arg7[%parallel_loop3A_991, %parallel_loop3A_992], %parallel_loop3A_995 {add = true, strides = array<i32>} : memref<32x768xf32, #tpu.memory_space<vmem>>, vector<1x16xf32>,
        %parallel_loop3A_996 = arith.index_cast %parallel_loop3A_698 : i32 to index
        %parallel_loop3A_997 = arith.constant 528 : index
        %parallel_loop3A_998 = tpu.vector_load %arg5[%parallel_loop3A_996, %parallel_loop3A_997] {strides = array<i32>} : memref<32x768xf32, #tpu.memory_space<vmem>>, vector<1x16xf32>,
        %parallel_loop3A_999 = vector.shape_cast %parallel_loop3A_998 : vector<1x16xf32> to vector<16xf32>
        %parallel_loop3A_1000 = arith.index_cast %parallel_loop3A_698 : i32 to index
        %parallel_loop3A_1001 = arith.constant 528 : index
        %parallel_loop3A_1002 = tpu.vector_load %arg7[%parallel_loop3A_1000, %parallel_loop3A_1001] {strides = array<i32>} : memref<32x768xf32, #tpu.memory_space<vmem>>, vector<1x16xf32>,
        %parallel_loop3A_1003 = vector.shape_cast %parallel_loop3A_1002 : vector<1x16xf32> to vector<16xf32>
        %parallel_loop3A_1004 = vector.shape_cast %parallel_loop3A_999 : vector<16xf32> to vector<1x16xf32>
        tpu.vector_store %arg7[%parallel_loop3A_1000, %parallel_loop3A_1001], %parallel_loop3A_1004 {add = true, strides = array<i32>} : memref<32x768xf32, #tpu.memory_space<vmem>>, vector<1x16xf32>,
        %parallel_loop3A_1005 = arith.index_cast %parallel_loop3A_698 : i32 to index
        %parallel_loop3A_1006 = arith.constant 544 : index
        %parallel_loop3A_1007 = tpu.vector_load %arg5[%parallel_loop3A_1005, %parallel_loop3A_1006] {strides = array<i32>} : memref<32x768xf32, #tpu.memory_space<vmem>>, vector<1x16xf32>,
        %parallel_loop3A_1008 = vector.shape_cast %parallel_loop3A_1007 : vector<1x16xf32> to vector<16xf32>
        %parallel_loop3A_1009 = arith.index_cast %parallel_loop3A_698 : i32 to index
        %parallel_loop3A_1010 = arith.constant 544 : index
        %parallel_loop3A_1011 = tpu.vector_load %arg7[%parallel_loop3A_1009, %parallel_loop3A_1010] {strides = array<i32>} : memref<32x768xf32, #tpu.memory_space<vmem>>, vector<1x16xf32>,
        %parallel_loop3A_1012 = vector.shape_cast %parallel_loop3A_1011 : vector<1x16xf32> to vector<16xf32>
        %parallel_loop3A_1013 = vector.shape_cast %parallel_loop3A_1008 : vector<16xf32> to vector<1x16xf32>
        tpu.vector_store %arg7[%parallel_loop3A_1009, %parallel_loop3A_1010], %parallel_loop3A_1013 {add = true, strides = array<i32>} : memref<32x768xf32, #tpu.memory_space<vmem>>, vector<1x16xf32>,
        %parallel_loop3A_1014 = arith.index_cast %parallel_loop3A_698 : i32 to index
        %parallel_loop3A_1015 = arith.constant 560 : index
        %parallel_loop3A_1016 = tpu.vector_load %arg5[%parallel_loop3A_1014, %parallel_loop3A_1015] {strides = array<i32>} : memref<32x768xf32, #tpu.memory_space<vmem>>, vector<1x16xf32>,
        %parallel_loop3A_1017 = vector.shape_cast %parallel_loop3A_1016 : vector<1x16xf32> to vector<16xf32>
        %parallel_loop3A_1018 = arith.index_cast %parallel_loop3A_698 : i32 to index
        %parallel_loop3A_1019 = arith.constant 560 : index
        %parallel_loop3A_1020 = tpu.vector_load %arg7[%parallel_loop3A_1018, %parallel_loop3A_1019] {strides = array<i32>} : memref<32x768xf32, #tpu.memory_space<vmem>>, vector<1x16xf32>,
        %parallel_loop3A_1021 = vector.shape_cast %parallel_loop3A_1020 : vector<1x16xf32> to vector<16xf32>
        %parallel_loop3A_1022 = vector.shape_cast %parallel_loop3A_1017 : vector<16xf32> to vector<1x16xf32>
        tpu.vector_store %arg7[%parallel_loop3A_1018, %parallel_loop3A_1019], %parallel_loop3A_1022 {add = true, strides = array<i32>} : memref<32x768xf32, #tpu.memory_space<vmem>>, vector<1x16xf32>,
        %parallel_loop3A_1023 = arith.index_cast %parallel_loop3A_698 : i32 to index
        %parallel_loop3A_1024 = arith.constant 576 : index
        %parallel_loop3A_1025 = tpu.vector_load %arg5[%parallel_loop3A_1023, %parallel_loop3A_1024] {strides = array<i32>} : memref<32x768xf32, #tpu.memory_space<vmem>>, vector<1x16xf32>,
        %parallel_loop3A_1026 = vector.shape_cast %parallel_loop3A_1025 : vector<1x16xf32> to vector<16xf32>
        %parallel_loop3A_1027 = arith.index_cast %parallel_loop3A_698 : i32 to index
        %parallel_loop3A_1028 = arith.constant 576 : index
        %parallel_loop3A_1029 = tpu.vector_load %arg7[%parallel_loop3A_1027, %parallel_loop3A_1028] {strides = array<i32>} : memref<32x768xf32, #tpu.memory_space<vmem>>, vector<1x16xf32>,
        %parallel_loop3A_1030 = vector.shape_cast %parallel_loop3A_1029 : vector<1x16xf32> to vector<16xf32>
        %parallel_loop3A_1031 = vector.shape_cast %parallel_loop3A_1026 : vector<16xf32> to vector<1x16xf32>
        tpu.vector_store %arg7[%parallel_loop3A_1027, %parallel_loop3A_1028], %parallel_loop3A_1031 {add = true, strides = array<i32>} : memref<32x768xf32, #tpu.memory_space<vmem>>, vector<1x16xf32>,
        %parallel_loop3A_1032 = arith.index_cast %parallel_loop3A_698 : i32 to index
        %parallel_loop3A_1033 = arith.constant 592 : index
        %parallel_loop3A_1034 = tpu.vector_load %arg5[%parallel_loop3A_1032, %parallel_loop3A_1033] {strides = array<i32>} : memref<32x768xf32, #tpu.memory_space<vmem>>, vector<1x16xf32>,
        %parallel_loop3A_1035 = vector.shape_cast %parallel_loop3A_1034 : vector<1x16xf32> to vector<16xf32>
        %parallel_loop3A_1036 = arith.index_cast %parallel_loop3A_698 : i32 to index
        %parallel_loop3A_1037 = arith.constant 592 : index
        %parallel_loop3A_1038 = tpu.vector_load %arg7[%parallel_loop3A_1036, %parallel_loop3A_1037] {strides = array<i32>} : memref<32x768xf32, #tpu.memory_space<vmem>>, vector<1x16xf32>,
        %parallel_loop3A_1039 = vector.shape_cast %parallel_loop3A_1038 : vector<1x16xf32> to vector<16xf32>
        %parallel_loop3A_1040 = vector.shape_cast %parallel_loop3A_1035 : vector<16xf32> to vector<1x16xf32>
        tpu.vector_store %arg7[%parallel_loop3A_1036, %parallel_loop3A_1037], %parallel_loop3A_1040 {add = true, strides = array<i32>} : memref<32x768xf32, #tpu.memory_space<vmem>>, vector<1x16xf32>,
        %parallel_loop3A_1041 = arith.index_cast %parallel_loop3A_698 : i32 to index
        %parallel_loop3A_1042 = arith.constant 608 : index
        %parallel_loop3A_1043 = tpu.vector_load %arg5[%parallel_loop3A_1041, %parallel_loop3A_1042] {strides = array<i32>} : memref<32x768xf32, #tpu.memory_space<vmem>>, vector<1x16xf32>,
        %parallel_loop3A_1044 = vector.shape_cast %parallel_loop3A_1043 : vector<1x16xf32> to vector<16xf32>
        %parallel_loop3A_1045 = arith.index_cast %parallel_loop3A_698 : i32 to index
        %parallel_loop3A_1046 = arith.constant 608 : index
        %parallel_loop3A_1047 = tpu.vector_load %arg7[%parallel_loop3A_1045, %parallel_loop3A_1046] {strides = array<i32>} : memref<32x768xf32, #tpu.memory_space<vmem>>, vector<1x16xf32>,
        %parallel_loop3A_1048 = vector.shape_cast %parallel_loop3A_1047 : vector<1x16xf32> to vector<16xf32>
        %parallel_loop3A_1049 = vector.shape_cast %parallel_loop3A_1044 : vector<16xf32> to vector<1x16xf32>
        tpu.vector_store %arg7[%parallel_loop3A_1045, %parallel_loop3A_1046], %parallel_loop3A_1049 {add = true, strides = array<i32>} : memref<32x768xf32, #tpu.memory_space<vmem>>, vector<1x16xf32>,
        %parallel_loop3A_1050 = arith.index_cast %parallel_loop3A_698 : i32 to index
        %parallel_loop3A_1051 = arith.constant 624 : index
        %parallel_loop3A_1052 = tpu.vector_load %arg5[%parallel_loop3A_1050, %parallel_loop3A_1051] {strides = array<i32>} : memref<32x768xf32, #tpu.memory_space<vmem>>, vector<1x16xf32>,
        %parallel_loop3A_1053 = vector.shape_cast %parallel_loop3A_1052 : vector<1x16xf32> to vector<16xf32>
        %parallel_loop3A_1054 = arith.index_cast %parallel_loop3A_698 : i32 to index
        %parallel_loop3A_1055 = arith.constant 624 : index
        %parallel_loop3A_1056 = tpu.vector_load %arg7[%parallel_loop3A_1054, %parallel_loop3A_1055] {strides = array<i32>} : memref<32x768xf32, #tpu.memory_space<vmem>>, vector<1x16xf32>,
        %parallel_loop3A_1057 = vector.shape_cast %parallel_loop3A_1056 : vector<1x16xf32> to vector<16xf32>
        %parallel_loop3A_1058 = vector.shape_cast %parallel_loop3A_1053 : vector<16xf32> to vector<1x16xf32>
        tpu.vector_store %arg7[%parallel_loop3A_1054, %parallel_loop3A_1055], %parallel_loop3A_1058 {add = true, strides = array<i32>} : memref<32x768xf32, #tpu.memory_space<vmem>>, vector<1x16xf32>,
        %parallel_loop3A_1059 = arith.index_cast %parallel_loop3A_698 : i32 to index
        %parallel_loop3A_1060 = arith.constant 640 : index
        %parallel_loop3A_1061 = tpu.vector_load %arg5[%parallel_loop3A_1059, %parallel_loop3A_1060] {strides = array<i32>} : memref<32x768xf32, #tpu.memory_space<vmem>>, vector<1x16xf32>,
        %parallel_loop3A_1062 = vector.shape_cast %parallel_loop3A_1061 : vector<1x16xf32> to vector<16xf32>
        %parallel_loop3A_1063 = arith.index_cast %parallel_loop3A_698 : i32 to index
        %parallel_loop3A_1064 = arith.constant 640 : index
        %parallel_loop3A_1065 = tpu.vector_load %arg7[%parallel_loop3A_1063, %parallel_loop3A_1064] {strides = array<i32>} : memref<32x768xf32, #tpu.memory_space<vmem>>, vector<1x16xf32>,
        %parallel_loop3A_1066 = vector.shape_cast %parallel_loop3A_1065 : vector<1x16xf32> to vector<16xf32>
        %parallel_loop3A_1067 = vector.shape_cast %parallel_loop3A_1062 : vector<16xf32> to vector<1x16xf32>
        tpu.vector_store %arg7[%parallel_loop3A_1063, %parallel_loop3A_1064], %parallel_loop3A_1067 {add = true, strides = array<i32>} : memref<32x768xf32, #tpu.memory_space<vmem>>, vector<1x16xf32>,
        %parallel_loop3A_1068 = arith.index_cast %parallel_loop3A_698 : i32 to index
        %parallel_loop3A_1069 = arith.constant 656 : index
        %parallel_loop3A_1070 = tpu.vector_load %arg5[%parallel_loop3A_1068, %parallel_loop3A_1069] {strides = array<i32>} : memref<32x768xf32, #tpu.memory_space<vmem>>, vector<1x16xf32>,
        %parallel_loop3A_1071 = vector.shape_cast %parallel_loop3A_1070 : vector<1x16xf32> to vector<16xf32>
        %parallel_loop3A_1072 = arith.index_cast %parallel_loop3A_698 : i32 to index
        %parallel_loop3A_1073 = arith.constant 656 : index
        %parallel_loop3A_1074 = tpu.vector_load %arg7[%parallel_loop3A_1072, %parallel_loop3A_1073] {strides = array<i32>} : memref<32x768xf32, #tpu.memory_space<vmem>>, vector<1x16xf32>,
        %parallel_loop3A_1075 = vector.shape_cast %parallel_loop3A_1074 : vector<1x16xf32> to vector<16xf32>
        %parallel_loop3A_1076 = vector.shape_cast %parallel_loop3A_1071 : vector<16xf32> to vector<1x16xf32>
        tpu.vector_store %arg7[%parallel_loop3A_1072, %parallel_loop3A_1073], %parallel_loop3A_1076 {add = true, strides = array<i32>} : memref<32x768xf32, #tpu.memory_space<vmem>>, vector<1x16xf32>,
        %parallel_loop3A_1077 = arith.index_cast %parallel_loop3A_698 : i32 to index
        %parallel_loop3A_1078 = arith.constant 672 : index
        %parallel_loop3A_1079 = tpu.vector_load %arg5[%parallel_loop3A_1077, %parallel_loop3A_1078] {strides = array<i32>} : memref<32x768xf32, #tpu.memory_space<vmem>>, vector<1x16xf32>,
        %parallel_loop3A_1080 = vector.shape_cast %parallel_loop3A_1079 : vector<1x16xf32> to vector<16xf32>
        %parallel_loop3A_1081 = arith.index_cast %parallel_loop3A_698 : i32 to index
        %parallel_loop3A_1082 = arith.constant 672 : index
        %parallel_loop3A_1083 = tpu.vector_load %arg7[%parallel_loop3A_1081, %parallel_loop3A_1082] {strides = array<i32>} : memref<32x768xf32, #tpu.memory_space<vmem>>, vector<1x16xf32>,
        %parallel_loop3A_1084 = vector.shape_cast %parallel_loop3A_1083 : vector<1x16xf32> to vector<16xf32>
        %parallel_loop3A_1085 = vector.shape_cast %parallel_loop3A_1080 : vector<16xf32> to vector<1x16xf32>
        tpu.vector_store %arg7[%parallel_loop3A_1081, %parallel_loop3A_1082], %parallel_loop3A_1085 {add = true, strides = array<i32>} : memref<32x768xf32, #tpu.memory_space<vmem>>, vector<1x16xf32>,
        %parallel_loop3A_1086 = arith.index_cast %parallel_loop3A_698 : i32 to index
        %parallel_loop3A_1087 = arith.constant 688 : index
        %parallel_loop3A_1088 = tpu.vector_load %arg5[%parallel_loop3A_1086, %parallel_loop3A_1087] {strides = array<i32>} : memref<32x768xf32, #tpu.memory_space<vmem>>, vector<1x16xf32>,
        %parallel_loop3A_1089 = vector.shape_cast %parallel_loop3A_1088 : vector<1x16xf32> to vector<16xf32>
        %parallel_loop3A_1090 = arith.index_cast %parallel_loop3A_698 : i32 to index
        %parallel_loop3A_1091 = arith.constant 688 : index
        %parallel_loop3A_1092 = tpu.vector_load %arg7[%parallel_loop3A_1090, %parallel_loop3A_1091] {strides = array<i32>} : memref<32x768xf32, #tpu.memory_space<vmem>>, vector<1x16xf32>,
        %parallel_loop3A_1093 = vector.shape_cast %parallel_loop3A_1092 : vector<1x16xf32> to vector<16xf32>
        %parallel_loop3A_1094 = vector.shape_cast %parallel_loop3A_1089 : vector<16xf32> to vector<1x16xf32>
        tpu.vector_store %arg7[%parallel_loop3A_1090, %parallel_loop3A_1091], %parallel_loop3A_1094 {add = true, strides = array<i32>} : memref<32x768xf32, #tpu.memory_space<vmem>>, vector<1x16xf32>,
        %parallel_loop3A_1095 = arith.index_cast %parallel_loop3A_698 : i32 to index
        %parallel_loop3A_1096 = arith.constant 704 : index
        %parallel_loop3A_1097 = tpu.vector_load %arg5[%parallel_loop3A_1095, %parallel_loop3A_1096] {strides = array<i32>} : memref<32x768xf32, #tpu.memory_space<vmem>>, vector<1x16xf32>,
        %parallel_loop3A_1098 = vector.shape_cast %parallel_loop3A_1097 : vector<1x16xf32> to vector<16xf32>
        %parallel_loop3A_1099 = arith.index_cast %parallel_loop3A_698 : i32 to index
        %parallel_loop3A_1100 = arith.constant 704 : index
        %parallel_loop3A_1101 = tpu.vector_load %arg7[%parallel_loop3A_1099, %parallel_loop3A_1100] {strides = array<i32>} : memref<32x768xf32, #tpu.memory_space<vmem>>, vector<1x16xf32>,
        %parallel_loop3A_1102 = vector.shape_cast %parallel_loop3A_1101 : vector<1x16xf32> to vector<16xf32>
        %parallel_loop3A_1103 = vector.shape_cast %parallel_loop3A_1098 : vector<16xf32> to vector<1x16xf32>
        tpu.vector_store %arg7[%parallel_loop3A_1099, %parallel_loop3A_1100], %parallel_loop3A_1103 {add = true, strides = array<i32>} : memref<32x768xf32, #tpu.memory_space<vmem>>, vector<1x16xf32>,
        %parallel_loop3A_1104 = arith.index_cast %parallel_loop3A_698 : i32 to index
        %parallel_loop3A_1105 = arith.constant 720 : index
        %parallel_loop3A_1106 = tpu.vector_load %arg5[%parallel_loop3A_1104, %parallel_loop3A_1105] {strides = array<i32>} : memref<32x768xf32, #tpu.memory_space<vmem>>, vector<1x16xf32>,
        %parallel_loop3A_1107 = vector.shape_cast %parallel_loop3A_1106 : vector<1x16xf32> to vector<16xf32>
        %parallel_loop3A_1108 = arith.index_cast %parallel_loop3A_698 : i32 to index
        %parallel_loop3A_1109 = arith.constant 720 : index
        %parallel_loop3A_1110 = tpu.vector_load %arg7[%parallel_loop3A_1108, %parallel_loop3A_1109] {strides = array<i32>} : memref<32x768xf32, #tpu.memory_space<vmem>>, vector<1x16xf32>,
        %parallel_loop3A_1111 = vector.shape_cast %parallel_loop3A_1110 : vector<1x16xf32> to vector<16xf32>
        %parallel_loop3A_1112 = vector.shape_cast %parallel_loop3A_1107 : vector<16xf32> to vector<1x16xf32>
        tpu.vector_store %arg7[%parallel_loop3A_1108, %parallel_loop3A_1109], %parallel_loop3A_1112 {add = true, strides = array<i32>} : memref<32x768xf32, #tpu.memory_space<vmem>>, vector<1x16xf32>,
        %parallel_loop3A_1113 = arith.index_cast %parallel_loop3A_698 : i32 to index
        %parallel_loop3A_1114 = arith.constant 736 : index
        %parallel_loop3A_1115 = tpu.vector_load %arg5[%parallel_loop3A_1113, %parallel_loop3A_1114] {strides = array<i32>} : memref<32x768xf32, #tpu.memory_space<vmem>>, vector<1x16xf32>,
        %parallel_loop3A_1116 = vector.shape_cast %parallel_loop3A_1115 : vector<1x16xf32> to vector<16xf32>
        %parallel_loop3A_1117 = arith.index_cast %parallel_loop3A_698 : i32 to index
        %parallel_loop3A_1118 = arith.constant 736 : index
        %parallel_loop3A_1119 = tpu.vector_load %arg7[%parallel_loop3A_1117, %parallel_loop3A_1118] {strides = array<i32>} : memref<32x768xf32, #tpu.memory_space<vmem>>, vector<1x16xf32>,
        %parallel_loop3A_1120 = vector.shape_cast %parallel_loop3A_1119 : vector<1x16xf32> to vector<16xf32>
        %parallel_loop3A_1121 = vector.shape_cast %parallel_loop3A_1116 : vector<16xf32> to vector<1x16xf32>
        tpu.vector_store %arg7[%parallel_loop3A_1117, %parallel_loop3A_1118], %parallel_loop3A_1121 {add = true, strides = array<i32>} : memref<32x768xf32, #tpu.memory_space<vmem>>, vector<1x16xf32>,
        %parallel_loop3A_1122 = arith.index_cast %parallel_loop3A_698 : i32 to index
        %parallel_loop3A_1123 = arith.constant 752 : index
        %parallel_loop3A_1124 = tpu.vector_load %arg5[%parallel_loop3A_1122, %parallel_loop3A_1123] {strides = array<i32>} : memref<32x768xf32, #tpu.memory_space<vmem>>, vector<1x16xf32>,
        %parallel_loop3A_1125 = vector.shape_cast %parallel_loop3A_1124 : vector<1x16xf32> to vector<16xf32>
        %parallel_loop3A_1126 = arith.index_cast %parallel_loop3A_698 : i32 to index
        %parallel_loop3A_1127 = arith.constant 752 : index
        %parallel_loop3A_1128 = tpu.vector_load %arg7[%parallel_loop3A_1126, %parallel_loop3A_1127] {strides = array<i32>} : memref<32x768xf32, #tpu.memory_space<vmem>>, vector<1x16xf32>,
        %parallel_loop3A_1129 = vector.shape_cast %parallel_loop3A_1128 : vector<1x16xf32> to vector<16xf32>
        %parallel_loop3A_1130 = vector.shape_cast %parallel_loop3A_1125 : vector<16xf32> to vector<1x16xf32>
        tpu.vector_store %arg7[%parallel_loop3A_1126, %parallel_loop3A_1127], %parallel_loop3A_1130 {add = true, strides = array<i32>} : memref<32x768xf32, #tpu.memory_space<vmem>>, vector<1x16xf32>,
      } {sc.loop_unroll_factor = 4 : i64, sc.parallel_access}
      %jit3A_327 = arith.constant 8 : i32
      %div3A_328 = arith.divsi %add3A_218, %jit3A_327 : i32
      %sign3A_329 = arith.constant 0 : i32
      %sign3A_330 = arith.cmpi sgt, %add3A_218, %sign3A_329 : i32
      %sign3A_331 = arith.extui %sign3A_330 : i1 to i32
      %sign3A_332 = arith.constant 0 : i32
      %sign3A_333 = arith.cmpi slt, %add3A_218, %sign3A_332 : i32
      %sign3A_334 = arith.extui %sign3A_333 : i1 to i32
      %sign3A_335 = arith.subi %sign3A_331, %sign3A_334 : i32
      %sign3A_336 = arith.constant 0 : i32
      %sign3A_337 = arith.cmpi sgt, %jit3A_327, %sign3A_336 : i32
      %sign3A_338 = arith.extui %sign3A_337 : i1 to i32
      %sign3A_339 = arith.constant 0 : i32
      %sign3A_340 = arith.cmpi slt, %jit3A_327, %sign3A_339 : i32
      %sign3A_341 = arith.extui %sign3A_340 : i1 to i32
      %sign3A_342 = arith.subi %sign3A_338, %sign3A_341 : i32
      %ne3A_343 = arith.cmpi ne, %sign3A_335, %sign3A_342 : i32
      %rem3A_344 = arith.remsi %add3A_218, %jit3A_327 : i32
      %ne3A_345 = arith.constant 0 : i32
      %ne3A_346 = arith.cmpi ne, %rem3A_344, %ne3A_345 : i32
      %and3A_347 = arith.andi %ne3A_343, %ne3A_346 : i1
      %sub3A_348 = arith.constant 1 : i32
      %sub3A_349 = arith.subi %div3A_328, %sub3A_348 : i32
      %select_n3A_350 = arith.select %and3A_347, %sub3A_349, %div3A_328 : i32
      %jit3A_351 = arith.constant 8 : i32
      %eq3A_352 = arith.constant 0 : i32
      %eq3A_353 = arith.cmpi eq, %jit3A_351, %eq3A_352 : i32
      %jit3A_354 = arith.constant 1 : i32
      %select_n3A_355 = arith.select %eq3A_353, %jit3A_354, %jit3A_351 : i32
      %rem3A_356 = arith.remsi %add3A_218, %select_n3A_355 : i32
      %ne3A_357 = arith.constant 0 : i32
      %ne3A_358 = arith.cmpi ne, %rem3A_356, %ne3A_357 : i32
      %lt3A_359 = arith.constant 0 : i32
      %lt3A_360 = arith.cmpi slt, %rem3A_356, %lt3A_359 : i32
      %lt3A_361 = arith.constant 0 : i32
      %lt3A_362 = arith.cmpi slt, %select_n3A_355, %lt3A_361 : i32
      %ne3A_363 = arith.xori %lt3A_360, %lt3A_362 : i1
      %and3A_364 = arith.andi %ne3A_363, %ne3A_358 : i1
      %add3A_365 = arith.addi %rem3A_356, %select_n3A_355 : i32
      %select_n3A_366 = arith.select %and3A_364, %add3A_365, %rem3A_356 : i32
      %add3A_367 = arith.addi %mul3A_2, %select_n3A_366 : i32
      %mul3A_368 = arith.constant 32 : i32
      %mul3A_369 = arith.muli %select_n3A_350, %mul3A_368 : i32
      %dma_start3A_370 = arith.constant 0 : i32
      %dma_start3A_371 = tpu.memref_slice %arg4[%add3A_367, %mul3A_369, %dma_start3A_370] : memref<256x576x768xf32, #tpu.memory_space<hbm>> -> memref<1x32x768xf32, #tpu.memory_space<hbm>>
      %dma_start3A_372 = tpu.memref_squeeze %dma_start3A_371 : memref<1x32x768xf32, #tpu.memory_space<hbm>> -> memref<32x768xf32, #tpu.memory_space<hbm>>
      %dma_start3A_373 = arith.constant 0 : i32
      %dma_start3A_374 = tpu.memref_slice %arg4[%add3A_367, %mul3A_369, %dma_start3A_373] : memref<256x576x768xf32, #tpu.memory_space<hbm>> -> memref<1x32x768xf32, #tpu.memory_space<hbm>>
      %dma_start3A_375 = tpu.memref_squeeze %dma_start3A_374 : memref<1x32x768xf32, #tpu.memory_space<hbm>> -> memref<32x768xf32, #tpu.memory_space<hbm>>
      tpu.enqueue_dma source(%arg7 : memref<32x768xf32, #tpu.memory_space<vmem>>) target(%dma_start3A_375 : memref<32x768xf32, #tpu.memory_space<hbm>>) target_semaphore(%arg15 : memref<!tpu.dma_semaphore, #tpu.memory_space<semaphore_mem>>)
      %mul3A_376 = arith.constant 4 : i32
      %mul3A_377 = arith.muli %scan3A_46, %mul3A_376 : i32
      %add3A_378 = arith.constant 2 : i32
      %add3A_379 = arith.addi %mul3A_377, %add3A_378 : i32
      %sub3A_380 = arith.constant 2 : i32
      %sub3A_381 = arith.subi %add3A_379, %sub3A_380 : i32
      %jit3A_382 = arith.constant 8 : i32
      %div3A_383 = arith.divsi %sub3A_381, %jit3A_382 : i32
      %sign3A_384 = arith.constant 0 : i32
      %sign3A_385 = arith.cmpi sgt, %sub3A_381, %sign3A_384 : i32
      %sign3A_386 = arith.extui %sign3A_385 : i1 to i32
      %sign3A_387 = arith.constant 0 : i32
      %sign3A_388 = arith.cmpi slt, %sub3A_381, %sign3A_387 : i32
      %sign3A_389 = arith.extui %sign3A_388 : i1 to i32
      %sign3A_390 = arith.subi %sign3A_386, %sign3A_389 : i32
      %sign3A_391 = arith.constant 0 : i32
      %sign3A_392 = arith.cmpi sgt, %jit3A_382, %sign3A_391 : i32
      %sign3A_393 = arith.extui %sign3A_392 : i1 to i32
      %sign3A_394 = arith.constant 0 : i32
      %sign3A_395 = arith.cmpi slt, %jit3A_382, %sign3A_394 : i32
      %sign3A_396 = arith.extui %sign3A_395 : i1 to i32
      %sign3A_397 = arith.subi %sign3A_393, %sign3A_396 : i32
      %ne3A_398 = arith.cmpi ne, %sign3A_390, %sign3A_397 : i32
      %rem3A_399 = arith.remsi %sub3A_381, %jit3A_382 : i32
      %ne3A_400 = arith.constant 0 : i32
      %ne3A_401 = arith.cmpi ne, %rem3A_399, %ne3A_400 : i32
      %and3A_402 = arith.andi %ne3A_398, %ne3A_401 : i1
      %sub3A_403 = arith.constant 1 : i32
      %sub3A_404 = arith.subi %div3A_383, %sub3A_403 : i32
      %select_n3A_405 = arith.select %and3A_402, %sub3A_404, %div3A_383 : i32
      %jit3A_406 = arith.constant 8 : i32
      %eq3A_407 = arith.constant 0 : i32
      %eq3A_408 = arith.cmpi eq, %jit3A_406, %eq3A_407 : i32
      %jit3A_409 = arith.constant 1 : i32
      %select_n3A_410 = arith.select %eq3A_408, %jit3A_409, %jit3A_406 : i32
      %rem3A_411 = arith.remsi %sub3A_381, %select_n3A_410 : i32
      %ne3A_412 = arith.constant 0 : i32
      %ne3A_413 = arith.cmpi ne, %rem3A_411, %ne3A_412 : i32
      %lt3A_414 = arith.constant 0 : i32
      %lt3A_415 = arith.cmpi slt, %rem3A_411, %lt3A_414 : i32
      %lt3A_416 = arith.constant 0 : i32
      %lt3A_417 = arith.cmpi slt, %select_n3A_410, %lt3A_416 : i32
      %ne3A_418 = arith.xori %lt3A_415, %lt3A_417 : i1
      %and3A_419 = arith.andi %ne3A_418, %ne3A_413 : i1
      %add3A_420 = arith.addi %rem3A_411, %select_n3A_410 : i32
      %select_n3A_421 = arith.select %and3A_419, %add3A_420, %rem3A_411 : i32
      %add3A_422 = arith.addi %mul3A_2, %select_n3A_421 : i32
      %mul3A_423 = arith.constant 32 : i32
      %mul3A_424 = arith.muli %select_n3A_405, %mul3A_423 : i32
      %dma_wait3A_425 = arith.constant 0 : i32
      %dma_wait3A_426 = tpu.memref_slice %arg4[%add3A_422, %mul3A_424, %dma_wait3A_425] : memref<256x576x768xf32, #tpu.memory_space<hbm>> -> memref<1x32x768xf32, #tpu.memory_space<hbm>>
      %dma_wait3A_427 = tpu.memref_squeeze %dma_wait3A_426 : memref<1x32x768xf32, #tpu.memory_space<hbm>> -> memref<32x768xf32, #tpu.memory_space<hbm>>
      %dma_wait3A_428 = arith.constant 0 : i32
      %dma_wait3A_429 = tpu.memref_slice %arg4[%add3A_422, %mul3A_424, %dma_wait3A_428] : memref<256x576x768xf32, #tpu.memory_space<hbm>> -> memref<1x32x768xf32, #tpu.memory_space<hbm>>
      %dma_wait3A_430 = tpu.memref_squeeze %dma_wait3A_429 : memref<1x32x768xf32, #tpu.memory_space<hbm>> -> memref<32x768xf32, #tpu.memory_space<hbm>>
      tpu.wait_dma2 semaphore(%arg14 : memref<!tpu.dma_semaphore, #tpu.memory_space<semaphore_mem>>) src(%arg6 : memref<32x768xf32, #tpu.memory_space<vmem>>) dst(%dma_wait3A_430 : memref<32x768xf32, #tpu.memory_space<hbm>>)
      %lt3A_431 = arith.constant 35 : i32
      %lt3A_432 = arith.cmpi slt, %scan3A_46, %lt3A_431 : i32
      %convert_element_type3A_433 = arith.extui %lt3A_432 : i1 to i32
      %cond3A_434 = arith.constant 0 : i32
      %cond3A_435 = arith.cmpi ne, %convert_element_type3A_433, %cond3A_434 : i32
      scf.if %cond3A_435 {
        %add3A_698 = arith.constant 2 : i32
        %add3A_699 = arith.addi %add3A_379, %add3A_698 : i32
        %jit3A_700 = arith.constant 8 : i32
        %div3A_701 = arith.divsi %add3A_699, %jit3A_700 : i32
        %sign3A_702 = arith.constant 0 : i32
        %sign3A_703 = arith.cmpi sgt, %add3A_699, %sign3A_702 : i32
        %sign3A_704 = arith.extui %sign3A_703 : i1 to i32
        %sign3A_705 = arith.constant 0 : i32
        %sign3A_706 = arith.cmpi slt, %add3A_699, %sign3A_705 : i32
        %sign3A_707 = arith.extui %sign3A_706 : i1 to i32
        %sign3A_708 = arith.subi %sign3A_704, %sign3A_707 : i32
        %sign3A_709 = arith.constant 0 : i32
        %sign3A_710 = arith.cmpi sgt, %jit3A_700, %sign3A_709 : i32
        %sign3A_711 = arith.extui %sign3A_710 : i1 to i32
        %sign3A_712 = arith.constant 0 : i32
        %sign3A_713 = arith.cmpi slt, %jit3A_700, %sign3A_712 : i32
        %sign3A_714 = arith.extui %sign3A_713 : i1 to i32
        %sign3A_715 = arith.subi %sign3A_711, %sign3A_714 : i32
        %ne3A_716 = arith.cmpi ne, %sign3A_708, %sign3A_715 : i32
        %rem3A_717 = arith.remsi %add3A_699, %jit3A_700 : i32
        %ne3A_718 = arith.constant 0 : i32
        %ne3A_719 = arith.cmpi ne, %rem3A_717, %ne3A_718 : i32
        %and3A_720 = arith.andi %ne3A_716, %ne3A_719 : i1
        %sub3A_721 = arith.constant 1 : i32
        %sub3A_722 = arith.subi %div3A_701, %sub3A_721 : i32
        %select_n3A_723 = arith.select %and3A_720, %sub3A_722, %div3A_701 : i32
        %jit3A_724 = arith.constant 8 : i32
        %eq3A_725 = arith.constant 0 : i32
        %eq3A_726 = arith.cmpi eq, %jit3A_724, %eq3A_725 : i32
        %jit3A_727 = arith.constant 1 : i32
        %select_n3A_728 = arith.select %eq3A_726, %jit3A_727, %jit3A_724 : i32
        %rem3A_729 = arith.remsi %add3A_699, %select_n3A_728 : i32
        %ne3A_730 = arith.constant 0 : i32
        %ne3A_731 = arith.cmpi ne, %rem3A_729, %ne3A_730 : i32
        %lt3A_732 = arith.constant 0 : i32
        %lt3A_733 = arith.cmpi slt, %rem3A_729, %lt3A_732 : i32
        %lt3A_734 = arith.constant 0 : i32
        %lt3A_735 = arith.cmpi slt, %select_n3A_728, %lt3A_734 : i32
        %ne3A_736 = arith.xori %lt3A_733, %lt3A_735 : i1
        %and3A_737 = arith.andi %ne3A_736, %ne3A_731 : i1
        %add3A_738 = arith.addi %rem3A_729, %select_n3A_728 : i32
        %select_n3A_739 = arith.select %and3A_737, %add3A_738, %rem3A_729 : i32
        %add3A_740 = arith.addi %mul3A_2, %select_n3A_739 : i32
        %mul3A_741 = arith.constant 32 : i32
        %mul3A_742 = arith.muli %select_n3A_723, %mul3A_741 : i32
        %dma_start3A_743 = arith.constant 0 : i32
        %dma_start3A_744 = tpu.memref_slice %arg2[%add3A_740, %mul3A_742, %dma_start3A_743] : memref<256x576x768xf32, #tpu.memory_space<hbm>> -> memref<1x32x768xf32, #tpu.memory_space<hbm>>
        %dma_start3A_745 = tpu.memref_squeeze %dma_start3A_744 : memref<1x32x768xf32, #tpu.memory_space<hbm>> -> memref<32x768xf32, #tpu.memory_space<hbm>>
        %dma_start3A_746 = arith.constant 0 : i32
        %dma_start3A_747 = tpu.memref_slice %arg2[%add3A_740, %mul3A_742, %dma_start3A_746] : memref<256x576x768xf32, #tpu.memory_space<hbm>> -> memref<1x32x768xf32, #tpu.memory_space<hbm>>
        %dma_start3A_748 = tpu.memref_squeeze %dma_start3A_747 : memref<1x32x768xf32, #tpu.memory_space<hbm>> -> memref<32x768xf32, #tpu.memory_space<hbm>>
        tpu.enqueue_dma source(%dma_start3A_748 : memref<32x768xf32, #tpu.memory_space<hbm>>) target(%arg6 : memref<32x768xf32, #tpu.memory_space<vmem>>) target_semaphore(%arg10 : memref<!tpu.dma_semaphore, #tpu.memory_space<semaphore_mem>>)
      } else {
      }
      %jit3A_436 = arith.constant 8 : i32
      %div3A_437 = arith.divsi %add3A_379, %jit3A_436 : i32
      %sign3A_438 = arith.constant 0 : i32
      %sign3A_439 = arith.cmpi sgt, %add3A_379, %sign3A_438 : i32
      %sign3A_440 = arith.extui %sign3A_439 : i1 to i32
      %sign3A_441 = arith.constant 0 : i32
      %sign3A_442 = arith.cmpi slt, %add3A_379, %sign3A_441 : i32
      %sign3A_443 = arith.extui %sign3A_442 : i1 to i32
      %sign3A_444 = arith.subi %sign3A_440, %sign3A_443 : i32
      %sign3A_445 = arith.constant 0 : i32
      %sign3A_446 = arith.cmpi sgt, %jit3A_436, %sign3A_445 : i32
      %sign3A_447 = arith.extui %sign3A_446 : i1 to i32
      %sign3A_448 = arith.constant 0 : i32
      %sign3A_449 = arith.cmpi slt, %jit3A_436, %sign3A_448 : i32
      %sign3A_450 = arith.extui %sign3A_449 : i1 to i32
      %sign3A_451 = arith.subi %sign3A_447, %sign3A_450 : i32
      %ne3A_452 = arith.cmpi ne, %sign3A_444, %sign3A_451 : i32
      %rem3A_453 = arith.remsi %add3A_379, %jit3A_436 : i32
      %ne3A_454 = arith.constant 0 : i32
      %ne3A_455 = arith.cmpi ne, %rem3A_453, %ne3A_454 : i32
      %and3A_456 = arith.andi %ne3A_452, %ne3A_455 : i1
      %sub3A_457 = arith.constant 1 : i32
      %sub3A_458 = arith.subi %div3A_437, %sub3A_457 : i32
      %select_n3A_459 = arith.select %and3A_456, %sub3A_458, %div3A_437 : i32
      %jit3A_460 = arith.constant 8 : i32
      %eq3A_461 = arith.constant 0 : i32
      %eq3A_462 = arith.cmpi eq, %jit3A_460, %eq3A_461 : i32
      %jit3A_463 = arith.constant 1 : i32
      %select_n3A_464 = arith.select %eq3A_462, %jit3A_463, %jit3A_460 : i32
      %rem3A_465 = arith.remsi %add3A_379, %select_n3A_464 : i32
      %ne3A_466 = arith.constant 0 : i32
      %ne3A_467 = arith.cmpi ne, %rem3A_465, %ne3A_466 : i32
      %lt3A_468 = arith.constant 0 : i32
      %lt3A_469 = arith.cmpi slt, %rem3A_465, %lt3A_468 : i32
      %lt3A_470 = arith.constant 0 : i32
      %lt3A_471 = arith.cmpi slt, %select_n3A_464, %lt3A_470 : i32
      %ne3A_472 = arith.xori %lt3A_469, %lt3A_471 : i1
      %and3A_473 = arith.andi %ne3A_472, %ne3A_467 : i1
      %add3A_474 = arith.addi %rem3A_465, %select_n3A_464 : i32
      %select_n3A_475 = arith.select %and3A_473, %add3A_474, %rem3A_465 : i32
      %add3A_476 = arith.addi %mul3A_2, %select_n3A_475 : i32
      %mul3A_477 = arith.constant 32 : i32
      %mul3A_478 = arith.muli %select_n3A_459, %mul3A_477 : i32
      %dma_wait3A_479 = arith.constant 0 : i32
      %dma_wait3A_480 = tpu.memref_slice %arg2[%add3A_476, %mul3A_478, %dma_wait3A_479] : memref<256x576x768xf32, #tpu.memory_space<hbm>> -> memref<1x32x768xf32, #tpu.memory_space<hbm>>
      %dma_wait3A_481 = tpu.memref_squeeze %dma_wait3A_480 : memref<1x32x768xf32, #tpu.memory_space<hbm>> -> memref<32x768xf32, #tpu.memory_space<hbm>>
      %dma_wait3A_482 = arith.constant 0 : i32
      %dma_wait3A_483 = tpu.memref_slice %arg2[%add3A_476, %mul3A_478, %dma_wait3A_482] : memref<256x576x768xf32, #tpu.memory_space<hbm>> -> memref<1x32x768xf32, #tpu.memory_space<hbm>>
      %dma_wait3A_484 = tpu.memref_squeeze %dma_wait3A_483 : memref<1x32x768xf32, #tpu.memory_space<hbm>> -> memref<32x768xf32, #tpu.memory_space<hbm>>
      tpu.wait_dma2 semaphore(%arg12 : memref<!tpu.dma_semaphore, #tpu.memory_space<semaphore_mem>>) src(%dma_wait3A_484 : memref<32x768xf32, #tpu.memory_space<hbm>>) dst(%arg8 : memref<32x768xf32, #tpu.memory_space<vmem>>)
      %parallel_loop3A_485 = arith.constant 0 : i32
      %parallel_loop3A_486 = arith.constant 32 : i32
      %parallel_loop3A_487 = arith.constant 1 : i32
      scf.for %parallel_loop3A_698 = %parallel_loop3A_485 to %parallel_loop3A_486 step %parallel_loop3A_487  : i32 {
        %parallel_loop3A_699 = arith.index_cast %parallel_loop3A_698 : i32 to index
        %parallel_loop3A_700 = arith.constant 0 : index
        %parallel_loop3A_701 = tpu.vector_load %arg5[%parallel_loop3A_699, %parallel_loop3A_700] {strides = array<i32>} : memref<32x768xf32, #tpu.memory_space<vmem>>, vector<1x16xf32>,
        %parallel_loop3A_702 = vector.shape_cast %parallel_loop3A_701 : vector<1x16xf32> to vector<16xf32>
        %parallel_loop3A_703 = arith.index_cast %parallel_loop3A_698 : i32 to index
        %parallel_loop3A_704 = arith.constant 0 : index
        %parallel_loop3A_705 = tpu.vector_load %arg8[%parallel_loop3A_703, %parallel_loop3A_704] {strides = array<i32>} : memref<32x768xf32, #tpu.memory_space<vmem>>, vector<1x16xf32>,
        %parallel_loop3A_706 = vector.shape_cast %parallel_loop3A_705 : vector<1x16xf32> to vector<16xf32>
        %parallel_loop3A_707 = vector.shape_cast %parallel_loop3A_702 : vector<16xf32> to vector<1x16xf32>
        tpu.vector_store %arg8[%parallel_loop3A_703, %parallel_loop3A_704], %parallel_loop3A_707 {add = true, strides = array<i32>} : memref<32x768xf32, #tpu.memory_space<vmem>>, vector<1x16xf32>,
        %parallel_loop3A_708 = arith.index_cast %parallel_loop3A_698 : i32 to index
        %parallel_loop3A_709 = arith.constant 16 : index
        %parallel_loop3A_710 = tpu.vector_load %arg5[%parallel_loop3A_708, %parallel_loop3A_709] {strides = array<i32>} : memref<32x768xf32, #tpu.memory_space<vmem>>, vector<1x16xf32>,
        %parallel_loop3A_711 = vector.shape_cast %parallel_loop3A_710 : vector<1x16xf32> to vector<16xf32>
        %parallel_loop3A_712 = arith.index_cast %parallel_loop3A_698 : i32 to index
        %parallel_loop3A_713 = arith.constant 16 : index
        %parallel_loop3A_714 = tpu.vector_load %arg8[%parallel_loop3A_712, %parallel_loop3A_713] {strides = array<i32>} : memref<32x768xf32, #tpu.memory_space<vmem>>, vector<1x16xf32>,
        %parallel_loop3A_715 = vector.shape_cast %parallel_loop3A_714 : vector<1x16xf32> to vector<16xf32>
        %parallel_loop3A_716 = vector.shape_cast %parallel_loop3A_711 : vector<16xf32> to vector<1x16xf32>
        tpu.vector_store %arg8[%parallel_loop3A_712, %parallel_loop3A_713], %parallel_loop3A_716 {add = true, strides = array<i32>} : memref<32x768xf32, #tpu.memory_space<vmem>>, vector<1x16xf32>,
        %parallel_loop3A_717 = arith.index_cast %parallel_loop3A_698 : i32 to index
        %parallel_loop3A_718 = arith.constant 32 : index
        %parallel_loop3A_719 = tpu.vector_load %arg5[%parallel_loop3A_717, %parallel_loop3A_718] {strides = array<i32>} : memref<32x768xf32, #tpu.memory_space<vmem>>, vector<1x16xf32>,
        %parallel_loop3A_720 = vector.shape_cast %parallel_loop3A_719 : vector<1x16xf32> to vector<16xf32>
        %parallel_loop3A_721 = arith.index_cast %parallel_loop3A_698 : i32 to index
        %parallel_loop3A_722 = arith.constant 32 : index
        %parallel_loop3A_723 = tpu.vector_load %arg8[%parallel_loop3A_721, %parallel_loop3A_722] {strides = array<i32>} : memref<32x768xf32, #tpu.memory_space<vmem>>, vector<1x16xf32>,
        %parallel_loop3A_724 = vector.shape_cast %parallel_loop3A_723 : vector<1x16xf32> to vector<16xf32>
        %parallel_loop3A_725 = vector.shape_cast %parallel_loop3A_720 : vector<16xf32> to vector<1x16xf32>
        tpu.vector_store %arg8[%parallel_loop3A_721, %parallel_loop3A_722], %parallel_loop3A_725 {add = true, strides = array<i32>} : memref<32x768xf32, #tpu.memory_space<vmem>>, vector<1x16xf32>,
        %parallel_loop3A_726 = arith.index_cast %parallel_loop3A_698 : i32 to index
        %parallel_loop3A_727 = arith.constant 48 : index
        %parallel_loop3A_728 = tpu.vector_load %arg5[%parallel_loop3A_726, %parallel_loop3A_727] {strides = array<i32>} : memref<32x768xf32, #tpu.memory_space<vmem>>, vector<1x16xf32>,
        %parallel_loop3A_729 = vector.shape_cast %parallel_loop3A_728 : vector<1x16xf32> to vector<16xf32>
        %parallel_loop3A_730 = arith.index_cast %parallel_loop3A_698 : i32 to index
        %parallel_loop3A_731 = arith.constant 48 : index
        %parallel_loop3A_732 = tpu.vector_load %arg8[%parallel_loop3A_730, %parallel_loop3A_731] {strides = array<i32>} : memref<32x768xf32, #tpu.memory_space<vmem>>, vector<1x16xf32>,
        %parallel_loop3A_733 = vector.shape_cast %parallel_loop3A_732 : vector<1x16xf32> to vector<16xf32>
        %parallel_loop3A_734 = vector.shape_cast %parallel_loop3A_729 : vector<16xf32> to vector<1x16xf32>
        tpu.vector_store %arg8[%parallel_loop3A_730, %parallel_loop3A_731], %parallel_loop3A_734 {add = true, strides = array<i32>} : memref<32x768xf32, #tpu.memory_space<vmem>>, vector<1x16xf32>,
        %parallel_loop3A_735 = arith.index_cast %parallel_loop3A_698 : i32 to index
        %parallel_loop3A_736 = arith.constant 64 : index
        %parallel_loop3A_737 = tpu.vector_load %arg5[%parallel_loop3A_735, %parallel_loop3A_736] {strides = array<i32>} : memref<32x768xf32, #tpu.memory_space<vmem>>, vector<1x16xf32>,
        %parallel_loop3A_738 = vector.shape_cast %parallel_loop3A_737 : vector<1x16xf32> to vector<16xf32>
        %parallel_loop3A_739 = arith.index_cast %parallel_loop3A_698 : i32 to index
        %parallel_loop3A_740 = arith.constant 64 : index
        %parallel_loop3A_741 = tpu.vector_load %arg8[%parallel_loop3A_739, %parallel_loop3A_740] {strides = array<i32>} : memref<32x768xf32, #tpu.memory_space<vmem>>, vector<1x16xf32>,
        %parallel_loop3A_742 = vector.shape_cast %parallel_loop3A_741 : vector<1x16xf32> to vector<16xf32>
        %parallel_loop3A_743 = vector.shape_cast %parallel_loop3A_738 : vector<16xf32> to vector<1x16xf32>
        tpu.vector_store %arg8[%parallel_loop3A_739, %parallel_loop3A_740], %parallel_loop3A_743 {add = true, strides = array<i32>} : memref<32x768xf32, #tpu.memory_space<vmem>>, vector<1x16xf32>,
        %parallel_loop3A_744 = arith.index_cast %parallel_loop3A_698 : i32 to index
        %parallel_loop3A_745 = arith.constant 80 : index
        %parallel_loop3A_746 = tpu.vector_load %arg5[%parallel_loop3A_744, %parallel_loop3A_745] {strides = array<i32>} : memref<32x768xf32, #tpu.memory_space<vmem>>, vector<1x16xf32>,
        %parallel_loop3A_747 = vector.shape_cast %parallel_loop3A_746 : vector<1x16xf32> to vector<16xf32>
        %parallel_loop3A_748 = arith.index_cast %parallel_loop3A_698 : i32 to index
        %parallel_loop3A_749 = arith.constant 80 : index
        %parallel_loop3A_750 = tpu.vector_load %arg8[%parallel_loop3A_748, %parallel_loop3A_749] {strides = array<i32>} : memref<32x768xf32, #tpu.memory_space<vmem>>, vector<1x16xf32>,
        %parallel_loop3A_751 = vector.shape_cast %parallel_loop3A_750 : vector<1x16xf32> to vector<16xf32>
        %parallel_loop3A_752 = vector.shape_cast %parallel_loop3A_747 : vector<16xf32> to vector<1x16xf32>
        tpu.vector_store %arg8[%parallel_loop3A_748, %parallel_loop3A_749], %parallel_loop3A_752 {add = true, strides = array<i32>} : memref<32x768xf32, #tpu.memory_space<vmem>>, vector<1x16xf32>,
        %parallel_loop3A_753 = arith.index_cast %parallel_loop3A_698 : i32 to index
        %parallel_loop3A_754 = arith.constant 96 : index
        %parallel_loop3A_755 = tpu.vector_load %arg5[%parallel_loop3A_753, %parallel_loop3A_754] {strides = array<i32>} : memref<32x768xf32, #tpu.memory_space<vmem>>, vector<1x16xf32>,
        %parallel_loop3A_756 = vector.shape_cast %parallel_loop3A_755 : vector<1x16xf32> to vector<16xf32>
        %parallel_loop3A_757 = arith.index_cast %parallel_loop3A_698 : i32 to index
        %parallel_loop3A_758 = arith.constant 96 : index
        %parallel_loop3A_759 = tpu.vector_load %arg8[%parallel_loop3A_757, %parallel_loop3A_758] {strides = array<i32>} : memref<32x768xf32, #tpu.memory_space<vmem>>, vector<1x16xf32>,
        %parallel_loop3A_760 = vector.shape_cast %parallel_loop3A_759 : vector<1x16xf32> to vector<16xf32>
        %parallel_loop3A_761 = vector.shape_cast %parallel_loop3A_756 : vector<16xf32> to vector<1x16xf32>
        tpu.vector_store %arg8[%parallel_loop3A_757, %parallel_loop3A_758], %parallel_loop3A_761 {add = true, strides = array<i32>} : memref<32x768xf32, #tpu.memory_space<vmem>>, vector<1x16xf32>,
        %parallel_loop3A_762 = arith.index_cast %parallel_loop3A_698 : i32 to index
        %parallel_loop3A_763 = arith.constant 112 : index
        %parallel_loop3A_764 = tpu.vector_load %arg5[%parallel_loop3A_762, %parallel_loop3A_763] {strides = array<i32>} : memref<32x768xf32, #tpu.memory_space<vmem>>, vector<1x16xf32>,
        %parallel_loop3A_765 = vector.shape_cast %parallel_loop3A_764 : vector<1x16xf32> to vector<16xf32>
        %parallel_loop3A_766 = arith.index_cast %parallel_loop3A_698 : i32 to index
        %parallel_loop3A_767 = arith.constant 112 : index
        %parallel_loop3A_768 = tpu.vector_load %arg8[%parallel_loop3A_766, %parallel_loop3A_767] {strides = array<i32>} : memref<32x768xf32, #tpu.memory_space<vmem>>, vector<1x16xf32>,
        %parallel_loop3A_769 = vector.shape_cast %parallel_loop3A_768 : vector<1x16xf32> to vector<16xf32>
        %parallel_loop3A_770 = vector.shape_cast %parallel_loop3A_765 : vector<16xf32> to vector<1x16xf32>
        tpu.vector_store %arg8[%parallel_loop3A_766, %parallel_loop3A_767], %parallel_loop3A_770 {add = true, strides = array<i32>} : memref<32x768xf32, #tpu.memory_space<vmem>>, vector<1x16xf32>,
        %parallel_loop3A_771 = arith.index_cast %parallel_loop3A_698 : i32 to index
        %parallel_loop3A_772 = arith.constant 128 : index
        %parallel_loop3A_773 = tpu.vector_load %arg5[%parallel_loop3A_771, %parallel_loop3A_772] {strides = array<i32>} : memref<32x768xf32, #tpu.memory_space<vmem>>, vector<1x16xf32>,
        %parallel_loop3A_774 = vector.shape_cast %parallel_loop3A_773 : vector<1x16xf32> to vector<16xf32>
        %parallel_loop3A_775 = arith.index_cast %parallel_loop3A_698 : i32 to index
        %parallel_loop3A_776 = arith.constant 128 : index
        %parallel_loop3A_777 = tpu.vector_load %arg8[%parallel_loop3A_775, %parallel_loop3A_776] {strides = array<i32>} : memref<32x768xf32, #tpu.memory_space<vmem>>, vector<1x16xf32>,
        %parallel_loop3A_778 = vector.shape_cast %parallel_loop3A_777 : vector<1x16xf32> to vector<16xf32>
        %parallel_loop3A_779 = vector.shape_cast %parallel_loop3A_774 : vector<16xf32> to vector<1x16xf32>
        tpu.vector_store %arg8[%parallel_loop3A_775, %parallel_loop3A_776], %parallel_loop3A_779 {add = true, strides = array<i32>} : memref<32x768xf32, #tpu.memory_space<vmem>>, vector<1x16xf32>,
        %parallel_loop3A_780 = arith.index_cast %parallel_loop3A_698 : i32 to index
        %parallel_loop3A_781 = arith.constant 144 : index
        %parallel_loop3A_782 = tpu.vector_load %arg5[%parallel_loop3A_780, %parallel_loop3A_781] {strides = array<i32>} : memref<32x768xf32, #tpu.memory_space<vmem>>, vector<1x16xf32>,
        %parallel_loop3A_783 = vector.shape_cast %parallel_loop3A_782 : vector<1x16xf32> to vector<16xf32>
        %parallel_loop3A_784 = arith.index_cast %parallel_loop3A_698 : i32 to index
        %parallel_loop3A_785 = arith.constant 144 : index
        %parallel_loop3A_786 = tpu.vector_load %arg8[%parallel_loop3A_784, %parallel_loop3A_785] {strides = array<i32>} : memref<32x768xf32, #tpu.memory_space<vmem>>, vector<1x16xf32>,
        %parallel_loop3A_787 = vector.shape_cast %parallel_loop3A_786 : vector<1x16xf32> to vector<16xf32>
        %parallel_loop3A_788 = vector.shape_cast %parallel_loop3A_783 : vector<16xf32> to vector<1x16xf32>
        tpu.vector_store %arg8[%parallel_loop3A_784, %parallel_loop3A_785], %parallel_loop3A_788 {add = true, strides = array<i32>} : memref<32x768xf32, #tpu.memory_space<vmem>>, vector<1x16xf32>,
        %parallel_loop3A_789 = arith.index_cast %parallel_loop3A_698 : i32 to index
        %parallel_loop3A_790 = arith.constant 160 : index
        %parallel_loop3A_791 = tpu.vector_load %arg5[%parallel_loop3A_789, %parallel_loop3A_790] {strides = array<i32>} : memref<32x768xf32, #tpu.memory_space<vmem>>, vector<1x16xf32>,
        %parallel_loop3A_792 = vector.shape_cast %parallel_loop3A_791 : vector<1x16xf32> to vector<16xf32>
        %parallel_loop3A_793 = arith.index_cast %parallel_loop3A_698 : i32 to index
        %parallel_loop3A_794 = arith.constant 160 : index
        %parallel_loop3A_795 = tpu.vector_load %arg8[%parallel_loop3A_793, %parallel_loop3A_794] {strides = array<i32>} : memref<32x768xf32, #tpu.memory_space<vmem>>, vector<1x16xf32>,
        %parallel_loop3A_796 = vector.shape_cast %parallel_loop3A_795 : vector<1x16xf32> to vector<16xf32>
        %parallel_loop3A_797 = vector.shape_cast %parallel_loop3A_792 : vector<16xf32> to vector<1x16xf32>
        tpu.vector_store %arg8[%parallel_loop3A_793, %parallel_loop3A_794], %parallel_loop3A_797 {add = true, strides = array<i32>} : memref<32x768xf32, #tpu.memory_space<vmem>>, vector<1x16xf32>,
        %parallel_loop3A_798 = arith.index_cast %parallel_loop3A_698 : i32 to index
        %parallel_loop3A_799 = arith.constant 176 : index
        %parallel_loop3A_800 = tpu.vector_load %arg5[%parallel_loop3A_798, %parallel_loop3A_799] {strides = array<i32>} : memref<32x768xf32, #tpu.memory_space<vmem>>, vector<1x16xf32>,
        %parallel_loop3A_801 = vector.shape_cast %parallel_loop3A_800 : vector<1x16xf32> to vector<16xf32>
        %parallel_loop3A_802 = arith.index_cast %parallel_loop3A_698 : i32 to index
        %parallel_loop3A_803 = arith.constant 176 : index
        %parallel_loop3A_804 = tpu.vector_load %arg8[%parallel_loop3A_802, %parallel_loop3A_803] {strides = array<i32>} : memref<32x768xf32, #tpu.memory_space<vmem>>, vector<1x16xf32>,
        %parallel_loop3A_805 = vector.shape_cast %parallel_loop3A_804 : vector<1x16xf32> to vector<16xf32>
        %parallel_loop3A_806 = vector.shape_cast %parallel_loop3A_801 : vector<16xf32> to vector<1x16xf32>
        tpu.vector_store %arg8[%parallel_loop3A_802, %parallel_loop3A_803], %parallel_loop3A_806 {add = true, strides = array<i32>} : memref<32x768xf32, #tpu.memory_space<vmem>>, vector<1x16xf32>,
        %parallel_loop3A_807 = arith.index_cast %parallel_loop3A_698 : i32 to index
        %parallel_loop3A_808 = arith.constant 192 : index
        %parallel_loop3A_809 = tpu.vector_load %arg5[%parallel_loop3A_807, %parallel_loop3A_808] {strides = array<i32>} : memref<32x768xf32, #tpu.memory_space<vmem>>, vector<1x16xf32>,
        %parallel_loop3A_810 = vector.shape_cast %parallel_loop3A_809 : vector<1x16xf32> to vector<16xf32>
        %parallel_loop3A_811 = arith.index_cast %parallel_loop3A_698 : i32 to index
        %parallel_loop3A_812 = arith.constant 192 : index
        %parallel_loop3A_813 = tpu.vector_load %arg8[%parallel_loop3A_811, %parallel_loop3A_812] {strides = array<i32>} : memref<32x768xf32, #tpu.memory_space<vmem>>, vector<1x16xf32>,
        %parallel_loop3A_814 = vector.shape_cast %parallel_loop3A_813 : vector<1x16xf32> to vector<16xf32>
        %parallel_loop3A_815 = vector.shape_cast %parallel_loop3A_810 : vector<16xf32> to vector<1x16xf32>
        tpu.vector_store %arg8[%parallel_loop3A_811, %parallel_loop3A_812], %parallel_loop3A_815 {add = true, strides = array<i32>} : memref<32x768xf32, #tpu.memory_space<vmem>>, vector<1x16xf32>,
        %parallel_loop3A_816 = arith.index_cast %parallel_loop3A_698 : i32 to index
        %parallel_loop3A_817 = arith.constant 208 : index
        %parallel_loop3A_818 = tpu.vector_load %arg5[%parallel_loop3A_816, %parallel_loop3A_817] {strides = array<i32>} : memref<32x768xf32, #tpu.memory_space<vmem>>, vector<1x16xf32>,
        %parallel_loop3A_819 = vector.shape_cast %parallel_loop3A_818 : vector<1x16xf32> to vector<16xf32>
        %parallel_loop3A_820 = arith.index_cast %parallel_loop3A_698 : i32 to index
        %parallel_loop3A_821 = arith.constant 208 : index
        %parallel_loop3A_822 = tpu.vector_load %arg8[%parallel_loop3A_820, %parallel_loop3A_821] {strides = array<i32>} : memref<32x768xf32, #tpu.memory_space<vmem>>, vector<1x16xf32>,
        %parallel_loop3A_823 = vector.shape_cast %parallel_loop3A_822 : vector<1x16xf32> to vector<16xf32>
        %parallel_loop3A_824 = vector.shape_cast %parallel_loop3A_819 : vector<16xf32> to vector<1x16xf32>
        tpu.vector_store %arg8[%parallel_loop3A_820, %parallel_loop3A_821], %parallel_loop3A_824 {add = true, strides = array<i32>} : memref<32x768xf32, #tpu.memory_space<vmem>>, vector<1x16xf32>,
        %parallel_loop3A_825 = arith.index_cast %parallel_loop3A_698 : i32 to index
        %parallel_loop3A_826 = arith.constant 224 : index
        %parallel_loop3A_827 = tpu.vector_load %arg5[%parallel_loop3A_825, %parallel_loop3A_826] {strides = array<i32>} : memref<32x768xf32, #tpu.memory_space<vmem>>, vector<1x16xf32>,
        %parallel_loop3A_828 = vector.shape_cast %parallel_loop3A_827 : vector<1x16xf32> to vector<16xf32>
        %parallel_loop3A_829 = arith.index_cast %parallel_loop3A_698 : i32 to index
        %parallel_loop3A_830 = arith.constant 224 : index
        %parallel_loop3A_831 = tpu.vector_load %arg8[%parallel_loop3A_829, %parallel_loop3A_830] {strides = array<i32>} : memref<32x768xf32, #tpu.memory_space<vmem>>, vector<1x16xf32>,
        %parallel_loop3A_832 = vector.shape_cast %parallel_loop3A_831 : vector<1x16xf32> to vector<16xf32>
        %parallel_loop3A_833 = vector.shape_cast %parallel_loop3A_828 : vector<16xf32> to vector<1x16xf32>
        tpu.vector_store %arg8[%parallel_loop3A_829, %parallel_loop3A_830], %parallel_loop3A_833 {add = true, strides = array<i32>} : memref<32x768xf32, #tpu.memory_space<vmem>>, vector<1x16xf32>,
        %parallel_loop3A_834 = arith.index_cast %parallel_loop3A_698 : i32 to index
        %parallel_loop3A_835 = arith.constant 240 : index
        %parallel_loop3A_836 = tpu.vector_load %arg5[%parallel_loop3A_834, %parallel_loop3A_835] {strides = array<i32>} : memref<32x768xf32, #tpu.memory_space<vmem>>, vector<1x16xf32>,
        %parallel_loop3A_837 = vector.shape_cast %parallel_loop3A_836 : vector<1x16xf32> to vector<16xf32>
        %parallel_loop3A_838 = arith.index_cast %parallel_loop3A_698 : i32 to index
        %parallel_loop3A_839 = arith.constant 240 : index
        %parallel_loop3A_840 = tpu.vector_load %arg8[%parallel_loop3A_838, %parallel_loop3A_839] {strides = array<i32>} : memref<32x768xf32, #tpu.memory_space<vmem>>, vector<1x16xf32>,
        %parallel_loop3A_841 = vector.shape_cast %parallel_loop3A_840 : vector<1x16xf32> to vector<16xf32>
        %parallel_loop3A_842 = vector.shape_cast %parallel_loop3A_837 : vector<16xf32> to vector<1x16xf32>
        tpu.vector_store %arg8[%parallel_loop3A_838, %parallel_loop3A_839], %parallel_loop3A_842 {add = true, strides = array<i32>} : memref<32x768xf32, #tpu.memory_space<vmem>>, vector<1x16xf32>,
        %parallel_loop3A_843 = arith.index_cast %parallel_loop3A_698 : i32 to index
        %parallel_loop3A_844 = arith.constant 256 : index
        %parallel_loop3A_845 = tpu.vector_load %arg5[%parallel_loop3A_843, %parallel_loop3A_844] {strides = array<i32>} : memref<32x768xf32, #tpu.memory_space<vmem>>, vector<1x16xf32>,
        %parallel_loop3A_846 = vector.shape_cast %parallel_loop3A_845 : vector<1x16xf32> to vector<16xf32>
        %parallel_loop3A_847 = arith.index_cast %parallel_loop3A_698 : i32 to index
        %parallel_loop3A_848 = arith.constant 256 : index
        %parallel_loop3A_849 = tpu.vector_load %arg8[%parallel_loop3A_847, %parallel_loop3A_848] {strides = array<i32>} : memref<32x768xf32, #tpu.memory_space<vmem>>, vector<1x16xf32>,
        %parallel_loop3A_850 = vector.shape_cast %parallel_loop3A_849 : vector<1x16xf32> to vector<16xf32>
        %parallel_loop3A_851 = vector.shape_cast %parallel_loop3A_846 : vector<16xf32> to vector<1x16xf32>
        tpu.vector_store %arg8[%parallel_loop3A_847, %parallel_loop3A_848], %parallel_loop3A_851 {add = true, strides = array<i32>} : memref<32x768xf32, #tpu.memory_space<vmem>>, vector<1x16xf32>,
        %parallel_loop3A_852 = arith.index_cast %parallel_loop3A_698 : i32 to index
        %parallel_loop3A_853 = arith.constant 272 : index
        %parallel_loop3A_854 = tpu.vector_load %arg5[%parallel_loop3A_852, %parallel_loop3A_853] {strides = array<i32>} : memref<32x768xf32, #tpu.memory_space<vmem>>, vector<1x16xf32>,
        %parallel_loop3A_855 = vector.shape_cast %parallel_loop3A_854 : vector<1x16xf32> to vector<16xf32>
        %parallel_loop3A_856 = arith.index_cast %parallel_loop3A_698 : i32 to index
        %parallel_loop3A_857 = arith.constant 272 : index
        %parallel_loop3A_858 = tpu.vector_load %arg8[%parallel_loop3A_856, %parallel_loop3A_857] {strides = array<i32>} : memref<32x768xf32, #tpu.memory_space<vmem>>, vector<1x16xf32>,
        %parallel_loop3A_859 = vector.shape_cast %parallel_loop3A_858 : vector<1x16xf32> to vector<16xf32>
        %parallel_loop3A_860 = vector.shape_cast %parallel_loop3A_855 : vector<16xf32> to vector<1x16xf32>
        tpu.vector_store %arg8[%parallel_loop3A_856, %parallel_loop3A_857], %parallel_loop3A_860 {add = true, strides = array<i32>} : memref<32x768xf32, #tpu.memory_space<vmem>>, vector<1x16xf32>,
        %parallel_loop3A_861 = arith.index_cast %parallel_loop3A_698 : i32 to index
        %parallel_loop3A_862 = arith.constant 288 : index
        %parallel_loop3A_863 = tpu.vector_load %arg5[%parallel_loop3A_861, %parallel_loop3A_862] {strides = array<i32>} : memref<32x768xf32, #tpu.memory_space<vmem>>, vector<1x16xf32>,
        %parallel_loop3A_864 = vector.shape_cast %parallel_loop3A_863 : vector<1x16xf32> to vector<16xf32>
        %parallel_loop3A_865 = arith.index_cast %parallel_loop3A_698 : i32 to index
        %parallel_loop3A_866 = arith.constant 288 : index
        %parallel_loop3A_867 = tpu.vector_load %arg8[%parallel_loop3A_865, %parallel_loop3A_866] {strides = array<i32>} : memref<32x768xf32, #tpu.memory_space<vmem>>, vector<1x16xf32>,
        %parallel_loop3A_868 = vector.shape_cast %parallel_loop3A_867 : vector<1x16xf32> to vector<16xf32>
        %parallel_loop3A_869 = vector.shape_cast %parallel_loop3A_864 : vector<16xf32> to vector<1x16xf32>
        tpu.vector_store %arg8[%parallel_loop3A_865, %parallel_loop3A_866], %parallel_loop3A_869 {add = true, strides = array<i32>} : memref<32x768xf32, #tpu.memory_space<vmem>>, vector<1x16xf32>,
        %parallel_loop3A_870 = arith.index_cast %parallel_loop3A_698 : i32 to index
        %parallel_loop3A_871 = arith.constant 304 : index
        %parallel_loop3A_872 = tpu.vector_load %arg5[%parallel_loop3A_870, %parallel_loop3A_871] {strides = array<i32>} : memref<32x768xf32, #tpu.memory_space<vmem>>, vector<1x16xf32>,
        %parallel_loop3A_873 = vector.shape_cast %parallel_loop3A_872 : vector<1x16xf32> to vector<16xf32>
        %parallel_loop3A_874 = arith.index_cast %parallel_loop3A_698 : i32 to index
        %parallel_loop3A_875 = arith.constant 304 : index
        %parallel_loop3A_876 = tpu.vector_load %arg8[%parallel_loop3A_874, %parallel_loop3A_875] {strides = array<i32>} : memref<32x768xf32, #tpu.memory_space<vmem>>, vector<1x16xf32>,
        %parallel_loop3A_877 = vector.shape_cast %parallel_loop3A_876 : vector<1x16xf32> to vector<16xf32>
        %parallel_loop3A_878 = vector.shape_cast %parallel_loop3A_873 : vector<16xf32> to vector<1x16xf32>
        tpu.vector_store %arg8[%parallel_loop3A_874, %parallel_loop3A_875], %parallel_loop3A_878 {add = true, strides = array<i32>} : memref<32x768xf32, #tpu.memory_space<vmem>>, vector<1x16xf32>,
        %parallel_loop3A_879 = arith.index_cast %parallel_loop3A_698 : i32 to index
        %parallel_loop3A_880 = arith.constant 320 : index
        %parallel_loop3A_881 = tpu.vector_load %arg5[%parallel_loop3A_879, %parallel_loop3A_880] {strides = array<i32>} : memref<32x768xf32, #tpu.memory_space<vmem>>, vector<1x16xf32>,
        %parallel_loop3A_882 = vector.shape_cast %parallel_loop3A_881 : vector<1x16xf32> to vector<16xf32>
        %parallel_loop3A_883 = arith.index_cast %parallel_loop3A_698 : i32 to index
        %parallel_loop3A_884 = arith.constant 320 : index
        %parallel_loop3A_885 = tpu.vector_load %arg8[%parallel_loop3A_883, %parallel_loop3A_884] {strides = array<i32>} : memref<32x768xf32, #tpu.memory_space<vmem>>, vector<1x16xf32>,
        %parallel_loop3A_886 = vector.shape_cast %parallel_loop3A_885 : vector<1x16xf32> to vector<16xf32>
        %parallel_loop3A_887 = vector.shape_cast %parallel_loop3A_882 : vector<16xf32> to vector<1x16xf32>
        tpu.vector_store %arg8[%parallel_loop3A_883, %parallel_loop3A_884], %parallel_loop3A_887 {add = true, strides = array<i32>} : memref<32x768xf32, #tpu.memory_space<vmem>>, vector<1x16xf32>,
        %parallel_loop3A_888 = arith.index_cast %parallel_loop3A_698 : i32 to index
        %parallel_loop3A_889 = arith.constant 336 : index
        %parallel_loop3A_890 = tpu.vector_load %arg5[%parallel_loop3A_888, %parallel_loop3A_889] {strides = array<i32>} : memref<32x768xf32, #tpu.memory_space<vmem>>, vector<1x16xf32>,
        %parallel_loop3A_891 = vector.shape_cast %parallel_loop3A_890 : vector<1x16xf32> to vector<16xf32>
        %parallel_loop3A_892 = arith.index_cast %parallel_loop3A_698 : i32 to index
        %parallel_loop3A_893 = arith.constant 336 : index
        %parallel_loop3A_894 = tpu.vector_load %arg8[%parallel_loop3A_892, %parallel_loop3A_893] {strides = array<i32>} : memref<32x768xf32, #tpu.memory_space<vmem>>, vector<1x16xf32>,
        %parallel_loop3A_895 = vector.shape_cast %parallel_loop3A_894 : vector<1x16xf32> to vector<16xf32>
        %parallel_loop3A_896 = vector.shape_cast %parallel_loop3A_891 : vector<16xf32> to vector<1x16xf32>
        tpu.vector_store %arg8[%parallel_loop3A_892, %parallel_loop3A_893], %parallel_loop3A_896 {add = true, strides = array<i32>} : memref<32x768xf32, #tpu.memory_space<vmem>>, vector<1x16xf32>,
        %parallel_loop3A_897 = arith.index_cast %parallel_loop3A_698 : i32 to index
        %parallel_loop3A_898 = arith.constant 352 : index
        %parallel_loop3A_899 = tpu.vector_load %arg5[%parallel_loop3A_897, %parallel_loop3A_898] {strides = array<i32>} : memref<32x768xf32, #tpu.memory_space<vmem>>, vector<1x16xf32>,
        %parallel_loop3A_900 = vector.shape_cast %parallel_loop3A_899 : vector<1x16xf32> to vector<16xf32>
        %parallel_loop3A_901 = arith.index_cast %parallel_loop3A_698 : i32 to index
        %parallel_loop3A_902 = arith.constant 352 : index
        %parallel_loop3A_903 = tpu.vector_load %arg8[%parallel_loop3A_901, %parallel_loop3A_902] {strides = array<i32>} : memref<32x768xf32, #tpu.memory_space<vmem>>, vector<1x16xf32>,
        %parallel_loop3A_904 = vector.shape_cast %parallel_loop3A_903 : vector<1x16xf32> to vector<16xf32>
        %parallel_loop3A_905 = vector.shape_cast %parallel_loop3A_900 : vector<16xf32> to vector<1x16xf32>
        tpu.vector_store %arg8[%parallel_loop3A_901, %parallel_loop3A_902], %parallel_loop3A_905 {add = true, strides = array<i32>} : memref<32x768xf32, #tpu.memory_space<vmem>>, vector<1x16xf32>,
        %parallel_loop3A_906 = arith.index_cast %parallel_loop3A_698 : i32 to index
        %parallel_loop3A_907 = arith.constant 368 : index
        %parallel_loop3A_908 = tpu.vector_load %arg5[%parallel_loop3A_906, %parallel_loop3A_907] {strides = array<i32>} : memref<32x768xf32, #tpu.memory_space<vmem>>, vector<1x16xf32>,
        %parallel_loop3A_909 = vector.shape_cast %parallel_loop3A_908 : vector<1x16xf32> to vector<16xf32>
        %parallel_loop3A_910 = arith.index_cast %parallel_loop3A_698 : i32 to index
        %parallel_loop3A_911 = arith.constant 368 : index
        %parallel_loop3A_912 = tpu.vector_load %arg8[%parallel_loop3A_910, %parallel_loop3A_911] {strides = array<i32>} : memref<32x768xf32, #tpu.memory_space<vmem>>, vector<1x16xf32>,
        %parallel_loop3A_913 = vector.shape_cast %parallel_loop3A_912 : vector<1x16xf32> to vector<16xf32>
        %parallel_loop3A_914 = vector.shape_cast %parallel_loop3A_909 : vector<16xf32> to vector<1x16xf32>
        tpu.vector_store %arg8[%parallel_loop3A_910, %parallel_loop3A_911], %parallel_loop3A_914 {add = true, strides = array<i32>} : memref<32x768xf32, #tpu.memory_space<vmem>>, vector<1x16xf32>,
        %parallel_loop3A_915 = arith.index_cast %parallel_loop3A_698 : i32 to index
        %parallel_loop3A_916 = arith.constant 384 : index
        %parallel_loop3A_917 = tpu.vector_load %arg5[%parallel_loop3A_915, %parallel_loop3A_916] {strides = array<i32>} : memref<32x768xf32, #tpu.memory_space<vmem>>, vector<1x16xf32>,
        %parallel_loop3A_918 = vector.shape_cast %parallel_loop3A_917 : vector<1x16xf32> to vector<16xf32>
        %parallel_loop3A_919 = arith.index_cast %parallel_loop3A_698 : i32 to index
        %parallel_loop3A_920 = arith.constant 384 : index
        %parallel_loop3A_921 = tpu.vector_load %arg8[%parallel_loop3A_919, %parallel_loop3A_920] {strides = array<i32>} : memref<32x768xf32, #tpu.memory_space<vmem>>, vector<1x16xf32>,
        %parallel_loop3A_922 = vector.shape_cast %parallel_loop3A_921 : vector<1x16xf32> to vector<16xf32>
        %parallel_loop3A_923 = vector.shape_cast %parallel_loop3A_918 : vector<16xf32> to vector<1x16xf32>
        tpu.vector_store %arg8[%parallel_loop3A_919, %parallel_loop3A_920], %parallel_loop3A_923 {add = true, strides = array<i32>} : memref<32x768xf32, #tpu.memory_space<vmem>>, vector<1x16xf32>,
        %parallel_loop3A_924 = arith.index_cast %parallel_loop3A_698 : i32 to index
        %parallel_loop3A_925 = arith.constant 400 : index
        %parallel_loop3A_926 = tpu.vector_load %arg5[%parallel_loop3A_924, %parallel_loop3A_925] {strides = array<i32>} : memref<32x768xf32, #tpu.memory_space<vmem>>, vector<1x16xf32>,
        %parallel_loop3A_927 = vector.shape_cast %parallel_loop3A_926 : vector<1x16xf32> to vector<16xf32>
        %parallel_loop3A_928 = arith.index_cast %parallel_loop3A_698 : i32 to index
        %parallel_loop3A_929 = arith.constant 400 : index
        %parallel_loop3A_930 = tpu.vector_load %arg8[%parallel_loop3A_928, %parallel_loop3A_929] {strides = array<i32>} : memref<32x768xf32, #tpu.memory_space<vmem>>, vector<1x16xf32>,
        %parallel_loop3A_931 = vector.shape_cast %parallel_loop3A_930 : vector<1x16xf32> to vector<16xf32>
        %parallel_loop3A_932 = vector.shape_cast %parallel_loop3A_927 : vector<16xf32> to vector<1x16xf32>
        tpu.vector_store %arg8[%parallel_loop3A_928, %parallel_loop3A_929], %parallel_loop3A_932 {add = true, strides = array<i32>} : memref<32x768xf32, #tpu.memory_space<vmem>>, vector<1x16xf32>,
        %parallel_loop3A_933 = arith.index_cast %parallel_loop3A_698 : i32 to index
        %parallel_loop3A_934 = arith.constant 416 : index
        %parallel_loop3A_935 = tpu.vector_load %arg5[%parallel_loop3A_933, %parallel_loop3A_934] {strides = array<i32>} : memref<32x768xf32, #tpu.memory_space<vmem>>, vector<1x16xf32>,
        %parallel_loop3A_936 = vector.shape_cast %parallel_loop3A_935 : vector<1x16xf32> to vector<16xf32>
        %parallel_loop3A_937 = arith.index_cast %parallel_loop3A_698 : i32 to index
        %parallel_loop3A_938 = arith.constant 416 : index
        %parallel_loop3A_939 = tpu.vector_load %arg8[%parallel_loop3A_937, %parallel_loop3A_938] {strides = array<i32>} : memref<32x768xf32, #tpu.memory_space<vmem>>, vector<1x16xf32>,
        %parallel_loop3A_940 = vector.shape_cast %parallel_loop3A_939 : vector<1x16xf32> to vector<16xf32>
        %parallel_loop3A_941 = vector.shape_cast %parallel_loop3A_936 : vector<16xf32> to vector<1x16xf32>
        tpu.vector_store %arg8[%parallel_loop3A_937, %parallel_loop3A_938], %parallel_loop3A_941 {add = true, strides = array<i32>} : memref<32x768xf32, #tpu.memory_space<vmem>>, vector<1x16xf32>,
        %parallel_loop3A_942 = arith.index_cast %parallel_loop3A_698 : i32 to index
        %parallel_loop3A_943 = arith.constant 432 : index
        %parallel_loop3A_944 = tpu.vector_load %arg5[%parallel_loop3A_942, %parallel_loop3A_943] {strides = array<i32>} : memref<32x768xf32, #tpu.memory_space<vmem>>, vector<1x16xf32>,
        %parallel_loop3A_945 = vector.shape_cast %parallel_loop3A_944 : vector<1x16xf32> to vector<16xf32>
        %parallel_loop3A_946 = arith.index_cast %parallel_loop3A_698 : i32 to index
        %parallel_loop3A_947 = arith.constant 432 : index
        %parallel_loop3A_948 = tpu.vector_load %arg8[%parallel_loop3A_946, %parallel_loop3A_947] {strides = array<i32>} : memref<32x768xf32, #tpu.memory_space<vmem>>, vector<1x16xf32>,
        %parallel_loop3A_949 = vector.shape_cast %parallel_loop3A_948 : vector<1x16xf32> to vector<16xf32>
        %parallel_loop3A_950 = vector.shape_cast %parallel_loop3A_945 : vector<16xf32> to vector<1x16xf32>
        tpu.vector_store %arg8[%parallel_loop3A_946, %parallel_loop3A_947], %parallel_loop3A_950 {add = true, strides = array<i32>} : memref<32x768xf32, #tpu.memory_space<vmem>>, vector<1x16xf32>,
        %parallel_loop3A_951 = arith.index_cast %parallel_loop3A_698 : i32 to index
        %parallel_loop3A_952 = arith.constant 448 : index
        %parallel_loop3A_953 = tpu.vector_load %arg5[%parallel_loop3A_951, %parallel_loop3A_952] {strides = array<i32>} : memref<32x768xf32, #tpu.memory_space<vmem>>, vector<1x16xf32>,
        %parallel_loop3A_954 = vector.shape_cast %parallel_loop3A_953 : vector<1x16xf32> to vector<16xf32>
        %parallel_loop3A_955 = arith.index_cast %parallel_loop3A_698 : i32 to index
        %parallel_loop3A_956 = arith.constant 448 : index
        %parallel_loop3A_957 = tpu.vector_load %arg8[%parallel_loop3A_955, %parallel_loop3A_956] {strides = array<i32>} : memref<32x768xf32, #tpu.memory_space<vmem>>, vector<1x16xf32>,
        %parallel_loop3A_958 = vector.shape_cast %parallel_loop3A_957 : vector<1x16xf32> to vector<16xf32>
        %parallel_loop3A_959 = vector.shape_cast %parallel_loop3A_954 : vector<16xf32> to vector<1x16xf32>
        tpu.vector_store %arg8[%parallel_loop3A_955, %parallel_loop3A_956], %parallel_loop3A_959 {add = true, strides = array<i32>} : memref<32x768xf32, #tpu.memory_space<vmem>>, vector<1x16xf32>,
        %parallel_loop3A_960 = arith.index_cast %parallel_loop3A_698 : i32 to index
        %parallel_loop3A_961 = arith.constant 464 : index
        %parallel_loop3A_962 = tpu.vector_load %arg5[%parallel_loop3A_960, %parallel_loop3A_961] {strides = array<i32>} : memref<32x768xf32, #tpu.memory_space<vmem>>, vector<1x16xf32>,
        %parallel_loop3A_963 = vector.shape_cast %parallel_loop3A_962 : vector<1x16xf32> to vector<16xf32>
        %parallel_loop3A_964 = arith.index_cast %parallel_loop3A_698 : i32 to index
        %parallel_loop3A_965 = arith.constant 464 : index
        %parallel_loop3A_966 = tpu.vector_load %arg8[%parallel_loop3A_964, %parallel_loop3A_965] {strides = array<i32>} : memref<32x768xf32, #tpu.memory_space<vmem>>, vector<1x16xf32>,
        %parallel_loop3A_967 = vector.shape_cast %parallel_loop3A_966 : vector<1x16xf32> to vector<16xf32>
        %parallel_loop3A_968 = vector.shape_cast %parallel_loop3A_963 : vector<16xf32> to vector<1x16xf32>
        tpu.vector_store %arg8[%parallel_loop3A_964, %parallel_loop3A_965], %parallel_loop3A_968 {add = true, strides = array<i32>} : memref<32x768xf32, #tpu.memory_space<vmem>>, vector<1x16xf32>,
        %parallel_loop3A_969 = arith.index_cast %parallel_loop3A_698 : i32 to index
        %parallel_loop3A_970 = arith.constant 480 : index
        %parallel_loop3A_971 = tpu.vector_load %arg5[%parallel_loop3A_969, %parallel_loop3A_970] {strides = array<i32>} : memref<32x768xf32, #tpu.memory_space<vmem>>, vector<1x16xf32>,
        %parallel_loop3A_972 = vector.shape_cast %parallel_loop3A_971 : vector<1x16xf32> to vector<16xf32>
        %parallel_loop3A_973 = arith.index_cast %parallel_loop3A_698 : i32 to index
        %parallel_loop3A_974 = arith.constant 480 : index
        %parallel_loop3A_975 = tpu.vector_load %arg8[%parallel_loop3A_973, %parallel_loop3A_974] {strides = array<i32>} : memref<32x768xf32, #tpu.memory_space<vmem>>, vector<1x16xf32>,
        %parallel_loop3A_976 = vector.shape_cast %parallel_loop3A_975 : vector<1x16xf32> to vector<16xf32>
        %parallel_loop3A_977 = vector.shape_cast %parallel_loop3A_972 : vector<16xf32> to vector<1x16xf32>
        tpu.vector_store %arg8[%parallel_loop3A_973, %parallel_loop3A_974], %parallel_loop3A_977 {add = true, strides = array<i32>} : memref<32x768xf32, #tpu.memory_space<vmem>>, vector<1x16xf32>,
        %parallel_loop3A_978 = arith.index_cast %parallel_loop3A_698 : i32 to index
        %parallel_loop3A_979 = arith.constant 496 : index
        %parallel_loop3A_980 = tpu.vector_load %arg5[%parallel_loop3A_978, %parallel_loop3A_979] {strides = array<i32>} : memref<32x768xf32, #tpu.memory_space<vmem>>, vector<1x16xf32>,
        %parallel_loop3A_981 = vector.shape_cast %parallel_loop3A_980 : vector<1x16xf32> to vector<16xf32>
        %parallel_loop3A_982 = arith.index_cast %parallel_loop3A_698 : i32 to index
        %parallel_loop3A_983 = arith.constant 496 : index
        %parallel_loop3A_984 = tpu.vector_load %arg8[%parallel_loop3A_982, %parallel_loop3A_983] {strides = array<i32>} : memref<32x768xf32, #tpu.memory_space<vmem>>, vector<1x16xf32>,
        %parallel_loop3A_985 = vector.shape_cast %parallel_loop3A_984 : vector<1x16xf32> to vector<16xf32>
        %parallel_loop3A_986 = vector.shape_cast %parallel_loop3A_981 : vector<16xf32> to vector<1x16xf32>
        tpu.vector_store %arg8[%parallel_loop3A_982, %parallel_loop3A_983], %parallel_loop3A_986 {add = true, strides = array<i32>} : memref<32x768xf32, #tpu.memory_space<vmem>>, vector<1x16xf32>,
        %parallel_loop3A_987 = arith.index_cast %parallel_loop3A_698 : i32 to index
        %parallel_loop3A_988 = arith.constant 512 : index
        %parallel_loop3A_989 = tpu.vector_load %arg5[%parallel_loop3A_987, %parallel_loop3A_988] {strides = array<i32>} : memref<32x768xf32, #tpu.memory_space<vmem>>, vector<1x16xf32>,
        %parallel_loop3A_990 = vector.shape_cast %parallel_loop3A_989 : vector<1x16xf32> to vector<16xf32>
        %parallel_loop3A_991 = arith.index_cast %parallel_loop3A_698 : i32 to index
        %parallel_loop3A_992 = arith.constant 512 : index
        %parallel_loop3A_993 = tpu.vector_load %arg8[%parallel_loop3A_991, %parallel_loop3A_992] {strides = array<i32>} : memref<32x768xf32, #tpu.memory_space<vmem>>, vector<1x16xf32>,
        %parallel_loop3A_994 = vector.shape_cast %parallel_loop3A_993 : vector<1x16xf32> to vector<16xf32>
        %parallel_loop3A_995 = vector.shape_cast %parallel_loop3A_990 : vector<16xf32> to vector<1x16xf32>
        tpu.vector_store %arg8[%parallel_loop3A_991, %parallel_loop3A_992], %parallel_loop3A_995 {add = true, strides = array<i32>} : memref<32x768xf32, #tpu.memory_space<vmem>>, vector<1x16xf32>,
        %parallel_loop3A_996 = arith.index_cast %parallel_loop3A_698 : i32 to index
        %parallel_loop3A_997 = arith.constant 528 : index
        %parallel_loop3A_998 = tpu.vector_load %arg5[%parallel_loop3A_996, %parallel_loop3A_997] {strides = array<i32>} : memref<32x768xf32, #tpu.memory_space<vmem>>, vector<1x16xf32>,
        %parallel_loop3A_999 = vector.shape_cast %parallel_loop3A_998 : vector<1x16xf32> to vector<16xf32>
        %parallel_loop3A_1000 = arith.index_cast %parallel_loop3A_698 : i32 to index
        %parallel_loop3A_1001 = arith.constant 528 : index
        %parallel_loop3A_1002 = tpu.vector_load %arg8[%parallel_loop3A_1000, %parallel_loop3A_1001] {strides = array<i32>} : memref<32x768xf32, #tpu.memory_space<vmem>>, vector<1x16xf32>,
        %parallel_loop3A_1003 = vector.shape_cast %parallel_loop3A_1002 : vector<1x16xf32> to vector<16xf32>
        %parallel_loop3A_1004 = vector.shape_cast %parallel_loop3A_999 : vector<16xf32> to vector<1x16xf32>
        tpu.vector_store %arg8[%parallel_loop3A_1000, %parallel_loop3A_1001], %parallel_loop3A_1004 {add = true, strides = array<i32>} : memref<32x768xf32, #tpu.memory_space<vmem>>, vector<1x16xf32>,
        %parallel_loop3A_1005 = arith.index_cast %parallel_loop3A_698 : i32 to index
        %parallel_loop3A_1006 = arith.constant 544 : index
        %parallel_loop3A_1007 = tpu.vector_load %arg5[%parallel_loop3A_1005, %parallel_loop3A_1006] {strides = array<i32>} : memref<32x768xf32, #tpu.memory_space<vmem>>, vector<1x16xf32>,
        %parallel_loop3A_1008 = vector.shape_cast %parallel_loop3A_1007 : vector<1x16xf32> to vector<16xf32>
        %parallel_loop3A_1009 = arith.index_cast %parallel_loop3A_698 : i32 to index
        %parallel_loop3A_1010 = arith.constant 544 : index
        %parallel_loop3A_1011 = tpu.vector_load %arg8[%parallel_loop3A_1009, %parallel_loop3A_1010] {strides = array<i32>} : memref<32x768xf32, #tpu.memory_space<vmem>>, vector<1x16xf32>,
        %parallel_loop3A_1012 = vector.shape_cast %parallel_loop3A_1011 : vector<1x16xf32> to vector<16xf32>
        %parallel_loop3A_1013 = vector.shape_cast %parallel_loop3A_1008 : vector<16xf32> to vector<1x16xf32>
        tpu.vector_store %arg8[%parallel_loop3A_1009, %parallel_loop3A_1010], %parallel_loop3A_1013 {add = true, strides = array<i32>} : memref<32x768xf32, #tpu.memory_space<vmem>>, vector<1x16xf32>,
        %parallel_loop3A_1014 = arith.index_cast %parallel_loop3A_698 : i32 to index
        %parallel_loop3A_1015 = arith.constant 560 : index
        %parallel_loop3A_1016 = tpu.vector_load %arg5[%parallel_loop3A_1014, %parallel_loop3A_1015] {strides = array<i32>} : memref<32x768xf32, #tpu.memory_space<vmem>>, vector<1x16xf32>,
        %parallel_loop3A_1017 = vector.shape_cast %parallel_loop3A_1016 : vector<1x16xf32> to vector<16xf32>
        %parallel_loop3A_1018 = arith.index_cast %parallel_loop3A_698 : i32 to index
        %parallel_loop3A_1019 = arith.constant 560 : index
        %parallel_loop3A_1020 = tpu.vector_load %arg8[%parallel_loop3A_1018, %parallel_loop3A_1019] {strides = array<i32>} : memref<32x768xf32, #tpu.memory_space<vmem>>, vector<1x16xf32>,
        %parallel_loop3A_1021 = vector.shape_cast %parallel_loop3A_1020 : vector<1x16xf32> to vector<16xf32>
        %parallel_loop3A_1022 = vector.shape_cast %parallel_loop3A_1017 : vector<16xf32> to vector<1x16xf32>
        tpu.vector_store %arg8[%parallel_loop3A_1018, %parallel_loop3A_1019], %parallel_loop3A_1022 {add = true, strides = array<i32>} : memref<32x768xf32, #tpu.memory_space<vmem>>, vector<1x16xf32>,
        %parallel_loop3A_1023 = arith.index_cast %parallel_loop3A_698 : i32 to index
        %parallel_loop3A_1024 = arith.constant 576 : index
        %parallel_loop3A_1025 = tpu.vector_load %arg5[%parallel_loop3A_1023, %parallel_loop3A_1024] {strides = array<i32>} : memref<32x768xf32, #tpu.memory_space<vmem>>, vector<1x16xf32>,
        %parallel_loop3A_1026 = vector.shape_cast %parallel_loop3A_1025 : vector<1x16xf32> to vector<16xf32>
        %parallel_loop3A_1027 = arith.index_cast %parallel_loop3A_698 : i32 to index
        %parallel_loop3A_1028 = arith.constant 576 : index
        %parallel_loop3A_1029 = tpu.vector_load %arg8[%parallel_loop3A_1027, %parallel_loop3A_1028] {strides = array<i32>} : memref<32x768xf32, #tpu.memory_space<vmem>>, vector<1x16xf32>,
        %parallel_loop3A_1030 = vector.shape_cast %parallel_loop3A_1029 : vector<1x16xf32> to vector<16xf32>
        %parallel_loop3A_1031 = vector.shape_cast %parallel_loop3A_1026 : vector<16xf32> to vector<1x16xf32>
        tpu.vector_store %arg8[%parallel_loop3A_1027, %parallel_loop3A_1028], %parallel_loop3A_1031 {add = true, strides = array<i32>} : memref<32x768xf32, #tpu.memory_space<vmem>>, vector<1x16xf32>,
        %parallel_loop3A_1032 = arith.index_cast %parallel_loop3A_698 : i32 to index
        %parallel_loop3A_1033 = arith.constant 592 : index
        %parallel_loop3A_1034 = tpu.vector_load %arg5[%parallel_loop3A_1032, %parallel_loop3A_1033] {strides = array<i32>} : memref<32x768xf32, #tpu.memory_space<vmem>>, vector<1x16xf32>,
        %parallel_loop3A_1035 = vector.shape_cast %parallel_loop3A_1034 : vector<1x16xf32> to vector<16xf32>
        %parallel_loop3A_1036 = arith.index_cast %parallel_loop3A_698 : i32 to index
        %parallel_loop3A_1037 = arith.constant 592 : index
        %parallel_loop3A_1038 = tpu.vector_load %arg8[%parallel_loop3A_1036, %parallel_loop3A_1037] {strides = array<i32>} : memref<32x768xf32, #tpu.memory_space<vmem>>, vector<1x16xf32>,
        %parallel_loop3A_1039 = vector.shape_cast %parallel_loop3A_1038 : vector<1x16xf32> to vector<16xf32>
        %parallel_loop3A_1040 = vector.shape_cast %parallel_loop3A_1035 : vector<16xf32> to vector<1x16xf32>
        tpu.vector_store %arg8[%parallel_loop3A_1036, %parallel_loop3A_1037], %parallel_loop3A_1040 {add = true, strides = array<i32>} : memref<32x768xf32, #tpu.memory_space<vmem>>, vector<1x16xf32>,
        %parallel_loop3A_1041 = arith.index_cast %parallel_loop3A_698 : i32 to index
        %parallel_loop3A_1042 = arith.constant 608 : index
        %parallel_loop3A_1043 = tpu.vector_load %arg5[%parallel_loop3A_1041, %parallel_loop3A_1042] {strides = array<i32>} : memref<32x768xf32, #tpu.memory_space<vmem>>, vector<1x16xf32>,
        %parallel_loop3A_1044 = vector.shape_cast %parallel_loop3A_1043 : vector<1x16xf32> to vector<16xf32>
        %parallel_loop3A_1045 = arith.index_cast %parallel_loop3A_698 : i32 to index
        %parallel_loop3A_1046 = arith.constant 608 : index
        %parallel_loop3A_1047 = tpu.vector_load %arg8[%parallel_loop3A_1045, %parallel_loop3A_1046] {strides = array<i32>} : memref<32x768xf32, #tpu.memory_space<vmem>>, vector<1x16xf32>,
        %parallel_loop3A_1048 = vector.shape_cast %parallel_loop3A_1047 : vector<1x16xf32> to vector<16xf32>
        %parallel_loop3A_1049 = vector.shape_cast %parallel_loop3A_1044 : vector<16xf32> to vector<1x16xf32>
        tpu.vector_store %arg8[%parallel_loop3A_1045, %parallel_loop3A_1046], %parallel_loop3A_1049 {add = true, strides = array<i32>} : memref<32x768xf32, #tpu.memory_space<vmem>>, vector<1x16xf32>,
        %parallel_loop3A_1050 = arith.index_cast %parallel_loop3A_698 : i32 to index
        %parallel_loop3A_1051 = arith.constant 624 : index
        %parallel_loop3A_1052 = tpu.vector_load %arg5[%parallel_loop3A_1050, %parallel_loop3A_1051] {strides = array<i32>} : memref<32x768xf32, #tpu.memory_space<vmem>>, vector<1x16xf32>,
        %parallel_loop3A_1053 = vector.shape_cast %parallel_loop3A_1052 : vector<1x16xf32> to vector<16xf32>
        %parallel_loop3A_1054 = arith.index_cast %parallel_loop3A_698 : i32 to index
        %parallel_loop3A_1055 = arith.constant 624 : index
        %parallel_loop3A_1056 = tpu.vector_load %arg8[%parallel_loop3A_1054, %parallel_loop3A_1055] {strides = array<i32>} : memref<32x768xf32, #tpu.memory_space<vmem>>, vector<1x16xf32>,
        %parallel_loop3A_1057 = vector.shape_cast %parallel_loop3A_1056 : vector<1x16xf32> to vector<16xf32>
        %parallel_loop3A_1058 = vector.shape_cast %parallel_loop3A_1053 : vector<16xf32> to vector<1x16xf32>
        tpu.vector_store %arg8[%parallel_loop3A_1054, %parallel_loop3A_1055], %parallel_loop3A_1058 {add = true, strides = array<i32>} : memref<32x768xf32, #tpu.memory_space<vmem>>, vector<1x16xf32>,
        %parallel_loop3A_1059 = arith.index_cast %parallel_loop3A_698 : i32 to index
        %parallel_loop3A_1060 = arith.constant 640 : index
        %parallel_loop3A_1061 = tpu.vector_load %arg5[%parallel_loop3A_1059, %parallel_loop3A_1060] {strides = array<i32>} : memref<32x768xf32, #tpu.memory_space<vmem>>, vector<1x16xf32>,
        %parallel_loop3A_1062 = vector.shape_cast %parallel_loop3A_1061 : vector<1x16xf32> to vector<16xf32>
        %parallel_loop3A_1063 = arith.index_cast %parallel_loop3A_698 : i32 to index
        %parallel_loop3A_1064 = arith.constant 640 : index
        %parallel_loop3A_1065 = tpu.vector_load %arg8[%parallel_loop3A_1063, %parallel_loop3A_1064] {strides = array<i32>} : memref<32x768xf32, #tpu.memory_space<vmem>>, vector<1x16xf32>,
        %parallel_loop3A_1066 = vector.shape_cast %parallel_loop3A_1065 : vector<1x16xf32> to vector<16xf32>
        %parallel_loop3A_1067 = vector.shape_cast %parallel_loop3A_1062 : vector<16xf32> to vector<1x16xf32>
        tpu.vector_store %arg8[%parallel_loop3A_1063, %parallel_loop3A_1064], %parallel_loop3A_1067 {add = true, strides = array<i32>} : memref<32x768xf32, #tpu.memory_space<vmem>>, vector<1x16xf32>,
        %parallel_loop3A_1068 = arith.index_cast %parallel_loop3A_698 : i32 to index
        %parallel_loop3A_1069 = arith.constant 656 : index
        %parallel_loop3A_1070 = tpu.vector_load %arg5[%parallel_loop3A_1068, %parallel_loop3A_1069] {strides = array<i32>} : memref<32x768xf32, #tpu.memory_space<vmem>>, vector<1x16xf32>,
        %parallel_loop3A_1071 = vector.shape_cast %parallel_loop3A_1070 : vector<1x16xf32> to vector<16xf32>
        %parallel_loop3A_1072 = arith.index_cast %parallel_loop3A_698 : i32 to index
        %parallel_loop3A_1073 = arith.constant 656 : index
        %parallel_loop3A_1074 = tpu.vector_load %arg8[%parallel_loop3A_1072, %parallel_loop3A_1073] {strides = array<i32>} : memref<32x768xf32, #tpu.memory_space<vmem>>, vector<1x16xf32>,
        %parallel_loop3A_1075 = vector.shape_cast %parallel_loop3A_1074 : vector<1x16xf32> to vector<16xf32>
        %parallel_loop3A_1076 = vector.shape_cast %parallel_loop3A_1071 : vector<16xf32> to vector<1x16xf32>
        tpu.vector_store %arg8[%parallel_loop3A_1072, %parallel_loop3A_1073], %parallel_loop3A_1076 {add = true, strides = array<i32>} : memref<32x768xf32, #tpu.memory_space<vmem>>, vector<1x16xf32>,
        %parallel_loop3A_1077 = arith.index_cast %parallel_loop3A_698 : i32 to index
        %parallel_loop3A_1078 = arith.constant 672 : index
        %parallel_loop3A_1079 = tpu.vector_load %arg5[%parallel_loop3A_1077, %parallel_loop3A_1078] {strides = array<i32>} : memref<32x768xf32, #tpu.memory_space<vmem>>, vector<1x16xf32>,
        %parallel_loop3A_1080 = vector.shape_cast %parallel_loop3A_1079 : vector<1x16xf32> to vector<16xf32>
        %parallel_loop3A_1081 = arith.index_cast %parallel_loop3A_698 : i32 to index
        %parallel_loop3A_1082 = arith.constant 672 : index
        %parallel_loop3A_1083 = tpu.vector_load %arg8[%parallel_loop3A_1081, %parallel_loop3A_1082] {strides = array<i32>} : memref<32x768xf32, #tpu.memory_space<vmem>>, vector<1x16xf32>,
        %parallel_loop3A_1084 = vector.shape_cast %parallel_loop3A_1083 : vector<1x16xf32> to vector<16xf32>
        %parallel_loop3A_1085 = vector.shape_cast %parallel_loop3A_1080 : vector<16xf32> to vector<1x16xf32>
        tpu.vector_store %arg8[%parallel_loop3A_1081, %parallel_loop3A_1082], %parallel_loop3A_1085 {add = true, strides = array<i32>} : memref<32x768xf32, #tpu.memory_space<vmem>>, vector<1x16xf32>,
        %parallel_loop3A_1086 = arith.index_cast %parallel_loop3A_698 : i32 to index
        %parallel_loop3A_1087 = arith.constant 688 : index
        %parallel_loop3A_1088 = tpu.vector_load %arg5[%parallel_loop3A_1086, %parallel_loop3A_1087] {strides = array<i32>} : memref<32x768xf32, #tpu.memory_space<vmem>>, vector<1x16xf32>,
        %parallel_loop3A_1089 = vector.shape_cast %parallel_loop3A_1088 : vector<1x16xf32> to vector<16xf32>
        %parallel_loop3A_1090 = arith.index_cast %parallel_loop3A_698 : i32 to index
        %parallel_loop3A_1091 = arith.constant 688 : index
        %parallel_loop3A_1092 = tpu.vector_load %arg8[%parallel_loop3A_1090, %parallel_loop3A_1091] {strides = array<i32>} : memref<32x768xf32, #tpu.memory_space<vmem>>, vector<1x16xf32>,
        %parallel_loop3A_1093 = vector.shape_cast %parallel_loop3A_1092 : vector<1x16xf32> to vector<16xf32>
        %parallel_loop3A_1094 = vector.shape_cast %parallel_loop3A_1089 : vector<16xf32> to vector<1x16xf32>
        tpu.vector_store %arg8[%parallel_loop3A_1090, %parallel_loop3A_1091], %parallel_loop3A_1094 {add = true, strides = array<i32>} : memref<32x768xf32, #tpu.memory_space<vmem>>, vector<1x16xf32>,
        %parallel_loop3A_1095 = arith.index_cast %parallel_loop3A_698 : i32 to index
        %parallel_loop3A_1096 = arith.constant 704 : index
        %parallel_loop3A_1097 = tpu.vector_load %arg5[%parallel_loop3A_1095, %parallel_loop3A_1096] {strides = array<i32>} : memref<32x768xf32, #tpu.memory_space<vmem>>, vector<1x16xf32>,
        %parallel_loop3A_1098 = vector.shape_cast %parallel_loop3A_1097 : vector<1x16xf32> to vector<16xf32>
        %parallel_loop3A_1099 = arith.index_cast %parallel_loop3A_698 : i32 to index
        %parallel_loop3A_1100 = arith.constant 704 : index
        %parallel_loop3A_1101 = tpu.vector_load %arg8[%parallel_loop3A_1099, %parallel_loop3A_1100] {strides = array<i32>} : memref<32x768xf32, #tpu.memory_space<vmem>>, vector<1x16xf32>,
        %parallel_loop3A_1102 = vector.shape_cast %parallel_loop3A_1101 : vector<1x16xf32> to vector<16xf32>
        %parallel_loop3A_1103 = vector.shape_cast %parallel_loop3A_1098 : vector<16xf32> to vector<1x16xf32>
        tpu.vector_store %arg8[%parallel_loop3A_1099, %parallel_loop3A_1100], %parallel_loop3A_1103 {add = true, strides = array<i32>} : memref<32x768xf32, #tpu.memory_space<vmem>>, vector<1x16xf32>,
        %parallel_loop3A_1104 = arith.index_cast %parallel_loop3A_698 : i32 to index
        %parallel_loop3A_1105 = arith.constant 720 : index
        %parallel_loop3A_1106 = tpu.vector_load %arg5[%parallel_loop3A_1104, %parallel_loop3A_1105] {strides = array<i32>} : memref<32x768xf32, #tpu.memory_space<vmem>>, vector<1x16xf32>,
        %parallel_loop3A_1107 = vector.shape_cast %parallel_loop3A_1106 : vector<1x16xf32> to vector<16xf32>
        %parallel_loop3A_1108 = arith.index_cast %parallel_loop3A_698 : i32 to index
        %parallel_loop3A_1109 = arith.constant 720 : index
        %parallel_loop3A_1110 = tpu.vector_load %arg8[%parallel_loop3A_1108, %parallel_loop3A_1109] {strides = array<i32>} : memref<32x768xf32, #tpu.memory_space<vmem>>, vector<1x16xf32>,
        %parallel_loop3A_1111 = vector.shape_cast %parallel_loop3A_1110 : vector<1x16xf32> to vector<16xf32>
        %parallel_loop3A_1112 = vector.shape_cast %parallel_loop3A_1107 : vector<16xf32> to vector<1x16xf32>
        tpu.vector_store %arg8[%parallel_loop3A_1108, %parallel_loop3A_1109], %parallel_loop3A_1112 {add = true, strides = array<i32>} : memref<32x768xf32, #tpu.memory_space<vmem>>, vector<1x16xf32>,
        %parallel_loop3A_1113 = arith.index_cast %parallel_loop3A_698 : i32 to index
        %parallel_loop3A_1114 = arith.constant 736 : index
        %parallel_loop3A_1115 = tpu.vector_load %arg5[%parallel_loop3A_1113, %parallel_loop3A_1114] {strides = array<i32>} : memref<32x768xf32, #tpu.memory_space<vmem>>, vector<1x16xf32>,
        %parallel_loop3A_1116 = vector.shape_cast %parallel_loop3A_1115 : vector<1x16xf32> to vector<16xf32>
        %parallel_loop3A_1117 = arith.index_cast %parallel_loop3A_698 : i32 to index
        %parallel_loop3A_1118 = arith.constant 736 : index
        %parallel_loop3A_1119 = tpu.vector_load %arg8[%parallel_loop3A_1117, %parallel_loop3A_1118] {strides = array<i32>} : memref<32x768xf32, #tpu.memory_space<vmem>>, vector<1x16xf32>,
        %parallel_loop3A_1120 = vector.shape_cast %parallel_loop3A_1119 : vector<1x16xf32> to vector<16xf32>
        %parallel_loop3A_1121 = vector.shape_cast %parallel_loop3A_1116 : vector<16xf32> to vector<1x16xf32>
        tpu.vector_store %arg8[%parallel_loop3A_1117, %parallel_loop3A_1118], %parallel_loop3A_1121 {add = true, strides = array<i32>} : memref<32x768xf32, #tpu.memory_space<vmem>>, vector<1x16xf32>,
        %parallel_loop3A_1122 = arith.index_cast %parallel_loop3A_698 : i32 to index
        %parallel_loop3A_1123 = arith.constant 752 : index
        %parallel_loop3A_1124 = tpu.vector_load %arg5[%parallel_loop3A_1122, %parallel_loop3A_1123] {strides = array<i32>} : memref<32x768xf32, #tpu.memory_space<vmem>>, vector<1x16xf32>,
        %parallel_loop3A_1125 = vector.shape_cast %parallel_loop3A_1124 : vector<1x16xf32> to vector<16xf32>
        %parallel_loop3A_1126 = arith.index_cast %parallel_loop3A_698 : i32 to index
        %parallel_loop3A_1127 = arith.constant 752 : index
        %parallel_loop3A_1128 = tpu.vector_load %arg8[%parallel_loop3A_1126, %parallel_loop3A_1127] {strides = array<i32>} : memref<32x768xf32, #tpu.memory_space<vmem>>, vector<1x16xf32>,
        %parallel_loop3A_1129 = vector.shape_cast %parallel_loop3A_1128 : vector<1x16xf32> to vector<16xf32>
        %parallel_loop3A_1130 = vector.shape_cast %parallel_loop3A_1125 : vector<16xf32> to vector<1x16xf32>
        tpu.vector_store %arg8[%parallel_loop3A_1126, %parallel_loop3A_1127], %parallel_loop3A_1130 {add = true, strides = array<i32>} : memref<32x768xf32, #tpu.memory_space<vmem>>, vector<1x16xf32>,
      } {sc.loop_unroll_factor = 4 : i64, sc.parallel_access}
      %jit3A_488 = arith.constant 8 : i32
      %div3A_489 = arith.divsi %add3A_379, %jit3A_488 : i32
      %sign3A_490 = arith.constant 0 : i32
      %sign3A_491 = arith.cmpi sgt, %add3A_379, %sign3A_490 : i32
      %sign3A_492 = arith.extui %sign3A_491 : i1 to i32
      %sign3A_493 = arith.constant 0 : i32
      %sign3A_494 = arith.cmpi slt, %add3A_379, %sign3A_493 : i32
      %sign3A_495 = arith.extui %sign3A_494 : i1 to i32
      %sign3A_496 = arith.subi %sign3A_492, %sign3A_495 : i32
      %sign3A_497 = arith.constant 0 : i32
      %sign3A_498 = arith.cmpi sgt, %jit3A_488, %sign3A_497 : i32
      %sign3A_499 = arith.extui %sign3A_498 : i1 to i32
      %sign3A_500 = arith.constant 0 : i32
      %sign3A_501 = arith.cmpi slt, %jit3A_488, %sign3A_500 : i32
      %sign3A_502 = arith.extui %sign3A_501 : i1 to i32
      %sign3A_503 = arith.subi %sign3A_499, %sign3A_502 : i32
      %ne3A_504 = arith.cmpi ne, %sign3A_496, %sign3A_503 : i32
      %rem3A_505 = arith.remsi %add3A_379, %jit3A_488 : i32
      %ne3A_506 = arith.constant 0 : i32
      %ne3A_507 = arith.cmpi ne, %rem3A_505, %ne3A_506 : i32
      %and3A_508 = arith.andi %ne3A_504, %ne3A_507 : i1
      %sub3A_509 = arith.constant 1 : i32
      %sub3A_510 = arith.subi %div3A_489, %sub3A_509 : i32
      %select_n3A_511 = arith.select %and3A_508, %sub3A_510, %div3A_489 : i32
      %jit3A_512 = arith.constant 8 : i32
      %eq3A_513 = arith.constant 0 : i32
      %eq3A_514 = arith.cmpi eq, %jit3A_512, %eq3A_513 : i32
      %jit3A_515 = arith.constant 1 : i32
      %select_n3A_516 = arith.select %eq3A_514, %jit3A_515, %jit3A_512 : i32
      %rem3A_517 = arith.remsi %add3A_379, %select_n3A_516 : i32
      %ne3A_518 = arith.constant 0 : i32
      %ne3A_519 = arith.cmpi ne, %rem3A_517, %ne3A_518 : i32
      %lt3A_520 = arith.constant 0 : i32
      %lt3A_521 = arith.cmpi slt, %rem3A_517, %lt3A_520 : i32
      %lt3A_522 = arith.constant 0 : i32
      %lt3A_523 = arith.cmpi slt, %select_n3A_516, %lt3A_522 : i32
      %ne3A_524 = arith.xori %lt3A_521, %lt3A_523 : i1
      %and3A_525 = arith.andi %ne3A_524, %ne3A_519 : i1
      %add3A_526 = arith.addi %rem3A_517, %select_n3A_516 : i32
      %select_n3A_527 = arith.select %and3A_525, %add3A_526, %rem3A_517 : i32
      %add3A_528 = arith.addi %mul3A_2, %select_n3A_527 : i32
      %mul3A_529 = arith.constant 32 : i32
      %mul3A_530 = arith.muli %select_n3A_511, %mul3A_529 : i32
      %dma_start3A_531 = arith.constant 0 : i32
      %dma_start3A_532 = tpu.memref_slice %arg4[%add3A_528, %mul3A_530, %dma_start3A_531] : memref<256x576x768xf32, #tpu.memory_space<hbm>> -> memref<1x32x768xf32, #tpu.memory_space<hbm>>
      %dma_start3A_533 = tpu.memref_squeeze %dma_start3A_532 : memref<1x32x768xf32, #tpu.memory_space<hbm>> -> memref<32x768xf32, #tpu.memory_space<hbm>>
      %dma_start3A_534 = arith.constant 0 : i32
      %dma_start3A_535 = tpu.memref_slice %arg4[%add3A_528, %mul3A_530, %dma_start3A_534] : memref<256x576x768xf32, #tpu.memory_space<hbm>> -> memref<1x32x768xf32, #tpu.memory_space<hbm>>
      %dma_start3A_536 = tpu.memref_squeeze %dma_start3A_535 : memref<1x32x768xf32, #tpu.memory_space<hbm>> -> memref<32x768xf32, #tpu.memory_space<hbm>>
      tpu.enqueue_dma source(%arg8 : memref<32x768xf32, #tpu.memory_space<vmem>>) target(%dma_start3A_536 : memref<32x768xf32, #tpu.memory_space<hbm>>) target_semaphore(%arg16 : memref<!tpu.dma_semaphore, #tpu.memory_space<semaphore_mem>>)
      %mul3A_537 = arith.constant 4 : i32
      %mul3A_538 = arith.muli %scan3A_46, %mul3A_537 : i32
      %add3A_539 = arith.constant 3 : i32
      %add3A_540 = arith.addi %mul3A_538, %add3A_539 : i32
      %sub3A_541 = arith.constant 2 : i32
      %sub3A_542 = arith.subi %add3A_540, %sub3A_541 : i32
      %jit3A_543 = arith.constant 8 : i32
      %div3A_544 = arith.divsi %sub3A_542, %jit3A_543 : i32
      %sign3A_545 = arith.constant 0 : i32
      %sign3A_546 = arith.cmpi sgt, %sub3A_542, %sign3A_545 : i32
      %sign3A_547 = arith.extui %sign3A_546 : i1 to i32
      %sign3A_548 = arith.constant 0 : i32
      %sign3A_549 = arith.cmpi slt, %sub3A_542, %sign3A_548 : i32
      %sign3A_550 = arith.extui %sign3A_549 : i1 to i32
      %sign3A_551 = arith.subi %sign3A_547, %sign3A_550 : i32
      %sign3A_552 = arith.constant 0 : i32
      %sign3A_553 = arith.cmpi sgt, %jit3A_543, %sign3A_552 : i32
      %sign3A_554 = arith.extui %sign3A_553 : i1 to i32
      %sign3A_555 = arith.constant 0 : i32
      %sign3A_556 = arith.cmpi slt, %jit3A_543, %sign3A_555 : i32
      %sign3A_557 = arith.extui %sign3A_556 : i1 to i32
      %sign3A_558 = arith.subi %sign3A_554, %sign3A_557 : i32
      %ne3A_559 = arith.cmpi ne, %sign3A_551, %sign3A_558 : i32
      %rem3A_560 = arith.remsi %sub3A_542, %jit3A_543 : i32
      %ne3A_561 = arith.constant 0 : i32
      %ne3A_562 = arith.cmpi ne, %rem3A_560, %ne3A_561 : i32
      %and3A_563 = arith.andi %ne3A_559, %ne3A_562 : i1
      %sub3A_564 = arith.constant 1 : i32
      %sub3A_565 = arith.subi %div3A_544, %sub3A_564 : i32
      %select_n3A_566 = arith.select %and3A_563, %sub3A_565, %div3A_544 : i32
      %jit3A_567 = arith.constant 8 : i32
      %eq3A_568 = arith.constant 0 : i32
      %eq3A_569 = arith.cmpi eq, %jit3A_567, %eq3A_568 : i32
      %jit3A_570 = arith.constant 1 : i32
      %select_n3A_571 = arith.select %eq3A_569, %jit3A_570, %jit3A_567 : i32
      %rem3A_572 = arith.remsi %sub3A_542, %select_n3A_571 : i32
      %ne3A_573 = arith.constant 0 : i32
      %ne3A_574 = arith.cmpi ne, %rem3A_572, %ne3A_573 : i32
      %lt3A_575 = arith.constant 0 : i32
      %lt3A_576 = arith.cmpi slt, %rem3A_572, %lt3A_575 : i32
      %lt3A_577 = arith.constant 0 : i32
      %lt3A_578 = arith.cmpi slt, %select_n3A_571, %lt3A_577 : i32
      %ne3A_579 = arith.xori %lt3A_576, %lt3A_578 : i1
      %and3A_580 = arith.andi %ne3A_579, %ne3A_574 : i1
      %add3A_581 = arith.addi %rem3A_572, %select_n3A_571 : i32
      %select_n3A_582 = arith.select %and3A_580, %add3A_581, %rem3A_572 : i32
      %add3A_583 = arith.addi %mul3A_2, %select_n3A_582 : i32
      %mul3A_584 = arith.constant 32 : i32
      %mul3A_585 = arith.muli %select_n3A_566, %mul3A_584 : i32
      %dma_wait3A_586 = arith.constant 0 : i32
      %dma_wait3A_587 = tpu.memref_slice %arg4[%add3A_583, %mul3A_585, %dma_wait3A_586] : memref<256x576x768xf32, #tpu.memory_space<hbm>> -> memref<1x32x768xf32, #tpu.memory_space<hbm>>
      %dma_wait3A_588 = tpu.memref_squeeze %dma_wait3A_587 : memref<1x32x768xf32, #tpu.memory_space<hbm>> -> memref<32x768xf32, #tpu.memory_space<hbm>>
      %dma_wait3A_589 = arith.constant 0 : i32
      %dma_wait3A_590 = tpu.memref_slice %arg4[%add3A_583, %mul3A_585, %dma_wait3A_589] : memref<256x576x768xf32, #tpu.memory_space<hbm>> -> memref<1x32x768xf32, #tpu.memory_space<hbm>>
      %dma_wait3A_591 = tpu.memref_squeeze %dma_wait3A_590 : memref<1x32x768xf32, #tpu.memory_space<hbm>> -> memref<32x768xf32, #tpu.memory_space<hbm>>
      tpu.wait_dma2 semaphore(%arg15 : memref<!tpu.dma_semaphore, #tpu.memory_space<semaphore_mem>>) src(%arg7 : memref<32x768xf32, #tpu.memory_space<vmem>>) dst(%dma_wait3A_591 : memref<32x768xf32, #tpu.memory_space<hbm>>)
      %lt3A_592 = arith.constant 35 : i32
      %lt3A_593 = arith.cmpi slt, %scan3A_46, %lt3A_592 : i32
      %convert_element_type3A_594 = arith.extui %lt3A_593 : i1 to i32
      %cond3A_595 = arith.constant 0 : i32
      %cond3A_596 = arith.cmpi ne, %convert_element_type3A_594, %cond3A_595 : i32
      scf.if %cond3A_596 {
        %add3A_698 = arith.constant 2 : i32
        %add3A_699 = arith.addi %add3A_540, %add3A_698 : i32
        %jit3A_700 = arith.constant 8 : i32
        %div3A_701 = arith.divsi %add3A_699, %jit3A_700 : i32
        %sign3A_702 = arith.constant 0 : i32
        %sign3A_703 = arith.cmpi sgt, %add3A_699, %sign3A_702 : i32
        %sign3A_704 = arith.extui %sign3A_703 : i1 to i32
        %sign3A_705 = arith.constant 0 : i32
        %sign3A_706 = arith.cmpi slt, %add3A_699, %sign3A_705 : i32
        %sign3A_707 = arith.extui %sign3A_706 : i1 to i32
        %sign3A_708 = arith.subi %sign3A_704, %sign3A_707 : i32
        %sign3A_709 = arith.constant 0 : i32
        %sign3A_710 = arith.cmpi sgt, %jit3A_700, %sign3A_709 : i32
        %sign3A_711 = arith.extui %sign3A_710 : i1 to i32
        %sign3A_712 = arith.constant 0 : i32
        %sign3A_713 = arith.cmpi slt, %jit3A_700, %sign3A_712 : i32
        %sign3A_714 = arith.extui %sign3A_713 : i1 to i32
        %sign3A_715 = arith.subi %sign3A_711, %sign3A_714 : i32
        %ne3A_716 = arith.cmpi ne, %sign3A_708, %sign3A_715 : i32
        %rem3A_717 = arith.remsi %add3A_699, %jit3A_700 : i32
        %ne3A_718 = arith.constant 0 : i32
        %ne3A_719 = arith.cmpi ne, %rem3A_717, %ne3A_718 : i32
        %and3A_720 = arith.andi %ne3A_716, %ne3A_719 : i1
        %sub3A_721 = arith.constant 1 : i32
        %sub3A_722 = arith.subi %div3A_701, %sub3A_721 : i32
        %select_n3A_723 = arith.select %and3A_720, %sub3A_722, %div3A_701 : i32
        %jit3A_724 = arith.constant 8 : i32
        %eq3A_725 = arith.constant 0 : i32
        %eq3A_726 = arith.cmpi eq, %jit3A_724, %eq3A_725 : i32
        %jit3A_727 = arith.constant 1 : i32
        %select_n3A_728 = arith.select %eq3A_726, %jit3A_727, %jit3A_724 : i32
        %rem3A_729 = arith.remsi %add3A_699, %select_n3A_728 : i32
        %ne3A_730 = arith.constant 0 : i32
        %ne3A_731 = arith.cmpi ne, %rem3A_729, %ne3A_730 : i32
        %lt3A_732 = arith.constant 0 : i32
        %lt3A_733 = arith.cmpi slt, %rem3A_729, %lt3A_732 : i32
        %lt3A_734 = arith.constant 0 : i32
        %lt3A_735 = arith.cmpi slt, %select_n3A_728, %lt3A_734 : i32
        %ne3A_736 = arith.xori %lt3A_733, %lt3A_735 : i1
        %and3A_737 = arith.andi %ne3A_736, %ne3A_731 : i1
        %add3A_738 = arith.addi %rem3A_729, %select_n3A_728 : i32
        %select_n3A_739 = arith.select %and3A_737, %add3A_738, %rem3A_729 : i32
        %add3A_740 = arith.addi %mul3A_2, %select_n3A_739 : i32
        %mul3A_741 = arith.constant 32 : i32
        %mul3A_742 = arith.muli %select_n3A_723, %mul3A_741 : i32
        %dma_start3A_743 = arith.constant 0 : i32
        %dma_start3A_744 = tpu.memref_slice %arg2[%add3A_740, %mul3A_742, %dma_start3A_743] : memref<256x576x768xf32, #tpu.memory_space<hbm>> -> memref<1x32x768xf32, #tpu.memory_space<hbm>>
        %dma_start3A_745 = tpu.memref_squeeze %dma_start3A_744 : memref<1x32x768xf32, #tpu.memory_space<hbm>> -> memref<32x768xf32, #tpu.memory_space<hbm>>
        %dma_start3A_746 = arith.constant 0 : i32
        %dma_start3A_747 = tpu.memref_slice %arg2[%add3A_740, %mul3A_742, %dma_start3A_746] : memref<256x576x768xf32, #tpu.memory_space<hbm>> -> memref<1x32x768xf32, #tpu.memory_space<hbm>>
        %dma_start3A_748 = tpu.memref_squeeze %dma_start3A_747 : memref<1x32x768xf32, #tpu.memory_space<hbm>> -> memref<32x768xf32, #tpu.memory_space<hbm>>
        tpu.enqueue_dma source(%dma_start3A_748 : memref<32x768xf32, #tpu.memory_space<hbm>>) target(%arg7 : memref<32x768xf32, #tpu.memory_space<vmem>>) target_semaphore(%arg11 : memref<!tpu.dma_semaphore, #tpu.memory_space<semaphore_mem>>)
      } else {
      }
      %jit3A_597 = arith.constant 8 : i32
      %div3A_598 = arith.divsi %add3A_540, %jit3A_597 : i32
      %sign3A_599 = arith.constant 0 : i32
      %sign3A_600 = arith.cmpi sgt, %add3A_540, %sign3A_599 : i32
      %sign3A_601 = arith.extui %sign3A_600 : i1 to i32
      %sign3A_602 = arith.constant 0 : i32
      %sign3A_603 = arith.cmpi slt, %add3A_540, %sign3A_602 : i32
      %sign3A_604 = arith.extui %sign3A_603 : i1 to i32
      %sign3A_605 = arith.subi %sign3A_601, %sign3A_604 : i32
      %sign3A_606 = arith.constant 0 : i32
      %sign3A_607 = arith.cmpi sgt, %jit3A_597, %sign3A_606 : i32
      %sign3A_608 = arith.extui %sign3A_607 : i1 to i32
      %sign3A_609 = arith.constant 0 : i32
      %sign3A_610 = arith.cmpi slt, %jit3A_597, %sign3A_609 : i32
      %sign3A_611 = arith.extui %sign3A_610 : i1 to i32
      %sign3A_612 = arith.subi %sign3A_608, %sign3A_611 : i32
      %ne3A_613 = arith.cmpi ne, %sign3A_605, %sign3A_612 : i32
      %rem3A_614 = arith.remsi %add3A_540, %jit3A_597 : i32
      %ne3A_615 = arith.constant 0 : i32
      %ne3A_616 = arith.cmpi ne, %rem3A_614, %ne3A_615 : i32
      %and3A_617 = arith.andi %ne3A_613, %ne3A_616 : i1
      %sub3A_618 = arith.constant 1 : i32
      %sub3A_619 = arith.subi %div3A_598, %sub3A_618 : i32
      %select_n3A_620 = arith.select %and3A_617, %sub3A_619, %div3A_598 : i32
      %jit3A_621 = arith.constant 8 : i32
      %eq3A_622 = arith.constant 0 : i32
      %eq3A_623 = arith.cmpi eq, %jit3A_621, %eq3A_622 : i32
      %jit3A_624 = arith.constant 1 : i32
      %select_n3A_625 = arith.select %eq3A_623, %jit3A_624, %jit3A_621 : i32
      %rem3A_626 = arith.remsi %add3A_540, %select_n3A_625 : i32
      %ne3A_627 = arith.constant 0 : i32
      %ne3A_628 = arith.cmpi ne, %rem3A_626, %ne3A_627 : i32
      %lt3A_629 = arith.constant 0 : i32
      %lt3A_630 = arith.cmpi slt, %rem3A_626, %lt3A_629 : i32
      %lt3A_631 = arith.constant 0 : i32
      %lt3A_632 = arith.cmpi slt, %select_n3A_625, %lt3A_631 : i32
      %ne3A_633 = arith.xori %lt3A_630, %lt3A_632 : i1
      %and3A_634 = arith.andi %ne3A_633, %ne3A_628 : i1
      %add3A_635 = arith.addi %rem3A_626, %select_n3A_625 : i32
      %select_n3A_636 = arith.select %and3A_634, %add3A_635, %rem3A_626 : i32
      %add3A_637 = arith.addi %mul3A_2, %select_n3A_636 : i32
      %mul3A_638 = arith.constant 32 : i32
      %mul3A_639 = arith.muli %select_n3A_620, %mul3A_638 : i32
      %dma_wait3A_640 = arith.constant 0 : i32
      %dma_wait3A_641 = tpu.memref_slice %arg2[%add3A_637, %mul3A_639, %dma_wait3A_640] : memref<256x576x768xf32, #tpu.memory_space<hbm>> -> memref<1x32x768xf32, #tpu.memory_space<hbm>>
      %dma_wait3A_642 = tpu.memref_squeeze %dma_wait3A_641 : memref<1x32x768xf32, #tpu.memory_space<hbm>> -> memref<32x768xf32, #tpu.memory_space<hbm>>
      %dma_wait3A_643 = arith.constant 0 : i32
      %dma_wait3A_644 = tpu.memref_slice %arg2[%add3A_637, %mul3A_639, %dma_wait3A_643] : memref<256x576x768xf32, #tpu.memory_space<hbm>> -> memref<1x32x768xf32, #tpu.memory_space<hbm>>
      %dma_wait3A_645 = tpu.memref_squeeze %dma_wait3A_644 : memref<1x32x768xf32, #tpu.memory_space<hbm>> -> memref<32x768xf32, #tpu.memory_space<hbm>>
      tpu.wait_dma2 semaphore(%arg13 : memref<!tpu.dma_semaphore, #tpu.memory_space<semaphore_mem>>) src(%dma_wait3A_645 : memref<32x768xf32, #tpu.memory_space<hbm>>) dst(%arg9 : memref<32x768xf32, #tpu.memory_space<vmem>>)
      %parallel_loop3A_646 = arith.constant 0 : i32
      %parallel_loop3A_647 = arith.constant 32 : i32
      %parallel_loop3A_648 = arith.constant 1 : i32
      scf.for %parallel_loop3A_698 = %parallel_loop3A_646 to %parallel_loop3A_647 step %parallel_loop3A_648  : i32 {
        %parallel_loop3A_699 = arith.index_cast %parallel_loop3A_698 : i32 to index
        %parallel_loop3A_700 = arith.constant 0 : index
        %parallel_loop3A_701 = tpu.vector_load %arg5[%parallel_loop3A_699, %parallel_loop3A_700] {strides = array<i32>} : memref<32x768xf32, #tpu.memory_space<vmem>>, vector<1x16xf32>,
        %parallel_loop3A_702 = vector.shape_cast %parallel_loop3A_701 : vector<1x16xf32> to vector<16xf32>
        %parallel_loop3A_703 = arith.index_cast %parallel_loop3A_698 : i32 to index
        %parallel_loop3A_704 = arith.constant 0 : index
        %parallel_loop3A_705 = tpu.vector_load %arg9[%parallel_loop3A_703, %parallel_loop3A_704] {strides = array<i32>} : memref<32x768xf32, #tpu.memory_space<vmem>>, vector<1x16xf32>,
        %parallel_loop3A_706 = vector.shape_cast %parallel_loop3A_705 : vector<1x16xf32> to vector<16xf32>
        %parallel_loop3A_707 = vector.shape_cast %parallel_loop3A_702 : vector<16xf32> to vector<1x16xf32>
        tpu.vector_store %arg9[%parallel_loop3A_703, %parallel_loop3A_704], %parallel_loop3A_707 {add = true, strides = array<i32>} : memref<32x768xf32, #tpu.memory_space<vmem>>, vector<1x16xf32>,
        %parallel_loop3A_708 = arith.index_cast %parallel_loop3A_698 : i32 to index
        %parallel_loop3A_709 = arith.constant 16 : index
        %parallel_loop3A_710 = tpu.vector_load %arg5[%parallel_loop3A_708, %parallel_loop3A_709] {strides = array<i32>} : memref<32x768xf32, #tpu.memory_space<vmem>>, vector<1x16xf32>,
        %parallel_loop3A_711 = vector.shape_cast %parallel_loop3A_710 : vector<1x16xf32> to vector<16xf32>
        %parallel_loop3A_712 = arith.index_cast %parallel_loop3A_698 : i32 to index
        %parallel_loop3A_713 = arith.constant 16 : index
        %parallel_loop3A_714 = tpu.vector_load %arg9[%parallel_loop3A_712, %parallel_loop3A_713] {strides = array<i32>} : memref<32x768xf32, #tpu.memory_space<vmem>>, vector<1x16xf32>,
        %parallel_loop3A_715 = vector.shape_cast %parallel_loop3A_714 : vector<1x16xf32> to vector<16xf32>
        %parallel_loop3A_716 = vector.shape_cast %parallel_loop3A_711 : vector<16xf32> to vector<1x16xf32>
        tpu.vector_store %arg9[%parallel_loop3A_712, %parallel_loop3A_713], %parallel_loop3A_716 {add = true, strides = array<i32>} : memref<32x768xf32, #tpu.memory_space<vmem>>, vector<1x16xf32>,
        %parallel_loop3A_717 = arith.index_cast %parallel_loop3A_698 : i32 to index
        %parallel_loop3A_718 = arith.constant 32 : index
        %parallel_loop3A_719 = tpu.vector_load %arg5[%parallel_loop3A_717, %parallel_loop3A_718] {strides = array<i32>} : memref<32x768xf32, #tpu.memory_space<vmem>>, vector<1x16xf32>,
        %parallel_loop3A_720 = vector.shape_cast %parallel_loop3A_719 : vector<1x16xf32> to vector<16xf32>
        %parallel_loop3A_721 = arith.index_cast %parallel_loop3A_698 : i32 to index
        %parallel_loop3A_722 = arith.constant 32 : index
        %parallel_loop3A_723 = tpu.vector_load %arg9[%parallel_loop3A_721, %parallel_loop3A_722] {strides = array<i32>} : memref<32x768xf32, #tpu.memory_space<vmem>>, vector<1x16xf32>,
        %parallel_loop3A_724 = vector.shape_cast %parallel_loop3A_723 : vector<1x16xf32> to vector<16xf32>
        %parallel_loop3A_725 = vector.shape_cast %parallel_loop3A_720 : vector<16xf32> to vector<1x16xf32>
        tpu.vector_store %arg9[%parallel_loop3A_721, %parallel_loop3A_722], %parallel_loop3A_725 {add = true, strides = array<i32>} : memref<32x768xf32, #tpu.memory_space<vmem>>, vector<1x16xf32>,
        %parallel_loop3A_726 = arith.index_cast %parallel_loop3A_698 : i32 to index
        %parallel_loop3A_727 = arith.constant 48 : index
        %parallel_loop3A_728 = tpu.vector_load %arg5[%parallel_loop3A_726, %parallel_loop3A_727] {strides = array<i32>} : memref<32x768xf32, #tpu.memory_space<vmem>>, vector<1x16xf32>,
        %parallel_loop3A_729 = vector.shape_cast %parallel_loop3A_728 : vector<1x16xf32> to vector<16xf32>
        %parallel_loop3A_730 = arith.index_cast %parallel_loop3A_698 : i32 to index
        %parallel_loop3A_731 = arith.constant 48 : index
        %parallel_loop3A_732 = tpu.vector_load %arg9[%parallel_loop3A_730, %parallel_loop3A_731] {strides = array<i32>} : memref<32x768xf32, #tpu.memory_space<vmem>>, vector<1x16xf32>,
        %parallel_loop3A_733 = vector.shape_cast %parallel_loop3A_732 : vector<1x16xf32> to vector<16xf32>
        %parallel_loop3A_734 = vector.shape_cast %parallel_loop3A_729 : vector<16xf32> to vector<1x16xf32>
        tpu.vector_store %arg9[%parallel_loop3A_730, %parallel_loop3A_731], %parallel_loop3A_734 {add = true, strides = array<i32>} : memref<32x768xf32, #tpu.memory_space<vmem>>, vector<1x16xf32>,
        %parallel_loop3A_735 = arith.index_cast %parallel_loop3A_698 : i32 to index
        %parallel_loop3A_736 = arith.constant 64 : index
        %parallel_loop3A_737 = tpu.vector_load %arg5[%parallel_loop3A_735, %parallel_loop3A_736] {strides = array<i32>} : memref<32x768xf32, #tpu.memory_space<vmem>>, vector<1x16xf32>,
        %parallel_loop3A_738 = vector.shape_cast %parallel_loop3A_737 : vector<1x16xf32> to vector<16xf32>
        %parallel_loop3A_739 = arith.index_cast %parallel_loop3A_698 : i32 to index
        %parallel_loop3A_740 = arith.constant 64 : index
        %parallel_loop3A_741 = tpu.vector_load %arg9[%parallel_loop3A_739, %parallel_loop3A_740] {strides = array<i32>} : memref<32x768xf32, #tpu.memory_space<vmem>>, vector<1x16xf32>,
        %parallel_loop3A_742 = vector.shape_cast %parallel_loop3A_741 : vector<1x16xf32> to vector<16xf32>
        %parallel_loop3A_743 = vector.shape_cast %parallel_loop3A_738 : vector<16xf32> to vector<1x16xf32>
        tpu.vector_store %arg9[%parallel_loop3A_739, %parallel_loop3A_740], %parallel_loop3A_743 {add = true, strides = array<i32>} : memref<32x768xf32, #tpu.memory_space<vmem>>, vector<1x16xf32>,
        %parallel_loop3A_744 = arith.index_cast %parallel_loop3A_698 : i32 to index
        %parallel_loop3A_745 = arith.constant 80 : index
        %parallel_loop3A_746 = tpu.vector_load %arg5[%parallel_loop3A_744, %parallel_loop3A_745] {strides = array<i32>} : memref<32x768xf32, #tpu.memory_space<vmem>>, vector<1x16xf32>,
        %parallel_loop3A_747 = vector.shape_cast %parallel_loop3A_746 : vector<1x16xf32> to vector<16xf32>
        %parallel_loop3A_748 = arith.index_cast %parallel_loop3A_698 : i32 to index
        %parallel_loop3A_749 = arith.constant 80 : index
        %parallel_loop3A_750 = tpu.vector_load %arg9[%parallel_loop3A_748, %parallel_loop3A_749] {strides = array<i32>} : memref<32x768xf32, #tpu.memory_space<vmem>>, vector<1x16xf32>,
        %parallel_loop3A_751 = vector.shape_cast %parallel_loop3A_750 : vector<1x16xf32> to vector<16xf32>
        %parallel_loop3A_752 = vector.shape_cast %parallel_loop3A_747 : vector<16xf32> to vector<1x16xf32>
        tpu.vector_store %arg9[%parallel_loop3A_748, %parallel_loop3A_749], %parallel_loop3A_752 {add = true, strides = array<i32>} : memref<32x768xf32, #tpu.memory_space<vmem>>, vector<1x16xf32>,
        %parallel_loop3A_753 = arith.index_cast %parallel_loop3A_698 : i32 to index
        %parallel_loop3A_754 = arith.constant 96 : index
        %parallel_loop3A_755 = tpu.vector_load %arg5[%parallel_loop3A_753, %parallel_loop3A_754] {strides = array<i32>} : memref<32x768xf32, #tpu.memory_space<vmem>>, vector<1x16xf32>,
        %parallel_loop3A_756 = vector.shape_cast %parallel_loop3A_755 : vector<1x16xf32> to vector<16xf32>
        %parallel_loop3A_757 = arith.index_cast %parallel_loop3A_698 : i32 to index
        %parallel_loop3A_758 = arith.constant 96 : index
        %parallel_loop3A_759 = tpu.vector_load %arg9[%parallel_loop3A_757, %parallel_loop3A_758] {strides = array<i32>} : memref<32x768xf32, #tpu.memory_space<vmem>>, vector<1x16xf32>,
        %parallel_loop3A_760 = vector.shape_cast %parallel_loop3A_759 : vector<1x16xf32> to vector<16xf32>
        %parallel_loop3A_761 = vector.shape_cast %parallel_loop3A_756 : vector<16xf32> to vector<1x16xf32>
        tpu.vector_store %arg9[%parallel_loop3A_757, %parallel_loop3A_758], %parallel_loop3A_761 {add = true, strides = array<i32>} : memref<32x768xf32, #tpu.memory_space<vmem>>, vector<1x16xf32>,
        %parallel_loop3A_762 = arith.index_cast %parallel_loop3A_698 : i32 to index
        %parallel_loop3A_763 = arith.constant 112 : index
        %parallel_loop3A_764 = tpu.vector_load %arg5[%parallel_loop3A_762, %parallel_loop3A_763] {strides = array<i32>} : memref<32x768xf32, #tpu.memory_space<vmem>>, vector<1x16xf32>,
        %parallel_loop3A_765 = vector.shape_cast %parallel_loop3A_764 : vector<1x16xf32> to vector<16xf32>
        %parallel_loop3A_766 = arith.index_cast %parallel_loop3A_698 : i32 to index
        %parallel_loop3A_767 = arith.constant 112 : index
        %parallel_loop3A_768 = tpu.vector_load %arg9[%parallel_loop3A_766, %parallel_loop3A_767] {strides = array<i32>} : memref<32x768xf32, #tpu.memory_space<vmem>>, vector<1x16xf32>,
        %parallel_loop3A_769 = vector.shape_cast %parallel_loop3A_768 : vector<1x16xf32> to vector<16xf32>
        %parallel_loop3A_770 = vector.shape_cast %parallel_loop3A_765 : vector<16xf32> to vector<1x16xf32>
        tpu.vector_store %arg9[%parallel_loop3A_766, %parallel_loop3A_767], %parallel_loop3A_770 {add = true, strides = array<i32>} : memref<32x768xf32, #tpu.memory_space<vmem>>, vector<1x16xf32>,
        %parallel_loop3A_771 = arith.index_cast %parallel_loop3A_698 : i32 to index
        %parallel_loop3A_772 = arith.constant 128 : index
        %parallel_loop3A_773 = tpu.vector_load %arg5[%parallel_loop3A_771, %parallel_loop3A_772] {strides = array<i32>} : memref<32x768xf32, #tpu.memory_space<vmem>>, vector<1x16xf32>,
        %parallel_loop3A_774 = vector.shape_cast %parallel_loop3A_773 : vector<1x16xf32> to vector<16xf32>
        %parallel_loop3A_775 = arith.index_cast %parallel_loop3A_698 : i32 to index
        %parallel_loop3A_776 = arith.constant 128 : index
        %parallel_loop3A_777 = tpu.vector_load %arg9[%parallel_loop3A_775, %parallel_loop3A_776] {strides = array<i32>} : memref<32x768xf32, #tpu.memory_space<vmem>>, vector<1x16xf32>,
        %parallel_loop3A_778 = vector.shape_cast %parallel_loop3A_777 : vector<1x16xf32> to vector<16xf32>
        %parallel_loop3A_779 = vector.shape_cast %parallel_loop3A_774 : vector<16xf32> to vector<1x16xf32>
        tpu.vector_store %arg9[%parallel_loop3A_775, %parallel_loop3A_776], %parallel_loop3A_779 {add = true, strides = array<i32>} : memref<32x768xf32, #tpu.memory_space<vmem>>, vector<1x16xf32>,
        %parallel_loop3A_780 = arith.index_cast %parallel_loop3A_698 : i32 to index
        %parallel_loop3A_781 = arith.constant 144 : index
        %parallel_loop3A_782 = tpu.vector_load %arg5[%parallel_loop3A_780, %parallel_loop3A_781] {strides = array<i32>} : memref<32x768xf32, #tpu.memory_space<vmem>>, vector<1x16xf32>,
        %parallel_loop3A_783 = vector.shape_cast %parallel_loop3A_782 : vector<1x16xf32> to vector<16xf32>
        %parallel_loop3A_784 = arith.index_cast %parallel_loop3A_698 : i32 to index
        %parallel_loop3A_785 = arith.constant 144 : index
        %parallel_loop3A_786 = tpu.vector_load %arg9[%parallel_loop3A_784, %parallel_loop3A_785] {strides = array<i32>} : memref<32x768xf32, #tpu.memory_space<vmem>>, vector<1x16xf32>,
        %parallel_loop3A_787 = vector.shape_cast %parallel_loop3A_786 : vector<1x16xf32> to vector<16xf32>
        %parallel_loop3A_788 = vector.shape_cast %parallel_loop3A_783 : vector<16xf32> to vector<1x16xf32>
        tpu.vector_store %arg9[%parallel_loop3A_784, %parallel_loop3A_785], %parallel_loop3A_788 {add = true, strides = array<i32>} : memref<32x768xf32, #tpu.memory_space<vmem>>, vector<1x16xf32>,
        %parallel_loop3A_789 = arith.index_cast %parallel_loop3A_698 : i32 to index
        %parallel_loop3A_790 = arith.constant 160 : index
        %parallel_loop3A_791 = tpu.vector_load %arg5[%parallel_loop3A_789, %parallel_loop3A_790] {strides = array<i32>} : memref<32x768xf32, #tpu.memory_space<vmem>>, vector<1x16xf32>,
        %parallel_loop3A_792 = vector.shape_cast %parallel_loop3A_791 : vector<1x16xf32> to vector<16xf32>
        %parallel_loop3A_793 = arith.index_cast %parallel_loop3A_698 : i32 to index
        %parallel_loop3A_794 = arith.constant 160 : index
        %parallel_loop3A_795 = tpu.vector_load %arg9[%parallel_loop3A_793, %parallel_loop3A_794] {strides = array<i32>} : memref<32x768xf32, #tpu.memory_space<vmem>>, vector<1x16xf32>,
        %parallel_loop3A_796 = vector.shape_cast %parallel_loop3A_795 : vector<1x16xf32> to vector<16xf32>
        %parallel_loop3A_797 = vector.shape_cast %parallel_loop3A_792 : vector<16xf32> to vector<1x16xf32>
        tpu.vector_store %arg9[%parallel_loop3A_793, %parallel_loop3A_794], %parallel_loop3A_797 {add = true, strides = array<i32>} : memref<32x768xf32, #tpu.memory_space<vmem>>, vector<1x16xf32>,
        %parallel_loop3A_798 = arith.index_cast %parallel_loop3A_698 : i32 to index
        %parallel_loop3A_799 = arith.constant 176 : index
        %parallel_loop3A_800 = tpu.vector_load %arg5[%parallel_loop3A_798, %parallel_loop3A_799] {strides = array<i32>} : memref<32x768xf32, #tpu.memory_space<vmem>>, vector<1x16xf32>,
        %parallel_loop3A_801 = vector.shape_cast %parallel_loop3A_800 : vector<1x16xf32> to vector<16xf32>
        %parallel_loop3A_802 = arith.index_cast %parallel_loop3A_698 : i32 to index
        %parallel_loop3A_803 = arith.constant 176 : index
        %parallel_loop3A_804 = tpu.vector_load %arg9[%parallel_loop3A_802, %parallel_loop3A_803] {strides = array<i32>} : memref<32x768xf32, #tpu.memory_space<vmem>>, vector<1x16xf32>,
        %parallel_loop3A_805 = vector.shape_cast %parallel_loop3A_804 : vector<1x16xf32> to vector<16xf32>
        %parallel_loop3A_806 = vector.shape_cast %parallel_loop3A_801 : vector<16xf32> to vector<1x16xf32>
        tpu.vector_store %arg9[%parallel_loop3A_802, %parallel_loop3A_803], %parallel_loop3A_806 {add = true, strides = array<i32>} : memref<32x768xf32, #tpu.memory_space<vmem>>, vector<1x16xf32>,
        %parallel_loop3A_807 = arith.index_cast %parallel_loop3A_698 : i32 to index
        %parallel_loop3A_808 = arith.constant 192 : index
        %parallel_loop3A_809 = tpu.vector_load %arg5[%parallel_loop3A_807, %parallel_loop3A_808] {strides = array<i32>} : memref<32x768xf32, #tpu.memory_space<vmem>>, vector<1x16xf32>,
        %parallel_loop3A_810 = vector.shape_cast %parallel_loop3A_809 : vector<1x16xf32> to vector<16xf32>
        %parallel_loop3A_811 = arith.index_cast %parallel_loop3A_698 : i32 to index
        %parallel_loop3A_812 = arith.constant 192 : index
        %parallel_loop3A_813 = tpu.vector_load %arg9[%parallel_loop3A_811, %parallel_loop3A_812] {strides = array<i32>} : memref<32x768xf32, #tpu.memory_space<vmem>>, vector<1x16xf32>,
        %parallel_loop3A_814 = vector.shape_cast %parallel_loop3A_813 : vector<1x16xf32> to vector<16xf32>
        %parallel_loop3A_815 = vector.shape_cast %parallel_loop3A_810 : vector<16xf32> to vector<1x16xf32>
        tpu.vector_store %arg9[%parallel_loop3A_811, %parallel_loop3A_812], %parallel_loop3A_815 {add = true, strides = array<i32>} : memref<32x768xf32, #tpu.memory_space<vmem>>, vector<1x16xf32>,
        %parallel_loop3A_816 = arith.index_cast %parallel_loop3A_698 : i32 to index
        %parallel_loop3A_817 = arith.constant 208 : index
        %parallel_loop3A_818 = tpu.vector_load %arg5[%parallel_loop3A_816, %parallel_loop3A_817] {strides = array<i32>} : memref<32x768xf32, #tpu.memory_space<vmem>>, vector<1x16xf32>,
        %parallel_loop3A_819 = vector.shape_cast %parallel_loop3A_818 : vector<1x16xf32> to vector<16xf32>
        %parallel_loop3A_820 = arith.index_cast %parallel_loop3A_698 : i32 to index
        %parallel_loop3A_821 = arith.constant 208 : index
        %parallel_loop3A_822 = tpu.vector_load %arg9[%parallel_loop3A_820, %parallel_loop3A_821] {strides = array<i32>} : memref<32x768xf32, #tpu.memory_space<vmem>>, vector<1x16xf32>,
        %parallel_loop3A_823 = vector.shape_cast %parallel_loop3A_822 : vector<1x16xf32> to vector<16xf32>
        %parallel_loop3A_824 = vector.shape_cast %parallel_loop3A_819 : vector<16xf32> to vector<1x16xf32>
        tpu.vector_store %arg9[%parallel_loop3A_820, %parallel_loop3A_821], %parallel_loop3A_824 {add = true, strides = array<i32>} : memref<32x768xf32, #tpu.memory_space<vmem>>, vector<1x16xf32>,
        %parallel_loop3A_825 = arith.index_cast %parallel_loop3A_698 : i32 to index
        %parallel_loop3A_826 = arith.constant 224 : index
        %parallel_loop3A_827 = tpu.vector_load %arg5[%parallel_loop3A_825, %parallel_loop3A_826] {strides = array<i32>} : memref<32x768xf32, #tpu.memory_space<vmem>>, vector<1x16xf32>,
        %parallel_loop3A_828 = vector.shape_cast %parallel_loop3A_827 : vector<1x16xf32> to vector<16xf32>
        %parallel_loop3A_829 = arith.index_cast %parallel_loop3A_698 : i32 to index
        %parallel_loop3A_830 = arith.constant 224 : index
        %parallel_loop3A_831 = tpu.vector_load %arg9[%parallel_loop3A_829, %parallel_loop3A_830] {strides = array<i32>} : memref<32x768xf32, #tpu.memory_space<vmem>>, vector<1x16xf32>,
        %parallel_loop3A_832 = vector.shape_cast %parallel_loop3A_831 : vector<1x16xf32> to vector<16xf32>
        %parallel_loop3A_833 = vector.shape_cast %parallel_loop3A_828 : vector<16xf32> to vector<1x16xf32>
        tpu.vector_store %arg9[%parallel_loop3A_829, %parallel_loop3A_830], %parallel_loop3A_833 {add = true, strides = array<i32>} : memref<32x768xf32, #tpu.memory_space<vmem>>, vector<1x16xf32>,
        %parallel_loop3A_834 = arith.index_cast %parallel_loop3A_698 : i32 to index
        %parallel_loop3A_835 = arith.constant 240 : index
        %parallel_loop3A_836 = tpu.vector_load %arg5[%parallel_loop3A_834, %parallel_loop3A_835] {strides = array<i32>} : memref<32x768xf32, #tpu.memory_space<vmem>>, vector<1x16xf32>,
        %parallel_loop3A_837 = vector.shape_cast %parallel_loop3A_836 : vector<1x16xf32> to vector<16xf32>
        %parallel_loop3A_838 = arith.index_cast %parallel_loop3A_698 : i32 to index
        %parallel_loop3A_839 = arith.constant 240 : index
        %parallel_loop3A_840 = tpu.vector_load %arg9[%parallel_loop3A_838, %parallel_loop3A_839] {strides = array<i32>} : memref<32x768xf32, #tpu.memory_space<vmem>>, vector<1x16xf32>,
        %parallel_loop3A_841 = vector.shape_cast %parallel_loop3A_840 : vector<1x16xf32> to vector<16xf32>
        %parallel_loop3A_842 = vector.shape_cast %parallel_loop3A_837 : vector<16xf32> to vector<1x16xf32>
        tpu.vector_store %arg9[%parallel_loop3A_838, %parallel_loop3A_839], %parallel_loop3A_842 {add = true, strides = array<i32>} : memref<32x768xf32, #tpu.memory_space<vmem>>, vector<1x16xf32>,
        %parallel_loop3A_843 = arith.index_cast %parallel_loop3A_698 : i32 to index
        %parallel_loop3A_844 = arith.constant 256 : index
        %parallel_loop3A_845 = tpu.vector_load %arg5[%parallel_loop3A_843, %parallel_loop3A_844] {strides = array<i32>} : memref<32x768xf32, #tpu.memory_space<vmem>>, vector<1x16xf32>,
        %parallel_loop3A_846 = vector.shape_cast %parallel_loop3A_845 : vector<1x16xf32> to vector<16xf32>
        %parallel_loop3A_847 = arith.index_cast %parallel_loop3A_698 : i32 to index
        %parallel_loop3A_848 = arith.constant 256 : index
        %parallel_loop3A_849 = tpu.vector_load %arg9[%parallel_loop3A_847, %parallel_loop3A_848] {strides = array<i32>} : memref<32x768xf32, #tpu.memory_space<vmem>>, vector<1x16xf32>,
        %parallel_loop3A_850 = vector.shape_cast %parallel_loop3A_849 : vector<1x16xf32> to vector<16xf32>
        %parallel_loop3A_851 = vector.shape_cast %parallel_loop3A_846 : vector<16xf32> to vector<1x16xf32>
        tpu.vector_store %arg9[%parallel_loop3A_847, %parallel_loop3A_848], %parallel_loop3A_851 {add = true, strides = array<i32>} : memref<32x768xf32, #tpu.memory_space<vmem>>, vector<1x16xf32>,
        %parallel_loop3A_852 = arith.index_cast %parallel_loop3A_698 : i32 to index
        %parallel_loop3A_853 = arith.constant 272 : index
        %parallel_loop3A_854 = tpu.vector_load %arg5[%parallel_loop3A_852, %parallel_loop3A_853] {strides = array<i32>} : memref<32x768xf32, #tpu.memory_space<vmem>>, vector<1x16xf32>,
        %parallel_loop3A_855 = vector.shape_cast %parallel_loop3A_854 : vector<1x16xf32> to vector<16xf32>
        %parallel_loop3A_856 = arith.index_cast %parallel_loop3A_698 : i32 to index
        %parallel_loop3A_857 = arith.constant 272 : index
        %parallel_loop3A_858 = tpu.vector_load %arg9[%parallel_loop3A_856, %parallel_loop3A_857] {strides = array<i32>} : memref<32x768xf32, #tpu.memory_space<vmem>>, vector<1x16xf32>,
        %parallel_loop3A_859 = vector.shape_cast %parallel_loop3A_858 : vector<1x16xf32> to vector<16xf32>
        %parallel_loop3A_860 = vector.shape_cast %parallel_loop3A_855 : vector<16xf32> to vector<1x16xf32>
        tpu.vector_store %arg9[%parallel_loop3A_856, %parallel_loop3A_857], %parallel_loop3A_860 {add = true, strides = array<i32>} : memref<32x768xf32, #tpu.memory_space<vmem>>, vector<1x16xf32>,
        %parallel_loop3A_861 = arith.index_cast %parallel_loop3A_698 : i32 to index
        %parallel_loop3A_862 = arith.constant 288 : index
        %parallel_loop3A_863 = tpu.vector_load %arg5[%parallel_loop3A_861, %parallel_loop3A_862] {strides = array<i32>} : memref<32x768xf32, #tpu.memory_space<vmem>>, vector<1x16xf32>,
        %parallel_loop3A_864 = vector.shape_cast %parallel_loop3A_863 : vector<1x16xf32> to vector<16xf32>
        %parallel_loop3A_865 = arith.index_cast %parallel_loop3A_698 : i32 to index
        %parallel_loop3A_866 = arith.constant 288 : index
        %parallel_loop3A_867 = tpu.vector_load %arg9[%parallel_loop3A_865, %parallel_loop3A_866] {strides = array<i32>} : memref<32x768xf32, #tpu.memory_space<vmem>>, vector<1x16xf32>,
        %parallel_loop3A_868 = vector.shape_cast %parallel_loop3A_867 : vector<1x16xf32> to vector<16xf32>
        %parallel_loop3A_869 = vector.shape_cast %parallel_loop3A_864 : vector<16xf32> to vector<1x16xf32>
        tpu.vector_store %arg9[%parallel_loop3A_865, %parallel_loop3A_866], %parallel_loop3A_869 {add = true, strides = array<i32>} : memref<32x768xf32, #tpu.memory_space<vmem>>, vector<1x16xf32>,
        %parallel_loop3A_870 = arith.index_cast %parallel_loop3A_698 : i32 to index
        %parallel_loop3A_871 = arith.constant 304 : index
        %parallel_loop3A_872 = tpu.vector_load %arg5[%parallel_loop3A_870, %parallel_loop3A_871] {strides = array<i32>} : memref<32x768xf32, #tpu.memory_space<vmem>>, vector<1x16xf32>,
        %parallel_loop3A_873 = vector.shape_cast %parallel_loop3A_872 : vector<1x16xf32> to vector<16xf32>
        %parallel_loop3A_874 = arith.index_cast %parallel_loop3A_698 : i32 to index
        %parallel_loop3A_875 = arith.constant 304 : index
        %parallel_loop3A_876 = tpu.vector_load %arg9[%parallel_loop3A_874, %parallel_loop3A_875] {strides = array<i32>} : memref<32x768xf32, #tpu.memory_space<vmem>>, vector<1x16xf32>,
        %parallel_loop3A_877 = vector.shape_cast %parallel_loop3A_876 : vector<1x16xf32> to vector<16xf32>
        %parallel_loop3A_878 = vector.shape_cast %parallel_loop3A_873 : vector<16xf32> to vector<1x16xf32>
        tpu.vector_store %arg9[%parallel_loop3A_874, %parallel_loop3A_875], %parallel_loop3A_878 {add = true, strides = array<i32>} : memref<32x768xf32, #tpu.memory_space<vmem>>, vector<1x16xf32>,
        %parallel_loop3A_879 = arith.index_cast %parallel_loop3A_698 : i32 to index
        %parallel_loop3A_880 = arith.constant 320 : index
        %parallel_loop3A_881 = tpu.vector_load %arg5[%parallel_loop3A_879, %parallel_loop3A_880] {strides = array<i32>} : memref<32x768xf32, #tpu.memory_space<vmem>>, vector<1x16xf32>,
        %parallel_loop3A_882 = vector.shape_cast %parallel_loop3A_881 : vector<1x16xf32> to vector<16xf32>
        %parallel_loop3A_883 = arith.index_cast %parallel_loop3A_698 : i32 to index
        %parallel_loop3A_884 = arith.constant 320 : index
        %parallel_loop3A_885 = tpu.vector_load %arg9[%parallel_loop3A_883, %parallel_loop3A_884] {strides = array<i32>} : memref<32x768xf32, #tpu.memory_space<vmem>>, vector<1x16xf32>,
        %parallel_loop3A_886 = vector.shape_cast %parallel_loop3A_885 : vector<1x16xf32> to vector<16xf32>
        %parallel_loop3A_887 = vector.shape_cast %parallel_loop3A_882 : vector<16xf32> to vector<1x16xf32>
        tpu.vector_store %arg9[%parallel_loop3A_883, %parallel_loop3A_884], %parallel_loop3A_887 {add = true, strides = array<i32>} : memref<32x768xf32, #tpu.memory_space<vmem>>, vector<1x16xf32>,
        %parallel_loop3A_888 = arith.index_cast %parallel_loop3A_698 : i32 to index
        %parallel_loop3A_889 = arith.constant 336 : index
        %parallel_loop3A_890 = tpu.vector_load %arg5[%parallel_loop3A_888, %parallel_loop3A_889] {strides = array<i32>} : memref<32x768xf32, #tpu.memory_space<vmem>>, vector<1x16xf32>,
        %parallel_loop3A_891 = vector.shape_cast %parallel_loop3A_890 : vector<1x16xf32> to vector<16xf32>
        %parallel_loop3A_892 = arith.index_cast %parallel_loop3A_698 : i32 to index
        %parallel_loop3A_893 = arith.constant 336 : index
        %parallel_loop3A_894 = tpu.vector_load %arg9[%parallel_loop3A_892, %parallel_loop3A_893] {strides = array<i32>} : memref<32x768xf32, #tpu.memory_space<vmem>>, vector<1x16xf32>,
        %parallel_loop3A_895 = vector.shape_cast %parallel_loop3A_894 : vector<1x16xf32> to vector<16xf32>
        %parallel_loop3A_896 = vector.shape_cast %parallel_loop3A_891 : vector<16xf32> to vector<1x16xf32>
        tpu.vector_store %arg9[%parallel_loop3A_892, %parallel_loop3A_893], %parallel_loop3A_896 {add = true, strides = array<i32>} : memref<32x768xf32, #tpu.memory_space<vmem>>, vector<1x16xf32>,
        %parallel_loop3A_897 = arith.index_cast %parallel_loop3A_698 : i32 to index
        %parallel_loop3A_898 = arith.constant 352 : index
        %parallel_loop3A_899 = tpu.vector_load %arg5[%parallel_loop3A_897, %parallel_loop3A_898] {strides = array<i32>} : memref<32x768xf32, #tpu.memory_space<vmem>>, vector<1x16xf32>,
        %parallel_loop3A_900 = vector.shape_cast %parallel_loop3A_899 : vector<1x16xf32> to vector<16xf32>
        %parallel_loop3A_901 = arith.index_cast %parallel_loop3A_698 : i32 to index
        %parallel_loop3A_902 = arith.constant 352 : index
        %parallel_loop3A_903 = tpu.vector_load %arg9[%parallel_loop3A_901, %parallel_loop3A_902] {strides = array<i32>} : memref<32x768xf32, #tpu.memory_space<vmem>>, vector<1x16xf32>,
        %parallel_loop3A_904 = vector.shape_cast %parallel_loop3A_903 : vector<1x16xf32> to vector<16xf32>
        %parallel_loop3A_905 = vector.shape_cast %parallel_loop3A_900 : vector<16xf32> to vector<1x16xf32>
        tpu.vector_store %arg9[%parallel_loop3A_901, %parallel_loop3A_902], %parallel_loop3A_905 {add = true, strides = array<i32>} : memref<32x768xf32, #tpu.memory_space<vmem>>, vector<1x16xf32>,
        %parallel_loop3A_906 = arith.index_cast %parallel_loop3A_698 : i32 to index
        %parallel_loop3A_907 = arith.constant 368 : index
        %parallel_loop3A_908 = tpu.vector_load %arg5[%parallel_loop3A_906, %parallel_loop3A_907] {strides = array<i32>} : memref<32x768xf32, #tpu.memory_space<vmem>>, vector<1x16xf32>,
        %parallel_loop3A_909 = vector.shape_cast %parallel_loop3A_908 : vector<1x16xf32> to vector<16xf32>
        %parallel_loop3A_910 = arith.index_cast %parallel_loop3A_698 : i32 to index
        %parallel_loop3A_911 = arith.constant 368 : index
        %parallel_loop3A_912 = tpu.vector_load %arg9[%parallel_loop3A_910, %parallel_loop3A_911] {strides = array<i32>} : memref<32x768xf32, #tpu.memory_space<vmem>>, vector<1x16xf32>,
        %parallel_loop3A_913 = vector.shape_cast %parallel_loop3A_912 : vector<1x16xf32> to vector<16xf32>
        %parallel_loop3A_914 = vector.shape_cast %parallel_loop3A_909 : vector<16xf32> to vector<1x16xf32>
        tpu.vector_store %arg9[%parallel_loop3A_910, %parallel_loop3A_911], %parallel_loop3A_914 {add = true, strides = array<i32>} : memref<32x768xf32, #tpu.memory_space<vmem>>, vector<1x16xf32>,
        %parallel_loop3A_915 = arith.index_cast %parallel_loop3A_698 : i32 to index
        %parallel_loop3A_916 = arith.constant 384 : index
        %parallel_loop3A_917 = tpu.vector_load %arg5[%parallel_loop3A_915, %parallel_loop3A_916] {strides = array<i32>} : memref<32x768xf32, #tpu.memory_space<vmem>>, vector<1x16xf32>,
        %parallel_loop3A_918 = vector.shape_cast %parallel_loop3A_917 : vector<1x16xf32> to vector<16xf32>
        %parallel_loop3A_919 = arith.index_cast %parallel_loop3A_698 : i32 to index
        %parallel_loop3A_920 = arith.constant 384 : index
        %parallel_loop3A_921 = tpu.vector_load %arg9[%parallel_loop3A_919, %parallel_loop3A_920] {strides = array<i32>} : memref<32x768xf32, #tpu.memory_space<vmem>>, vector<1x16xf32>,
        %parallel_loop3A_922 = vector.shape_cast %parallel_loop3A_921 : vector<1x16xf32> to vector<16xf32>
        %parallel_loop3A_923 = vector.shape_cast %parallel_loop3A_918 : vector<16xf32> to vector<1x16xf32>
        tpu.vector_store %arg9[%parallel_loop3A_919, %parallel_loop3A_920], %parallel_loop3A_923 {add = true, strides = array<i32>} : memref<32x768xf32, #tpu.memory_space<vmem>>, vector<1x16xf32>,
        %parallel_loop3A_924 = arith.index_cast %parallel_loop3A_698 : i32 to index
        %parallel_loop3A_925 = arith.constant 400 : index
        %parallel_loop3A_926 = tpu.vector_load %arg5[%parallel_loop3A_924, %parallel_loop3A_925] {strides = array<i32>} : memref<32x768xf32, #tpu.memory_space<vmem>>, vector<1x16xf32>,
        %parallel_loop3A_927 = vector.shape_cast %parallel_loop3A_926 : vector<1x16xf32> to vector<16xf32>
        %parallel_loop3A_928 = arith.index_cast %parallel_loop3A_698 : i32 to index
        %parallel_loop3A_929 = arith.constant 400 : index
        %parallel_loop3A_930 = tpu.vector_load %arg9[%parallel_loop3A_928, %parallel_loop3A_929] {strides = array<i32>} : memref<32x768xf32, #tpu.memory_space<vmem>>, vector<1x16xf32>,
        %parallel_loop3A_931 = vector.shape_cast %parallel_loop3A_930 : vector<1x16xf32> to vector<16xf32>
        %parallel_loop3A_932 = vector.shape_cast %parallel_loop3A_927 : vector<16xf32> to vector<1x16xf32>
        tpu.vector_store %arg9[%parallel_loop3A_928, %parallel_loop3A_929], %parallel_loop3A_932 {add = true, strides = array<i32>} : memref<32x768xf32, #tpu.memory_space<vmem>>, vector<1x16xf32>,
        %parallel_loop3A_933 = arith.index_cast %parallel_loop3A_698 : i32 to index
        %parallel_loop3A_934 = arith.constant 416 : index
        %parallel_loop3A_935 = tpu.vector_load %arg5[%parallel_loop3A_933, %parallel_loop3A_934] {strides = array<i32>} : memref<32x768xf32, #tpu.memory_space<vmem>>, vector<1x16xf32>,
        %parallel_loop3A_936 = vector.shape_cast %parallel_loop3A_935 : vector<1x16xf32> to vector<16xf32>
        %parallel_loop3A_937 = arith.index_cast %parallel_loop3A_698 : i32 to index
        %parallel_loop3A_938 = arith.constant 416 : index
        %parallel_loop3A_939 = tpu.vector_load %arg9[%parallel_loop3A_937, %parallel_loop3A_938] {strides = array<i32>} : memref<32x768xf32, #tpu.memory_space<vmem>>, vector<1x16xf32>,
        %parallel_loop3A_940 = vector.shape_cast %parallel_loop3A_939 : vector<1x16xf32> to vector<16xf32>
        %parallel_loop3A_941 = vector.shape_cast %parallel_loop3A_936 : vector<16xf32> to vector<1x16xf32>
        tpu.vector_store %arg9[%parallel_loop3A_937, %parallel_loop3A_938], %parallel_loop3A_941 {add = true, strides = array<i32>} : memref<32x768xf32, #tpu.memory_space<vmem>>, vector<1x16xf32>,
        %parallel_loop3A_942 = arith.index_cast %parallel_loop3A_698 : i32 to index
        %parallel_loop3A_943 = arith.constant 432 : index
        %parallel_loop3A_944 = tpu.vector_load %arg5[%parallel_loop3A_942, %parallel_loop3A_943] {strides = array<i32>} : memref<32x768xf32, #tpu.memory_space<vmem>>, vector<1x16xf32>,
        %parallel_loop3A_945 = vector.shape_cast %parallel_loop3A_944 : vector<1x16xf32> to vector<16xf32>
        %parallel_loop3A_946 = arith.index_cast %parallel_loop3A_698 : i32 to index
        %parallel_loop3A_947 = arith.constant 432 : index
        %parallel_loop3A_948 = tpu.vector_load %arg9[%parallel_loop3A_946, %parallel_loop3A_947] {strides = array<i32>} : memref<32x768xf32, #tpu.memory_space<vmem>>, vector<1x16xf32>,
        %parallel_loop3A_949 = vector.shape_cast %parallel_loop3A_948 : vector<1x16xf32> to vector<16xf32>
        %parallel_loop3A_950 = vector.shape_cast %parallel_loop3A_945 : vector<16xf32> to vector<1x16xf32>
        tpu.vector_store %arg9[%parallel_loop3A_946, %parallel_loop3A_947], %parallel_loop3A_950 {add = true, strides = array<i32>} : memref<32x768xf32, #tpu.memory_space<vmem>>, vector<1x16xf32>,
        %parallel_loop3A_951 = arith.index_cast %parallel_loop3A_698 : i32 to index
        %parallel_loop3A_952 = arith.constant 448 : index
        %parallel_loop3A_953 = tpu.vector_load %arg5[%parallel_loop3A_951, %parallel_loop3A_952] {strides = array<i32>} : memref<32x768xf32, #tpu.memory_space<vmem>>, vector<1x16xf32>,
        %parallel_loop3A_954 = vector.shape_cast %parallel_loop3A_953 : vector<1x16xf32> to vector<16xf32>
        %parallel_loop3A_955 = arith.index_cast %parallel_loop3A_698 : i32 to index
        %parallel_loop3A_956 = arith.constant 448 : index
        %parallel_loop3A_957 = tpu.vector_load %arg9[%parallel_loop3A_955, %parallel_loop3A_956] {strides = array<i32>} : memref<32x768xf32, #tpu.memory_space<vmem>>, vector<1x16xf32>,
        %parallel_loop3A_958 = vector.shape_cast %parallel_loop3A_957 : vector<1x16xf32> to vector<16xf32>
        %parallel_loop3A_959 = vector.shape_cast %parallel_loop3A_954 : vector<16xf32> to vector<1x16xf32>
        tpu.vector_store %arg9[%parallel_loop3A_955, %parallel_loop3A_956], %parallel_loop3A_959 {add = true, strides = array<i32>} : memref<32x768xf32, #tpu.memory_space<vmem>>, vector<1x16xf32>,
        %parallel_loop3A_960 = arith.index_cast %parallel_loop3A_698 : i32 to index
        %parallel_loop3A_961 = arith.constant 464 : index
        %parallel_loop3A_962 = tpu.vector_load %arg5[%parallel_loop3A_960, %parallel_loop3A_961] {strides = array<i32>} : memref<32x768xf32, #tpu.memory_space<vmem>>, vector<1x16xf32>,
        %parallel_loop3A_963 = vector.shape_cast %parallel_loop3A_962 : vector<1x16xf32> to vector<16xf32>
        %parallel_loop3A_964 = arith.index_cast %parallel_loop3A_698 : i32 to index
        %parallel_loop3A_965 = arith.constant 464 : index
        %parallel_loop3A_966 = tpu.vector_load %arg9[%parallel_loop3A_964, %parallel_loop3A_965] {strides = array<i32>} : memref<32x768xf32, #tpu.memory_space<vmem>>, vector<1x16xf32>,
        %parallel_loop3A_967 = vector.shape_cast %parallel_loop3A_966 : vector<1x16xf32> to vector<16xf32>
        %parallel_loop3A_968 = vector.shape_cast %parallel_loop3A_963 : vector<16xf32> to vector<1x16xf32>
        tpu.vector_store %arg9[%parallel_loop3A_964, %parallel_loop3A_965], %parallel_loop3A_968 {add = true, strides = array<i32>} : memref<32x768xf32, #tpu.memory_space<vmem>>, vector<1x16xf32>,
        %parallel_loop3A_969 = arith.index_cast %parallel_loop3A_698 : i32 to index
        %parallel_loop3A_970 = arith.constant 480 : index
        %parallel_loop3A_971 = tpu.vector_load %arg5[%parallel_loop3A_969, %parallel_loop3A_970] {strides = array<i32>} : memref<32x768xf32, #tpu.memory_space<vmem>>, vector<1x16xf32>,
        %parallel_loop3A_972 = vector.shape_cast %parallel_loop3A_971 : vector<1x16xf32> to vector<16xf32>
        %parallel_loop3A_973 = arith.index_cast %parallel_loop3A_698 : i32 to index
        %parallel_loop3A_974 = arith.constant 480 : index
        %parallel_loop3A_975 = tpu.vector_load %arg9[%parallel_loop3A_973, %parallel_loop3A_974] {strides = array<i32>} : memref<32x768xf32, #tpu.memory_space<vmem>>, vector<1x16xf32>,
        %parallel_loop3A_976 = vector.shape_cast %parallel_loop3A_975 : vector<1x16xf32> to vector<16xf32>
        %parallel_loop3A_977 = vector.shape_cast %parallel_loop3A_972 : vector<16xf32> to vector<1x16xf32>
        tpu.vector_store %arg9[%parallel_loop3A_973, %parallel_loop3A_974], %parallel_loop3A_977 {add = true, strides = array<i32>} : memref<32x768xf32, #tpu.memory_space<vmem>>, vector<1x16xf32>,
        %parallel_loop3A_978 = arith.index_cast %parallel_loop3A_698 : i32 to index
        %parallel_loop3A_979 = arith.constant 496 : index
        %parallel_loop3A_980 = tpu.vector_load %arg5[%parallel_loop3A_978, %parallel_loop3A_979] {strides = array<i32>} : memref<32x768xf32, #tpu.memory_space<vmem>>, vector<1x16xf32>,
        %parallel_loop3A_981 = vector.shape_cast %parallel_loop3A_980 : vector<1x16xf32> to vector<16xf32>
        %parallel_loop3A_982 = arith.index_cast %parallel_loop3A_698 : i32 to index
        %parallel_loop3A_983 = arith.constant 496 : index
        %parallel_loop3A_984 = tpu.vector_load %arg9[%parallel_loop3A_982, %parallel_loop3A_983] {strides = array<i32>} : memref<32x768xf32, #tpu.memory_space<vmem>>, vector<1x16xf32>,
        %parallel_loop3A_985 = vector.shape_cast %parallel_loop3A_984 : vector<1x16xf32> to vector<16xf32>
        %parallel_loop3A_986 = vector.shape_cast %parallel_loop3A_981 : vector<16xf32> to vector<1x16xf32>
        tpu.vector_store %arg9[%parallel_loop3A_982, %parallel_loop3A_983], %parallel_loop3A_986 {add = true, strides = array<i32>} : memref<32x768xf32, #tpu.memory_space<vmem>>, vector<1x16xf32>,
        %parallel_loop3A_987 = arith.index_cast %parallel_loop3A_698 : i32 to index
        %parallel_loop3A_988 = arith.constant 512 : index
        %parallel_loop3A_989 = tpu.vector_load %arg5[%parallel_loop3A_987, %parallel_loop3A_988] {strides = array<i32>} : memref<32x768xf32, #tpu.memory_space<vmem>>, vector<1x16xf32>,
        %parallel_loop3A_990 = vector.shape_cast %parallel_loop3A_989 : vector<1x16xf32> to vector<16xf32>
        %parallel_loop3A_991 = arith.index_cast %parallel_loop3A_698 : i32 to index
        %parallel_loop3A_992 = arith.constant 512 : index
        %parallel_loop3A_993 = tpu.vector_load %arg9[%parallel_loop3A_991, %parallel_loop3A_992] {strides = array<i32>} : memref<32x768xf32, #tpu.memory_space<vmem>>, vector<1x16xf32>,
        %parallel_loop3A_994 = vector.shape_cast %parallel_loop3A_993 : vector<1x16xf32> to vector<16xf32>
        %parallel_loop3A_995 = vector.shape_cast %parallel_loop3A_990 : vector<16xf32> to vector<1x16xf32>
        tpu.vector_store %arg9[%parallel_loop3A_991, %parallel_loop3A_992], %parallel_loop3A_995 {add = true, strides = array<i32>} : memref<32x768xf32, #tpu.memory_space<vmem>>, vector<1x16xf32>,
        %parallel_loop3A_996 = arith.index_cast %parallel_loop3A_698 : i32 to index
        %parallel_loop3A_997 = arith.constant 528 : index
        %parallel_loop3A_998 = tpu.vector_load %arg5[%parallel_loop3A_996, %parallel_loop3A_997] {strides = array<i32>} : memref<32x768xf32, #tpu.memory_space<vmem>>, vector<1x16xf32>,
        %parallel_loop3A_999 = vector.shape_cast %parallel_loop3A_998 : vector<1x16xf32> to vector<16xf32>
        %parallel_loop3A_1000 = arith.index_cast %parallel_loop3A_698 : i32 to index
        %parallel_loop3A_1001 = arith.constant 528 : index
        %parallel_loop3A_1002 = tpu.vector_load %arg9[%parallel_loop3A_1000, %parallel_loop3A_1001] {strides = array<i32>} : memref<32x768xf32, #tpu.memory_space<vmem>>, vector<1x16xf32>,
        %parallel_loop3A_1003 = vector.shape_cast %parallel_loop3A_1002 : vector<1x16xf32> to vector<16xf32>
        %parallel_loop3A_1004 = vector.shape_cast %parallel_loop3A_999 : vector<16xf32> to vector<1x16xf32>
        tpu.vector_store %arg9[%parallel_loop3A_1000, %parallel_loop3A_1001], %parallel_loop3A_1004 {add = true, strides = array<i32>} : memref<32x768xf32, #tpu.memory_space<vmem>>, vector<1x16xf32>,
        %parallel_loop3A_1005 = arith.index_cast %parallel_loop3A_698 : i32 to index
        %parallel_loop3A_1006 = arith.constant 544 : index
        %parallel_loop3A_1007 = tpu.vector_load %arg5[%parallel_loop3A_1005, %parallel_loop3A_1006] {strides = array<i32>} : memref<32x768xf32, #tpu.memory_space<vmem>>, vector<1x16xf32>,
        %parallel_loop3A_1008 = vector.shape_cast %parallel_loop3A_1007 : vector<1x16xf32> to vector<16xf32>
        %parallel_loop3A_1009 = arith.index_cast %parallel_loop3A_698 : i32 to index
        %parallel_loop3A_1010 = arith.constant 544 : index
        %parallel_loop3A_1011 = tpu.vector_load %arg9[%parallel_loop3A_1009, %parallel_loop3A_1010] {strides = array<i32>} : memref<32x768xf32, #tpu.memory_space<vmem>>, vector<1x16xf32>,
        %parallel_loop3A_1012 = vector.shape_cast %parallel_loop3A_1011 : vector<1x16xf32> to vector<16xf32>
        %parallel_loop3A_1013 = vector.shape_cast %parallel_loop3A_1008 : vector<16xf32> to vector<1x16xf32>
        tpu.vector_store %arg9[%parallel_loop3A_1009, %parallel_loop3A_1010], %parallel_loop3A_1013 {add = true, strides = array<i32>} : memref<32x768xf32, #tpu.memory_space<vmem>>, vector<1x16xf32>,
        %parallel_loop3A_1014 = arith.index_cast %parallel_loop3A_698 : i32 to index
        %parallel_loop3A_1015 = arith.constant 560 : index
        %parallel_loop3A_1016 = tpu.vector_load %arg5[%parallel_loop3A_1014, %parallel_loop3A_1015] {strides = array<i32>} : memref<32x768xf32, #tpu.memory_space<vmem>>, vector<1x16xf32>,
        %parallel_loop3A_1017 = vector.shape_cast %parallel_loop3A_1016 : vector<1x16xf32> to vector<16xf32>
        %parallel_loop3A_1018 = arith.index_cast %parallel_loop3A_698 : i32 to index
        %parallel_loop3A_1019 = arith.constant 560 : index
        %parallel_loop3A_1020 = tpu.vector_load %arg9[%parallel_loop3A_1018, %parallel_loop3A_1019] {strides = array<i32>} : memref<32x768xf32, #tpu.memory_space<vmem>>, vector<1x16xf32>,
        %parallel_loop3A_1021 = vector.shape_cast %parallel_loop3A_1020 : vector<1x16xf32> to vector<16xf32>
        %parallel_loop3A_1022 = vector.shape_cast %parallel_loop3A_1017 : vector<16xf32> to vector<1x16xf32>
        tpu.vector_store %arg9[%parallel_loop3A_1018, %parallel_loop3A_1019], %parallel_loop3A_1022 {add = true, strides = array<i32>} : memref<32x768xf32, #tpu.memory_space<vmem>>, vector<1x16xf32>,
        %parallel_loop3A_1023 = arith.index_cast %parallel_loop3A_698 : i32 to index
        %parallel_loop3A_1024 = arith.constant 576 : index
        %parallel_loop3A_1025 = tpu.vector_load %arg5[%parallel_loop3A_1023, %parallel_loop3A_1024] {strides = array<i32>} : memref<32x768xf32, #tpu.memory_space<vmem>>, vector<1x16xf32>,
        %parallel_loop3A_1026 = vector.shape_cast %parallel_loop3A_1025 : vector<1x16xf32> to vector<16xf32>
        %parallel_loop3A_1027 = arith.index_cast %parallel_loop3A_698 : i32 to index
        %parallel_loop3A_1028 = arith.constant 576 : index
        %parallel_loop3A_1029 = tpu.vector_load %arg9[%parallel_loop3A_1027, %parallel_loop3A_1028] {strides = array<i32>} : memref<32x768xf32, #tpu.memory_space<vmem>>, vector<1x16xf32>,
        %parallel_loop3A_1030 = vector.shape_cast %parallel_loop3A_1029 : vector<1x16xf32> to vector<16xf32>
        %parallel_loop3A_1031 = vector.shape_cast %parallel_loop3A_1026 : vector<16xf32> to vector<1x16xf32>
        tpu.vector_store %arg9[%parallel_loop3A_1027, %parallel_loop3A_1028], %parallel_loop3A_1031 {add = true, strides = array<i32>} : memref<32x768xf32, #tpu.memory_space<vmem>>, vector<1x16xf32>,
        %parallel_loop3A_1032 = arith.index_cast %parallel_loop3A_698 : i32 to index
        %parallel_loop3A_1033 = arith.constant 592 : index
        %parallel_loop3A_1034 = tpu.vector_load %arg5[%parallel_loop3A_1032, %parallel_loop3A_1033] {strides = array<i32>} : memref<32x768xf32, #tpu.memory_space<vmem>>, vector<1x16xf32>,
        %parallel_loop3A_1035 = vector.shape_cast %parallel_loop3A_1034 : vector<1x16xf32> to vector<16xf32>
        %parallel_loop3A_1036 = arith.index_cast %parallel_loop3A_698 : i32 to index
        %parallel_loop3A_1037 = arith.constant 592 : index
        %parallel_loop3A_1038 = tpu.vector_load %arg9[%parallel_loop3A_1036, %parallel_loop3A_1037] {strides = array<i32>} : memref<32x768xf32, #tpu.memory_space<vmem>>, vector<1x16xf32>,
        %parallel_loop3A_1039 = vector.shape_cast %parallel_loop3A_1038 : vector<1x16xf32> to vector<16xf32>
        %parallel_loop3A_1040 = vector.shape_cast %parallel_loop3A_1035 : vector<16xf32> to vector<1x16xf32>
        tpu.vector_store %arg9[%parallel_loop3A_1036, %parallel_loop3A_1037], %parallel_loop3A_1040 {add = true, strides = array<i32>} : memref<32x768xf32, #tpu.memory_space<vmem>>, vector<1x16xf32>,
        %parallel_loop3A_1041 = arith.index_cast %parallel_loop3A_698 : i32 to index
        %parallel_loop3A_1042 = arith.constant 608 : index
        %parallel_loop3A_1043 = tpu.vector_load %arg5[%parallel_loop3A_1041, %parallel_loop3A_1042] {strides = array<i32>} : memref<32x768xf32, #tpu.memory_space<vmem>>, vector<1x16xf32>,
        %parallel_loop3A_1044 = vector.shape_cast %parallel_loop3A_1043 : vector<1x16xf32> to vector<16xf32>
        %parallel_loop3A_1045 = arith.index_cast %parallel_loop3A_698 : i32 to index
        %parallel_loop3A_1046 = arith.constant 608 : index
        %parallel_loop3A_1047 = tpu.vector_load %arg9[%parallel_loop3A_1045, %parallel_loop3A_1046] {strides = array<i32>} : memref<32x768xf32, #tpu.memory_space<vmem>>, vector<1x16xf32>,
        %parallel_loop3A_1048 = vector.shape_cast %parallel_loop3A_1047 : vector<1x16xf32> to vector<16xf32>
        %parallel_loop3A_1049 = vector.shape_cast %parallel_loop3A_1044 : vector<16xf32> to vector<1x16xf32>
        tpu.vector_store %arg9[%parallel_loop3A_1045, %parallel_loop3A_1046], %parallel_loop3A_1049 {add = true, strides = array<i32>} : memref<32x768xf32, #tpu.memory_space<vmem>>, vector<1x16xf32>,
        %parallel_loop3A_1050 = arith.index_cast %parallel_loop3A_698 : i32 to index
        %parallel_loop3A_1051 = arith.constant 624 : index
        %parallel_loop3A_1052 = tpu.vector_load %arg5[%parallel_loop3A_1050, %parallel_loop3A_1051] {strides = array<i32>} : memref<32x768xf32, #tpu.memory_space<vmem>>, vector<1x16xf32>,
        %parallel_loop3A_1053 = vector.shape_cast %parallel_loop3A_1052 : vector<1x16xf32> to vector<16xf32>
        %parallel_loop3A_1054 = arith.index_cast %parallel_loop3A_698 : i32 to index
        %parallel_loop3A_1055 = arith.constant 624 : index
        %parallel_loop3A_1056 = tpu.vector_load %arg9[%parallel_loop3A_1054, %parallel_loop3A_1055] {strides = array<i32>} : memref<32x768xf32, #tpu.memory_space<vmem>>, vector<1x16xf32>,
        %parallel_loop3A_1057 = vector.shape_cast %parallel_loop3A_1056 : vector<1x16xf32> to vector<16xf32>
        %parallel_loop3A_1058 = vector.shape_cast %parallel_loop3A_1053 : vector<16xf32> to vector<1x16xf32>
        tpu.vector_store %arg9[%parallel_loop3A_1054, %parallel_loop3A_1055], %parallel_loop3A_1058 {add = true, strides = array<i32>} : memref<32x768xf32, #tpu.memory_space<vmem>>, vector<1x16xf32>,
        %parallel_loop3A_1059 = arith.index_cast %parallel_loop3A_698 : i32 to index
        %parallel_loop3A_1060 = arith.constant 640 : index
        %parallel_loop3A_1061 = tpu.vector_load %arg5[%parallel_loop3A_1059, %parallel_loop3A_1060] {strides = array<i32>} : memref<32x768xf32, #tpu.memory_space<vmem>>, vector<1x16xf32>,
        %parallel_loop3A_1062 = vector.shape_cast %parallel_loop3A_1061 : vector<1x16xf32> to vector<16xf32>
        %parallel_loop3A_1063 = arith.index_cast %parallel_loop3A_698 : i32 to index
        %parallel_loop3A_1064 = arith.constant 640 : index
        %parallel_loop3A_1065 = tpu.vector_load %arg9[%parallel_loop3A_1063, %parallel_loop3A_1064] {strides = array<i32>} : memref<32x768xf32, #tpu.memory_space<vmem>>, vector<1x16xf32>,
        %parallel_loop3A_1066 = vector.shape_cast %parallel_loop3A_1065 : vector<1x16xf32> to vector<16xf32>
        %parallel_loop3A_1067 = vector.shape_cast %parallel_loop3A_1062 : vector<16xf32> to vector<1x16xf32>
        tpu.vector_store %arg9[%parallel_loop3A_1063, %parallel_loop3A_1064], %parallel_loop3A_1067 {add = true, strides = array<i32>} : memref<32x768xf32, #tpu.memory_space<vmem>>, vector<1x16xf32>,
        %parallel_loop3A_1068 = arith.index_cast %parallel_loop3A_698 : i32 to index
        %parallel_loop3A_1069 = arith.constant 656 : index
        %parallel_loop3A_1070 = tpu.vector_load %arg5[%parallel_loop3A_1068, %parallel_loop3A_1069] {strides = array<i32>} : memref<32x768xf32, #tpu.memory_space<vmem>>, vector<1x16xf32>,
        %parallel_loop3A_1071 = vector.shape_cast %parallel_loop3A_1070 : vector<1x16xf32> to vector<16xf32>
        %parallel_loop3A_1072 = arith.index_cast %parallel_loop3A_698 : i32 to index
        %parallel_loop3A_1073 = arith.constant 656 : index
        %parallel_loop3A_1074 = tpu.vector_load %arg9[%parallel_loop3A_1072, %parallel_loop3A_1073] {strides = array<i32>} : memref<32x768xf32, #tpu.memory_space<vmem>>, vector<1x16xf32>,
        %parallel_loop3A_1075 = vector.shape_cast %parallel_loop3A_1074 : vector<1x16xf32> to vector<16xf32>
        %parallel_loop3A_1076 = vector.shape_cast %parallel_loop3A_1071 : vector<16xf32> to vector<1x16xf32>
        tpu.vector_store %arg9[%parallel_loop3A_1072, %parallel_loop3A_1073], %parallel_loop3A_1076 {add = true, strides = array<i32>} : memref<32x768xf32, #tpu.memory_space<vmem>>, vector<1x16xf32>,
        %parallel_loop3A_1077 = arith.index_cast %parallel_loop3A_698 : i32 to index
        %parallel_loop3A_1078 = arith.constant 672 : index
        %parallel_loop3A_1079 = tpu.vector_load %arg5[%parallel_loop3A_1077, %parallel_loop3A_1078] {strides = array<i32>} : memref<32x768xf32, #tpu.memory_space<vmem>>, vector<1x16xf32>,
        %parallel_loop3A_1080 = vector.shape_cast %parallel_loop3A_1079 : vector<1x16xf32> to vector<16xf32>
        %parallel_loop3A_1081 = arith.index_cast %parallel_loop3A_698 : i32 to index
        %parallel_loop3A_1082 = arith.constant 672 : index
        %parallel_loop3A_1083 = tpu.vector_load %arg9[%parallel_loop3A_1081, %parallel_loop3A_1082] {strides = array<i32>} : memref<32x768xf32, #tpu.memory_space<vmem>>, vector<1x16xf32>,
        %parallel_loop3A_1084 = vector.shape_cast %parallel_loop3A_1083 : vector<1x16xf32> to vector<16xf32>
        %parallel_loop3A_1085 = vector.shape_cast %parallel_loop3A_1080 : vector<16xf32> to vector<1x16xf32>
        tpu.vector_store %arg9[%parallel_loop3A_1081, %parallel_loop3A_1082], %parallel_loop3A_1085 {add = true, strides = array<i32>} : memref<32x768xf32, #tpu.memory_space<vmem>>, vector<1x16xf32>,
        %parallel_loop3A_1086 = arith.index_cast %parallel_loop3A_698 : i32 to index
        %parallel_loop3A_1087 = arith.constant 688 : index
        %parallel_loop3A_1088 = tpu.vector_load %arg5[%parallel_loop3A_1086, %parallel_loop3A_1087] {strides = array<i32>} : memref<32x768xf32, #tpu.memory_space<vmem>>, vector<1x16xf32>,
        %parallel_loop3A_1089 = vector.shape_cast %parallel_loop3A_1088 : vector<1x16xf32> to vector<16xf32>
        %parallel_loop3A_1090 = arith.index_cast %parallel_loop3A_698 : i32 to index
        %parallel_loop3A_1091 = arith.constant 688 : index
        %parallel_loop3A_1092 = tpu.vector_load %arg9[%parallel_loop3A_1090, %parallel_loop3A_1091] {strides = array<i32>} : memref<32x768xf32, #tpu.memory_space<vmem>>, vector<1x16xf32>,
        %parallel_loop3A_1093 = vector.shape_cast %parallel_loop3A_1092 : vector<1x16xf32> to vector<16xf32>
        %parallel_loop3A_1094 = vector.shape_cast %parallel_loop3A_1089 : vector<16xf32> to vector<1x16xf32>
        tpu.vector_store %arg9[%parallel_loop3A_1090, %parallel_loop3A_1091], %parallel_loop3A_1094 {add = true, strides = array<i32>} : memref<32x768xf32, #tpu.memory_space<vmem>>, vector<1x16xf32>,
        %parallel_loop3A_1095 = arith.index_cast %parallel_loop3A_698 : i32 to index
        %parallel_loop3A_1096 = arith.constant 704 : index
        %parallel_loop3A_1097 = tpu.vector_load %arg5[%parallel_loop3A_1095, %parallel_loop3A_1096] {strides = array<i32>} : memref<32x768xf32, #tpu.memory_space<vmem>>, vector<1x16xf32>,
        %parallel_loop3A_1098 = vector.shape_cast %parallel_loop3A_1097 : vector<1x16xf32> to vector<16xf32>
        %parallel_loop3A_1099 = arith.index_cast %parallel_loop3A_698 : i32 to index
        %parallel_loop3A_1100 = arith.constant 704 : index
        %parallel_loop3A_1101 = tpu.vector_load %arg9[%parallel_loop3A_1099, %parallel_loop3A_1100] {strides = array<i32>} : memref<32x768xf32, #tpu.memory_space<vmem>>, vector<1x16xf32>,
        %parallel_loop3A_1102 = vector.shape_cast %parallel_loop3A_1101 : vector<1x16xf32> to vector<16xf32>
        %parallel_loop3A_1103 = vector.shape_cast %parallel_loop3A_1098 : vector<16xf32> to vector<1x16xf32>
        tpu.vector_store %arg9[%parallel_loop3A_1099, %parallel_loop3A_1100], %parallel_loop3A_1103 {add = true, strides = array<i32>} : memref<32x768xf32, #tpu.memory_space<vmem>>, vector<1x16xf32>,
        %parallel_loop3A_1104 = arith.index_cast %parallel_loop3A_698 : i32 to index
        %parallel_loop3A_1105 = arith.constant 720 : index
        %parallel_loop3A_1106 = tpu.vector_load %arg5[%parallel_loop3A_1104, %parallel_loop3A_1105] {strides = array<i32>} : memref<32x768xf32, #tpu.memory_space<vmem>>, vector<1x16xf32>,
        %parallel_loop3A_1107 = vector.shape_cast %parallel_loop3A_1106 : vector<1x16xf32> to vector<16xf32>
        %parallel_loop3A_1108 = arith.index_cast %parallel_loop3A_698 : i32 to index
        %parallel_loop3A_1109 = arith.constant 720 : index
        %parallel_loop3A_1110 = tpu.vector_load %arg9[%parallel_loop3A_1108, %parallel_loop3A_1109] {strides = array<i32>} : memref<32x768xf32, #tpu.memory_space<vmem>>, vector<1x16xf32>,
        %parallel_loop3A_1111 = vector.shape_cast %parallel_loop3A_1110 : vector<1x16xf32> to vector<16xf32>
        %parallel_loop3A_1112 = vector.shape_cast %parallel_loop3A_1107 : vector<16xf32> to vector<1x16xf32>
        tpu.vector_store %arg9[%parallel_loop3A_1108, %parallel_loop3A_1109], %parallel_loop3A_1112 {add = true, strides = array<i32>} : memref<32x768xf32, #tpu.memory_space<vmem>>, vector<1x16xf32>,
        %parallel_loop3A_1113 = arith.index_cast %parallel_loop3A_698 : i32 to index
        %parallel_loop3A_1114 = arith.constant 736 : index
        %parallel_loop3A_1115 = tpu.vector_load %arg5[%parallel_loop3A_1113, %parallel_loop3A_1114] {strides = array<i32>} : memref<32x768xf32, #tpu.memory_space<vmem>>, vector<1x16xf32>,
        %parallel_loop3A_1116 = vector.shape_cast %parallel_loop3A_1115 : vector<1x16xf32> to vector<16xf32>
        %parallel_loop3A_1117 = arith.index_cast %parallel_loop3A_698 : i32 to index
        %parallel_loop3A_1118 = arith.constant 736 : index
        %parallel_loop3A_1119 = tpu.vector_load %arg9[%parallel_loop3A_1117, %parallel_loop3A_1118] {strides = array<i32>} : memref<32x768xf32, #tpu.memory_space<vmem>>, vector<1x16xf32>,
        %parallel_loop3A_1120 = vector.shape_cast %parallel_loop3A_1119 : vector<1x16xf32> to vector<16xf32>
        %parallel_loop3A_1121 = vector.shape_cast %parallel_loop3A_1116 : vector<16xf32> to vector<1x16xf32>
        tpu.vector_store %arg9[%parallel_loop3A_1117, %parallel_loop3A_1118], %parallel_loop3A_1121 {add = true, strides = array<i32>} : memref<32x768xf32, #tpu.memory_space<vmem>>, vector<1x16xf32>,
        %parallel_loop3A_1122 = arith.index_cast %parallel_loop3A_698 : i32 to index
        %parallel_loop3A_1123 = arith.constant 752 : index
        %parallel_loop3A_1124 = tpu.vector_load %arg5[%parallel_loop3A_1122, %parallel_loop3A_1123] {strides = array<i32>} : memref<32x768xf32, #tpu.memory_space<vmem>>, vector<1x16xf32>,
        %parallel_loop3A_1125 = vector.shape_cast %parallel_loop3A_1124 : vector<1x16xf32> to vector<16xf32>
        %parallel_loop3A_1126 = arith.index_cast %parallel_loop3A_698 : i32 to index
        %parallel_loop3A_1127 = arith.constant 752 : index
        %parallel_loop3A_1128 = tpu.vector_load %arg9[%parallel_loop3A_1126, %parallel_loop3A_1127] {strides = array<i32>} : memref<32x768xf32, #tpu.memory_space<vmem>>, vector<1x16xf32>,
        %parallel_loop3A_1129 = vector.shape_cast %parallel_loop3A_1128 : vector<1x16xf32> to vector<16xf32>
        %parallel_loop3A_1130 = vector.shape_cast %parallel_loop3A_1125 : vector<16xf32> to vector<1x16xf32>
        tpu.vector_store %arg9[%parallel_loop3A_1126, %parallel_loop3A_1127], %parallel_loop3A_1130 {add = true, strides = array<i32>} : memref<32x768xf32, #tpu.memory_space<vmem>>, vector<1x16xf32>,
      } {sc.loop_unroll_factor = 4 : i64, sc.parallel_access}
      %jit3A_649 = arith.constant 8 : i32
      %div3A_650 = arith.divsi %add3A_540, %jit3A_649 : i32
      %sign3A_651 = arith.constant 0 : i32
      %sign3A_652 = arith.cmpi sgt, %add3A_540, %sign3A_651 : i32
      %sign3A_653 = arith.extui %sign3A_652 : i1 to i32
      %sign3A_654 = arith.constant 0 : i32
      %sign3A_655 = arith.cmpi slt, %add3A_540, %sign3A_654 : i32
      %sign3A_656 = arith.extui %sign3A_655 : i1 to i32
      %sign3A_657 = arith.subi %sign3A_653, %sign3A_656 : i32
      %sign3A_658 = arith.constant 0 : i32
      %sign3A_659 = arith.cmpi sgt, %jit3A_649, %sign3A_658 : i32
      %sign3A_660 = arith.extui %sign3A_659 : i1 to i32
      %sign3A_661 = arith.constant 0 : i32
      %sign3A_662 = arith.cmpi slt, %jit3A_649, %sign3A_661 : i32
      %sign3A_663 = arith.extui %sign3A_662 : i1 to i32
      %sign3A_664 = arith.subi %sign3A_660, %sign3A_663 : i32
      %ne3A_665 = arith.cmpi ne, %sign3A_657, %sign3A_664 : i32
      %rem3A_666 = arith.remsi %add3A_540, %jit3A_649 : i32
      %ne3A_667 = arith.constant 0 : i32
      %ne3A_668 = arith.cmpi ne, %rem3A_666, %ne3A_667 : i32
      %and3A_669 = arith.andi %ne3A_665, %ne3A_668 : i1
      %sub3A_670 = arith.constant 1 : i32
      %sub3A_671 = arith.subi %div3A_650, %sub3A_670 : i32
      %select_n3A_672 = arith.select %and3A_669, %sub3A_671, %div3A_650 : i32
      %jit3A_673 = arith.constant 8 : i32
      %eq3A_674 = arith.constant 0 : i32
      %eq3A_675 = arith.cmpi eq, %jit3A_673, %eq3A_674 : i32
      %jit3A_676 = arith.constant 1 : i32
      %select_n3A_677 = arith.select %eq3A_675, %jit3A_676, %jit3A_673 : i32
      %rem3A_678 = arith.remsi %add3A_540, %select_n3A_677 : i32
      %ne3A_679 = arith.constant 0 : i32
      %ne3A_680 = arith.cmpi ne, %rem3A_678, %ne3A_679 : i32
      %lt3A_681 = arith.constant 0 : i32
      %lt3A_682 = arith.cmpi slt, %rem3A_678, %lt3A_681 : i32
      %lt3A_683 = arith.constant 0 : i32
      %lt3A_684 = arith.cmpi slt, %select_n3A_677, %lt3A_683 : i32
      %ne3A_685 = arith.xori %lt3A_682, %lt3A_684 : i1
      %and3A_686 = arith.andi %ne3A_685, %ne3A_680 : i1
      %add3A_687 = arith.addi %rem3A_678, %select_n3A_677 : i32
      %select_n3A_688 = arith.select %and3A_686, %add3A_687, %rem3A_678 : i32
      %add3A_689 = arith.addi %mul3A_2, %select_n3A_688 : i32
      %mul3A_690 = arith.constant 32 : i32
      %mul3A_691 = arith.muli %select_n3A_672, %mul3A_690 : i32
      %dma_start3A_692 = arith.constant 0 : i32
      %dma_start3A_693 = tpu.memref_slice %arg4[%add3A_689, %mul3A_691, %dma_start3A_692] : memref<256x576x768xf32, #tpu.memory_space<hbm>> -> memref<1x32x768xf32, #tpu.memory_space<hbm>>
      %dma_start3A_694 = tpu.memref_squeeze %dma_start3A_693 : memref<1x32x768xf32, #tpu.memory_space<hbm>> -> memref<32x768xf32, #tpu.memory_space<hbm>>
      %dma_start3A_695 = arith.constant 0 : i32
      %dma_start3A_696 = tpu.memref_slice %arg4[%add3A_689, %mul3A_691, %dma_start3A_695] : memref<256x576x768xf32, #tpu.memory_space<hbm>> -> memref<1x32x768xf32, #tpu.memory_space<hbm>>
      %dma_start3A_697 = tpu.memref_squeeze %dma_start3A_696 : memref<1x32x768xf32, #tpu.memory_space<hbm>> -> memref<32x768xf32, #tpu.memory_space<hbm>>
      tpu.enqueue_dma source(%arg9 : memref<32x768xf32, #tpu.memory_space<vmem>>) target(%dma_start3A_697 : memref<32x768xf32, #tpu.memory_space<hbm>>) target_semaphore(%arg17 : memref<!tpu.dma_semaphore, #tpu.memory_space<semaphore_mem>>)
    }
    %scan3A_26 = arith.constant 36 : i32
    %add3A_27 = arith.constant 6 : i32
    %add3A_28 = arith.addi %mul3A_2, %add3A_27 : i32
    %dma_wait3A = arith.constant 544 : i32
    %dma_wait3A_29 = arith.constant 0 : i32
    %dma_wait3A_30 = tpu.memref_slice %arg4[%add3A_28, %dma_wait3A, %dma_wait3A_29] : memref<256x576x768xf32, #tpu.memory_space<hbm>> -> memref<1x32x768xf32, #tpu.memory_space<hbm>>
    %dma_wait3A_31 = tpu.memref_squeeze %dma_wait3A_30 : memref<1x32x768xf32, #tpu.memory_space<hbm>> -> memref<32x768xf32, #tpu.memory_space<hbm>>
    %dma_wait3A_32 = arith.constant 544 : i32
    %dma_wait3A_33 = arith.constant 0 : i32
    %dma_wait3A_34 = tpu.memref_slice %arg4[%add3A_28, %dma_wait3A_32, %dma_wait3A_33] : memref<256x576x768xf32, #tpu.memory_space<hbm>> -> memref<1x32x768xf32, #tpu.memory_space<hbm>>
    %dma_wait3A_35 = tpu.memref_squeeze %dma_wait3A_34 : memref<1x32x768xf32, #tpu.memory_space<hbm>> -> memref<32x768xf32, #tpu.memory_space<hbm>>
    tpu.wait_dma2 semaphore(%arg16 : memref<!tpu.dma_semaphore, #tpu.memory_space<semaphore_mem>>) src(%arg8 : memref<32x768xf32, #tpu.memory_space<vmem>>) dst(%dma_wait3A_35 : memref<32x768xf32, #tpu.memory_space<hbm>>)
    %add3A_36 = arith.constant 7 : i32
    %add3A_37 = arith.addi %mul3A_2, %add3A_36 : i32
    %dma_wait3A_38 = arith.constant 544 : i32
    %dma_wait3A_39 = arith.constant 0 : i32
    %dma_wait3A_40 = tpu.memref_slice %arg4[%add3A_37, %dma_wait3A_38, %dma_wait3A_39] : memref<256x576x768xf32, #tpu.memory_space<hbm>> -> memref<1x32x768xf32, #tpu.memory_space<hbm>>
    %dma_wait3A_41 = tpu.memref_squeeze %dma_wait3A_40 : memref<1x32x768xf32, #tpu.memory_space<hbm>> -> memref<32x768xf32, #tpu.memory_space<hbm>>
    %dma_wait3A_42 = arith.constant 544 : i32
    %dma_wait3A_43 = arith.constant 0 : i32
    %dma_wait3A_44 = tpu.memref_slice %arg4[%add3A_37, %dma_wait3A_42, %dma_wait3A_43] : memref<256x576x768xf32, #tpu.memory_space<hbm>> -> memref<1x32x768xf32, #tpu.memory_space<hbm>>
    %dma_wait3A_45 = tpu.memref_squeeze %dma_wait3A_44 : memref<1x32x768xf32, #tpu.memory_space<hbm>> -> memref<32x768xf32, #tpu.memory_space<hbm>>
    tpu.wait_dma2 semaphore(%arg17 : memref<!tpu.dma_semaphore, #tpu.memory_space<semaphore_mem>>) src(%arg9 : memref<32x768xf32, #tpu.memory_space<vmem>>) dst(%dma_wait3A_45 : memref<32x768xf32, #tpu.memory_space<hbm>>)
    return
  }
}

</mosaic_0001>

<sc_bundles>
// kernel: kernel.3.cloned.1.call-start
scs
__scs_entry_jumppad:
0x0: {  	(pc) =	sbr.rel $0x88, $3  }
0x1: {  	(tag) =	ssettag $0x0;
	lr =	simm.s32 $0x1  }
0x2: {  	[smem:$0x3F9F] =	sst lr;
	_ =	strace $0xD0000000  }
0x3: {  	_ = 	snop  }
0x4: {  	_ = 	snop  }
0x5: {  	_ = 	snop  }
0x6: {  	_ = 	snop  }
0x7: {  	_ = 	snop  }
__scs_overlays_trampoline_lowered:
0x8: {  	[smem:$0x3FAE] =	sst s0  }
0x9: {  	[smem:$0x3FAF] =	sst s1  }
0xa: {  	[smem:$0x3FB0] =	sst s2  }
0xb: {  	[smem:$0x3FB1] =	sst s3  }
0xc: {  	[smem:$0x3FB2] =	sst s4  }
0xd: {  	[smem:$0x3FB3] =	sst s5  }
0xe: {  	[smem:$0x3FB4] =	sst s6  }
0xf: {  	[smem:$0x3FB5] =	sst s7  }
0x10: {  	[smem:$0x3FB6] =	sst s8  }
0x11: {  	[smem:$0x3FB7] =	sst s9;
	s0 =	simm.s32 @!p0 $0x0  }
0x12: {  	s1 =	sld [smem:$0x3F9D];
	s0 =	simm.s32 @p0 $0x1  }
0x13: {  	[smem:$0x3FB8] =	sst s0;
	s0 =	simm.s32 @!p1 $0x0  }
0x14: {  	s2 =	sld [smem:$0x3F9C];
	s0 =	simm.s32 @p1 $0x1  }
0x15: {  	[smem:$0x3FB9] =	sst s0;
	s0 =	simm.s32 @!p2 $0x0  }
0x16: {  	s3 =	sld [smem:$0x3FDB];
	s0 =	simm.s32 @p2 $0x1  }
0x17: {  	s4 =	simm.s32 $0x1BF5;
	[smem:$0x3FBB] =	sst s0  }
0x18: {  	s0 =	sld [smem:$0x3F9E];
	_ =	swait.ge [sflag:s4], $0x0  }
0x19: {  	s7 =	sld [smem:$0x3F9F]  }
0x1a: {  	s8 =	sadd.s32 $0xFFFFE003, lr  }
0x1b: {  	s9 =	sadd.s32 $0xFFFFFEF7, lr;
	s5 =	simm.s32 $0xFFFFFFFF;
	p2 =	slt.u32 s8, $0xFFFFF086  }
0x1c: {  	p1 =	slt.u32 s9, $0xF7A;
	s5 =	simm.s32 @!p2 $0x0  }
0x1d: {  	s5 =	simm.s32 @p1 $0x1;
	p0 =	seq.s32 s7, s2  }
0x1e: {  	s7 =	smul.u32 @!p0 $0xF7A, s2;
	p2 =	seq.s32 @!p0 s5, $0x0  }
0x1f: {  	s9 =	smul.u32 $0xF7A, s1;
	s8 =	simm.s32 @!p0 $0x1BF5;
	p2 =	por !p2, p0  }
0x20: {  	[sflag:s8] =	ssyncset.s32 @!p0 $0xFFFFF086;
	s6 =	sadd.s32 @!p0 s3, s7;
	s7 =	simm.s32 @!p0 $0x108  }
0x21: {  	s3 =	sadd.s32 s3, s9;
	s6 =	sadd.s32 @!p0 $0x88, s6;
	s7 =	simm.s32 @p2 $0x1082  }
0x22: {  	[simem:s7], [sflag:s8] =	dma.local @!p0 [hbm:s6], $0xF7A  }
0x23: {  	s9 =	sor.u32 $0xD0000000, s2;
	s6 =	simm.s32 $0x108;
	_ =	swait.ge @!p0 [sflag:s8], $0x0  }
0x24: {  	s3 =	sadd.s32 $0x88, s3;
	s6 =	simm.s32 @!p1 $0x1082;
	[sflag:s4] =	ssyncset.s32 $0xFFFFF086  }
0x25: {  	[simem:s6], [sflag:s4] =	dma.local [hbm:s3], $0xF7A  }
0x26: {  	[smem:$0x3F9F] =	sst s1;
	(tag) =	ssettag s2;
	_ =	strace s9  }
0x27: {  	s1 =	sld [smem:$0x3FAF]  }
0x28: {  	s2 =	sld [smem:$0x3FB0]  }
0x29: {  	s4 =	sld [smem:$0x3FB2]  }
0x2a: {  	p0 =	seq.s32 s5, $0x0;
	s5 =	sld [smem:$0x3FB3]  }
0x2b: {  	s6 =	sld [smem:$0x3FB4]  }
0x2c: {  	s7 =	sld [smem:$0x3FB5]  }
0x2d: {  	s3 =	simm.s32 $0x108;
	s8 =	sld [smem:$0x3FB6]  }
0x2e: {  	s3 =	simm.s32 @!p0 $0x1082;
	s9 =	sld [smem:$0x3FB7]  }
0x2f: {  	lr =	sadd.s32 s0, s3;
	s0 =	sld [smem:$0x3FAE]  }
0x30: {  	s3 =	sld [smem:$0x3FB1]  }
0x31: {  	[smem:$0x3FBA] =	sst s10  }
0x32: {  	s10 =	sld [smem:$0x3FB8];
	_ =	sdelay $0x3  }
0x33: {  	p0 =	seq.s32 s10, $0x1;
	s10 =	sld [smem:$0x3FBA];
	_ =	sdelay $0x3  }
0x34: {  	[smem:$0x3FBA] =	sst s10  }
0x35: {  	s10 =	sld [smem:$0x3FB9];
	_ =	sdelay $0x3  }
0x36: {  	p1 =	seq.s32 s10, $0x1;
	s10 =	sld [smem:$0x3FBA];
	_ =	sdelay $0x3  }
0x37: {  	[smem:$0x3FBA] =	sst s10  }
0x38: {  	s10 =	sld [smem:$0x3FBB]  }
0x39: {  	_ = 	snop;
	(pc) =	sbr.ind lr, $3  }
0x3a: {  	_ = 	snop  }
0x3b: {  	_ = 	snop  }
0x3c: {  	p2 =	seq.s32 s10, $0x1;
	s10 =	sld [smem:$0x3FBA]  }
0x3d: {  	_ =	shalt  }
0x3e: {  	_ =	shalt  }
0x3f: {  	_ =	shalt  }
0x40: {  	_ =	shalt  }
0x41: {  	_ =	shalt  }
0x42: {  	_ =	shalt  }
0x43: {  	_ =	shalt  }
0x44: {  	_ =	shalt  }
0x45: {  	_ =	shalt  }
0x46: {  	_ =	shalt  }
0x47: {  	_ =	shalt  }
0x48: {  	_ =	shalt  }
0x49: {  	_ =	shalt  }
0x4a: {  	_ =	shalt  }
0x4b: {  	_ =	shalt  }
0x4c: {  	_ =	shalt  }
0x4d: {  	_ =	shalt  }
0x4e: {  	_ =	shalt  }
0x4f: {  	_ =	shalt  }
0x50: {  	_ =	shalt  }
0x51: {  	_ =	shalt  }
0x52: {  	_ =	shalt  }
0x53: {  	_ =	shalt  }
0x54: {  	_ =	shalt  }
0x55: {  	_ =	shalt  }
0x56: {  	_ =	shalt  }
0x57: {  	_ =	shalt  }
0x58: {  	_ =	shalt  }
0x59: {  	_ =	shalt  }
0x5a: {  	_ =	shalt  }
0x5b: {  	_ =	shalt  }
0x5c: {  	_ =	shalt  }
0x5d: {  	_ =	shalt  }
0x5e: {  	_ =	shalt  }
0x5f: {  	_ =	shalt  }
0x60: {  	_ =	shalt  }
0x61: {  	_ =	shalt  }
0x62: {  	_ =	shalt  }
0x63: {  	_ =	shalt  }
0x64: {  	_ =	shalt  }
0x65: {  	_ =	shalt  }
0x66: {  	_ =	shalt  }
0x67: {  	_ =	shalt  }
0x68: {  	_ =	shalt  }
0x69: {  	_ =	shalt  }
0x6a: {  	_ =	shalt  }
0x6b: {  	_ =	shalt  }
0x6c: {  	_ =	shalt  }
0x6d: {  	_ =	shalt  }
0x6e: {  	_ =	shalt  }
0x6f: {  	_ =	shalt  }
0x70: {  	_ =	shalt  }
0x71: {  	_ =	shalt  }
0x72: {  	_ =	shalt  }
0x73: {  	_ =	shalt  }
0x74: {  	_ =	shalt  }
0x75: {  	_ =	shalt  }
0x76: {  	_ =	shalt  }
0x77: {  	_ =	shalt  }
0x78: {  	_ =	shalt  }
0x79: {  	_ =	shalt  }
0x7a: {  	_ =	shalt  }
0x7b: {  	_ =	shalt  }
0x7c: {  	_ =	shalt  }
0x7d: {  	_ =	shalt  }
0x7e: {  	_ =	shalt  }
0x7f: {  	_ =	shalt  }
0x80: {  	_ =	shalt  }
0x81: {  	_ =	shalt  }
0x82: {  	_ =	shalt  }
0x83: {  	_ =	shalt  }
0x84: {  	_ =	shalt  }
0x85: {  	_ =	shalt  }
0x86: {  	_ =	shalt  }
0x87: {  	_ =	shalt  }
.Lfunc_end0:
.L_simem_size_0:
called_computation_lowered:
.L_overlay_start_0:
0x88: {  	s2 =	sld [smem:$0x3FD9]  }
0x89: {  	s3 =	sld [smem:$0x3FFE];
	_ =	sdelay $0x1  }
0x8a: {  	s1 =	srdreg.scid  }
0x8b: {  	s0 =	sand.u32 $0x1, s1  }
0x8c: {  	s18 =	sshll.u32 s0, $0xA;
	s2 =	sadd.s32 s3, s2  }
0x8d: {  	s2 =	sadd.s32 s2, s18  }
0x8e: {  	[smem:$0x3FC6] =	sst s2  }
0x8f: {  	_ = 	snop  }
0x90: {  	s2 =	sld [smem:$0x3FC9]  }
0x91: {  	s19 =	sld [smem:$0x3FC8]  }
0x92: {  	s4 =	sld [smem:$0x3FD0];
	(tm) =	ssettm $0x1  }
0x93: {  	s5 =	sld [smem:$0x3FFB];
	_ =	sdelay $0x3  }
0x94: {  	_ =	strace s5  }
0x95: {  	s5 =	sld [smem:$0x3FFC];
	_ =	sdelay $0x3  }
0x96: {  	_ =	strace s5  }
0x97: {  	s5 =	sld [smem:$0x3FFD];
	_ =	sdelay $0x3  }
0x98: {  	_ =	strace s5  }
0x99: {  	_ =	strace $0x8FFFFFFF  }
0x9a: {  	s20 =	sld [smem:$0x3FDB];
	_ =	sdelay $0x1  }
0x9b: {  	s6 =	simm.s32 $_scs_section_size  }
0x9c: {  	s7 =	simm.s32 $_size__tile_overlayer_lowered;
	s8 =	simm.s32 $_tile_overlayer_lowered  }
0x9d: {  	s23 =	simm.s32 $0x1BFF;
	s22 =	sshll.u32 s8, $0x1;
	s5 =	sadd.s32 s6, s20  }
0x9e: {  	s9 =	simm.s32 $0x0;
	s21 =	sshll.u32 s7, $0x1;
	s7 =	sadd.s32 s22, s5  }
0x9f: {  	[timem:s9], [sflag:s23] =	dma.local [hbm:s7], s21  }
0xa0: {  	_ =	swait.ge [sflag:s23], s21  }
0xa1: {  	s6 =	ssub.s32 $0x0, s21;
	[sflag:s23] =	ssyncset.done $0x0  }
0xa2: {  	[sflag:s23] =	ssyncadd.s32 s6;
	_ =	sdelay $0x1  }
0xa3: {  	s24 =	simm.s32 $0x1B8B  }
0xa4: {  	_ =	swait.ge [sflag:s24], $0x1  }
0xa5: {  	[sflag:s24] =	ssyncset.done $0x0  }
0xa6: {  	s25 =	simm.s32 $0x1B8E;
	[sflag:s24] =	ssyncadd.s32 $0xFFFFFFFF  }
0xa7: {  	s26 =	simm.s32 $execute0_lowered;
	[smem:$0x3FD2] =	sst s25  }
0xa8: {  	s6 =	sshll.u32 s26, $0x1;
	_ =	strace $0x80000046;
	[dreg:$0x1] =	wrdreg $0xFFFFFFFF  }
0xa9: {  	s28 =	simm.s32 $_size_execute0_lowered;
	s5 =	sadd.s32 s5, s6;
	[dreg:$0x0] =	wrdreg $0x0  }
0xaa: {  	s6 =	sshll.u32 s28, $0x1;
	[dreg:$0x2] =	wrdreg s5  }
0xab: {  	[dreg:$0x3] =	wrdreg s6  }
0xac: {  	[dreg:$0x4] =	wrdreg $0xC0  }
0xad: {  	_ =	task [dreg:s9], $0x5FFFF  }
0xae: {  	[dreg:$0x1] =	wrdreg $0xFFFFFFFF  }
0xaf: {  	[dreg:$0x0] =	wrdreg $0x60  }
0xb0: {  	[dreg:$0x2] =	wrdreg s2  }
0xb1: {  	[dreg:$0x3] =	wrdreg s19  }
0xb2: {  	[dreg:$0x4] =	wrdreg s4  }
0xb3: {  	[dreg:$0x5] =	wrdreg $0x9  }
0xb4: {  	_ =	task.clear_ibuf [dreg:s9], $0x6FFFF;
	_ =	strace $0x90000046  }
0xb5: {  	s29 =	simm.s32 $0x9;
	_ =	strace $0x80000048  }
0xb6: {  	_ =	swait.ge [sflag:s29], $0x1  }
0xb7: {  	[sflag:s29] =	ssyncadd.s32 $0xFFFFFFFF  }
0xb8: {  	_ =	strace $0x90000048  }
0xb9: {  	_ =	sfence  }
0xba: {  	s30 =	sld [smem:$0x0];
	_ =	sdelay $0x2  }
0xbb: {  	s31 =	sshll.u32 s1, $0xD;
	s1 =	sshrl.u32 s1, $0x2  }
0xbc: {  	s3 =	sand.u32 $0x4000, s31;
	s1 =	sadd.s32 s1, s30  }
0xbd: {  	s0 =	sor.u32 s3, s0;
	s1 =	sshll.u32 s1, $0x11  }
0xbe: {  	s0 =	sor.u32 s1, s0  }
0xbf: {  	s0 =	sadd.s32 $0x8F2B, s0  }
0xc0: {  	[sflag:s0] =	ssyncadd.remote.s32 $0x1  }
0xc1: {  	_ =	sfence.sel $0xFFFF  }
0xc2: {  	[dreg:$0x0] =	wrdreg $0xFFFFFFFF;
	(pc) =	sbr.abs _section_cstart, $3  }
0xc3: {  	[dreg:$0x1] =	wrdreg $0xFFFFFFFF  }
0xc4: {  	_ =	task.clear_ibuf [dreg:s9], $0x2FFFF;
	_ =	strace $0x9FFFFFFF  }
0xc5: {  	(tm) =	ssettm $0x7FFFFFFF  }
tec
execute0_lowered:
.L_overlay_start_1:
0x0: {  	(tag) =	ssettag $0x1  }
0x1: {  	s0 =	srdreg.scid  }
0x2: {  	s2 =	stileid.u32;
	s0 =	sand.u32 $0x1, s0  }
0x3: {  	s1 =	rddreg [dreg:$0x0];
	s2 =	sshll.u32 s2, $0x4;
	s3 =	sshll.u32 s0, $0x3  }
0x4: {  	s6 =	simm.s32 $0x0;
	s0 =	ssub.s32 $0x2, s0;
	s5 =	sor.u32 s3, s2  }
0x5: {  	s29 =	simm.s32 $0x12000;
	s4 =	sshrl.u32 s0, $0x1;
	s2 =	smul.u32 $0x6C000, s5  }
0x6: {  	[smem:$0x7FF] =	sst s6;
	s3 =	smul.u32 $0xD800, s5;
	s0 =	ssub.s32 s0, s4  }
0x7: {  	_ =	strace $0x80000047;
	s0 =	smax.u32 s0, $0x1;
	s2 =	sshrl.u32 s2, $0x3  }
0x8: {  	s3 =	sadd.s32 s1, s3;
	[dreg:$0x6] =	wrdreg s0;
	s2 =	sadd.s32 s1, s2  }
0x9: {  	s18 =	simm.s32 $0x18000;
	[dreg:$0x4] =	wrdreg s3;
	s2 =	sadd.s32 $0xD800, s2  }
0xa: {  	s19 =	simm.s32 $0x4;
	s3 =	simm.s32 $0x0;
	[dreg:$0x5] =	wrdreg s2  }
.LBB2_1:
0xb: {  	[dreg:$0x7] =	wrdreg s3  }
0xc: {  	s0 =	rddreg [dreg:$0x4];
	s2 =	simm.s32 $0x6000  }
0xd: {  	[tilespmem:s2], [sflag:$0x1] =	stream.linear.gather [hbm4b:s0+s6], $0x6000, $0x38;
	[tilespmem:$0x1E000] =	vst v63  }
0xe: {  	s30 =	rddreg [dreg:$0x5];
	s31 =	simm.s32 $0xC000;
	s23 =	simm.s32 $0x0  }
0xf: {  	[tilespmem:s31], [sflag:$0x2] =	stream.linear.gather [hbm4b:s30+s6], $0x6000, $0x38;
	[tilespmem:$0x1E000] =	vst v63  }
.LBB2_2:
0x10: {  	s0 =	sand.u32 $0x1, s23  }
0x11: {  	p0 =	seq.s32 s0, $0x1  }
0x12: {  	s0 =	smul.u32 @!p0 $0x600, s23  }
0x13: {  	s2 =	rddreg [dreg:$0x1];
	p1 =	seq.s32 @!p0 s23, $0x0  }
0x14: {  	p1 =	por p0, !p1;
	s0 =	sadd.s32 @!p0 s2, s0;
	s2 =	simm.s32 @!p0 $0x0  }
0x15: {  	[tilespmem:s2], [sflag:$0x9] =	stream.linear.gather @!p0 [hbm4b:s0+s2], $0x6000, $0x38;
	[tilespmem:$0x1E000] =	vst v63  }
.Ltmp0:
0x16: {  	_ = 	snop;
	(pc) =	sbr.rel @!p1 .LBB2_3-.Ltmp0, $4  }
0x17: {  	s0 =	simm.s32 @!p0 $0x9  }
0x18: {  	_ =	swait.ge @!p0 [sflag:s0], $0x6000  }
0x19: {  	[sflag:s0] =	ssyncset.done @!p0 $0x0  }
0x1a: {  	[sflag:s0] =	ssyncadd.s32 @!p0 $0xFFFFA000  }
.Ltmp1:
0x1b: {  	(pc) =	sbr.rel .LBB2_5-.Ltmp1, $4  }
0x1c: {  	s0 =	simm.s32 $0x7  }
0x1d: {  	_ =	swait.ge [sflag:s0], $0x6000  }
0x1e: {  	[sflag:s0] =	ssyncset.done $0x0  }
0x1f: {  	p0 =	por $0x0, $0x0;
	[sflag:s0] =	ssyncadd.s32 $0xFFFFA000  }
.LBB2_3:
0x20: {  	p0 =	por @!p0 $0x1, $0x1  }
.LBB2_5:
0x21: {  	s24 =	sshll.u32 s23, $0x2;
	s2 =	sshll.u32 s23, $0x1  }
0x22: {  	s0 =	sand.u32 $0x4, s24;
	s2 =	sand.u32 $0x7C, s2  }
0x23: {  	s0 =	sor.u32 s5, s0;
	s2 =	smul.u32 $0x1800, s2  }
0x24: {  	s0 =	smul.u32 $0x6C000, s0;
	_ =	sdelay $0x1  }
0x25: {  	s0 =	sadd.s32 s2, s0  }
0x26: {  	s25 =	sshrl.u32 s0, $0x3  }
0x27: {  	s28 =	simm.s32 $0x0;
	s26 =	sadd.s32 $0x1B000, s25  }
0x28: {  	s16 =	simm.s32 $0x0;
	s4 =	simm.s32 $0x1;
	s15 =	sadd.s32 s1, s26  }
0x29: {  	[tilespmem:s29], [sflag:$0x3] =	stream.linear.gather [hbm4b:s15+s28], $0x6000, $0x38;
	[tilespmem:$0x1E000] =	vst v63  }
0x2a: {  	s3 =	smul.u32 $0x1800, s16;
	s2 =	sand.u32 $0x200, s28;
	_ =	swait.ge [sflag:s4], $0x6000  }
0x2b: {  	s0 =	sor.u32 $0x180, s2;
	[sflag:s4] =	ssyncset.done $0x0  }
0x2c: {  	s17 =	sor.u32 s3, s0;
	[sflag:s4] =	ssyncadd.s32 $0xFFFFA000  }
0x2d: {  	v0 =	vld [tilespmem:s17+$0x0]  }
0x2e: {  	v1 =	vld [tilespmem:s17+$0x10]  }
0x2f: {  	v2 =	vld [tilespmem:s17+$0x20]  }
0x30: {  	v3 =	vld [tilespmem:s17+$0x30]  }
0x31: {  	v4 =	vld [tilespmem:s17+$0x40]  }
0x32: {  	v5 =	vld [tilespmem:s17+$0x50]  }
0x33: {  	v6 =	vld [tilespmem:s17+$0x60]  }
0x34: {  	v7 =	vld [tilespmem:s17+$0x70]  }
0x35: {  	v8 =	vld [tilespmem:s17+$0x400]  }
0x36: {  	v9 =	vld [tilespmem:s17+$0x410]  }
0x37: {  	v10 =	vld [tilespmem:s17+$0x420]  }
0x38: {  	v11 =	vld [tilespmem:s17+$0x430]  }
0x39: {  	v12 =	vld [tilespmem:s17+$0x440]  }
0x3a: {  	v13 =	vld [tilespmem:s17+$0x450]  }
0x3b: {  	v14 =	vld [tilespmem:s17+$0x460]  }
0x3c: {  	s8 =	sor.u32 s2, s3;
	v15 =	vld [tilespmem:s17+$0x470]  }
0x3d: {  	v44 =	vld [tilespmem:s8+$0x400]  }
0x3e: {  	v45 =	vld [tilespmem:s8+$0x410]  }
0x3f: {  	v46 =	vld [tilespmem:s8+$0x420]  }
0x40: {  	v47 =	vld [tilespmem:s8+$0x430]  }
0x41: {  	v48 =	vld [tilespmem:s8+$0x440]  }
0x42: {  	v49 =	vld [tilespmem:s8+$0x450]  }
0x43: {  	s31 =	sor.u32 $0x80, s2;
	v50 =	vld [tilespmem:s8+$0x460]  }
0x44: {  	s11 =	sor.u32 s3, s31;
	v51 =	vld [tilespmem:s8+$0x470]  }
0x45: {  	v16 =	vld [tilespmem:s11+$0x0]  }
0x46: {  	v17 =	vld [tilespmem:s11+$0x10]  }
0x47: {  	v18 =	vld [tilespmem:s11+$0x20]  }
0x48: {  	v19 =	vld [tilespmem:s11+$0x30]  }
0x49: {  	v20 =	vld [tilespmem:s11+$0x40]  }
0x4a: {  	v21 =	vld [tilespmem:s11+$0x50]  }
0x4b: {  	v22 =	vld [tilespmem:s11+$0x60]  }
0x4c: {  	v23 =	vld [tilespmem:s11+$0x70]  }
0x4d: {  	v24 =	vld [tilespmem:s11+$0x400]  }
0x4e: {  	v25 =	vld [tilespmem:s11+$0x410]  }
0x4f: {  	v26 =	vld [tilespmem:s11+$0x420]  }
0x50: {  	v27 =	vld [tilespmem:s11+$0x430]  }
0x51: {  	v28 =	vld [tilespmem:s11+$0x440]  }
0x52: {  	v29 =	vld [tilespmem:s11+$0x450]  }
0x53: {  	s12 =	sor.u32 $0x100, s2;
	v30 =	vld [tilespmem:s11+$0x460]  }
0x54: {  	s13 =	sor.u32 s3, s12;
	v31 =	vld [tilespmem:s11+$0x470]  }
0x55: {  	v52 =	vld [tilespmem:s13+$0x400]  }
0x56: {  	v53 =	vld [tilespmem:s13+$0x410]  }
0x57: {  	v54 =	vld [tilespmem:s13+$0x420]  }
0x58: {  	v55 =	vld [tilespmem:s13+$0x430]  }
0x59: {  	v56 =	vld [tilespmem:s13+$0x440]  }
0x5a: {  	v57 =	vld [tilespmem:s13+$0x450]  }
0x5b: {  	v58 =	vld [tilespmem:s13+$0x460]  }
0x5c: {  	v59 =	vld [tilespmem:s13+$0x470]  }
0x5d: {  	[tilespmem:s17+$0x6000] =	vst.add.f32.msk $0xffff, v0  }
0x5e: {  	[tilespmem:s17+$0x6010] =	vst.add.f32.msk $0xffff, v1  }
0x5f: {  	[tilespmem:s17+$0x6020] =	vst.add.f32.msk $0xffff, v2  }
0x60: {  	[tilespmem:s17+$0x6030] =	vst.add.f32.msk $0xffff, v3  }
0x61: {  	[tilespmem:s17+$0x6040] =	vst.add.f32.msk $0xffff, v4  }
0x62: {  	[tilespmem:s17+$0x6050] =	vst.add.f32.msk $0xffff, v5  }
0x63: {  	[tilespmem:s17+$0x6060] =	vst.add.f32.msk $0xffff, v6  }
0x64: {  	[tilespmem:s17+$0x6070] =	vst.add.f32.msk $0xffff, v7  }
0x65: {  	[tilespmem:s17+$0x6400] =	vst.add.f32.msk $0xffff, v8  }
0x66: {  	[tilespmem:s17+$0x6410] =	vst.add.f32.msk $0xffff, v9  }
0x67: {  	[tilespmem:s17+$0x6420] =	vst.add.f32.msk $0xffff, v10  }
0x68: {  	[tilespmem:s17+$0x6430] =	vst.add.f32.msk $0xffff, v11  }
0x69: {  	[tilespmem:s17+$0x6440] =	vst.add.f32.msk $0xffff, v12  }
0x6a: {  	[tilespmem:s17+$0x6450] =	vst.add.f32.msk $0xffff, v13  }
0x6b: {  	[tilespmem:s17+$0x6460] =	vst.add.f32.msk $0xffff, v14  }
0x6c: {  	[tilespmem:s17+$0x6470] =	vst.add.f32.msk $0xffff, v15  }
0x6d: {  	[tilespmem:s8+$0x6400] =	vst.add.f32.msk $0xffff, v44  }
0x6e: {  	[tilespmem:s8+$0x6410] =	vst.add.f32.msk $0xffff, v45  }
0x6f: {  	[tilespmem:s8+$0x6420] =	vst.add.f32.msk $0xffff, v46  }
0x70: {  	[tilespmem:s8+$0x6430] =	vst.add.f32.msk $0xffff, v47  }
0x71: {  	[tilespmem:s8+$0x6440] =	vst.add.f32.msk $0xffff, v48  }
0x72: {  	[tilespmem:s8+$0x6450] =	vst.add.f32.msk $0xffff, v49  }
0x73: {  	[tilespmem:s8+$0x6460] =	vst.add.f32.msk $0xffff, v50  }
0x74: {  	[tilespmem:s8+$0x6470] =	vst.add.f32.msk $0xffff, v51  }
0x75: {  	[tilespmem:s11+$0x6000] =	vst.add.f32.msk $0xffff, v16  }
0x76: {  	[tilespmem:s11+$0x6010] =	vst.add.f32.msk $0xffff, v17  }
0x77: {  	[tilespmem:s11+$0x6020] =	vst.add.f32.msk $0xffff, v18  }
0x78: {  	[tilespmem:s11+$0x6030] =	vst.add.f32.msk $0xffff, v19  }
0x79: {  	[tilespmem:s11+$0x6040] =	vst.add.f32.msk $0xffff, v20  }
0x7a: {  	[tilespmem:s11+$0x6050] =	vst.add.f32.msk $0xffff, v21  }
0x7b: {  	[tilespmem:s11+$0x6060] =	vst.add.f32.msk $0xffff, v22  }
0x7c: {  	[tilespmem:s11+$0x6070] =	vst.add.f32.msk $0xffff, v23  }
0x7d: {  	[tilespmem:s11+$0x6400] =	vst.add.f32.msk $0xffff, v24  }
0x7e: {  	[tilespmem:s11+$0x6410] =	vst.add.f32.msk $0xffff, v25  }
0x7f: {  	[tilespmem:s11+$0x6420] =	vst.add.f32.msk $0xffff, v26  }
0x80: {  	[tilespmem:s11+$0x6430] =	vst.add.f32.msk $0xffff, v27  }
0x81: {  	[tilespmem:s11+$0x6440] =	vst.add.f32.msk $0xffff, v28  }
0x82: {  	[tilespmem:s11+$0x6450] =	vst.add.f32.msk $0xffff, v29  }
0x83: {  	[tilespmem:s11+$0x6460] =	vst.add.f32.msk $0xffff, v30  }
0x84: {  	[tilespmem:s11+$0x6470] =	vst.add.f32.msk $0xffff, v31  }
0x85: {  	[tilespmem:s13+$0x6400] =	vst.add.f32.msk $0xffff, v52  }
0x86: {  	[tilespmem:s13+$0x6410] =	vst.add.f32.msk $0xffff, v53  }
0x87: {  	[tilespmem:s13+$0x6420] =	vst.add.f32.msk $0xffff, v54  }
0x88: {  	[tilespmem:s13+$0x6430] =	vst.add.f32.msk $0xffff, v55  }
0x89: {  	[tilespmem:s13+$0x6440] =	vst.add.f32.msk $0xffff, v56  }
0x8a: {  	[tilespmem:s13+$0x6450] =	vst.add.f32.msk $0xffff, v57  }
0x8b: {  	s10 =	sadd.s32 $0x800, s3;
	[tilespmem:s13+$0x6460] =	vst.add.f32.msk $0xffff, v58  }
0x8c: {  	s20 =	sor.u32 s0, s10;
	[tilespmem:s13+$0x6470] =	vst.add.f32.msk $0xffff, v59  }
0x8d: {  	v0 =	vld [tilespmem:s20+$0x0]  }
0x8e: {  	v1 =	vld [tilespmem:s20+$0x10]  }
0x8f: {  	v2 =	vld [tilespmem:s20+$0x20]  }
0x90: {  	v3 =	vld [tilespmem:s20+$0x30]  }
0x91: {  	v4 =	vld [tilespmem:s20+$0x40]  }
0x92: {  	v5 =	vld [tilespmem:s20+$0x50]  }
0x93: {  	v6 =	vld [tilespmem:s20+$0x60]  }
0x94: {  	v7 =	vld [tilespmem:s20+$0x70]  }
0x95: {  	[tilespmem:s20+$0x6000] =	vst.add.f32.msk $0xffff, v0  }
0x96: {  	[tilespmem:s20+$0x6010] =	vst.add.f32.msk $0xffff, v1  }
0x97: {  	[tilespmem:s20+$0x6020] =	vst.add.f32.msk $0xffff, v2  }
0x98: {  	[tilespmem:s20+$0x6030] =	vst.add.f32.msk $0xffff, v3  }
0x99: {  	[tilespmem:s20+$0x6040] =	vst.add.f32.msk $0xffff, v4  }
0x9a: {  	[tilespmem:s20+$0x6050] =	vst.add.f32.msk $0xffff, v5  }
0x9b: {  	s9 =	sadd.s32 $0xC00, s3;
	[tilespmem:s20+$0x6060] =	vst.add.f32.msk $0xffff, v6  }
0x9c: {  	s21 =	sor.u32 s0, s9;
	[tilespmem:s20+$0x6070] =	vst.add.f32.msk $0xffff, v7  }
0x9d: {  	v0 =	vld [tilespmem:s21+$0x0]  }
0x9e: {  	v1 =	vld [tilespmem:s21+$0x10]  }
0x9f: {  	v2 =	vld [tilespmem:s21+$0x20]  }
0xa0: {  	v3 =	vld [tilespmem:s21+$0x30]  }
0xa1: {  	v4 =	vld [tilespmem:s21+$0x40]  }
0xa2: {  	v5 =	vld [tilespmem:s21+$0x50]  }
0xa3: {  	v6 =	vld [tilespmem:s21+$0x60]  }
0xa4: {  	v7 =	vld [tilespmem:s21+$0x70]  }
0xa5: {  	[tilespmem:s21+$0x6000] =	vst.add.f32.msk $0xffff, v0  }
0xa6: {  	[tilespmem:s21+$0x6010] =	vst.add.f32.msk $0xffff, v1  }
0xa7: {  	[tilespmem:s21+$0x6020] =	vst.add.f32.msk $0xffff, v2  }
0xa8: {  	[tilespmem:s21+$0x6030] =	vst.add.f32.msk $0xffff, v3  }
0xa9: {  	[tilespmem:s21+$0x6040] =	vst.add.f32.msk $0xffff, v4  }
0xaa: {  	[tilespmem:s21+$0x6050] =	vst.add.f32.msk $0xffff, v5  }
0xab: {  	s7 =	sadd.s32 $0x1000, s3;
	[tilespmem:s21+$0x6060] =	vst.add.f32.msk $0xffff, v6  }
0xac: {  	s22 =	sor.u32 s0, s7;
	[tilespmem:s21+$0x6070] =	vst.add.f32.msk $0xffff, v7  }
0xad: {  	v0 =	vld [tilespmem:s22+$0x0]  }
0xae: {  	v1 =	vld [tilespmem:s22+$0x10]  }
0xaf: {  	v2 =	vld [tilespmem:s22+$0x20]  }
0xb0: {  	v3 =	vld [tilespmem:s22+$0x30]  }
0xb1: {  	v4 =	vld [tilespmem:s22+$0x40]  }
0xb2: {  	v5 =	vld [tilespmem:s22+$0x50]  }
0xb3: {  	v6 =	vld [tilespmem:s22+$0x60]  }
0xb4: {  	v7 =	vld [tilespmem:s22+$0x70]  }
0xb5: {  	[tilespmem:s22+$0x6000] =	vst.add.f32.msk $0xffff, v0  }
0xb6: {  	[tilespmem:s22+$0x6010] =	vst.add.f32.msk $0xffff, v1  }
0xb7: {  	[tilespmem:s22+$0x6020] =	vst.add.f32.msk $0xffff, v2  }
0xb8: {  	[tilespmem:s22+$0x6030] =	vst.add.f32.msk $0xffff, v3  }
0xb9: {  	[tilespmem:s22+$0x6040] =	vst.add.f32.msk $0xffff, v4  }
0xba: {  	[tilespmem:s22+$0x6050] =	vst.add.f32.msk $0xffff, v5  }
0xbb: {  	[tilespmem:s22+$0x6060] =	vst.add.f32.msk $0xffff, v6  }
0xbc: {  	[tilespmem:s22+$0x6070] =	vst.add.f32.msk $0xffff, v7  }
0xbd: {  	v0 =	vld [tilespmem:s8+$0x0]  }
0xbe: {  	v1 =	vld [tilespmem:s8+$0x10]  }
0xbf: {  	v2 =	vld [tilespmem:s8+$0x20]  }
0xc0: {  	v3 =	vld [tilespmem:s8+$0x30]  }
0xc1: {  	v4 =	vld [tilespmem:s8+$0x40]  }
0xc2: {  	v5 =	vld [tilespmem:s8+$0x50]  }
0xc3: {  	s3 =	sadd.s32 $0x1400, s3;
	v6 =	vld [tilespmem:s8+$0x60]  }
0xc4: {  	s30 =	sor.u32 s0, s3;
	v7 =	vld [tilespmem:s8+$0x70]  }
0xc5: {  	v62 =	vld [tilespmem:s30+$0x0]  }
0xc6: {  	v63 =	vld [tilespmem:s30+$0x10]  }
0xc7: {  	[tilespmem:s8+$0x6000] =	vst.add.f32.msk $0xffff, v0  }
0xc8: {  	[tilespmem:s8+$0x6010] =	vst.add.f32.msk $0xffff, v1  }
0xc9: {  	[tilespmem:s8+$0x6020] =	vst.add.f32.msk $0xffff, v2  }
0xca: {  	[tilespmem:s8+$0x6030] =	vst.add.f32.msk $0xffff, v3  }
0xcb: {  	[tilespmem:s8+$0x6040] =	vst.add.f32.msk $0xffff, v4  }
0xcc: {  	[tilespmem:s8+$0x6050] =	vst.add.f32.msk $0xffff, v5  }
0xcd: {  	[tilespmem:s8+$0x6060] =	vst.add.f32.msk $0xffff, v6  }
0xce: {  	[tilespmem:s8+$0x6070] =	vst.add.f32.msk $0xffff, v7  }
0xcf: {  	v0 =	vld [tilespmem:s13+$0x0]  }
0xd0: {  	v1 =	vld [tilespmem:s13+$0x10]  }
0xd1: {  	v2 =	vld [tilespmem:s13+$0x20]  }
0xd2: {  	v3 =	vld [tilespmem:s13+$0x30]  }
0xd3: {  	v4 =	vld [tilespmem:s13+$0x40]  }
0xd4: {  	v5 =	vld [tilespmem:s13+$0x50]  }
0xd5: {  	v6 =	vld [tilespmem:s13+$0x60]  }
0xd6: {  	v7 =	vld [tilespmem:s13+$0x70]  }
0xd7: {  	[tilespmem:s30+$0x6000] =	vst.add.f32.msk $0xffff, v62  }
0xd8: {  	[tilespmem:s30+$0x6010] =	vst.add.f32.msk $0xffff, v63  }
0xd9: {  	[tilespmem:s13+$0x6000] =	vst.add.f32.msk $0xffff, v0  }
0xda: {  	[tilespmem:s13+$0x6010] =	vst.add.f32.msk $0xffff, v1  }
0xdb: {  	[tilespmem:s13+$0x6020] =	vst.add.f32.msk $0xffff, v2  }
0xdc: {  	[tilespmem:s13+$0x6030] =	vst.add.f32.msk $0xffff, v3  }
0xdd: {  	[tilespmem:s13+$0x6040] =	vst.add.f32.msk $0xffff, v4  }
0xde: {  	[tilespmem:s13+$0x6050] =	vst.add.f32.msk $0xffff, v5  }
0xdf: {  	[tilespmem:s13+$0x6060] =	vst.add.f32.msk $0xffff, v6  }
0xe0: {  	s14 =	sor.u32 s2, s10;
	[tilespmem:s13+$0x6070] =	vst.add.f32.msk $0xffff, v7  }
0xe1: {  	v0 =	vld [tilespmem:s14+$0x0]  }
0xe2: {  	v1 =	vld [tilespmem:s14+$0x10]  }
0xe3: {  	v2 =	vld [tilespmem:s14+$0x20]  }
0xe4: {  	v3 =	vld [tilespmem:s14+$0x30]  }
0xe5: {  	v4 =	vld [tilespmem:s14+$0x40]  }
0xe6: {  	v5 =	vld [tilespmem:s14+$0x50]  }
0xe7: {  	v6 =	vld [tilespmem:s14+$0x60]  }
0xe8: {  	v7 =	vld [tilespmem:s14+$0x70]  }
0xe9: {  	[tilespmem:s14+$0x6000] =	vst.add.f32.msk $0xffff, v0  }
0xea: {  	[tilespmem:s14+$0x6010] =	vst.add.f32.msk $0xffff, v1  }
0xeb: {  	[tilespmem:s14+$0x6020] =	vst.add.f32.msk $0xffff, v2  }
0xec: {  	[tilespmem:s14+$0x6030] =	vst.add.f32.msk $0xffff, v3  }
0xed: {  	[tilespmem:s14+$0x6040] =	vst.add.f32.msk $0xffff, v4  }
0xee: {  	[tilespmem:s14+$0x6050] =	vst.add.f32.msk $0xffff, v5  }
0xef: {  	[tilespmem:s14+$0x6060] =	vst.add.f32.msk $0xffff, v6  }
0xf0: {  	s15 =	sor.u32 s31, s10;
	[tilespmem:s14+$0x6070] =	vst.add.f32.msk $0xffff, v7  }
0xf1: {  	v0 =	vld [tilespmem:s15+$0x0]  }
0xf2: {  	v1 =	vld [tilespmem:s15+$0x10]  }
0xf3: {  	v2 =	vld [tilespmem:s15+$0x20]  }
0xf4: {  	v3 =	vld [tilespmem:s15+$0x30]  }
0xf5: {  	v4 =	vld [tilespmem:s15+$0x40]  }
0xf6: {  	v5 =	vld [tilespmem:s15+$0x50]  }
0xf7: {  	v6 =	vld [tilespmem:s15+$0x60]  }
0xf8: {  	v7 =	vld [tilespmem:s15+$0x70]  }
0xf9: {  	[tilespmem:s15+$0x6000] =	vst.add.f32.msk $0xffff, v0  }
0xfa: {  	[tilespmem:s15+$0x6010] =	vst.add.f32.msk $0xffff, v1  }
0xfb: {  	[tilespmem:s15+$0x6020] =	vst.add.f32.msk $0xffff, v2  }
0xfc: {  	[tilespmem:s15+$0x6030] =	vst.add.f32.msk $0xffff, v3  }
0xfd: {  	[tilespmem:s15+$0x6040] =	vst.add.f32.msk $0xffff, v4  }
0xfe: {  	[tilespmem:s15+$0x6050] =	vst.add.f32.msk $0xffff, v5  }
0xff: {  	[tilespmem:s15+$0x6060] =	vst.add.f32.msk $0xffff, v6  }
0x100: {  	s10 =	sor.u32 s12, s10;
	[tilespmem:s15+$0x6070] =	vst.add.f32.msk $0xffff, v7  }
0x101: {  	v0 =	vld [tilespmem:s10+$0x0]  }
0x102: {  	v1 =	vld [tilespmem:s10+$0x10]  }
0x103: {  	v2 =	vld [tilespmem:s10+$0x20]  }
0x104: {  	v3 =	vld [tilespmem:s10+$0x30]  }
0x105: {  	v4 =	vld [tilespmem:s10+$0x40]  }
0x106: {  	v5 =	vld [tilespmem:s10+$0x50]  }
0x107: {  	v6 =	vld [tilespmem:s10+$0x60]  }
0x108: {  	v7 =	vld [tilespmem:s10+$0x70]  }
0x109: {  	[tilespmem:s10+$0x6000] =	vst.add.f32.msk $0xffff, v0  }
0x10a: {  	[tilespmem:s10+$0x6010] =	vst.add.f32.msk $0xffff, v1  }
0x10b: {  	[tilespmem:s10+$0x6020] =	vst.add.f32.msk $0xffff, v2  }
0x10c: {  	[tilespmem:s10+$0x6030] =	vst.add.f32.msk $0xffff, v3  }
0x10d: {  	[tilespmem:s10+$0x6040] =	vst.add.f32.msk $0xffff, v4  }
0x10e: {  	[tilespmem:s10+$0x6050] =	vst.add.f32.msk $0xffff, v5  }
0x10f: {  	[tilespmem:s10+$0x6060] =	vst.add.f32.msk $0xffff, v6  }
0x110: {  	s16 =	sor.u32 s2, s9;
	[tilespmem:s10+$0x6070] =	vst.add.f32.msk $0xffff, v7  }
0x111: {  	v0 =	vld [tilespmem:s16+$0x0]  }
0x112: {  	v1 =	vld [tilespmem:s16+$0x10]  }
0x113: {  	v2 =	vld [tilespmem:s16+$0x20]  }
0x114: {  	v3 =	vld [tilespmem:s16+$0x30]  }
0x115: {  	v4 =	vld [tilespmem:s16+$0x40]  }
0x116: {  	v5 =	vld [tilespmem:s16+$0x50]  }
0x117: {  	v6 =	vld [tilespmem:s16+$0x60]  }
0x118: {  	v7 =	vld [tilespmem:s16+$0x70]  }
0x119: {  	[tilespmem:s16+$0x6000] =	vst.add.f32.msk $0xffff, v0  }
0x11a: {  	[tilespmem:s16+$0x6010] =	vst.add.f32.msk $0xffff, v1  }
0x11b: {  	[tilespmem:s16+$0x6020] =	vst.add.f32.msk $0xffff, v2  }
0x11c: {  	[tilespmem:s16+$0x6030] =	vst.add.f32.msk $0xffff, v3  }
0x11d: {  	[tilespmem:s16+$0x6040] =	vst.add.f32.msk $0xffff, v4  }
0x11e: {  	[tilespmem:s16+$0x6050] =	vst.add.f32.msk $0xffff, v5  }
0x11f: {  	[tilespmem:s16+$0x6060] =	vst.add.f32.msk $0xffff, v6  }
0x120: {  	s17 =	sor.u32 s31, s9;
	[tilespmem:s16+$0x6070] =	vst.add.f32.msk $0xffff, v7  }
0x121: {  	v0 =	vld [tilespmem:s17+$0x0]  }
0x122: {  	v1 =	vld [tilespmem:s17+$0x10]  }
0x123: {  	v2 =	vld [tilespmem:s17+$0x20]  }
0x124: {  	v3 =	vld [tilespmem:s17+$0x30]  }
0x125: {  	v4 =	vld [tilespmem:s17+$0x40]  }
0x126: {  	v5 =	vld [tilespmem:s17+$0x50]  }
0x127: {  	v6 =	vld [tilespmem:s17+$0x60]  }
0x128: {  	v7 =	vld [tilespmem:s17+$0x70]  }
0x129: {  	[tilespmem:s17+$0x6000] =	vst.add.f32.msk $0xffff, v0  }
0x12a: {  	[tilespmem:s17+$0x6010] =	vst.add.f32.msk $0xffff, v1  }
0x12b: {  	[tilespmem:s17+$0x6020] =	vst.add.f32.msk $0xffff, v2  }
0x12c: {  	[tilespmem:s17+$0x6030] =	vst.add.f32.msk $0xffff, v3  }
0x12d: {  	[tilespmem:s17+$0x6040] =	vst.add.f32.msk $0xffff, v4  }
0x12e: {  	[tilespmem:s17+$0x6050] =	vst.add.f32.msk $0xffff, v5  }
0x12f: {  	[tilespmem:s17+$0x6060] =	vst.add.f32.msk $0xffff, v6  }
0x130: {  	s9 =	sor.u32 s12, s9;
	[tilespmem:s17+$0x6070] =	vst.add.f32.msk $0xffff, v7  }
0x131: {  	v0 =	vld [tilespmem:s9+$0x0]  }
0x132: {  	v1 =	vld [tilespmem:s9+$0x10]  }
0x133: {  	v2 =	vld [tilespmem:s9+$0x20]  }
0x134: {  	v3 =	vld [tilespmem:s9+$0x30]  }
0x135: {  	v4 =	vld [tilespmem:s9+$0x40]  }
0x136: {  	v5 =	vld [tilespmem:s9+$0x50]  }
0x137: {  	v6 =	vld [tilespmem:s9+$0x60]  }
0x138: {  	v7 =	vld [tilespmem:s9+$0x70]  }
0x139: {  	[tilespmem:s9+$0x6000] =	vst.add.f32.msk $0xffff, v0  }
0x13a: {  	[tilespmem:s9+$0x6010] =	vst.add.f32.msk $0xffff, v1  }
0x13b: {  	[tilespmem:s9+$0x6020] =	vst.add.f32.msk $0xffff, v2  }
0x13c: {  	[tilespmem:s9+$0x6030] =	vst.add.f32.msk $0xffff, v3  }
0x13d: {  	[tilespmem:s9+$0x6040] =	vst.add.f32.msk $0xffff, v4  }
0x13e: {  	[tilespmem:s9+$0x6050] =	vst.add.f32.msk $0xffff, v5  }
0x13f: {  	[tilespmem:s9+$0x6060] =	vst.add.f32.msk $0xffff, v6  }
0x140: {  	s20 =	sor.u32 s2, s7;
	[tilespmem:s9+$0x6070] =	vst.add.f32.msk $0xffff, v7  }
0x141: {  	v0 =	vld [tilespmem:s20+$0x0]  }
0x142: {  	v1 =	vld [tilespmem:s20+$0x10]  }
0x143: {  	v2 =	vld [tilespmem:s20+$0x20]  }
0x144: {  	v3 =	vld [tilespmem:s20+$0x30]  }
0x145: {  	v4 =	vld [tilespmem:s20+$0x40]  }
0x146: {  	v5 =	vld [tilespmem:s20+$0x50]  }
0x147: {  	v6 =	vld [tilespmem:s20+$0x60]  }
0x148: {  	v7 =	vld [tilespmem:s20+$0x70]  }
0x149: {  	[tilespmem:s20+$0x6000] =	vst.add.f32.msk $0xffff, v0  }
0x14a: {  	[tilespmem:s20+$0x6010] =	vst.add.f32.msk $0xffff, v1  }
0x14b: {  	[tilespmem:s20+$0x6020] =	vst.add.f32.msk $0xffff, v2  }
0x14c: {  	[tilespmem:s20+$0x6030] =	vst.add.f32.msk $0xffff, v3  }
0x14d: {  	[tilespmem:s20+$0x6040] =	vst.add.f32.msk $0xffff, v4  }
0x14e: {  	[tilespmem:s20+$0x6050] =	vst.add.f32.msk $0xffff, v5  }
0x14f: {  	[tilespmem:s20+$0x6060] =	vst.add.f32.msk $0xffff, v6  }
0x150: {  	s21 =	sor.u32 s31, s7;
	[tilespmem:s20+$0x6070] =	vst.add.f32.msk $0xffff, v7  }
0x151: {  	v0 =	vld [tilespmem:s21+$0x0]  }
0x152: {  	v1 =	vld [tilespmem:s21+$0x10]  }
0x153: {  	v2 =	vld [tilespmem:s21+$0x20]  }
0x154: {  	v3 =	vld [tilespmem:s21+$0x30]  }
0x155: {  	v4 =	vld [tilespmem:s21+$0x40]  }
0x156: {  	v5 =	vld [tilespmem:s21+$0x50]  }
0x157: {  	v6 =	vld [tilespmem:s21+$0x60]  }
0x158: {  	v7 =	vld [tilespmem:s21+$0x70]  }
0x159: {  	[tilespmem:s21+$0x6000] =	vst.add.f32.msk $0xffff, v0  }
0x15a: {  	[tilespmem:s21+$0x6010] =	vst.add.f32.msk $0xffff, v1  }
0x15b: {  	[tilespmem:s21+$0x6020] =	vst.add.f32.msk $0xffff, v2  }
0x15c: {  	[tilespmem:s21+$0x6030] =	vst.add.f32.msk $0xffff, v3  }
0x15d: {  	[tilespmem:s21+$0x6040] =	vst.add.f32.msk $0xffff, v4  }
0x15e: {  	[tilespmem:s21+$0x6050] =	vst.add.f32.msk $0xffff, v5  }
0x15f: {  	[tilespmem:s21+$0x6060] =	vst.add.f32.msk $0xffff, v6  }
0x160: {  	s7 =	sor.u32 s12, s7;
	[tilespmem:s21+$0x6070] =	vst.add.f32.msk $0xffff, v7  }
0x161: {  	v0 =	vld [tilespmem:s7+$0x0]  }
0x162: {  	v1 =	vld [tilespmem:s7+$0x10]  }
0x163: {  	v2 =	vld [tilespmem:s7+$0x20]  }
0x164: {  	v3 =	vld [tilespmem:s7+$0x30]  }
0x165: {  	v4 =	vld [tilespmem:s7+$0x40]  }
0x166: {  	v5 =	vld [tilespmem:s7+$0x50]  }
0x167: {  	v6 =	vld [tilespmem:s7+$0x60]  }
0x168: {  	s22 =	sor.u32 s31, s3;
	v7 =	vld [tilespmem:s7+$0x70]  }
0x169: {  	v60 =	vld [tilespmem:s22+$0x70]  }
0x16a: {  	[tilespmem:s7+$0x6000] =	vst.add.f32.msk $0xffff, v0  }
0x16b: {  	[tilespmem:s7+$0x6010] =	vst.add.f32.msk $0xffff, v1  }
0x16c: {  	[tilespmem:s7+$0x6020] =	vst.add.f32.msk $0xffff, v2  }
0x16d: {  	[tilespmem:s7+$0x6030] =	vst.add.f32.msk $0xffff, v3  }
0x16e: {  	[tilespmem:s7+$0x6040] =	vst.add.f32.msk $0xffff, v4  }
0x16f: {  	[tilespmem:s7+$0x6050] =	vst.add.f32.msk $0xffff, v5  }
0x170: {  	[tilespmem:s7+$0x6060] =	vst.add.f32.msk $0xffff, v6  }
0x171: {  	s2 =	sor.u32 s2, s3;
	[tilespmem:s7+$0x6070] =	vst.add.f32.msk $0xffff, v7  }
0x172: {  	v0 =	vld [tilespmem:s2+$0x0]  }
0x173: {  	v1 =	vld [tilespmem:s2+$0x10]  }
0x174: {  	v2 =	vld [tilespmem:s2+$0x20]  }
0x175: {  	v3 =	vld [tilespmem:s2+$0x30]  }
0x176: {  	v4 =	vld [tilespmem:s2+$0x40]  }
0x177: {  	v5 =	vld [tilespmem:s2+$0x50]  }
0x178: {  	v6 =	vld [tilespmem:s2+$0x60]  }
0x179: {  	v7 =	vld [tilespmem:s2+$0x70]  }
0x17a: {  	s31 =	sor.u32 s12, s3;
	[tilespmem:s22+$0x6070] =	vst.add.f32.msk $0xffff, v60  }
0x17b: {  	v61 =	vld [tilespmem:s31+$0x30]  }
0x17c: {  	v9 =	vld [tilespmem:s31+$0x40]  }
0x17d: {  	v10 =	vld [tilespmem:s31+$0x50]  }
0x17e: {  	v11 =	vld [tilespmem:s31+$0x60]  }
0x17f: {  	v12 =	vld [tilespmem:s31+$0x70]  }
0x180: {  	[tilespmem:s2+$0x6000] =	vst.add.f32.msk $0xffff, v0  }
0x181: {  	[tilespmem:s2+$0x6010] =	vst.add.f32.msk $0xffff, v1  }
0x182: {  	[tilespmem:s2+$0x6020] =	vst.add.f32.msk $0xffff, v2  }
0x183: {  	[tilespmem:s2+$0x6030] =	vst.add.f32.msk $0xffff, v3  }
0x184: {  	[tilespmem:s2+$0x6040] =	vst.add.f32.msk $0xffff, v4  }
0x185: {  	[tilespmem:s2+$0x6050] =	vst.add.f32.msk $0xffff, v5  }
0x186: {  	[tilespmem:s2+$0x6060] =	vst.add.f32.msk $0xffff, v6  }
0x187: {  	[tilespmem:s2+$0x6070] =	vst.add.f32.msk $0xffff, v7  }
0x188: {  	v0 =	vld [tilespmem:s30+$0x70]  }
0x189: {  	v1 =	vld [tilespmem:s22+$0x0]  }
0x18a: {  	v2 =	vld [tilespmem:s22+$0x10]  }
0x18b: {  	v3 =	vld [tilespmem:s22+$0x20]  }
0x18c: {  	v4 =	vld [tilespmem:s22+$0x30]  }
0x18d: {  	v5 =	vld [tilespmem:s22+$0x40]  }
0x18e: {  	v6 =	vld [tilespmem:s22+$0x50]  }
0x18f: {  	v7 =	vld [tilespmem:s22+$0x60]  }
0x190: {  	[tilespmem:s31+$0x6030] =	vst.add.f32.msk $0xffff, v61  }
0x191: {  	[tilespmem:s31+$0x6040] =	vst.add.f32.msk $0xffff, v9  }
0x192: {  	[tilespmem:s31+$0x6050] =	vst.add.f32.msk $0xffff, v10  }
0x193: {  	[tilespmem:s31+$0x6060] =	vst.add.f32.msk $0xffff, v11  }
0x194: {  	[tilespmem:s31+$0x6070] =	vst.add.f32.msk $0xffff, v12  }
0x195: {  	[tilespmem:s22+$0x6000] =	vst.add.f32.msk $0xffff, v1  }
0x196: {  	[tilespmem:s22+$0x6010] =	vst.add.f32.msk $0xffff, v2  }
0x197: {  	[tilespmem:s22+$0x6020] =	vst.add.f32.msk $0xffff, v3  }
0x198: {  	[tilespmem:s22+$0x6030] =	vst.add.f32.msk $0xffff, v4  }
0x199: {  	[tilespmem:s22+$0x6040] =	vst.add.f32.msk $0xffff, v5  }
0x19a: {  	[tilespmem:s22+$0x6050] =	vst.add.f32.msk $0xffff, v6  }
0x19b: {  	[tilespmem:s22+$0x6060] =	vst.add.f32.msk $0xffff, v7  }
0x19c: {  	[tilespmem:s30+$0x6070] =	vst.add.f32.msk $0xffff, v0  }
0x19d: {  	v5 =	vld [tilespmem:s31+$0x0]  }
0x19e: {  	v6 =	vld [tilespmem:s31+$0x10]  }
0x19f: {  	v7 =	vld [tilespmem:s31+$0x20]  }
0x1a0: {  	v4 =	vld [tilespmem:s30+$0x20]  }
0x1a1: {  	v3 =	vld [tilespmem:s30+$0x30]  }
0x1a2: {  	v2 =	vld [tilespmem:s30+$0x40]  }
0x1a3: {  	v1 =	vld [tilespmem:s30+$0x50]  }
0x1a4: {  	v0 =	vld [tilespmem:s30+$0x60]  }
0x1a5: {  	[tilespmem:s31+$0x6000] =	vst.add.f32.msk $0xffff, v5  }
0x1a6: {  	[tilespmem:s31+$0x6010] =	vst.add.f32.msk $0xffff, v6  }
0x1a7: {  	s29 =	simm.s32 $0x0;
	[tilespmem:s31+$0x6020] =	vst.add.f32.msk $0xffff, v7  }
.LBB2_6:
0x1a8: {  	s29 =	sadd.s32 $0x4, s29;
	[tilespmem:s30+$0x6020] =	vst.add.f32.msk $0xffff, v4  }
0x1a9: {  	s28 =	sadd.s32 $0x200, s28;
	s0 =	sshrl.u32 s29, $0x3;
	p1 =	slt.u32 s29, $0x1C;
	[tilespmem:s30+$0x6030] =	vst.add.f32.msk $0xffff, v3  }
0x1aa: {  	s2 =	smul.u32 $0x1800, s0;
	s0 =	sand.u32 $0x200, s28;
	[tilespmem:s30+$0x6040] =	vst.add.f32.msk $0xffff, v2  }
0x1ab: {  	s31 =	sor.u32 $0x80, s0;
	s13 =	sor.u32 $0x100, s0;
	s15 =	sor.u32 $0x180, s0;
	[tilespmem:s30+$0x6050] =	vst.add.f32.msk $0xffff, v1  }
0x1ac: {  	s4 =	sor.u32 s0, s2;
	s14 =	sor.u32 s2, s31;
	s3 =	sor.u32 s2, s15;
	[tilespmem:s30+$0x6060] =	vst.add.f32.msk $0xffff, v0  }
0x1ad: {  	s12 =	sor.u32 s2, s13;
	v0 =	vld [tilespmem:s3+$0x0]  }
0x1ae: {  	v1 =	vld [tilespmem:s3+$0x10]  }
0x1af: {  	v2 =	vld [tilespmem:s3+$0x20]  }
0x1b0: {  	v3 =	vld [tilespmem:s3+$0x30]  }
0x1b1: {  	v4 =	vld [tilespmem:s3+$0x40]  }
0x1b2: {  	v5 =	vld [tilespmem:s3+$0x50]  }
0x1b3: {  	v6 =	vld [tilespmem:s3+$0x60]  }
0x1b4: {  	v7 =	vld [tilespmem:s3+$0x70]  }
0x1b5: {  	v8 =	vld [tilespmem:s3+$0x400]  }
0x1b6: {  	v9 =	vld [tilespmem:s3+$0x410]  }
0x1b7: {  	v10 =	vld [tilespmem:s3+$0x420]  }
0x1b8: {  	v11 =	vld [tilespmem:s3+$0x430]  }
0x1b9: {  	v12 =	vld [tilespmem:s3+$0x440]  }
0x1ba: {  	v13 =	vld [tilespmem:s3+$0x450]  }
0x1bb: {  	v14 =	vld [tilespmem:s3+$0x460]  }
0x1bc: {  	v15 =	vld [tilespmem:s3+$0x470]  }
0x1bd: {  	[tilespmem:s3+$0x6000] =	vst.add.f32.msk $0xffff, v0  }
0x1be: {  	[tilespmem:s3+$0x6010] =	vst.add.f32.msk $0xffff, v1  }
0x1bf: {  	[tilespmem:s3+$0x6020] =	vst.add.f32.msk $0xffff, v2  }
0x1c0: {  	[tilespmem:s3+$0x6030] =	vst.add.f32.msk $0xffff, v3  }
0x1c1: {  	[tilespmem:s3+$0x6040] =	vst.add.f32.msk $0xffff, v4  }
0x1c2: {  	[tilespmem:s3+$0x6050] =	vst.add.f32.msk $0xffff, v5  }
0x1c3: {  	[tilespmem:s3+$0x6060] =	vst.add.f32.msk $0xffff, v6  }
0x1c4: {  	[tilespmem:s3+$0x6070] =	vst.add.f32.msk $0xffff, v7  }
0x1c5: {  	[tilespmem:s3+$0x6400] =	vst.add.f32.msk $0xffff, v8  }
0x1c6: {  	[tilespmem:s3+$0x6410] =	vst.add.f32.msk $0xffff, v9  }
0x1c7: {  	[tilespmem:s3+$0x6420] =	vst.add.f32.msk $0xffff, v10  }
0x1c8: {  	[tilespmem:s3+$0x6430] =	vst.add.f32.msk $0xffff, v11  }
0x1c9: {  	[tilespmem:s3+$0x6440] =	vst.add.f32.msk $0xffff, v12  }
0x1ca: {  	[tilespmem:s3+$0x6450] =	vst.add.f32.msk $0xffff, v13  }
0x1cb: {  	s7 =	sadd.s32 $0x800, s2;
	[tilespmem:s3+$0x6460] =	vst.add.f32.msk $0xffff, v14  }
0x1cc: {  	s20 =	sor.u32 s0, s7;
	s11 =	sor.u32 s31, s7;
	s8 =	sor.u32 s15, s7;
	[tilespmem:s3+$0x6470] =	vst.add.f32.msk $0xffff, v15  }
0x1cd: {  	s10 =	sor.u32 s13, s7;
	v0 =	vld [tilespmem:s8+$0x0]  }
0x1ce: {  	v1 =	vld [tilespmem:s8+$0x10]  }
0x1cf: {  	v2 =	vld [tilespmem:s8+$0x20]  }
0x1d0: {  	v3 =	vld [tilespmem:s8+$0x30]  }
0x1d1: {  	v4 =	vld [tilespmem:s8+$0x40]  }
0x1d2: {  	v5 =	vld [tilespmem:s8+$0x50]  }
0x1d3: {  	v6 =	vld [tilespmem:s8+$0x60]  }
0x1d4: {  	v7 =	vld [tilespmem:s8+$0x70]  }
0x1d5: {  	[tilespmem:s8+$0x6000] =	vst.add.f32.msk $0xffff, v0  }
0x1d6: {  	[tilespmem:s8+$0x6010] =	vst.add.f32.msk $0xffff, v1  }
0x1d7: {  	[tilespmem:s8+$0x6020] =	vst.add.f32.msk $0xffff, v2  }
0x1d8: {  	[tilespmem:s8+$0x6030] =	vst.add.f32.msk $0xffff, v3  }
0x1d9: {  	[tilespmem:s8+$0x6040] =	vst.add.f32.msk $0xffff, v4  }
0x1da: {  	[tilespmem:s8+$0x6050] =	vst.add.f32.msk $0xffff, v5  }
0x1db: {  	s7 =	sadd.s32 $0xC00, s2;
	[tilespmem:s8+$0x6060] =	vst.add.f32.msk $0xffff, v6  }
0x1dc: {  	s22 =	sor.u32 s31, s7;
	s16 =	sor.u32 s15, s7;
	s3 =	sor.u32 s0, s7;
	[tilespmem:s8+$0x6070] =	vst.add.f32.msk $0xffff, v7  }
0x1dd: {  	s21 =	sor.u32 s13, s7;
	v0 =	vld [tilespmem:s16+$0x0]  }
0x1de: {  	v1 =	vld [tilespmem:s16+$0x10]  }
0x1df: {  	v2 =	vld [tilespmem:s16+$0x20]  }
0x1e0: {  	v3 =	vld [tilespmem:s16+$0x30]  }
0x1e1: {  	v4 =	vld [tilespmem:s16+$0x40]  }
0x1e2: {  	v5 =	vld [tilespmem:s16+$0x50]  }
0x1e3: {  	v6 =	vld [tilespmem:s16+$0x60]  }
0x1e4: {  	v7 =	vld [tilespmem:s16+$0x70]  }
0x1e5: {  	[tilespmem:s16+$0x6000] =	vst.add.f32.msk $0xffff, v0  }
0x1e6: {  	[tilespmem:s16+$0x6010] =	vst.add.f32.msk $0xffff, v1  }
0x1e7: {  	[tilespmem:s16+$0x6020] =	vst.add.f32.msk $0xffff, v2  }
0x1e8: {  	[tilespmem:s16+$0x6030] =	vst.add.f32.msk $0xffff, v3  }
0x1e9: {  	[tilespmem:s16+$0x6040] =	vst.add.f32.msk $0xffff, v4  }
0x1ea: {  	[tilespmem:s16+$0x6050] =	vst.add.f32.msk $0xffff, v5  }
0x1eb: {  	s7 =	sadd.s32 $0x1000, s2;
	[tilespmem:s16+$0x6060] =	vst.add.f32.msk $0xffff, v6  }
0x1ec: {  	s9 =	sor.u32 s0, s7;
	s8 =	sor.u32 s31, s7;
	[tilespmem:s16+$0x6070] =	vst.add.f32.msk $0xffff, v7;
	s16 =	sor.u32 s15, s7  }
0x1ed: {  	s7 =	sor.u32 s13, s7;
	v0 =	vld [tilespmem:s16+$0x0]  }
0x1ee: {  	v1 =	vld [tilespmem:s16+$0x10]  }
0x1ef: {  	v2 =	vld [tilespmem:s16+$0x20]  }
0x1f0: {  	v3 =	vld [tilespmem:s16+$0x30]  }
0x1f1: {  	v4 =	vld [tilespmem:s16+$0x40]  }
0x1f2: {  	v5 =	vld [tilespmem:s16+$0x50]  }
0x1f3: {  	v6 =	vld [tilespmem:s16+$0x60]  }
0x1f4: {  	v7 =	vld [tilespmem:s16+$0x70]  }
0x1f5: {  	[tilespmem:s16+$0x6000] =	vst.add.f32.msk $0xffff, v0  }
0x1f6: {  	[tilespmem:s16+$0x6010] =	vst.add.f32.msk $0xffff, v1  }
0x1f7: {  	[tilespmem:s16+$0x6020] =	vst.add.f32.msk $0xffff, v2  }
0x1f8: {  	[tilespmem:s16+$0x6030] =	vst.add.f32.msk $0xffff, v3  }
0x1f9: {  	[tilespmem:s16+$0x6040] =	vst.add.f32.msk $0xffff, v4  }
0x1fa: {  	[tilespmem:s16+$0x6050] =	vst.add.f32.msk $0xffff, v5  }
0x1fb: {  	s17 =	sadd.s32 $0x1400, s2;
	[tilespmem:s16+$0x6060] =	vst.add.f32.msk $0xffff, v6  }
0x1fc: {  	s30 =	sor.u32 s15, s17;
	s2 =	sor.u32 s31, s17;
	s0 =	sor.u32 s0, s17;
	[tilespmem:s16+$0x6070] =	vst.add.f32.msk $0xffff, v7  }
0x1fd: {  	s31 =	sor.u32 s13, s17;
	v0 =	vld [tilespmem:s30+$0x70]  }
0x1fe: {  	v1 =	vld [tilespmem:s4+$0x0]  }
0x1ff: {  	v2 =	vld [tilespmem:s4+$0x10]  }
0x200: {  	v3 =	vld [tilespmem:s4+$0x20]  }
0x201: {  	v4 =	vld [tilespmem:s4+$0x30]  }
0x202: {  	[tilespmem:s30+$0x6070] =	vst.add.f32.msk $0xffff, v0  }
0x203: {  	v0 =	vld [tilespmem:s4+$0x40]  }
0x204: {  	v5 =	vld [tilespmem:s4+$0x50]  }
0x205: {  	v6 =	vld [tilespmem:s4+$0x60]  }
0x206: {  	v7 =	vld [tilespmem:s4+$0x70]  }
0x207: {  	v8 =	vld [tilespmem:s4+$0x400]  }
0x208: {  	v9 =	vld [tilespmem:s4+$0x410]  }
0x209: {  	v10 =	vld [tilespmem:s4+$0x420]  }
0x20a: {  	v11 =	vld [tilespmem:s4+$0x430]  }
0x20b: {  	v12 =	vld [tilespmem:s4+$0x440]  }
0x20c: {  	v13 =	vld [tilespmem:s4+$0x450]  }
0x20d: {  	v14 =	vld [tilespmem:s4+$0x460]  }
0x20e: {  	v15 =	vld [tilespmem:s4+$0x470]  }
0x20f: {  	v16 =	vld [tilespmem:s14+$0x0]  }
0x210: {  	v17 =	vld [tilespmem:s14+$0x10]  }
0x211: {  	v18 =	vld [tilespmem:s14+$0x20]  }
0x212: {  	v19 =	vld [tilespmem:s14+$0x30]  }
0x213: {  	v20 =	vld [tilespmem:s14+$0x40]  }
0x214: {  	v21 =	vld [tilespmem:s14+$0x50]  }
0x215: {  	v22 =	vld [tilespmem:s14+$0x60]  }
0x216: {  	v23 =	vld [tilespmem:s14+$0x70]  }
0x217: {  	v24 =	vld [tilespmem:s14+$0x400]  }
0x218: {  	v25 =	vld [tilespmem:s14+$0x410]  }
0x219: {  	v26 =	vld [tilespmem:s14+$0x420]  }
0x21a: {  	v27 =	vld [tilespmem:s14+$0x430]  }
0x21b: {  	v28 =	vld [tilespmem:s14+$0x440]  }
0x21c: {  	v29 =	vld [tilespmem:s14+$0x450]  }
0x21d: {  	v30 =	vld [tilespmem:s14+$0x460]  }
0x21e: {  	v31 =	vld [tilespmem:s14+$0x470]  }
0x21f: {  	v32 =	vld [tilespmem:s12+$0x0]  }
0x220: {  	v33 =	vld [tilespmem:s12+$0x10]  }
0x221: {  	v34 =	vld [tilespmem:s12+$0x20]  }
0x222: {  	v35 =	vld [tilespmem:s12+$0x30]  }
0x223: {  	v36 =	vld [tilespmem:s12+$0x40]  }
0x224: {  	v37 =	vld [tilespmem:s12+$0x50]  }
0x225: {  	v38 =	vld [tilespmem:s12+$0x60]  }
0x226: {  	v39 =	vld [tilespmem:s12+$0x70]  }
0x227: {  	v40 =	vld [tilespmem:s12+$0x400]  }
0x228: {  	v41 =	vld [tilespmem:s12+$0x410]  }
0x229: {  	v42 =	vld [tilespmem:s12+$0x420]  }
0x22a: {  	v43 =	vld [tilespmem:s12+$0x430]  }
0x22b: {  	v44 =	vld [tilespmem:s12+$0x440]  }
0x22c: {  	v45 =	vld [tilespmem:s12+$0x450]  }
0x22d: {  	v46 =	vld [tilespmem:s12+$0x460]  }
0x22e: {  	v47 =	vld [tilespmem:s12+$0x470]  }
0x22f: {  	[tilespmem:s4+$0x6000] =	vst.add.f32.msk $0xffff, v1  }
0x230: {  	[tilespmem:s4+$0x6010] =	vst.add.f32.msk $0xffff, v2  }
0x231: {  	[tilespmem:s4+$0x6020] =	vst.add.f32.msk $0xffff, v3  }
0x232: {  	[tilespmem:s4+$0x6030] =	vst.add.f32.msk $0xffff, v4  }
0x233: {  	[tilespmem:s4+$0x6040] =	vst.add.f32.msk $0xffff, v0  }
0x234: {  	[tilespmem:s4+$0x6050] =	vst.add.f32.msk $0xffff, v5  }
0x235: {  	[tilespmem:s4+$0x6060] =	vst.add.f32.msk $0xffff, v6  }
0x236: {  	[tilespmem:s4+$0x6070] =	vst.add.f32.msk $0xffff, v7  }
0x237: {  	[tilespmem:s4+$0x6400] =	vst.add.f32.msk $0xffff, v8  }
0x238: {  	[tilespmem:s4+$0x6410] =	vst.add.f32.msk $0xffff, v9  }
0x239: {  	[tilespmem:s4+$0x6420] =	vst.add.f32.msk $0xffff, v10  }
0x23a: {  	[tilespmem:s4+$0x6430] =	vst.add.f32.msk $0xffff, v11  }
0x23b: {  	[tilespmem:s4+$0x6440] =	vst.add.f32.msk $0xffff, v12  }
0x23c: {  	[tilespmem:s4+$0x6450] =	vst.add.f32.msk $0xffff, v13  }
0x23d: {  	[tilespmem:s4+$0x6460] =	vst.add.f32.msk $0xffff, v14  }
0x23e: {  	[tilespmem:s4+$0x6470] =	vst.add.f32.msk $0xffff, v15  }
0x23f: {  	[tilespmem:s14+$0x6000] =	vst.add.f32.msk $0xffff, v16  }
0x240: {  	[tilespmem:s14+$0x6010] =	vst.add.f32.msk $0xffff, v17  }
0x241: {  	[tilespmem:s14+$0x6020] =	vst.add.f32.msk $0xffff, v18  }
0x242: {  	[tilespmem:s14+$0x6030] =	vst.add.f32.msk $0xffff, v19  }
0x243: {  	[tilespmem:s14+$0x6040] =	vst.add.f32.msk $0xffff, v20  }
0x244: {  	[tilespmem:s14+$0x6050] =	vst.add.f32.msk $0xffff, v21  }
0x245: {  	[tilespmem:s14+$0x6060] =	vst.add.f32.msk $0xffff, v22  }
0x246: {  	[tilespmem:s14+$0x6070] =	vst.add.f32.msk $0xffff, v23  }
0x247: {  	[tilespmem:s14+$0x6400] =	vst.add.f32.msk $0xffff, v24  }
0x248: {  	[tilespmem:s14+$0x6410] =	vst.add.f32.msk $0xffff, v25  }
0x249: {  	[tilespmem:s14+$0x6420] =	vst.add.f32.msk $0xffff, v26  }
0x24a: {  	[tilespmem:s14+$0x6430] =	vst.add.f32.msk $0xffff, v27  }
0x24b: {  	[tilespmem:s14+$0x6440] =	vst.add.f32.msk $0xffff, v28  }
0x24c: {  	[tilespmem:s14+$0x6450] =	vst.add.f32.msk $0xffff, v29  }
0x24d: {  	[tilespmem:s14+$0x6460] =	vst.add.f32.msk $0xffff, v30  }
0x24e: {  	[tilespmem:s14+$0x6470] =	vst.add.f32.msk $0xffff, v31  }
0x24f: {  	[tilespmem:s12+$0x6000] =	vst.add.f32.msk $0xffff, v32  }
0x250: {  	[tilespmem:s12+$0x6010] =	vst.add.f32.msk $0xffff, v33  }
0x251: {  	[tilespmem:s12+$0x6020] =	vst.add.f32.msk $0xffff, v34  }
0x252: {  	[tilespmem:s12+$0x6030] =	vst.add.f32.msk $0xffff, v35  }
0x253: {  	[tilespmem:s12+$0x6040] =	vst.add.f32.msk $0xffff, v36  }
0x254: {  	[tilespmem:s12+$0x6050] =	vst.add.f32.msk $0xffff, v37  }
0x255: {  	[tilespmem:s12+$0x6060] =	vst.add.f32.msk $0xffff, v38  }
0x256: {  	[tilespmem:s12+$0x6070] =	vst.add.f32.msk $0xffff, v39  }
0x257: {  	[tilespmem:s12+$0x6400] =	vst.add.f32.msk $0xffff, v40  }
0x258: {  	[tilespmem:s12+$0x6410] =	vst.add.f32.msk $0xffff, v41  }
0x259: {  	[tilespmem:s12+$0x6420] =	vst.add.f32.msk $0xffff, v42  }
0x25a: {  	[tilespmem:s12+$0x6430] =	vst.add.f32.msk $0xffff, v43  }
0x25b: {  	[tilespmem:s12+$0x6440] =	vst.add.f32.msk $0xffff, v44  }
0x25c: {  	[tilespmem:s12+$0x6450] =	vst.add.f32.msk $0xffff, v45  }
0x25d: {  	[tilespmem:s12+$0x6460] =	vst.add.f32.msk $0xffff, v46  }
0x25e: {  	[tilespmem:s12+$0x6470] =	vst.add.f32.msk $0xffff, v47  }
0x25f: {  	v0 =	vld [tilespmem:s20+$0x0]  }
0x260: {  	v1 =	vld [tilespmem:s20+$0x10]  }
0x261: {  	v2 =	vld [tilespmem:s20+$0x20]  }
0x262: {  	v3 =	vld [tilespmem:s20+$0x30]  }
0x263: {  	v4 =	vld [tilespmem:s20+$0x40]  }
0x264: {  	v5 =	vld [tilespmem:s20+$0x50]  }
0x265: {  	v6 =	vld [tilespmem:s20+$0x60]  }
0x266: {  	v7 =	vld [tilespmem:s20+$0x70]  }
0x267: {  	v8 =	vld [tilespmem:s11+$0x0]  }
0x268: {  	v9 =	vld [tilespmem:s11+$0x10]  }
0x269: {  	v10 =	vld [tilespmem:s11+$0x20]  }
0x26a: {  	v11 =	vld [tilespmem:s11+$0x30]  }
0x26b: {  	v12 =	vld [tilespmem:s11+$0x40]  }
0x26c: {  	v13 =	vld [tilespmem:s11+$0x50]  }
0x26d: {  	v14 =	vld [tilespmem:s11+$0x60]  }
0x26e: {  	v15 =	vld [tilespmem:s11+$0x70]  }
0x26f: {  	v16 =	vld [tilespmem:s10+$0x0]  }
0x270: {  	v17 =	vld [tilespmem:s10+$0x10]  }
0x271: {  	v18 =	vld [tilespmem:s10+$0x20]  }
0x272: {  	v19 =	vld [tilespmem:s10+$0x30]  }
0x273: {  	v20 =	vld [tilespmem:s10+$0x40]  }
0x274: {  	v21 =	vld [tilespmem:s10+$0x50]  }
0x275: {  	v22 =	vld [tilespmem:s10+$0x60]  }
0x276: {  	v23 =	vld [tilespmem:s10+$0x70]  }
0x277: {  	[tilespmem:s20+$0x6000] =	vst.add.f32.msk $0xffff, v0  }
0x278: {  	[tilespmem:s20+$0x6010] =	vst.add.f32.msk $0xffff, v1  }
0x279: {  	[tilespmem:s20+$0x6020] =	vst.add.f32.msk $0xffff, v2  }
0x27a: {  	[tilespmem:s20+$0x6030] =	vst.add.f32.msk $0xffff, v3  }
0x27b: {  	[tilespmem:s20+$0x6040] =	vst.add.f32.msk $0xffff, v4  }
0x27c: {  	[tilespmem:s20+$0x6050] =	vst.add.f32.msk $0xffff, v5  }
0x27d: {  	[tilespmem:s20+$0x6060] =	vst.add.f32.msk $0xffff, v6  }
0x27e: {  	[tilespmem:s20+$0x6070] =	vst.add.f32.msk $0xffff, v7  }
0x27f: {  	[tilespmem:s11+$0x6000] =	vst.add.f32.msk $0xffff, v8  }
0x280: {  	[tilespmem:s11+$0x6010] =	vst.add.f32.msk $0xffff, v9  }
0x281: {  	[tilespmem:s11+$0x6020] =	vst.add.f32.msk $0xffff, v10  }
0x282: {  	[tilespmem:s11+$0x6030] =	vst.add.f32.msk $0xffff, v11  }
0x283: {  	[tilespmem:s11+$0x6040] =	vst.add.f32.msk $0xffff, v12  }
0x284: {  	[tilespmem:s11+$0x6050] =	vst.add.f32.msk $0xffff, v13  }
0x285: {  	[tilespmem:s11+$0x6060] =	vst.add.f32.msk $0xffff, v14  }
0x286: {  	[tilespmem:s11+$0x6070] =	vst.add.f32.msk $0xffff, v15  }
0x287: {  	[tilespmem:s10+$0x6000] =	vst.add.f32.msk $0xffff, v16  }
0x288: {  	[tilespmem:s10+$0x6010] =	vst.add.f32.msk $0xffff, v17  }
0x289: {  	[tilespmem:s10+$0x6020] =	vst.add.f32.msk $0xffff, v18  }
0x28a: {  	[tilespmem:s10+$0x6030] =	vst.add.f32.msk $0xffff, v19  }
0x28b: {  	[tilespmem:s10+$0x6040] =	vst.add.f32.msk $0xffff, v20  }
0x28c: {  	[tilespmem:s10+$0x6050] =	vst.add.f32.msk $0xffff, v21  }
0x28d: {  	[tilespmem:s10+$0x6060] =	vst.add.f32.msk $0xffff, v22  }
0x28e: {  	[tilespmem:s10+$0x6070] =	vst.add.f32.msk $0xffff, v23  }
0x28f: {  	v0 =	vld [tilespmem:s3+$0x0]  }
0x290: {  	v1 =	vld [tilespmem:s3+$0x10]  }
0x291: {  	v2 =	vld [tilespmem:s3+$0x20]  }
0x292: {  	v3 =	vld [tilespmem:s3+$0x30]  }
0x293: {  	v4 =	vld [tilespmem:s3+$0x40]  }
0x294: {  	v5 =	vld [tilespmem:s3+$0x50]  }
0x295: {  	v6 =	vld [tilespmem:s3+$0x60]  }
0x296: {  	v7 =	vld [tilespmem:s3+$0x70]  }
0x297: {  	v8 =	vld [tilespmem:s22+$0x0]  }
0x298: {  	v9 =	vld [tilespmem:s22+$0x10]  }
0x299: {  	v10 =	vld [tilespmem:s22+$0x20]  }
0x29a: {  	v11 =	vld [tilespmem:s22+$0x30]  }
0x29b: {  	v12 =	vld [tilespmem:s22+$0x40]  }
0x29c: {  	v13 =	vld [tilespmem:s22+$0x50]  }
0x29d: {  	v14 =	vld [tilespmem:s22+$0x60]  }
0x29e: {  	v15 =	vld [tilespmem:s22+$0x70]  }
0x29f: {  	v16 =	vld [tilespmem:s21+$0x0]  }
0x2a0: {  	v17 =	vld [tilespmem:s21+$0x10]  }
0x2a1: {  	v18 =	vld [tilespmem:s21+$0x20]  }
0x2a2: {  	v19 =	vld [tilespmem:s21+$0x30]  }
0x2a3: {  	v20 =	vld [tilespmem:s21+$0x40]  }
0x2a4: {  	v21 =	vld [tilespmem:s21+$0x50]  }
0x2a5: {  	v22 =	vld [tilespmem:s21+$0x60]  }
0x2a6: {  	v23 =	vld [tilespmem:s21+$0x70]  }
0x2a7: {  	[tilespmem:s3+$0x6000] =	vst.add.f32.msk $0xffff, v0  }
0x2a8: {  	[tilespmem:s3+$0x6010] =	vst.add.f32.msk $0xffff, v1  }
0x2a9: {  	[tilespmem:s3+$0x6020] =	vst.add.f32.msk $0xffff, v2  }
0x2aa: {  	[tilespmem:s3+$0x6030] =	vst.add.f32.msk $0xffff, v3  }
0x2ab: {  	[tilespmem:s3+$0x6040] =	vst.add.f32.msk $0xffff, v4  }
0x2ac: {  	[tilespmem:s3+$0x6050] =	vst.add.f32.msk $0xffff, v5  }
0x2ad: {  	[tilespmem:s3+$0x6060] =	vst.add.f32.msk $0xffff, v6  }
0x2ae: {  	[tilespmem:s3+$0x6070] =	vst.add.f32.msk $0xffff, v7  }
0x2af: {  	[tilespmem:s22+$0x6000] =	vst.add.f32.msk $0xffff, v8  }
0x2b0: {  	[tilespmem:s22+$0x6010] =	vst.add.f32.msk $0xffff, v9  }
0x2b1: {  	[tilespmem:s22+$0x6020] =	vst.add.f32.msk $0xffff, v10  }
0x2b2: {  	[tilespmem:s22+$0x6030] =	vst.add.f32.msk $0xffff, v11  }
0x2b3: {  	[tilespmem:s22+$0x6040] =	vst.add.f32.msk $0xffff, v12  }
0x2b4: {  	[tilespmem:s22+$0x6050] =	vst.add.f32.msk $0xffff, v13  }
0x2b5: {  	[tilespmem:s22+$0x6060] =	vst.add.f32.msk $0xffff, v14  }
0x2b6: {  	[tilespmem:s22+$0x6070] =	vst.add.f32.msk $0xffff, v15  }
0x2b7: {  	[tilespmem:s21+$0x6000] =	vst.add.f32.msk $0xffff, v16  }
0x2b8: {  	[tilespmem:s21+$0x6010] =	vst.add.f32.msk $0xffff, v17  }
0x2b9: {  	[tilespmem:s21+$0x6020] =	vst.add.f32.msk $0xffff, v18  }
0x2ba: {  	[tilespmem:s21+$0x6030] =	vst.add.f32.msk $0xffff, v19  }
0x2bb: {  	[tilespmem:s21+$0x6040] =	vst.add.f32.msk $0xffff, v20  }
0x2bc: {  	[tilespmem:s21+$0x6050] =	vst.add.f32.msk $0xffff, v21  }
0x2bd: {  	[tilespmem:s21+$0x6060] =	vst.add.f32.msk $0xffff, v22  }
0x2be: {  	[tilespmem:s21+$0x6070] =	vst.add.f32.msk $0xffff, v23  }
0x2bf: {  	v0 =	vld [tilespmem:s9+$0x0]  }
0x2c0: {  	v1 =	vld [tilespmem:s9+$0x10]  }
0x2c1: {  	v2 =	vld [tilespmem:s9+$0x20]  }
0x2c2: {  	v3 =	vld [tilespmem:s9+$0x30]  }
0x2c3: {  	v4 =	vld [tilespmem:s9+$0x40]  }
0x2c4: {  	v5 =	vld [tilespmem:s9+$0x50]  }
0x2c5: {  	v6 =	vld [tilespmem:s9+$0x60]  }
0x2c6: {  	v7 =	vld [tilespmem:s9+$0x70]  }
0x2c7: {  	v8 =	vld [tilespmem:s8+$0x0]  }
0x2c8: {  	v9 =	vld [tilespmem:s8+$0x10]  }
0x2c9: {  	v10 =	vld [tilespmem:s8+$0x20]  }
0x2ca: {  	v11 =	vld [tilespmem:s8+$0x30]  }
0x2cb: {  	v12 =	vld [tilespmem:s8+$0x40]  }
0x2cc: {  	v13 =	vld [tilespmem:s8+$0x50]  }
0x2cd: {  	v14 =	vld [tilespmem:s8+$0x60]  }
0x2ce: {  	v15 =	vld [tilespmem:s8+$0x70]  }
0x2cf: {  	v16 =	vld [tilespmem:s7+$0x0]  }
0x2d0: {  	v17 =	vld [tilespmem:s7+$0x10]  }
0x2d1: {  	v18 =	vld [tilespmem:s7+$0x20]  }
0x2d2: {  	v19 =	vld [tilespmem:s7+$0x30]  }
0x2d3: {  	v20 =	vld [tilespmem:s7+$0x40]  }
0x2d4: {  	v21 =	vld [tilespmem:s7+$0x50]  }
0x2d5: {  	v22 =	vld [tilespmem:s7+$0x60]  }
0x2d6: {  	v23 =	vld [tilespmem:s7+$0x70]  }
0x2d7: {  	[tilespmem:s9+$0x6000] =	vst.add.f32.msk $0xffff, v0  }
0x2d8: {  	[tilespmem:s9+$0x6010] =	vst.add.f32.msk $0xffff, v1  }
0x2d9: {  	[tilespmem:s9+$0x6020] =	vst.add.f32.msk $0xffff, v2  }
0x2da: {  	[tilespmem:s9+$0x6030] =	vst.add.f32.msk $0xffff, v3  }
0x2db: {  	[tilespmem:s9+$0x6040] =	vst.add.f32.msk $0xffff, v4  }
0x2dc: {  	[tilespmem:s9+$0x6050] =	vst.add.f32.msk $0xffff, v5  }
0x2dd: {  	[tilespmem:s9+$0x6060] =	vst.add.f32.msk $0xffff, v6  }
0x2de: {  	[tilespmem:s9+$0x6070] =	vst.add.f32.msk $0xffff, v7  }
0x2df: {  	[tilespmem:s8+$0x6000] =	vst.add.f32.msk $0xffff, v8  }
0x2e0: {  	[tilespmem:s8+$0x6010] =	vst.add.f32.msk $0xffff, v9  }
0x2e1: {  	[tilespmem:s8+$0x6020] =	vst.add.f32.msk $0xffff, v10  }
0x2e2: {  	[tilespmem:s8+$0x6030] =	vst.add.f32.msk $0xffff, v11  }
0x2e3: {  	[tilespmem:s8+$0x6040] =	vst.add.f32.msk $0xffff, v12  }
0x2e4: {  	[tilespmem:s8+$0x6050] =	vst.add.f32.msk $0xffff, v13  }
0x2e5: {  	[tilespmem:s8+$0x6060] =	vst.add.f32.msk $0xffff, v14  }
0x2e6: {  	[tilespmem:s8+$0x6070] =	vst.add.f32.msk $0xffff, v15  }
0x2e7: {  	[tilespmem:s7+$0x6000] =	vst.add.f32.msk $0xffff, v16  }
0x2e8: {  	[tilespmem:s7+$0x6010] =	vst.add.f32.msk $0xffff, v17  }
0x2e9: {  	[tilespmem:s7+$0x6020] =	vst.add.f32.msk $0xffff, v18  }
0x2ea: {  	[tilespmem:s7+$0x6030] =	vst.add.f32.msk $0xffff, v19  }
0x2eb: {  	[tilespmem:s7+$0x6040] =	vst.add.f32.msk $0xffff, v20  }
0x2ec: {  	[tilespmem:s7+$0x6050] =	vst.add.f32.msk $0xffff, v21  }
0x2ed: {  	[tilespmem:s7+$0x6060] =	vst.add.f32.msk $0xffff, v22  }
0x2ee: {  	[tilespmem:s7+$0x6070] =	vst.add.f32.msk $0xffff, v23  }
0x2ef: {  	v5 =	vld [tilespmem:s0+$0x0]  }
0x2f0: {  	v6 =	vld [tilespmem:s0+$0x10]  }
0x2f1: {  	v7 =	vld [tilespmem:s0+$0x20]  }
0x2f2: {  	v8 =	vld [tilespmem:s0+$0x30]  }
0x2f3: {  	v9 =	vld [tilespmem:s0+$0x40]  }
0x2f4: {  	v10 =	vld [tilespmem:s0+$0x50]  }
0x2f5: {  	v11 =	vld [tilespmem:s0+$0x60]  }
0x2f6: {  	v12 =	vld [tilespmem:s0+$0x70]  }
0x2f7: {  	v13 =	vld [tilespmem:s2+$0x0]  }
0x2f8: {  	v14 =	vld [tilespmem:s2+$0x10]  }
0x2f9: {  	v15 =	vld [tilespmem:s2+$0x20]  }
0x2fa: {  	v16 =	vld [tilespmem:s2+$0x30]  }
0x2fb: {  	v17 =	vld [tilespmem:s2+$0x40]  }
0x2fc: {  	v18 =	vld [tilespmem:s2+$0x50]  }
0x2fd: {  	v19 =	vld [tilespmem:s2+$0x60]  }
0x2fe: {  	v20 =	vld [tilespmem:s2+$0x70]  }
0x2ff: {  	v21 =	vld [tilespmem:s31+$0x0]  }
0x300: {  	v22 =	vld [tilespmem:s31+$0x10]  }
0x301: {  	v23 =	vld [tilespmem:s31+$0x20]  }
0x302: {  	v24 =	vld [tilespmem:s31+$0x30]  }
0x303: {  	v25 =	vld [tilespmem:s31+$0x40]  }
0x304: {  	v26 =	vld [tilespmem:s31+$0x50]  }
0x305: {  	v27 =	vld [tilespmem:s31+$0x60]  }
0x306: {  	v28 =	vld [tilespmem:s31+$0x70]  }
0x307: {  	v29 =	vld [tilespmem:s30+$0x0]  }
0x308: {  	v30 =	vld [tilespmem:s30+$0x10]  }
0x309: {  	v4 =	vld [tilespmem:s30+$0x20]  }
0x30a: {  	v3 =	vld [tilespmem:s30+$0x30]  }
0x30b: {  	v2 =	vld [tilespmem:s30+$0x40]  }
0x30c: {  	v1 =	vld [tilespmem:s30+$0x50]  }
0x30d: {  	v0 =	vld [tilespmem:s30+$0x60]  }
0x30e: {  	[tilespmem:s0+$0x6000] =	vst.add.f32.msk $0xffff, v5  }
0x30f: {  	[tilespmem:s0+$0x6010] =	vst.add.f32.msk $0xffff, v6  }
0x310: {  	[tilespmem:s0+$0x6020] =	vst.add.f32.msk $0xffff, v7  }
0x311: {  	[tilespmem:s0+$0x6030] =	vst.add.f32.msk $0xffff, v8  }
0x312: {  	[tilespmem:s0+$0x6040] =	vst.add.f32.msk $0xffff, v9  }
0x313: {  	[tilespmem:s0+$0x6050] =	vst.add.f32.msk $0xffff, v10  }
0x314: {  	[tilespmem:s0+$0x6060] =	vst.add.f32.msk $0xffff, v11  }
0x315: {  	[tilespmem:s0+$0x6070] =	vst.add.f32.msk $0xffff, v12  }
0x316: {  	[tilespmem:s2+$0x6000] =	vst.add.f32.msk $0xffff, v13  }
0x317: {  	[tilespmem:s2+$0x6010] =	vst.add.f32.msk $0xffff, v14  }
0x318: {  	[tilespmem:s2+$0x6020] =	vst.add.f32.msk $0xffff, v15  }
0x319: {  	[tilespmem:s2+$0x6030] =	vst.add.f32.msk $0xffff, v16  }
0x31a: {  	[tilespmem:s2+$0x6040] =	vst.add.f32.msk $0xffff, v17  }
0x31b: {  	[tilespmem:s2+$0x6050] =	vst.add.f32.msk $0xffff, v18  }
0x31c: {  	[tilespmem:s2+$0x6060] =	vst.add.f32.msk $0xffff, v19  }
0x31d: {  	[tilespmem:s2+$0x6070] =	vst.add.f32.msk $0xffff, v20  }
0x31e: {  	[tilespmem:s31+$0x6000] =	vst.add.f32.msk $0xffff, v21  }
0x31f: {  	[tilespmem:s31+$0x6010] =	vst.add.f32.msk $0xffff, v22  }
0x320: {  	[tilespmem:s31+$0x6020] =	vst.add.f32.msk $0xffff, v23  }
0x321: {  	[tilespmem:s31+$0x6030] =	vst.add.f32.msk $0xffff, v24  }
0x322: {  	[tilespmem:s31+$0x6040] =	vst.add.f32.msk $0xffff, v25  }
.Ltmp2:
0x323: {  	[tilespmem:s31+$0x6050] =	vst.add.f32.msk $0xffff, v26;
	(pc) =	sbr.rel @p1 .LBB2_6-.Ltmp2, $4  }
0x324: {  	[tilespmem:s31+$0x6060] =	vst.add.f32.msk $0xffff, v27  }
0x325: {  	[tilespmem:s31+$0x6070] =	vst.add.f32.msk $0xffff, v28  }
0x326: {  	[tilespmem:s30+$0x6000] =	vst.add.f32.msk $0xffff, v29  }
0x327: {  	[tilespmem:s30+$0x6010] =	vst.add.f32.msk $0xffff, v30  }
0x328: {  	[tilespmem:s30+$0x6020] =	vst.add.f32.msk $0xffff, v4  }
0x329: {  	[tilespmem:s30+$0x6030] =	vst.add.f32.msk $0xffff, v3  }
0x32a: {  	[tilespmem:s30+$0x6040] =	vst.add.f32.msk $0xffff, v2  }
0x32b: {  	[tilespmem:s30+$0x6050] =	vst.add.f32.msk $0xffff, v1;
	s0 =	rddreg [dreg:$0x2]  }
0x32c: {  	[tilespmem:s30+$0x6060] =	vst.add.f32.msk $0xffff, v0;
	s14 =	simm.s32 $0x6000;
	s28 =	sadd.s32 s0, s25;
	s0 =	simm.s32 @!p0 $0x8  }
0x32d: {  	[hbm4b:s28+s6] =	stream.linear.scatter [tilespmem:s14], [sflag:$0x5], $0x6000, $0x38;
	[tilespmem:$0x1E000] =	vst v63  }
0x32e: {  	s29 =	simm.s32 $0x0;
	_ =	swait.ge @!p0 [sflag:s0], $0x6000  }
0x32f: {  	s16 =	simm.s32 $0x0;
	s25 =	sadd.s32 $0x28800, s25;
	[sflag:s0] =	ssyncset.done @!p0 $0x0  }
0x330: {  	s4 =	simm.s32 $0x2;
	s15 =	sadd.s32 s1, s25;
	[sflag:s0] =	ssyncadd.s32 @!p0 $0xFFFFA000  }
0x331: {  	[tilespmem:s18], [sflag:$0x4] =	stream.linear.gather [hbm4b:s15+s29], $0x6000, $0x38;
	[tilespmem:$0x1E000] =	vst v63  }
0x332: {  	s3 =	smul.u32 $0x1800, s16;
	s2 =	sand.u32 $0x200, s29;
	_ =	swait.ge [sflag:s4], $0x6000  }
0x333: {  	s0 =	sor.u32 $0x180, s2;
	[sflag:s4] =	ssyncset.done $0x0  }
0x334: {  	s17 =	sor.u32 s3, s0;
	[sflag:s4] =	ssyncadd.s32 $0xFFFFA000  }
0x335: {  	v0 =	vld [tilespmem:s17+$0x0]  }
0x336: {  	v1 =	vld [tilespmem:s17+$0x10]  }
0x337: {  	v2 =	vld [tilespmem:s17+$0x20]  }
0x338: {  	v3 =	vld [tilespmem:s17+$0x30]  }
0x339: {  	v4 =	vld [tilespmem:s17+$0x40]  }
0x33a: {  	v5 =	vld [tilespmem:s17+$0x50]  }
0x33b: {  	v6 =	vld [tilespmem:s17+$0x60]  }
0x33c: {  	v7 =	vld [tilespmem:s17+$0x70]  }
0x33d: {  	v8 =	vld [tilespmem:s17+$0x400]  }
0x33e: {  	v9 =	vld [tilespmem:s17+$0x410]  }
0x33f: {  	v10 =	vld [tilespmem:s17+$0x420]  }
0x340: {  	v11 =	vld [tilespmem:s17+$0x430]  }
0x341: {  	v12 =	vld [tilespmem:s17+$0x440]  }
0x342: {  	v13 =	vld [tilespmem:s17+$0x450]  }
0x343: {  	v14 =	vld [tilespmem:s17+$0x460]  }
0x344: {  	s8 =	sor.u32 s2, s3;
	v15 =	vld [tilespmem:s17+$0x470]  }
0x345: {  	v44 =	vld [tilespmem:s8+$0x400]  }
0x346: {  	v45 =	vld [tilespmem:s8+$0x410]  }
0x347: {  	v46 =	vld [tilespmem:s8+$0x420]  }
0x348: {  	v47 =	vld [tilespmem:s8+$0x430]  }
0x349: {  	v48 =	vld [tilespmem:s8+$0x440]  }
0x34a: {  	v49 =	vld [tilespmem:s8+$0x450]  }
0x34b: {  	s22 =	sor.u32 $0x80, s2;
	v50 =	vld [tilespmem:s8+$0x460]  }
0x34c: {  	s11 =	sor.u32 s3, s22;
	v51 =	vld [tilespmem:s8+$0x470]  }
0x34d: {  	v16 =	vld [tilespmem:s11+$0x0]  }
0x34e: {  	v17 =	vld [tilespmem:s11+$0x10]  }
0x34f: {  	v18 =	vld [tilespmem:s11+$0x20]  }
0x350: {  	v19 =	vld [tilespmem:s11+$0x30]  }
0x351: {  	v20 =	vld [tilespmem:s11+$0x40]  }
0x352: {  	v21 =	vld [tilespmem:s11+$0x50]  }
0x353: {  	v22 =	vld [tilespmem:s11+$0x60]  }
0x354: {  	v23 =	vld [tilespmem:s11+$0x70]  }
0x355: {  	v24 =	vld [tilespmem:s11+$0x400]  }
0x356: {  	v25 =	vld [tilespmem:s11+$0x410]  }
0x357: {  	v26 =	vld [tilespmem:s11+$0x420]  }
0x358: {  	v27 =	vld [tilespmem:s11+$0x430]  }
0x359: {  	v28 =	vld [tilespmem:s11+$0x440]  }
0x35a: {  	v29 =	vld [tilespmem:s11+$0x450]  }
0x35b: {  	s12 =	sor.u32 $0x100, s2;
	v30 =	vld [tilespmem:s11+$0x460]  }
0x35c: {  	s13 =	sor.u32 s3, s12;
	v31 =	vld [tilespmem:s11+$0x470]  }
0x35d: {  	v52 =	vld [tilespmem:s13+$0x400]  }
0x35e: {  	v53 =	vld [tilespmem:s13+$0x410]  }
0x35f: {  	v54 =	vld [tilespmem:s13+$0x420]  }
0x360: {  	v55 =	vld [tilespmem:s13+$0x430]  }
0x361: {  	v56 =	vld [tilespmem:s13+$0x440]  }
0x362: {  	v57 =	vld [tilespmem:s13+$0x450]  }
0x363: {  	v58 =	vld [tilespmem:s13+$0x460]  }
0x364: {  	v59 =	vld [tilespmem:s13+$0x470]  }
0x365: {  	[tilespmem:s17+$0xC000] =	vst.add.f32.msk $0xffff, v0  }
0x366: {  	[tilespmem:s17+$0xC010] =	vst.add.f32.msk $0xffff, v1  }
0x367: {  	[tilespmem:s17+$0xC020] =	vst.add.f32.msk $0xffff, v2  }
0x368: {  	[tilespmem:s17+$0xC030] =	vst.add.f32.msk $0xffff, v3  }
0x369: {  	[tilespmem:s17+$0xC040] =	vst.add.f32.msk $0xffff, v4  }
0x36a: {  	[tilespmem:s17+$0xC050] =	vst.add.f32.msk $0xffff, v5  }
0x36b: {  	[tilespmem:s17+$0xC060] =	vst.add.f32.msk $0xffff, v6  }
0x36c: {  	[tilespmem:s17+$0xC070] =	vst.add.f32.msk $0xffff, v7  }
0x36d: {  	[tilespmem:s17+$0xC400] =	vst.add.f32.msk $0xffff, v8  }
0x36e: {  	[tilespmem:s17+$0xC410] =	vst.add.f32.msk $0xffff, v9  }
0x36f: {  	[tilespmem:s17+$0xC420] =	vst.add.f32.msk $0xffff, v10  }
0x370: {  	[tilespmem:s17+$0xC430] =	vst.add.f32.msk $0xffff, v11  }
0x371: {  	[tilespmem:s17+$0xC440] =	vst.add.f32.msk $0xffff, v12  }
0x372: {  	[tilespmem:s17+$0xC450] =	vst.add.f32.msk $0xffff, v13  }
0x373: {  	[tilespmem:s17+$0xC460] =	vst.add.f32.msk $0xffff, v14  }
0x374: {  	[tilespmem:s17+$0xC470] =	vst.add.f32.msk $0xffff, v15  }
0x375: {  	[tilespmem:s8+$0xC400] =	vst.add.f32.msk $0xffff, v44  }
0x376: {  	[tilespmem:s8+$0xC410] =	vst.add.f32.msk $0xffff, v45  }
0x377: {  	[tilespmem:s8+$0xC420] =	vst.add.f32.msk $0xffff, v46  }
0x378: {  	[tilespmem:s8+$0xC430] =	vst.add.f32.msk $0xffff, v47  }
0x379: {  	[tilespmem:s8+$0xC440] =	vst.add.f32.msk $0xffff, v48  }
0x37a: {  	[tilespmem:s8+$0xC450] =	vst.add.f32.msk $0xffff, v49  }
0x37b: {  	[tilespmem:s8+$0xC460] =	vst.add.f32.msk $0xffff, v50  }
0x37c: {  	[tilespmem:s8+$0xC470] =	vst.add.f32.msk $0xffff, v51  }
0x37d: {  	[tilespmem:s11+$0xC000] =	vst.add.f32.msk $0xffff, v16  }
0x37e: {  	[tilespmem:s11+$0xC010] =	vst.add.f32.msk $0xffff, v17  }
0x37f: {  	[tilespmem:s11+$0xC020] =	vst.add.f32.msk $0xffff, v18  }
0x380: {  	[tilespmem:s11+$0xC030] =	vst.add.f32.msk $0xffff, v19  }
0x381: {  	[tilespmem:s11+$0xC040] =	vst.add.f32.msk $0xffff, v20  }
0x382: {  	[tilespmem:s11+$0xC050] =	vst.add.f32.msk $0xffff, v21  }
0x383: {  	[tilespmem:s11+$0xC060] =	vst.add.f32.msk $0xffff, v22  }
0x384: {  	[tilespmem:s11+$0xC070] =	vst.add.f32.msk $0xffff, v23  }
0x385: {  	[tilespmem:s11+$0xC400] =	vst.add.f32.msk $0xffff, v24  }
0x386: {  	[tilespmem:s11+$0xC410] =	vst.add.f32.msk $0xffff, v25  }
0x387: {  	[tilespmem:s11+$0xC420] =	vst.add.f32.msk $0xffff, v26  }
0x388: {  	[tilespmem:s11+$0xC430] =	vst.add.f32.msk $0xffff, v27  }
0x389: {  	[tilespmem:s11+$0xC440] =	vst.add.f32.msk $0xffff, v28  }
0x38a: {  	[tilespmem:s11+$0xC450] =	vst.add.f32.msk $0xffff, v29  }
0x38b: {  	[tilespmem:s11+$0xC460] =	vst.add.f32.msk $0xffff, v30  }
0x38c: {  	[tilespmem:s11+$0xC470] =	vst.add.f32.msk $0xffff, v31  }
0x38d: {  	[tilespmem:s13+$0xC400] =	vst.add.f32.msk $0xffff, v52  }
0x38e: {  	[tilespmem:s13+$0xC410] =	vst.add.f32.msk $0xffff, v53  }
0x38f: {  	[tilespmem:s13+$0xC420] =	vst.add.f32.msk $0xffff, v54  }
0x390: {  	[tilespmem:s13+$0xC430] =	vst.add.f32.msk $0xffff, v55  }
0x391: {  	[tilespmem:s13+$0xC440] =	vst.add.f32.msk $0xffff, v56  }
0x392: {  	[tilespmem:s13+$0xC450] =	vst.add.f32.msk $0xffff, v57  }
0x393: {  	s10 =	sadd.s32 $0x800, s3;
	[tilespmem:s13+$0xC460] =	vst.add.f32.msk $0xffff, v58  }
0x394: {  	s18 =	sor.u32 s0, s10;
	[tilespmem:s13+$0xC470] =	vst.add.f32.msk $0xffff, v59  }
0x395: {  	v0 =	vld [tilespmem:s18+$0x0]  }
0x396: {  	v1 =	vld [tilespmem:s18+$0x10]  }
0x397: {  	v2 =	vld [tilespmem:s18+$0x20]  }
0x398: {  	v3 =	vld [tilespmem:s18+$0x30]  }
0x399: {  	v4 =	vld [tilespmem:s18+$0x40]  }
0x39a: {  	v5 =	vld [tilespmem:s18+$0x50]  }
0x39b: {  	v6 =	vld [tilespmem:s18+$0x60]  }
0x39c: {  	v7 =	vld [tilespmem:s18+$0x70]  }
0x39d: {  	[tilespmem:s18+$0xC000] =	vst.add.f32.msk $0xffff, v0  }
0x39e: {  	[tilespmem:s18+$0xC010] =	vst.add.f32.msk $0xffff, v1  }
0x39f: {  	[tilespmem:s18+$0xC020] =	vst.add.f32.msk $0xffff, v2  }
0x3a0: {  	[tilespmem:s18+$0xC030] =	vst.add.f32.msk $0xffff, v3  }
0x3a1: {  	[tilespmem:s18+$0xC040] =	vst.add.f32.msk $0xffff, v4  }
0x3a2: {  	[tilespmem:s18+$0xC050] =	vst.add.f32.msk $0xffff, v5  }
0x3a3: {  	s9 =	sadd.s32 $0xC00, s3;
	[tilespmem:s18+$0xC060] =	vst.add.f32.msk $0xffff, v6  }
0x3a4: {  	s20 =	sor.u32 s0, s9;
	[tilespmem:s18+$0xC070] =	vst.add.f32.msk $0xffff, v7  }
0x3a5: {  	v0 =	vld [tilespmem:s20+$0x0]  }
0x3a6: {  	v1 =	vld [tilespmem:s20+$0x10]  }
0x3a7: {  	v2 =	vld [tilespmem:s20+$0x20]  }
0x3a8: {  	v3 =	vld [tilespmem:s20+$0x30]  }
0x3a9: {  	v4 =	vld [tilespmem:s20+$0x40]  }
0x3aa: {  	v5 =	vld [tilespmem:s20+$0x50]  }
0x3ab: {  	v6 =	vld [tilespmem:s20+$0x60]  }
0x3ac: {  	v7 =	vld [tilespmem:s20+$0x70]  }
0x3ad: {  	[tilespmem:s20+$0xC000] =	vst.add.f32.msk $0xffff, v0  }
0x3ae: {  	[tilespmem:s20+$0xC010] =	vst.add.f32.msk $0xffff, v1  }
0x3af: {  	[tilespmem:s20+$0xC020] =	vst.add.f32.msk $0xffff, v2  }
0x3b0: {  	[tilespmem:s20+$0xC030] =	vst.add.f32.msk $0xffff, v3  }
0x3b1: {  	[tilespmem:s20+$0xC040] =	vst.add.f32.msk $0xffff, v4  }
0x3b2: {  	[tilespmem:s20+$0xC050] =	vst.add.f32.msk $0xffff, v5  }
0x3b3: {  	s7 =	sadd.s32 $0x1000, s3;
	[tilespmem:s20+$0xC060] =	vst.add.f32.msk $0xffff, v6  }
0x3b4: {  	s21 =	sor.u32 s0, s7;
	[tilespmem:s20+$0xC070] =	vst.add.f32.msk $0xffff, v7  }
0x3b5: {  	v0 =	vld [tilespmem:s21+$0x0]  }
0x3b6: {  	v1 =	vld [tilespmem:s21+$0x10]  }
0x3b7: {  	v2 =	vld [tilespmem:s21+$0x20]  }
0x3b8: {  	v3 =	vld [tilespmem:s21+$0x30]  }
0x3b9: {  	v4 =	vld [tilespmem:s21+$0x40]  }
0x3ba: {  	v5 =	vld [tilespmem:s21+$0x50]  }
0x3bb: {  	v6 =	vld [tilespmem:s21+$0x60]  }
0x3bc: {  	v7 =	vld [tilespmem:s21+$0x70]  }
0x3bd: {  	[tilespmem:s21+$0xC000] =	vst.add.f32.msk $0xffff, v0  }
0x3be: {  	[tilespmem:s21+$0xC010] =	vst.add.f32.msk $0xffff, v1  }
0x3bf: {  	[tilespmem:s21+$0xC020] =	vst.add.f32.msk $0xffff, v2  }
0x3c0: {  	[tilespmem:s21+$0xC030] =	vst.add.f32.msk $0xffff, v3  }
0x3c1: {  	[tilespmem:s21+$0xC040] =	vst.add.f32.msk $0xffff, v4  }
0x3c2: {  	[tilespmem:s21+$0xC050] =	vst.add.f32.msk $0xffff, v5  }
0x3c3: {  	[tilespmem:s21+$0xC060] =	vst.add.f32.msk $0xffff, v6  }
0x3c4: {  	[tilespmem:s21+$0xC070] =	vst.add.f32.msk $0xffff, v7  }
0x3c5: {  	v0 =	vld [tilespmem:s8+$0x0]  }
0x3c6: {  	v1 =	vld [tilespmem:s8+$0x10]  }
0x3c7: {  	v2 =	vld [tilespmem:s8+$0x20]  }
0x3c8: {  	v3 =	vld [tilespmem:s8+$0x30]  }
0x3c9: {  	v4 =	vld [tilespmem:s8+$0x40]  }
0x3ca: {  	v5 =	vld [tilespmem:s8+$0x50]  }
0x3cb: {  	s3 =	sadd.s32 $0x1400, s3;
	v6 =	vld [tilespmem:s8+$0x60]  }
0x3cc: {  	s31 =	sor.u32 s0, s3;
	v7 =	vld [tilespmem:s8+$0x70]  }
0x3cd: {  	v62 =	vld [tilespmem:s31+$0x0]  }
0x3ce: {  	v63 =	vld [tilespmem:s31+$0x10]  }
0x3cf: {  	[tilespmem:s8+$0xC000] =	vst.add.f32.msk $0xffff, v0  }
0x3d0: {  	[tilespmem:s8+$0xC010] =	vst.add.f32.msk $0xffff, v1  }
0x3d1: {  	[tilespmem:s8+$0xC020] =	vst.add.f32.msk $0xffff, v2  }
0x3d2: {  	[tilespmem:s8+$0xC030] =	vst.add.f32.msk $0xffff, v3  }
0x3d3: {  	[tilespmem:s8+$0xC040] =	vst.add.f32.msk $0xffff, v4  }
0x3d4: {  	[tilespmem:s8+$0xC050] =	vst.add.f32.msk $0xffff, v5  }
0x3d5: {  	[tilespmem:s8+$0xC060] =	vst.add.f32.msk $0xffff, v6  }
0x3d6: {  	[tilespmem:s8+$0xC070] =	vst.add.f32.msk $0xffff, v7  }
0x3d7: {  	v0 =	vld [tilespmem:s13+$0x0]  }
0x3d8: {  	v1 =	vld [tilespmem:s13+$0x10]  }
0x3d9: {  	v2 =	vld [tilespmem:s13+$0x20]  }
0x3da: {  	v3 =	vld [tilespmem:s13+$0x30]  }
0x3db: {  	v4 =	vld [tilespmem:s13+$0x40]  }
0x3dc: {  	v5 =	vld [tilespmem:s13+$0x50]  }
0x3dd: {  	v6 =	vld [tilespmem:s13+$0x60]  }
0x3de: {  	v7 =	vld [tilespmem:s13+$0x70]  }
0x3df: {  	[tilespmem:s31+$0xC000] =	vst.add.f32.msk $0xffff, v62  }
0x3e0: {  	[tilespmem:s31+$0xC010] =	vst.add.f32.msk $0xffff, v63  }
0x3e1: {  	[tilespmem:s13+$0xC000] =	vst.add.f32.msk $0xffff, v0  }
0x3e2: {  	[tilespmem:s13+$0xC010] =	vst.add.f32.msk $0xffff, v1  }
0x3e3: {  	[tilespmem:s13+$0xC020] =	vst.add.f32.msk $0xffff, v2  }
0x3e4: {  	[tilespmem:s13+$0xC030] =	vst.add.f32.msk $0xffff, v3  }
0x3e5: {  	[tilespmem:s13+$0xC040] =	vst.add.f32.msk $0xffff, v4  }
0x3e6: {  	[tilespmem:s13+$0xC050] =	vst.add.f32.msk $0xffff, v5  }
0x3e7: {  	[tilespmem:s13+$0xC060] =	vst.add.f32.msk $0xffff, v6  }
0x3e8: {  	s14 =	sor.u32 s2, s10;
	[tilespmem:s13+$0xC070] =	vst.add.f32.msk $0xffff, v7  }
0x3e9: {  	v0 =	vld [tilespmem:s14+$0x0]  }
0x3ea: {  	v1 =	vld [tilespmem:s14+$0x10]  }
0x3eb: {  	v2 =	vld [tilespmem:s14+$0x20]  }
0x3ec: {  	v3 =	vld [tilespmem:s14+$0x30]  }
0x3ed: {  	v4 =	vld [tilespmem:s14+$0x40]  }
0x3ee: {  	v5 =	vld [tilespmem:s14+$0x50]  }
0x3ef: {  	v6 =	vld [tilespmem:s14+$0x60]  }
0x3f0: {  	v7 =	vld [tilespmem:s14+$0x70]  }
0x3f1: {  	[tilespmem:s14+$0xC000] =	vst.add.f32.msk $0xffff, v0  }
0x3f2: {  	[tilespmem:s14+$0xC010] =	vst.add.f32.msk $0xffff, v1  }
0x3f3: {  	[tilespmem:s14+$0xC020] =	vst.add.f32.msk $0xffff, v2  }
0x3f4: {  	[tilespmem:s14+$0xC030] =	vst.add.f32.msk $0xffff, v3  }
0x3f5: {  	[tilespmem:s14+$0xC040] =	vst.add.f32.msk $0xffff, v4  }
0x3f6: {  	[tilespmem:s14+$0xC050] =	vst.add.f32.msk $0xffff, v5  }
0x3f7: {  	[tilespmem:s14+$0xC060] =	vst.add.f32.msk $0xffff, v6  }
0x3f8: {  	s15 =	sor.u32 s22, s10;
	[tilespmem:s14+$0xC070] =	vst.add.f32.msk $0xffff, v7  }
0x3f9: {  	v0 =	vld [tilespmem:s15+$0x0]  }
0x3fa: {  	v1 =	vld [tilespmem:s15+$0x10]  }
0x3fb: {  	v2 =	vld [tilespmem:s15+$0x20]  }
0x3fc: {  	v3 =	vld [tilespmem:s15+$0x30]  }
0x3fd: {  	v4 =	vld [tilespmem:s15+$0x40]  }
0x3fe: {  	v5 =	vld [tilespmem:s15+$0x50]  }
0x3ff: {  	v6 =	vld [tilespmem:s15+$0x60]  }
0x400: {  	v7 =	vld [tilespmem:s15+$0x70]  }
0x401: {  	[tilespmem:s15+$0xC000] =	vst.add.f32.msk $0xffff, v0  }
0x402: {  	[tilespmem:s15+$0xC010] =	vst.add.f32.msk $0xffff, v1  }
0x403: {  	[tilespmem:s15+$0xC020] =	vst.add.f32.msk $0xffff, v2  }
0x404: {  	[tilespmem:s15+$0xC030] =	vst.add.f32.msk $0xffff, v3  }
0x405: {  	[tilespmem:s15+$0xC040] =	vst.add.f32.msk $0xffff, v4  }
0x406: {  	[tilespmem:s15+$0xC050] =	vst.add.f32.msk $0xffff, v5  }
0x407: {  	[tilespmem:s15+$0xC060] =	vst.add.f32.msk $0xffff, v6  }
0x408: {  	s10 =	sor.u32 s12, s10;
	[tilespmem:s15+$0xC070] =	vst.add.f32.msk $0xffff, v7  }
0x409: {  	v0 =	vld [tilespmem:s10+$0x0]  }
0x40a: {  	v1 =	vld [tilespmem:s10+$0x10]  }
0x40b: {  	v2 =	vld [tilespmem:s10+$0x20]  }
0x40c: {  	v3 =	vld [tilespmem:s10+$0x30]  }
0x40d: {  	v4 =	vld [tilespmem:s10+$0x40]  }
0x40e: {  	v5 =	vld [tilespmem:s10+$0x50]  }
0x40f: {  	v6 =	vld [tilespmem:s10+$0x60]  }
0x410: {  	v7 =	vld [tilespmem:s10+$0x70]  }
0x411: {  	[tilespmem:s10+$0xC000] =	vst.add.f32.msk $0xffff, v0  }
0x412: {  	[tilespmem:s10+$0xC010] =	vst.add.f32.msk $0xffff, v1  }
0x413: {  	[tilespmem:s10+$0xC020] =	vst.add.f32.msk $0xffff, v2  }
0x414: {  	[tilespmem:s10+$0xC030] =	vst.add.f32.msk $0xffff, v3  }
0x415: {  	[tilespmem:s10+$0xC040] =	vst.add.f32.msk $0xffff, v4  }
0x416: {  	[tilespmem:s10+$0xC050] =	vst.add.f32.msk $0xffff, v5  }
0x417: {  	[tilespmem:s10+$0xC060] =	vst.add.f32.msk $0xffff, v6  }
0x418: {  	s16 =	sor.u32 s2, s9;
	[tilespmem:s10+$0xC070] =	vst.add.f32.msk $0xffff, v7  }
0x419: {  	v0 =	vld [tilespmem:s16+$0x0]  }
0x41a: {  	v1 =	vld [tilespmem:s16+$0x10]  }
0x41b: {  	v2 =	vld [tilespmem:s16+$0x20]  }
0x41c: {  	v3 =	vld [tilespmem:s16+$0x30]  }
0x41d: {  	v4 =	vld [tilespmem:s16+$0x40]  }
0x41e: {  	v5 =	vld [tilespmem:s16+$0x50]  }
0x41f: {  	v6 =	vld [tilespmem:s16+$0x60]  }
0x420: {  	v7 =	vld [tilespmem:s16+$0x70]  }
0x421: {  	[tilespmem:s16+$0xC000] =	vst.add.f32.msk $0xffff, v0  }
0x422: {  	[tilespmem:s16+$0xC010] =	vst.add.f32.msk $0xffff, v1  }
0x423: {  	[tilespmem:s16+$0xC020] =	vst.add.f32.msk $0xffff, v2  }
0x424: {  	[tilespmem:s16+$0xC030] =	vst.add.f32.msk $0xffff, v3  }
0x425: {  	[tilespmem:s16+$0xC040] =	vst.add.f32.msk $0xffff, v4  }
0x426: {  	[tilespmem:s16+$0xC050] =	vst.add.f32.msk $0xffff, v5  }
0x427: {  	[tilespmem:s16+$0xC060] =	vst.add.f32.msk $0xffff, v6  }
0x428: {  	s17 =	sor.u32 s22, s9;
	[tilespmem:s16+$0xC070] =	vst.add.f32.msk $0xffff, v7  }
0x429: {  	v0 =	vld [tilespmem:s17+$0x0]  }
0x42a: {  	v1 =	vld [tilespmem:s17+$0x10]  }
0x42b: {  	v2 =	vld [tilespmem:s17+$0x20]  }
0x42c: {  	v3 =	vld [tilespmem:s17+$0x30]  }
0x42d: {  	v4 =	vld [tilespmem:s17+$0x40]  }
0x42e: {  	v5 =	vld [tilespmem:s17+$0x50]  }
0x42f: {  	v6 =	vld [tilespmem:s17+$0x60]  }
0x430: {  	v7 =	vld [tilespmem:s17+$0x70]  }
0x431: {  	[tilespmem:s17+$0xC000] =	vst.add.f32.msk $0xffff, v0  }
0x432: {  	[tilespmem:s17+$0xC010] =	vst.add.f32.msk $0xffff, v1  }
0x433: {  	[tilespmem:s17+$0xC020] =	vst.add.f32.msk $0xffff, v2  }
0x434: {  	[tilespmem:s17+$0xC030] =	vst.add.f32.msk $0xffff, v3  }
0x435: {  	[tilespmem:s17+$0xC040] =	vst.add.f32.msk $0xffff, v4  }
0x436: {  	[tilespmem:s17+$0xC050] =	vst.add.f32.msk $0xffff, v5  }
0x437: {  	[tilespmem:s17+$0xC060] =	vst.add.f32.msk $0xffff, v6  }
0x438: {  	s9 =	sor.u32 s12, s9;
	[tilespmem:s17+$0xC070] =	vst.add.f32.msk $0xffff, v7  }
0x439: {  	v0 =	vld [tilespmem:s9+$0x0]  }
0x43a: {  	v1 =	vld [tilespmem:s9+$0x10]  }
0x43b: {  	v2 =	vld [tilespmem:s9+$0x20]  }
0x43c: {  	v3 =	vld [tilespmem:s9+$0x30]  }
0x43d: {  	v4 =	vld [tilespmem:s9+$0x40]  }
0x43e: {  	v5 =	vld [tilespmem:s9+$0x50]  }
0x43f: {  	v6 =	vld [tilespmem:s9+$0x60]  }
0x440: {  	v7 =	vld [tilespmem:s9+$0x70]  }
0x441: {  	[tilespmem:s9+$0xC000] =	vst.add.f32.msk $0xffff, v0  }
0x442: {  	[tilespmem:s9+$0xC010] =	vst.add.f32.msk $0xffff, v1  }
0x443: {  	[tilespmem:s9+$0xC020] =	vst.add.f32.msk $0xffff, v2  }
0x444: {  	[tilespmem:s9+$0xC030] =	vst.add.f32.msk $0xffff, v3  }
0x445: {  	[tilespmem:s9+$0xC040] =	vst.add.f32.msk $0xffff, v4  }
0x446: {  	[tilespmem:s9+$0xC050] =	vst.add.f32.msk $0xffff, v5  }
0x447: {  	[tilespmem:s9+$0xC060] =	vst.add.f32.msk $0xffff, v6  }
0x448: {  	s18 =	sor.u32 s2, s7;
	[tilespmem:s9+$0xC070] =	vst.add.f32.msk $0xffff, v7  }
0x449: {  	v0 =	vld [tilespmem:s18+$0x0]  }
0x44a: {  	v1 =	vld [tilespmem:s18+$0x10]  }
0x44b: {  	v2 =	vld [tilespmem:s18+$0x20]  }
0x44c: {  	v3 =	vld [tilespmem:s18+$0x30]  }
0x44d: {  	v4 =	vld [tilespmem:s18+$0x40]  }
0x44e: {  	v5 =	vld [tilespmem:s18+$0x50]  }
0x44f: {  	v6 =	vld [tilespmem:s18+$0x60]  }
0x450: {  	v7 =	vld [tilespmem:s18+$0x70]  }
0x451: {  	[tilespmem:s18+$0xC000] =	vst.add.f32.msk $0xffff, v0  }
0x452: {  	[tilespmem:s18+$0xC010] =	vst.add.f32.msk $0xffff, v1  }
0x453: {  	[tilespmem:s18+$0xC020] =	vst.add.f32.msk $0xffff, v2  }
0x454: {  	[tilespmem:s18+$0xC030] =	vst.add.f32.msk $0xffff, v3  }
0x455: {  	[tilespmem:s18+$0xC040] =	vst.add.f32.msk $0xffff, v4  }
0x456: {  	[tilespmem:s18+$0xC050] =	vst.add.f32.msk $0xffff, v5  }
0x457: {  	[tilespmem:s18+$0xC060] =	vst.add.f32.msk $0xffff, v6  }
0x458: {  	s20 =	sor.u32 s22, s7;
	[tilespmem:s18+$0xC070] =	vst.add.f32.msk $0xffff, v7  }
0x459: {  	v0 =	vld [tilespmem:s20+$0x0]  }
0x45a: {  	v1 =	vld [tilespmem:s20+$0x10]  }
0x45b: {  	v2 =	vld [tilespmem:s20+$0x20]  }
0x45c: {  	v3 =	vld [tilespmem:s20+$0x30]  }
0x45d: {  	v4 =	vld [tilespmem:s20+$0x40]  }
0x45e: {  	v5 =	vld [tilespmem:s20+$0x50]  }
0x45f: {  	v6 =	vld [tilespmem:s20+$0x60]  }
0x460: {  	v7 =	vld [tilespmem:s20+$0x70]  }
0x461: {  	[tilespmem:s20+$0xC000] =	vst.add.f32.msk $0xffff, v0  }
0x462: {  	[tilespmem:s20+$0xC010] =	vst.add.f32.msk $0xffff, v1  }
0x463: {  	[tilespmem:s20+$0xC020] =	vst.add.f32.msk $0xffff, v2  }
0x464: {  	[tilespmem:s20+$0xC030] =	vst.add.f32.msk $0xffff, v3  }
0x465: {  	[tilespmem:s20+$0xC040] =	vst.add.f32.msk $0xffff, v4  }
0x466: {  	[tilespmem:s20+$0xC050] =	vst.add.f32.msk $0xffff, v5  }
0x467: {  	[tilespmem:s20+$0xC060] =	vst.add.f32.msk $0xffff, v6  }
0x468: {  	s7 =	sor.u32 s12, s7;
	[tilespmem:s20+$0xC070] =	vst.add.f32.msk $0xffff, v7  }
0x469: {  	v0 =	vld [tilespmem:s7+$0x0]  }
0x46a: {  	v1 =	vld [tilespmem:s7+$0x10]  }
0x46b: {  	v2 =	vld [tilespmem:s7+$0x20]  }
0x46c: {  	v3 =	vld [tilespmem:s7+$0x30]  }
0x46d: {  	v4 =	vld [tilespmem:s7+$0x40]  }
0x46e: {  	v5 =	vld [tilespmem:s7+$0x50]  }
0x46f: {  	v6 =	vld [tilespmem:s7+$0x60]  }
0x470: {  	s21 =	sor.u32 s22, s3;
	v7 =	vld [tilespmem:s7+$0x70]  }
0x471: {  	v60 =	vld [tilespmem:s21+$0x70]  }
0x472: {  	[tilespmem:s7+$0xC000] =	vst.add.f32.msk $0xffff, v0  }
0x473: {  	[tilespmem:s7+$0xC010] =	vst.add.f32.msk $0xffff, v1  }
0x474: {  	[tilespmem:s7+$0xC020] =	vst.add.f32.msk $0xffff, v2  }
0x475: {  	[tilespmem:s7+$0xC030] =	vst.add.f32.msk $0xffff, v3  }
0x476: {  	[tilespmem:s7+$0xC040] =	vst.add.f32.msk $0xffff, v4  }
0x477: {  	[tilespmem:s7+$0xC050] =	vst.add.f32.msk $0xffff, v5  }
0x478: {  	[tilespmem:s7+$0xC060] =	vst.add.f32.msk $0xffff, v6  }
0x479: {  	s2 =	sor.u32 s2, s3;
	[tilespmem:s7+$0xC070] =	vst.add.f32.msk $0xffff, v7  }
0x47a: {  	v0 =	vld [tilespmem:s2+$0x0]  }
0x47b: {  	v1 =	vld [tilespmem:s2+$0x10]  }
0x47c: {  	v2 =	vld [tilespmem:s2+$0x20]  }
0x47d: {  	v3 =	vld [tilespmem:s2+$0x30]  }
0x47e: {  	v4 =	vld [tilespmem:s2+$0x40]  }
0x47f: {  	v5 =	vld [tilespmem:s2+$0x50]  }
0x480: {  	v6 =	vld [tilespmem:s2+$0x60]  }
0x481: {  	v7 =	vld [tilespmem:s2+$0x70]  }
0x482: {  	s22 =	sor.u32 s12, s3;
	[tilespmem:s21+$0xC070] =	vst.add.f32.msk $0xffff, v60  }
0x483: {  	v61 =	vld [tilespmem:s22+$0x30]  }
0x484: {  	v9 =	vld [tilespmem:s22+$0x40]  }
0x485: {  	v10 =	vld [tilespmem:s22+$0x50]  }
0x486: {  	v11 =	vld [tilespmem:s22+$0x60]  }
0x487: {  	v12 =	vld [tilespmem:s22+$0x70]  }
0x488: {  	[tilespmem:s2+$0xC000] =	vst.add.f32.msk $0xffff, v0  }
0x489: {  	[tilespmem:s2+$0xC010] =	vst.add.f32.msk $0xffff, v1  }
0x48a: {  	[tilespmem:s2+$0xC020] =	vst.add.f32.msk $0xffff, v2  }
0x48b: {  	[tilespmem:s2+$0xC030] =	vst.add.f32.msk $0xffff, v3  }
0x48c: {  	[tilespmem:s2+$0xC040] =	vst.add.f32.msk $0xffff, v4  }
0x48d: {  	[tilespmem:s2+$0xC050] =	vst.add.f32.msk $0xffff, v5  }
0x48e: {  	[tilespmem:s2+$0xC060] =	vst.add.f32.msk $0xffff, v6  }
0x48f: {  	[tilespmem:s2+$0xC070] =	vst.add.f32.msk $0xffff, v7  }
0x490: {  	v0 =	vld [tilespmem:s31+$0x70]  }
0x491: {  	v1 =	vld [tilespmem:s21+$0x0]  }
0x492: {  	v2 =	vld [tilespmem:s21+$0x10]  }
0x493: {  	v3 =	vld [tilespmem:s21+$0x20]  }
0x494: {  	v4 =	vld [tilespmem:s21+$0x30]  }
0x495: {  	v5 =	vld [tilespmem:s21+$0x40]  }
0x496: {  	v6 =	vld [tilespmem:s21+$0x50]  }
0x497: {  	v7 =	vld [tilespmem:s21+$0x60]  }
0x498: {  	[tilespmem:s22+$0xC030] =	vst.add.f32.msk $0xffff, v61  }
0x499: {  	[tilespmem:s22+$0xC040] =	vst.add.f32.msk $0xffff, v9  }
0x49a: {  	[tilespmem:s22+$0xC050] =	vst.add.f32.msk $0xffff, v10  }
0x49b: {  	[tilespmem:s22+$0xC060] =	vst.add.f32.msk $0xffff, v11  }
0x49c: {  	[tilespmem:s22+$0xC070] =	vst.add.f32.msk $0xffff, v12  }
0x49d: {  	[tilespmem:s21+$0xC000] =	vst.add.f32.msk $0xffff, v1  }
0x49e: {  	[tilespmem:s21+$0xC010] =	vst.add.f32.msk $0xffff, v2  }
0x49f: {  	[tilespmem:s21+$0xC020] =	vst.add.f32.msk $0xffff, v3  }
0x4a0: {  	[tilespmem:s21+$0xC030] =	vst.add.f32.msk $0xffff, v4  }
0x4a1: {  	[tilespmem:s21+$0xC040] =	vst.add.f32.msk $0xffff, v5  }
0x4a2: {  	[tilespmem:s21+$0xC050] =	vst.add.f32.msk $0xffff, v6  }
0x4a3: {  	[tilespmem:s21+$0xC060] =	vst.add.f32.msk $0xffff, v7  }
0x4a4: {  	[tilespmem:s31+$0xC070] =	vst.add.f32.msk $0xffff, v0  }
0x4a5: {  	v5 =	vld [tilespmem:s22+$0x0]  }
0x4a6: {  	v6 =	vld [tilespmem:s22+$0x10]  }
0x4a7: {  	v7 =	vld [tilespmem:s22+$0x20]  }
0x4a8: {  	v4 =	vld [tilespmem:s31+$0x20]  }
0x4a9: {  	v3 =	vld [tilespmem:s31+$0x30]  }
0x4aa: {  	v2 =	vld [tilespmem:s31+$0x40]  }
0x4ab: {  	v1 =	vld [tilespmem:s31+$0x50]  }
0x4ac: {  	v0 =	vld [tilespmem:s31+$0x60]  }
0x4ad: {  	[tilespmem:s22+$0xC000] =	vst.add.f32.msk $0xffff, v5  }
0x4ae: {  	[tilespmem:s22+$0xC010] =	vst.add.f32.msk $0xffff, v6  }
0x4af: {  	s30 =	simm.s32 $0x0;
	[tilespmem:s22+$0xC020] =	vst.add.f32.msk $0xffff, v7  }
.LBB2_8:
0x4b0: {  	s30 =	sadd.s32 $0x4, s30;
	[tilespmem:s31+$0xC020] =	vst.add.f32.msk $0xffff, v4  }
0x4b1: {  	s29 =	sadd.s32 $0x200, s29;
	s0 =	sshrl.u32 s30, $0x3;
	p0 =	slt.u32 s30, $0x1C;
	[tilespmem:s31+$0xC030] =	vst.add.f32.msk $0xffff, v3  }
0x4b2: {  	s7 =	smul.u32 $0x1800, s0;
	s0 =	sand.u32 $0x200, s29;
	[tilespmem:s31+$0xC040] =	vst.add.f32.msk $0xffff, v2  }
0x4b3: {  	s15 =	sor.u32 $0x80, s0;
	s2 =	sor.u32 $0x100, s0;
	s16 =	sor.u32 $0x180, s0;
	[tilespmem:s31+$0xC050] =	vst.add.f32.msk $0xffff, v1  }
0x4b4: {  	s13 =	sor.u32 s0, s7;
	s4 =	sor.u32 s7, s15;
	s3 =	sor.u32 s7, s16;
	[tilespmem:s31+$0xC060] =	vst.add.f32.msk $0xffff, v0  }
0x4b5: {  	s14 =	sor.u32 s7, s2;
	v0 =	vld [tilespmem:s3+$0x0]  }
0x4b6: {  	v1 =	vld [tilespmem:s3+$0x10]  }
0x4b7: {  	v2 =	vld [tilespmem:s3+$0x20]  }
0x4b8: {  	v3 =	vld [tilespmem:s3+$0x30]  }
0x4b9: {  	v4 =	vld [tilespmem:s3+$0x40]  }
0x4ba: {  	v5 =	vld [tilespmem:s3+$0x50]  }
0x4bb: {  	v6 =	vld [tilespmem:s3+$0x60]  }
0x4bc: {  	v7 =	vld [tilespmem:s3+$0x70]  }
0x4bd: {  	v8 =	vld [tilespmem:s3+$0x400]  }
0x4be: {  	v9 =	vld [tilespmem:s3+$0x410]  }
0x4bf: {  	v10 =	vld [tilespmem:s3+$0x420]  }
0x4c0: {  	v11 =	vld [tilespmem:s3+$0x430]  }
0x4c1: {  	v12 =	vld [tilespmem:s3+$0x440]  }
0x4c2: {  	v13 =	vld [tilespmem:s3+$0x450]  }
0x4c3: {  	v14 =	vld [tilespmem:s3+$0x460]  }
0x4c4: {  	v15 =	vld [tilespmem:s3+$0x470]  }
0x4c5: {  	[tilespmem:s3+$0xC000] =	vst.add.f32.msk $0xffff, v0  }
0x4c6: {  	[tilespmem:s3+$0xC010] =	vst.add.f32.msk $0xffff, v1  }
0x4c7: {  	[tilespmem:s3+$0xC020] =	vst.add.f32.msk $0xffff, v2  }
0x4c8: {  	[tilespmem:s3+$0xC030] =	vst.add.f32.msk $0xffff, v3  }
0x4c9: {  	[tilespmem:s3+$0xC040] =	vst.add.f32.msk $0xffff, v4  }
0x4ca: {  	[tilespmem:s3+$0xC050] =	vst.add.f32.msk $0xffff, v5  }
0x4cb: {  	[tilespmem:s3+$0xC060] =	vst.add.f32.msk $0xffff, v6  }
0x4cc: {  	[tilespmem:s3+$0xC070] =	vst.add.f32.msk $0xffff, v7  }
0x4cd: {  	[tilespmem:s3+$0xC400] =	vst.add.f32.msk $0xffff, v8  }
0x4ce: {  	[tilespmem:s3+$0xC410] =	vst.add.f32.msk $0xffff, v9  }
0x4cf: {  	[tilespmem:s3+$0xC420] =	vst.add.f32.msk $0xffff, v10  }
0x4d0: {  	[tilespmem:s3+$0xC430] =	vst.add.f32.msk $0xffff, v11  }
0x4d1: {  	[tilespmem:s3+$0xC440] =	vst.add.f32.msk $0xffff, v12  }
0x4d2: {  	[tilespmem:s3+$0xC450] =	vst.add.f32.msk $0xffff, v13  }
0x4d3: {  	s8 =	sadd.s32 $0x800, s7;
	[tilespmem:s3+$0xC460] =	vst.add.f32.msk $0xffff, v14  }
0x4d4: {  	s12 =	sor.u32 s0, s8;
	s20 =	sor.u32 s15, s8;
	s9 =	sor.u32 s16, s8;
	[tilespmem:s3+$0xC470] =	vst.add.f32.msk $0xffff, v15  }
0x4d5: {  	s11 =	sor.u32 s2, s8;
	v0 =	vld [tilespmem:s9+$0x0]  }
0x4d6: {  	v1 =	vld [tilespmem:s9+$0x10]  }
0x4d7: {  	v2 =	vld [tilespmem:s9+$0x20]  }
0x4d8: {  	v3 =	vld [tilespmem:s9+$0x30]  }
0x4d9: {  	v4 =	vld [tilespmem:s9+$0x40]  }
0x4da: {  	v5 =	vld [tilespmem:s9+$0x50]  }
0x4db: {  	v6 =	vld [tilespmem:s9+$0x60]  }
0x4dc: {  	v7 =	vld [tilespmem:s9+$0x70]  }
0x4dd: {  	[tilespmem:s9+$0xC000] =	vst.add.f32.msk $0xffff, v0  }
0x4de: {  	[tilespmem:s9+$0xC010] =	vst.add.f32.msk $0xffff, v1  }
0x4df: {  	[tilespmem:s9+$0xC020] =	vst.add.f32.msk $0xffff, v2  }
0x4e0: {  	[tilespmem:s9+$0xC030] =	vst.add.f32.msk $0xffff, v3  }
0x4e1: {  	[tilespmem:s9+$0xC040] =	vst.add.f32.msk $0xffff, v4  }
0x4e2: {  	[tilespmem:s9+$0xC050] =	vst.add.f32.msk $0xffff, v5  }
0x4e3: {  	s8 =	sadd.s32 $0xC00, s7;
	[tilespmem:s9+$0xC060] =	vst.add.f32.msk $0xffff, v6  }
0x4e4: {  	s10 =	sor.u32 s0, s8;
	s17 =	sor.u32 s16, s8;
	s3 =	sor.u32 s15, s8;
	[tilespmem:s9+$0xC070] =	vst.add.f32.msk $0xffff, v7  }
0x4e5: {  	s22 =	sor.u32 s2, s8;
	v0 =	vld [tilespmem:s17+$0x0]  }
0x4e6: {  	v1 =	vld [tilespmem:s17+$0x10]  }
0x4e7: {  	v2 =	vld [tilespmem:s17+$0x20]  }
0x4e8: {  	v3 =	vld [tilespmem:s17+$0x30]  }
0x4e9: {  	v4 =	vld [tilespmem:s17+$0x40]  }
0x4ea: {  	v5 =	vld [tilespmem:s17+$0x50]  }
0x4eb: {  	v6 =	vld [tilespmem:s17+$0x60]  }
0x4ec: {  	v7 =	vld [tilespmem:s17+$0x70]  }
0x4ed: {  	[tilespmem:s17+$0xC000] =	vst.add.f32.msk $0xffff, v0  }
0x4ee: {  	[tilespmem:s17+$0xC010] =	vst.add.f32.msk $0xffff, v1  }
0x4ef: {  	[tilespmem:s17+$0xC020] =	vst.add.f32.msk $0xffff, v2  }
0x4f0: {  	[tilespmem:s17+$0xC030] =	vst.add.f32.msk $0xffff, v3  }
0x4f1: {  	[tilespmem:s17+$0xC040] =	vst.add.f32.msk $0xffff, v4  }
0x4f2: {  	[tilespmem:s17+$0xC050] =	vst.add.f32.msk $0xffff, v5  }
0x4f3: {  	s8 =	sadd.s32 $0x1000, s7;
	[tilespmem:s17+$0xC060] =	vst.add.f32.msk $0xffff, v6  }
0x4f4: {  	s21 =	sor.u32 s0, s8;
	s9 =	sor.u32 s15, s8;
	[tilespmem:s17+$0xC070] =	vst.add.f32.msk $0xffff, v7;
	s17 =	sor.u32 s16, s8  }
0x4f5: {  	s8 =	sor.u32 s2, s8;
	v0 =	vld [tilespmem:s17+$0x0]  }
0x4f6: {  	v1 =	vld [tilespmem:s17+$0x10]  }
0x4f7: {  	v2 =	vld [tilespmem:s17+$0x20]  }
0x4f8: {  	v3 =	vld [tilespmem:s17+$0x30]  }
0x4f9: {  	v4 =	vld [tilespmem:s17+$0x40]  }
0x4fa: {  	v5 =	vld [tilespmem:s17+$0x50]  }
0x4fb: {  	v6 =	vld [tilespmem:s17+$0x60]  }
0x4fc: {  	v7 =	vld [tilespmem:s17+$0x70]  }
0x4fd: {  	[tilespmem:s17+$0xC000] =	vst.add.f32.msk $0xffff, v0  }
0x4fe: {  	[tilespmem:s17+$0xC010] =	vst.add.f32.msk $0xffff, v1  }
0x4ff: {  	[tilespmem:s17+$0xC020] =	vst.add.f32.msk $0xffff, v2  }
0x500: {  	[tilespmem:s17+$0xC030] =	vst.add.f32.msk $0xffff, v3  }
0x501: {  	[tilespmem:s17+$0xC040] =	vst.add.f32.msk $0xffff, v4  }
0x502: {  	[tilespmem:s17+$0xC050] =	vst.add.f32.msk $0xffff, v5  }
0x503: {  	s18 =	sadd.s32 $0x1400, s7;
	[tilespmem:s17+$0xC060] =	vst.add.f32.msk $0xffff, v6  }
0x504: {  	s31 =	sor.u32 s16, s18;
	s7 =	sor.u32 s0, s18;
	s0 =	sor.u32 s15, s18;
	[tilespmem:s17+$0xC070] =	vst.add.f32.msk $0xffff, v7  }
0x505: {  	s2 =	sor.u32 s2, s18;
	v0 =	vld [tilespmem:s31+$0x70]  }
0x506: {  	v1 =	vld [tilespmem:s13+$0x0]  }
0x507: {  	v2 =	vld [tilespmem:s13+$0x10]  }
0x508: {  	v3 =	vld [tilespmem:s13+$0x20]  }
0x509: {  	v4 =	vld [tilespmem:s13+$0x30]  }
0x50a: {  	[tilespmem:s31+$0xC070] =	vst.add.f32.msk $0xffff, v0  }
0x50b: {  	v0 =	vld [tilespmem:s13+$0x40]  }
0x50c: {  	v5 =	vld [tilespmem:s13+$0x50]  }
0x50d: {  	v6 =	vld [tilespmem:s13+$0x60]  }
0x50e: {  	v7 =	vld [tilespmem:s13+$0x70]  }
0x50f: {  	v8 =	vld [tilespmem:s13+$0x400]  }
0x510: {  	v9 =	vld [tilespmem:s13+$0x410]  }
0x511: {  	v10 =	vld [tilespmem:s13+$0x420]  }
0x512: {  	v11 =	vld [tilespmem:s13+$0x430]  }
0x513: {  	v12 =	vld [tilespmem:s13+$0x440]  }
0x514: {  	v13 =	vld [tilespmem:s13+$0x450]  }
0x515: {  	v14 =	vld [tilespmem:s13+$0x460]  }
0x516: {  	v15 =	vld [tilespmem:s13+$0x470]  }
0x517: {  	v16 =	vld [tilespmem:s4+$0x0]  }
0x518: {  	v17 =	vld [tilespmem:s4+$0x10]  }
0x519: {  	v18 =	vld [tilespmem:s4+$0x20]  }
0x51a: {  	v19 =	vld [tilespmem:s4+$0x30]  }
0x51b: {  	v20 =	vld [tilespmem:s4+$0x40]  }
0x51c: {  	v21 =	vld [tilespmem:s4+$0x50]  }
0x51d: {  	v22 =	vld [tilespmem:s4+$0x60]  }
0x51e: {  	v23 =	vld [tilespmem:s4+$0x70]  }
0x51f: {  	v24 =	vld [tilespmem:s4+$0x400]  }
0x520: {  	v25 =	vld [tilespmem:s4+$0x410]  }
0x521: {  	v26 =	vld [tilespmem:s4+$0x420]  }
0x522: {  	v27 =	vld [tilespmem:s4+$0x430]  }
0x523: {  	v28 =	vld [tilespmem:s4+$0x440]  }
0x524: {  	v29 =	vld [tilespmem:s4+$0x450]  }
0x525: {  	v30 =	vld [tilespmem:s4+$0x460]  }
0x526: {  	v31 =	vld [tilespmem:s4+$0x470]  }
0x527: {  	v32 =	vld [tilespmem:s14+$0x0]  }
0x528: {  	v33 =	vld [tilespmem:s14+$0x10]  }
0x529: {  	v34 =	vld [tilespmem:s14+$0x20]  }
0x52a: {  	v35 =	vld [tilespmem:s14+$0x30]  }
0x52b: {  	v36 =	vld [tilespmem:s14+$0x40]  }
0x52c: {  	v37 =	vld [tilespmem:s14+$0x50]  }
0x52d: {  	v38 =	vld [tilespmem:s14+$0x60]  }
0x52e: {  	v39 =	vld [tilespmem:s14+$0x70]  }
0x52f: {  	v40 =	vld [tilespmem:s14+$0x400]  }
0x530: {  	v41 =	vld [tilespmem:s14+$0x410]  }
0x531: {  	v42 =	vld [tilespmem:s14+$0x420]  }
0x532: {  	v43 =	vld [tilespmem:s14+$0x430]  }
0x533: {  	v44 =	vld [tilespmem:s14+$0x440]  }
0x534: {  	v45 =	vld [tilespmem:s14+$0x450]  }
0x535: {  	v46 =	vld [tilespmem:s14+$0x460]  }
0x536: {  	v47 =	vld [tilespmem:s14+$0x470]  }
0x537: {  	[tilespmem:s13+$0xC000] =	vst.add.f32.msk $0xffff, v1  }
0x538: {  	[tilespmem:s13+$0xC010] =	vst.add.f32.msk $0xffff, v2  }
0x539: {  	[tilespmem:s13+$0xC020] =	vst.add.f32.msk $0xffff, v3  }
0x53a: {  	[tilespmem:s13+$0xC030] =	vst.add.f32.msk $0xffff, v4  }
0x53b: {  	[tilespmem:s13+$0xC040] =	vst.add.f32.msk $0xffff, v0  }
0x53c: {  	[tilespmem:s13+$0xC050] =	vst.add.f32.msk $0xffff, v5  }
0x53d: {  	[tilespmem:s13+$0xC060] =	vst.add.f32.msk $0xffff, v6  }
0x53e: {  	[tilespmem:s13+$0xC070] =	vst.add.f32.msk $0xffff, v7  }
0x53f: {  	[tilespmem:s13+$0xC400] =	vst.add.f32.msk $0xffff, v8  }
0x540: {  	[tilespmem:s13+$0xC410] =	vst.add.f32.msk $0xffff, v9  }
0x541: {  	[tilespmem:s13+$0xC420] =	vst.add.f32.msk $0xffff, v10  }
0x542: {  	[tilespmem:s13+$0xC430] =	vst.add.f32.msk $0xffff, v11  }
0x543: {  	[tilespmem:s13+$0xC440] =	vst.add.f32.msk $0xffff, v12  }
0x544: {  	[tilespmem:s13+$0xC450] =	vst.add.f32.msk $0xffff, v13  }
0x545: {  	[tilespmem:s13+$0xC460] =	vst.add.f32.msk $0xffff, v14  }
0x546: {  	[tilespmem:s13+$0xC470] =	vst.add.f32.msk $0xffff, v15  }
0x547: {  	[tilespmem:s4+$0xC000] =	vst.add.f32.msk $0xffff, v16  }
0x548: {  	[tilespmem:s4+$0xC010] =	vst.add.f32.msk $0xffff, v17  }
0x549: {  	[tilespmem:s4+$0xC020] =	vst.add.f32.msk $0xffff, v18  }
0x54a: {  	[tilespmem:s4+$0xC030] =	vst.add.f32.msk $0xffff, v19  }
0x54b: {  	[tilespmem:s4+$0xC040] =	vst.add.f32.msk $0xffff, v20  }
0x54c: {  	[tilespmem:s4+$0xC050] =	vst.add.f32.msk $0xffff, v21  }
0x54d: {  	[tilespmem:s4+$0xC060] =	vst.add.f32.msk $0xffff, v22  }
0x54e: {  	[tilespmem:s4+$0xC070] =	vst.add.f32.msk $0xffff, v23  }
0x54f: {  	[tilespmem:s4+$0xC400] =	vst.add.f32.msk $0xffff, v24  }
0x550: {  	[tilespmem:s4+$0xC410] =	vst.add.f32.msk $0xffff, v25  }
0x551: {  	[tilespmem:s4+$0xC420] =	vst.add.f32.msk $0xffff, v26  }
0x552: {  	[tilespmem:s4+$0xC430] =	vst.add.f32.msk $0xffff, v27  }
0x553: {  	[tilespmem:s4+$0xC440] =	vst.add.f32.msk $0xffff, v28  }
0x554: {  	[tilespmem:s4+$0xC450] =	vst.add.f32.msk $0xffff, v29  }
0x555: {  	[tilespmem:s4+$0xC460] =	vst.add.f32.msk $0xffff, v30  }
0x556: {  	[tilespmem:s4+$0xC470] =	vst.add.f32.msk $0xffff, v31  }
0x557: {  	[tilespmem:s14+$0xC000] =	vst.add.f32.msk $0xffff, v32  }
0x558: {  	[tilespmem:s14+$0xC010] =	vst.add.f32.msk $0xffff, v33  }
0x559: {  	[tilespmem:s14+$0xC020] =	vst.add.f32.msk $0xffff, v34  }
0x55a: {  	[tilespmem:s14+$0xC030] =	vst.add.f32.msk $0xffff, v35  }
0x55b: {  	[tilespmem:s14+$0xC040] =	vst.add.f32.msk $0xffff, v36  }
0x55c: {  	[tilespmem:s14+$0xC050] =	vst.add.f32.msk $0xffff, v37  }
0x55d: {  	[tilespmem:s14+$0xC060] =	vst.add.f32.msk $0xffff, v38  }
0x55e: {  	[tilespmem:s14+$0xC070] =	vst.add.f32.msk $0xffff, v39  }
0x55f: {  	[tilespmem:s14+$0xC400] =	vst.add.f32.msk $0xffff, v40  }
0x560: {  	[tilespmem:s14+$0xC410] =	vst.add.f32.msk $0xffff, v41  }
0x561: {  	[tilespmem:s14+$0xC420] =	vst.add.f32.msk $0xffff, v42  }
0x562: {  	[tilespmem:s14+$0xC430] =	vst.add.f32.msk $0xffff, v43  }
0x563: {  	[tilespmem:s14+$0xC440] =	vst.add.f32.msk $0xffff, v44  }
0x564: {  	[tilespmem:s14+$0xC450] =	vst.add.f32.msk $0xffff, v45  }
0x565: {  	[tilespmem:s14+$0xC460] =	vst.add.f32.msk $0xffff, v46  }
0x566: {  	[tilespmem:s14+$0xC470] =	vst.add.f32.msk $0xffff, v47  }
0x567: {  	v0 =	vld [tilespmem:s12+$0x0]  }
0x568: {  	v1 =	vld [tilespmem:s12+$0x10]  }
0x569: {  	v2 =	vld [tilespmem:s12+$0x20]  }
0x56a: {  	v3 =	vld [tilespmem:s12+$0x30]  }
0x56b: {  	v4 =	vld [tilespmem:s12+$0x40]  }
0x56c: {  	v5 =	vld [tilespmem:s12+$0x50]  }
0x56d: {  	v6 =	vld [tilespmem:s12+$0x60]  }
0x56e: {  	v7 =	vld [tilespmem:s12+$0x70]  }
0x56f: {  	v8 =	vld [tilespmem:s20+$0x0]  }
0x570: {  	v9 =	vld [tilespmem:s20+$0x10]  }
0x571: {  	v10 =	vld [tilespmem:s20+$0x20]  }
0x572: {  	v11 =	vld [tilespmem:s20+$0x30]  }
0x573: {  	v12 =	vld [tilespmem:s20+$0x40]  }
0x574: {  	v13 =	vld [tilespmem:s20+$0x50]  }
0x575: {  	v14 =	vld [tilespmem:s20+$0x60]  }
0x576: {  	v15 =	vld [tilespmem:s20+$0x70]  }
0x577: {  	v16 =	vld [tilespmem:s11+$0x0]  }
0x578: {  	v17 =	vld [tilespmem:s11+$0x10]  }
0x579: {  	v18 =	vld [tilespmem:s11+$0x20]  }
0x57a: {  	v19 =	vld [tilespmem:s11+$0x30]  }
0x57b: {  	v20 =	vld [tilespmem:s11+$0x40]  }
0x57c: {  	v21 =	vld [tilespmem:s11+$0x50]  }
0x57d: {  	v22 =	vld [tilespmem:s11+$0x60]  }
0x57e: {  	v23 =	vld [tilespmem:s11+$0x70]  }
0x57f: {  	[tilespmem:s12+$0xC000] =	vst.add.f32.msk $0xffff, v0  }
0x580: {  	[tilespmem:s12+$0xC010] =	vst.add.f32.msk $0xffff, v1  }
0x581: {  	[tilespmem:s12+$0xC020] =	vst.add.f32.msk $0xffff, v2  }
0x582: {  	[tilespmem:s12+$0xC030] =	vst.add.f32.msk $0xffff, v3  }
0x583: {  	[tilespmem:s12+$0xC040] =	vst.add.f32.msk $0xffff, v4  }
0x584: {  	[tilespmem:s12+$0xC050] =	vst.add.f32.msk $0xffff, v5  }
0x585: {  	[tilespmem:s12+$0xC060] =	vst.add.f32.msk $0xffff, v6  }
0x586: {  	[tilespmem:s12+$0xC070] =	vst.add.f32.msk $0xffff, v7  }
0x587: {  	[tilespmem:s20+$0xC000] =	vst.add.f32.msk $0xffff, v8  }
0x588: {  	[tilespmem:s20+$0xC010] =	vst.add.f32.msk $0xffff, v9  }
0x589: {  	[tilespmem:s20+$0xC020] =	vst.add.f32.msk $0xffff, v10  }
0x58a: {  	[tilespmem:s20+$0xC030] =	vst.add.f32.msk $0xffff, v11  }
0x58b: {  	[tilespmem:s20+$0xC040] =	vst.add.f32.msk $0xffff, v12  }
0x58c: {  	[tilespmem:s20+$0xC050] =	vst.add.f32.msk $0xffff, v13  }
0x58d: {  	[tilespmem:s20+$0xC060] =	vst.add.f32.msk $0xffff, v14  }
0x58e: {  	[tilespmem:s20+$0xC070] =	vst.add.f32.msk $0xffff, v15  }
0x58f: {  	[tilespmem:s11+$0xC000] =	vst.add.f32.msk $0xffff, v16  }
0x590: {  	[tilespmem:s11+$0xC010] =	vst.add.f32.msk $0xffff, v17  }
0x591: {  	[tilespmem:s11+$0xC020] =	vst.add.f32.msk $0xffff, v18  }
0x592: {  	[tilespmem:s11+$0xC030] =	vst.add.f32.msk $0xffff, v19  }
0x593: {  	[tilespmem:s11+$0xC040] =	vst.add.f32.msk $0xffff, v20  }
0x594: {  	[tilespmem:s11+$0xC050] =	vst.add.f32.msk $0xffff, v21  }
0x595: {  	[tilespmem:s11+$0xC060] =	vst.add.f32.msk $0xffff, v22  }
0x596: {  	[tilespmem:s11+$0xC070] =	vst.add.f32.msk $0xffff, v23  }
0x597: {  	v0 =	vld [tilespmem:s10+$0x0]  }
0x598: {  	v1 =	vld [tilespmem:s10+$0x10]  }
0x599: {  	v2 =	vld [tilespmem:s10+$0x20]  }
0x59a: {  	v3 =	vld [tilespmem:s10+$0x30]  }
0x59b: {  	v4 =	vld [tilespmem:s10+$0x40]  }
0x59c: {  	v5 =	vld [tilespmem:s10+$0x50]  }
0x59d: {  	v6 =	vld [tilespmem:s10+$0x60]  }
0x59e: {  	v7 =	vld [tilespmem:s10+$0x70]  }
0x59f: {  	v8 =	vld [tilespmem:s3+$0x0]  }
0x5a0: {  	v9 =	vld [tilespmem:s3+$0x10]  }
0x5a1: {  	v10 =	vld [tilespmem:s3+$0x20]  }
0x5a2: {  	v11 =	vld [tilespmem:s3+$0x30]  }
0x5a3: {  	v12 =	vld [tilespmem:s3+$0x40]  }
0x5a4: {  	v13 =	vld [tilespmem:s3+$0x50]  }
0x5a5: {  	v14 =	vld [tilespmem:s3+$0x60]  }
0x5a6: {  	v15 =	vld [tilespmem:s3+$0x70]  }
0x5a7: {  	v16 =	vld [tilespmem:s22+$0x0]  }
0x5a8: {  	v17 =	vld [tilespmem:s22+$0x10]  }
0x5a9: {  	v18 =	vld [tilespmem:s22+$0x20]  }
0x5aa: {  	v19 =	vld [tilespmem:s22+$0x30]  }
0x5ab: {  	v20 =	vld [tilespmem:s22+$0x40]  }
0x5ac: {  	v21 =	vld [tilespmem:s22+$0x50]  }
0x5ad: {  	v22 =	vld [tilespmem:s22+$0x60]  }
0x5ae: {  	v23 =	vld [tilespmem:s22+$0x70]  }
0x5af: {  	[tilespmem:s10+$0xC000] =	vst.add.f32.msk $0xffff, v0  }
0x5b0: {  	[tilespmem:s10+$0xC010] =	vst.add.f32.msk $0xffff, v1  }
0x5b1: {  	[tilespmem:s10+$0xC020] =	vst.add.f32.msk $0xffff, v2  }
0x5b2: {  	[tilespmem:s10+$0xC030] =	vst.add.f32.msk $0xffff, v3  }
0x5b3: {  	[tilespmem:s10+$0xC040] =	vst.add.f32.msk $0xffff, v4  }
0x5b4: {  	[tilespmem:s10+$0xC050] =	vst.add.f32.msk $0xffff, v5  }
0x5b5: {  	[tilespmem:s10+$0xC060] =	vst.add.f32.msk $0xffff, v6  }
0x5b6: {  	[tilespmem:s10+$0xC070] =	vst.add.f32.msk $0xffff, v7  }
0x5b7: {  	[tilespmem:s3+$0xC000] =	vst.add.f32.msk $0xffff, v8  }
0x5b8: {  	[tilespmem:s3+$0xC010] =	vst.add.f32.msk $0xffff, v9  }
0x5b9: {  	[tilespmem:s3+$0xC020] =	vst.add.f32.msk $0xffff, v10  }
0x5ba: {  	[tilespmem:s3+$0xC030] =	vst.add.f32.msk $0xffff, v11  }
0x5bb: {  	[tilespmem:s3+$0xC040] =	vst.add.f32.msk $0xffff, v12  }
0x5bc: {  	[tilespmem:s3+$0xC050] =	vst.add.f32.msk $0xffff, v13  }
0x5bd: {  	[tilespmem:s3+$0xC060] =	vst.add.f32.msk $0xffff, v14  }
0x5be: {  	[tilespmem:s3+$0xC070] =	vst.add.f32.msk $0xffff, v15  }
0x5bf: {  	[tilespmem:s22+$0xC000] =	vst.add.f32.msk $0xffff, v16  }
0x5c0: {  	[tilespmem:s22+$0xC010] =	vst.add.f32.msk $0xffff, v17  }
0x5c1: {  	[tilespmem:s22+$0xC020] =	vst.add.f32.msk $0xffff, v18  }
0x5c2: {  	[tilespmem:s22+$0xC030] =	vst.add.f32.msk $0xffff, v19  }
0x5c3: {  	[tilespmem:s22+$0xC040] =	vst.add.f32.msk $0xffff, v20  }
0x5c4: {  	[tilespmem:s22+$0xC050] =	vst.add.f32.msk $0xffff, v21  }
0x5c5: {  	[tilespmem:s22+$0xC060] =	vst.add.f32.msk $0xffff, v22  }
0x5c6: {  	[tilespmem:s22+$0xC070] =	vst.add.f32.msk $0xffff, v23  }
0x5c7: {  	v0 =	vld [tilespmem:s21+$0x0]  }
0x5c8: {  	v1 =	vld [tilespmem:s21+$0x10]  }
0x5c9: {  	v2 =	vld [tilespmem:s21+$0x20]  }
0x5ca: {  	v3 =	vld [tilespmem:s21+$0x30]  }
0x5cb: {  	v4 =	vld [tilespmem:s21+$0x40]  }
0x5cc: {  	v5 =	vld [tilespmem:s21+$0x50]  }
0x5cd: {  	v6 =	vld [tilespmem:s21+$0x60]  }
0x5ce: {  	v7 =	vld [tilespmem:s21+$0x70]  }
0x5cf: {  	v8 =	vld [tilespmem:s9+$0x0]  }
0x5d0: {  	v9 =	vld [tilespmem:s9+$0x10]  }
0x5d1: {  	v10 =	vld [tilespmem:s9+$0x20]  }
0x5d2: {  	v11 =	vld [tilespmem:s9+$0x30]  }
0x5d3: {  	v12 =	vld [tilespmem:s9+$0x40]  }
0x5d4: {  	v13 =	vld [tilespmem:s9+$0x50]  }
0x5d5: {  	v14 =	vld [tilespmem:s9+$0x60]  }
0x5d6: {  	v15 =	vld [tilespmem:s9+$0x70]  }
0x5d7: {  	v16 =	vld [tilespmem:s8+$0x0]  }
0x5d8: {  	v17 =	vld [tilespmem:s8+$0x10]  }
0x5d9: {  	v18 =	vld [tilespmem:s8+$0x20]  }
0x5da: {  	v19 =	vld [tilespmem:s8+$0x30]  }
0x5db: {  	v20 =	vld [tilespmem:s8+$0x40]  }
0x5dc: {  	v21 =	vld [tilespmem:s8+$0x50]  }
0x5dd: {  	v22 =	vld [tilespmem:s8+$0x60]  }
0x5de: {  	v23 =	vld [tilespmem:s8+$0x70]  }
0x5df: {  	[tilespmem:s21+$0xC000] =	vst.add.f32.msk $0xffff, v0  }
0x5e0: {  	[tilespmem:s21+$0xC010] =	vst.add.f32.msk $0xffff, v1  }
0x5e1: {  	[tilespmem:s21+$0xC020] =	vst.add.f32.msk $0xffff, v2  }
0x5e2: {  	[tilespmem:s21+$0xC030] =	vst.add.f32.msk $0xffff, v3  }
0x5e3: {  	[tilespmem:s21+$0xC040] =	vst.add.f32.msk $0xffff, v4  }
0x5e4: {  	[tilespmem:s21+$0xC050] =	vst.add.f32.msk $0xffff, v5  }
0x5e5: {  	[tilespmem:s21+$0xC060] =	vst.add.f32.msk $0xffff, v6  }
0x5e6: {  	[tilespmem:s21+$0xC070] =	vst.add.f32.msk $0xffff, v7  }
0x5e7: {  	[tilespmem:s9+$0xC000] =	vst.add.f32.msk $0xffff, v8  }
0x5e8: {  	[tilespmem:s9+$0xC010] =	vst.add.f32.msk $0xffff, v9  }
0x5e9: {  	[tilespmem:s9+$0xC020] =	vst.add.f32.msk $0xffff, v10  }
0x5ea: {  	[tilespmem:s9+$0xC030] =	vst.add.f32.msk $0xffff, v11  }
0x5eb: {  	[tilespmem:s9+$0xC040] =	vst.add.f32.msk $0xffff, v12  }
0x5ec: {  	[tilespmem:s9+$0xC050] =	vst.add.f32.msk $0xffff, v13  }
0x5ed: {  	[tilespmem:s9+$0xC060] =	vst.add.f32.msk $0xffff, v14  }
0x5ee: {  	[tilespmem:s9+$0xC070] =	vst.add.f32.msk $0xffff, v15  }
0x5ef: {  	[tilespmem:s8+$0xC000] =	vst.add.f32.msk $0xffff, v16  }
0x5f0: {  	[tilespmem:s8+$0xC010] =	vst.add.f32.msk $0xffff, v17  }
0x5f1: {  	[tilespmem:s8+$0xC020] =	vst.add.f32.msk $0xffff, v18  }
0x5f2: {  	[tilespmem:s8+$0xC030] =	vst.add.f32.msk $0xffff, v19  }
0x5f3: {  	[tilespmem:s8+$0xC040] =	vst.add.f32.msk $0xffff, v20  }
0x5f4: {  	[tilespmem:s8+$0xC050] =	vst.add.f32.msk $0xffff, v21  }
0x5f5: {  	[tilespmem:s8+$0xC060] =	vst.add.f32.msk $0xffff, v22  }
0x5f6: {  	[tilespmem:s8+$0xC070] =	vst.add.f32.msk $0xffff, v23  }
0x5f7: {  	v5 =	vld [tilespmem:s7+$0x0]  }
0x5f8: {  	v6 =	vld [tilespmem:s7+$0x10]  }
0x5f9: {  	v7 =	vld [tilespmem:s7+$0x20]  }
0x5fa: {  	v8 =	vld [tilespmem:s7+$0x30]  }
0x5fb: {  	v9 =	vld [tilespmem:s7+$0x40]  }
0x5fc: {  	v10 =	vld [tilespmem:s7+$0x50]  }
0x5fd: {  	v11 =	vld [tilespmem:s7+$0x60]  }
0x5fe: {  	v12 =	vld [tilespmem:s7+$0x70]  }
0x5ff: {  	v13 =	vld [tilespmem:s0+$0x0]  }
0x600: {  	v14 =	vld [tilespmem:s0+$0x10]  }
0x601: {  	v15 =	vld [tilespmem:s0+$0x20]  }
0x602: {  	v16 =	vld [tilespmem:s0+$0x30]  }
0x603: {  	v17 =	vld [tilespmem:s0+$0x40]  }
0x604: {  	v18 =	vld [tilespmem:s0+$0x50]  }
0x605: {  	v19 =	vld [tilespmem:s0+$0x60]  }
0x606: {  	v20 =	vld [tilespmem:s0+$0x70]  }
0x607: {  	v21 =	vld [tilespmem:s2+$0x0]  }
0x608: {  	v22 =	vld [tilespmem:s2+$0x10]  }
0x609: {  	v23 =	vld [tilespmem:s2+$0x20]  }
0x60a: {  	v24 =	vld [tilespmem:s2+$0x30]  }
0x60b: {  	v25 =	vld [tilespmem:s2+$0x40]  }
0x60c: {  	v26 =	vld [tilespmem:s2+$0x50]  }
0x60d: {  	v27 =	vld [tilespmem:s2+$0x60]  }
0x60e: {  	v28 =	vld [tilespmem:s2+$0x70]  }
0x60f: {  	v29 =	vld [tilespmem:s31+$0x0]  }
0x610: {  	v30 =	vld [tilespmem:s31+$0x10]  }
0x611: {  	v4 =	vld [tilespmem:s31+$0x20]  }
0x612: {  	v3 =	vld [tilespmem:s31+$0x30]  }
0x613: {  	v2 =	vld [tilespmem:s31+$0x40]  }
0x614: {  	v1 =	vld [tilespmem:s31+$0x50]  }
0x615: {  	v0 =	vld [tilespmem:s31+$0x60]  }
0x616: {  	[tilespmem:s7+$0xC000] =	vst.add.f32.msk $0xffff, v5  }
0x617: {  	[tilespmem:s7+$0xC010] =	vst.add.f32.msk $0xffff, v6  }
0x618: {  	[tilespmem:s7+$0xC020] =	vst.add.f32.msk $0xffff, v7  }
0x619: {  	[tilespmem:s7+$0xC030] =	vst.add.f32.msk $0xffff, v8  }
0x61a: {  	[tilespmem:s7+$0xC040] =	vst.add.f32.msk $0xffff, v9  }
0x61b: {  	[tilespmem:s7+$0xC050] =	vst.add.f32.msk $0xffff, v10  }
0x61c: {  	[tilespmem:s7+$0xC060] =	vst.add.f32.msk $0xffff, v11  }
0x61d: {  	[tilespmem:s7+$0xC070] =	vst.add.f32.msk $0xffff, v12  }
0x61e: {  	[tilespmem:s0+$0xC000] =	vst.add.f32.msk $0xffff, v13  }
0x61f: {  	[tilespmem:s0+$0xC010] =	vst.add.f32.msk $0xffff, v14  }
0x620: {  	[tilespmem:s0+$0xC020] =	vst.add.f32.msk $0xffff, v15  }
0x621: {  	[tilespmem:s0+$0xC030] =	vst.add.f32.msk $0xffff, v16  }
0x622: {  	[tilespmem:s0+$0xC040] =	vst.add.f32.msk $0xffff, v17  }
0x623: {  	[tilespmem:s0+$0xC050] =	vst.add.f32.msk $0xffff, v18  }
0x624: {  	[tilespmem:s0+$0xC060] =	vst.add.f32.msk $0xffff, v19  }
0x625: {  	[tilespmem:s0+$0xC070] =	vst.add.f32.msk $0xffff, v20  }
0x626: {  	[tilespmem:s2+$0xC000] =	vst.add.f32.msk $0xffff, v21  }
0x627: {  	[tilespmem:s2+$0xC010] =	vst.add.f32.msk $0xffff, v22  }
0x628: {  	[tilespmem:s2+$0xC020] =	vst.add.f32.msk $0xffff, v23  }
0x629: {  	[tilespmem:s2+$0xC030] =	vst.add.f32.msk $0xffff, v24  }
0x62a: {  	[tilespmem:s2+$0xC040] =	vst.add.f32.msk $0xffff, v25  }
.Ltmp3:
0x62b: {  	[tilespmem:s2+$0xC050] =	vst.add.f32.msk $0xffff, v26;
	(pc) =	sbr.rel @p0 .LBB2_8-.Ltmp3, $4  }
0x62c: {  	[tilespmem:s2+$0xC060] =	vst.add.f32.msk $0xffff, v27  }
0x62d: {  	[tilespmem:s2+$0xC070] =	vst.add.f32.msk $0xffff, v28  }
0x62e: {  	[tilespmem:s31+$0xC000] =	vst.add.f32.msk $0xffff, v29  }
0x62f: {  	[tilespmem:s31+$0xC010] =	vst.add.f32.msk $0xffff, v30  }
0x630: {  	[tilespmem:s31+$0xC020] =	vst.add.f32.msk $0xffff, v4  }
0x631: {  	[tilespmem:s31+$0xC030] =	vst.add.f32.msk $0xffff, v3  }
0x632: {  	[tilespmem:s31+$0xC040] =	vst.add.f32.msk $0xffff, v2  }
0x633: {  	[tilespmem:s31+$0xC050] =	vst.add.f32.msk $0xffff, v1  }
0x634: {  	[tilespmem:s31+$0xC060] =	vst.add.f32.msk $0xffff, v0;
	s0 =	sadd.s32 $0xD800, s28;
	s2 =	simm.s32 $0xC000;
	p0 =	seq.s32 s23, $0x23  }
0x635: {  	[hbm4b:s0+s6] =	stream.linear.scatter [tilespmem:s2], [sflag:$0x6], $0x6000, $0x38;
	[tilespmem:$0x1E000] =	vst v63  }
0x636: {  	s0 =	sadd.s32 @!p0 $0x4, s24  }
0x637: {  	s2 =	sand.u32 @!p0 $0x4, s0  }
0x638: {  	s0 =	sshrl.u32 @!p0 s0, $0x1;
	s2 =	sor.u32 @!p0 s5, s2  }
0x639: {  	s0 =	sand.u32 @!p0 $0xFC, s0;
	s2 =	smul.u32 @!p0 $0x6C000, s2  }
0x63a: {  	s3 =	simm.s32 $0x5;
	s0 =	smul.u32 @!p0 $0x1800, s0  }
0x63b: {  	s28 =	simm.s32 $0x0;
	_ =	swait.ge [sflag:s3], $0x6000  }
0x63c: {  	s31 =	simm.s32 $0x0;
	[sflag:s3] =	ssyncset.done $0x0;
	s0 =	sadd.s32 @!p0 s0, s2  }
0x63d: {  	s4 =	simm.s32 $0x3;
	[sflag:s3] =	ssyncadd.s32 $0xFFFFA000;
	s0 =	sshrl.u32 @!p0 s0, $0x3  }
0x63e: {  	s3 =	simm.s32 @!p0 $0x6000;
	s2 =	simm.s32 @!p0 $0x0;
	s0 =	sadd.s32 @!p0 s1, s0  }
0x63f: {  	[tilespmem:s3], [sflag:$0x1] =	stream.linear.gather @!p0 [hbm4b:s0+s2], $0x6000, $0x38;
	[tilespmem:$0x1E000] =	vst v63  }
0x640: {  	s2 =	smul.u32 $0x1800, s31;
	s0 =	sand.u32 $0x200, s28;
	_ =	swait.ge [sflag:s4], $0x6000  }
0x641: {  	s22 =	sor.u32 $0x180, s0;
	[sflag:s4] =	ssyncset.done $0x0  }
0x642: {  	s31 =	sor.u32 s2, s22;
	[sflag:s4] =	ssyncadd.s32 $0xFFFFA000  }
0x643: {  	v0 =	vld [tilespmem:s31+$0x0]  }
0x644: {  	v1 =	vld [tilespmem:s31+$0x10]  }
0x645: {  	v2 =	vld [tilespmem:s31+$0x20]  }
0x646: {  	v3 =	vld [tilespmem:s31+$0x30]  }
0x647: {  	v4 =	vld [tilespmem:s31+$0x40]  }
0x648: {  	v5 =	vld [tilespmem:s31+$0x50]  }
0x649: {  	v6 =	vld [tilespmem:s31+$0x60]  }
0x64a: {  	v7 =	vld [tilespmem:s31+$0x70]  }
0x64b: {  	v8 =	vld [tilespmem:s31+$0x400]  }
0x64c: {  	v9 =	vld [tilespmem:s31+$0x410]  }
0x64d: {  	v10 =	vld [tilespmem:s31+$0x420]  }
0x64e: {  	v11 =	vld [tilespmem:s31+$0x430]  }
0x64f: {  	v12 =	vld [tilespmem:s31+$0x440]  }
0x650: {  	v13 =	vld [tilespmem:s31+$0x450]  }
0x651: {  	s13 =	sor.u32 $0x100, s0;
	v14 =	vld [tilespmem:s31+$0x460]  }
0x652: {  	s14 =	sor.u32 s2, s13;
	v15 =	vld [tilespmem:s31+$0x470]  }
0x653: {  	v52 =	vld [tilespmem:s14+$0x400]  }
0x654: {  	v53 =	vld [tilespmem:s14+$0x410]  }
0x655: {  	v54 =	vld [tilespmem:s14+$0x420]  }
0x656: {  	v55 =	vld [tilespmem:s14+$0x430]  }
0x657: {  	v56 =	vld [tilespmem:s14+$0x440]  }
0x658: {  	v57 =	vld [tilespmem:s14+$0x450]  }
0x659: {  	v58 =	vld [tilespmem:s14+$0x460]  }
0x65a: {  	v59 =	vld [tilespmem:s14+$0x470]  }
0x65b: {  	[tilespmem:s31+$0x12000] =	vst.add.f32.msk $0xffff, v0  }
0x65c: {  	[tilespmem:s31+$0x12010] =	vst.add.f32.msk $0xffff, v1  }
0x65d: {  	[tilespmem:s31+$0x12020] =	vst.add.f32.msk $0xffff, v2  }
0x65e: {  	[tilespmem:s31+$0x12030] =	vst.add.f32.msk $0xffff, v3  }
0x65f: {  	[tilespmem:s31+$0x12040] =	vst.add.f32.msk $0xffff, v4  }
0x660: {  	[tilespmem:s31+$0x12050] =	vst.add.f32.msk $0xffff, v5  }
0x661: {  	[tilespmem:s31+$0x12060] =	vst.add.f32.msk $0xffff, v6  }
0x662: {  	[tilespmem:s31+$0x12070] =	vst.add.f32.msk $0xffff, v7  }
0x663: {  	[tilespmem:s31+$0x12400] =	vst.add.f32.msk $0xffff, v8  }
0x664: {  	[tilespmem:s31+$0x12410] =	vst.add.f32.msk $0xffff, v9  }
0x665: {  	[tilespmem:s31+$0x12420] =	vst.add.f32.msk $0xffff, v10  }
0x666: {  	[tilespmem:s31+$0x12430] =	vst.add.f32.msk $0xffff, v11  }
0x667: {  	[tilespmem:s31+$0x12440] =	vst.add.f32.msk $0xffff, v12  }
0x668: {  	[tilespmem:s31+$0x12450] =	vst.add.f32.msk $0xffff, v13  }
0x669: {  	[tilespmem:s31+$0x12460] =	vst.add.f32.msk $0xffff, v14  }
0x66a: {  	[tilespmem:s31+$0x12470] =	vst.add.f32.msk $0xffff, v15  }
0x66b: {  	[tilespmem:s14+$0x12400] =	vst.add.f32.msk $0xffff, v52  }
0x66c: {  	[tilespmem:s14+$0x12410] =	vst.add.f32.msk $0xffff, v53  }
0x66d: {  	[tilespmem:s14+$0x12420] =	vst.add.f32.msk $0xffff, v54  }
0x66e: {  	[tilespmem:s14+$0x12430] =	vst.add.f32.msk $0xffff, v55  }
0x66f: {  	[tilespmem:s14+$0x12440] =	vst.add.f32.msk $0xffff, v56  }
0x670: {  	[tilespmem:s14+$0x12450] =	vst.add.f32.msk $0xffff, v57  }
0x671: {  	s10 =	sadd.s32 $0x800, s2;
	[tilespmem:s14+$0x12460] =	vst.add.f32.msk $0xffff, v58  }
0x672: {  	s7 =	sor.u32 s22, s10;
	[tilespmem:s14+$0x12470] =	vst.add.f32.msk $0xffff, v59  }
0x673: {  	v0 =	vld [tilespmem:s7+$0x0]  }
0x674: {  	v1 =	vld [tilespmem:s7+$0x10]  }
0x675: {  	v2 =	vld [tilespmem:s7+$0x20]  }
0x676: {  	v3 =	vld [tilespmem:s7+$0x30]  }
0x677: {  	v4 =	vld [tilespmem:s7+$0x40]  }
0x678: {  	v5 =	vld [tilespmem:s7+$0x50]  }
0x679: {  	v6 =	vld [tilespmem:s7+$0x60]  }
0x67a: {  	v7 =	vld [tilespmem:s7+$0x70]  }
0x67b: {  	[tilespmem:s7+$0x12000] =	vst.add.f32.msk $0xffff, v0  }
0x67c: {  	[tilespmem:s7+$0x12010] =	vst.add.f32.msk $0xffff, v1  }
0x67d: {  	[tilespmem:s7+$0x12020] =	vst.add.f32.msk $0xffff, v2  }
0x67e: {  	[tilespmem:s7+$0x12030] =	vst.add.f32.msk $0xffff, v3  }
0x67f: {  	[tilespmem:s7+$0x12040] =	vst.add.f32.msk $0xffff, v4  }
0x680: {  	[tilespmem:s7+$0x12050] =	vst.add.f32.msk $0xffff, v5  }
0x681: {  	s9 =	sadd.s32 $0xC00, s2;
	[tilespmem:s7+$0x12060] =	vst.add.f32.msk $0xffff, v6  }
0x682: {  	s8 =	sor.u32 s22, s9;
	[tilespmem:s7+$0x12070] =	vst.add.f32.msk $0xffff, v7  }
0x683: {  	v0 =	vld [tilespmem:s8+$0x0]  }
0x684: {  	v1 =	vld [tilespmem:s8+$0x10]  }
0x685: {  	v2 =	vld [tilespmem:s8+$0x20]  }
0x686: {  	v3 =	vld [tilespmem:s8+$0x30]  }
0x687: {  	v4 =	vld [tilespmem:s8+$0x40]  }
0x688: {  	v5 =	vld [tilespmem:s8+$0x50]  }
0x689: {  	v6 =	vld [tilespmem:s8+$0x60]  }
0x68a: {  	v7 =	vld [tilespmem:s8+$0x70]  }
0x68b: {  	[tilespmem:s8+$0x12000] =	vst.add.f32.msk $0xffff, v0  }
0x68c: {  	[tilespmem:s8+$0x12010] =	vst.add.f32.msk $0xffff, v1  }
0x68d: {  	[tilespmem:s8+$0x12020] =	vst.add.f32.msk $0xffff, v2  }
0x68e: {  	[tilespmem:s8+$0x12030] =	vst.add.f32.msk $0xffff, v3  }
0x68f: {  	[tilespmem:s8+$0x12040] =	vst.add.f32.msk $0xffff, v4  }
0x690: {  	[tilespmem:s8+$0x12050] =	vst.add.f32.msk $0xffff, v5  }
0x691: {  	s7 =	sadd.s32 $0x1000, s2;
	[tilespmem:s8+$0x12060] =	vst.add.f32.msk $0xffff, v6  }
0x692: {  	s11 =	sor.u32 s22, s7;
	[tilespmem:s8+$0x12070] =	vst.add.f32.msk $0xffff, v7  }
0x693: {  	v0 =	vld [tilespmem:s11+$0x0]  }
0x694: {  	v1 =	vld [tilespmem:s11+$0x10]  }
0x695: {  	v2 =	vld [tilespmem:s11+$0x20]  }
0x696: {  	v3 =	vld [tilespmem:s11+$0x30]  }
0x697: {  	v4 =	vld [tilespmem:s11+$0x40]  }
0x698: {  	v5 =	vld [tilespmem:s11+$0x50]  }
0x699: {  	v6 =	vld [tilespmem:s11+$0x60]  }
0x69a: {  	s8 =	sor.u32 s0, s2;
	v7 =	vld [tilespmem:s11+$0x70]  }
0x69b: {  	v44 =	vld [tilespmem:s8+$0x400]  }
0x69c: {  	v45 =	vld [tilespmem:s8+$0x410]  }
0x69d: {  	v46 =	vld [tilespmem:s8+$0x420]  }
0x69e: {  	v47 =	vld [tilespmem:s8+$0x430]  }
0x69f: {  	v48 =	vld [tilespmem:s8+$0x440]  }
0x6a0: {  	v49 =	vld [tilespmem:s8+$0x450]  }
0x6a1: {  	v50 =	vld [tilespmem:s8+$0x460]  }
0x6a2: {  	v51 =	vld [tilespmem:s8+$0x470]  }
0x6a3: {  	[tilespmem:s11+$0x12000] =	vst.add.f32.msk $0xffff, v0  }
0x6a4: {  	[tilespmem:s11+$0x12010] =	vst.add.f32.msk $0xffff, v1  }
0x6a5: {  	[tilespmem:s11+$0x12020] =	vst.add.f32.msk $0xffff, v2  }
0x6a6: {  	[tilespmem:s11+$0x12030] =	vst.add.f32.msk $0xffff, v3  }
0x6a7: {  	[tilespmem:s11+$0x12040] =	vst.add.f32.msk $0xffff, v4  }
0x6a8: {  	[tilespmem:s11+$0x12050] =	vst.add.f32.msk $0xffff, v5  }
0x6a9: {  	[tilespmem:s11+$0x12060] =	vst.add.f32.msk $0xffff, v6  }
0x6aa: {  	[tilespmem:s11+$0x12070] =	vst.add.f32.msk $0xffff, v7  }
0x6ab: {  	v0 =	vld [tilespmem:s8+$0x0]  }
0x6ac: {  	v1 =	vld [tilespmem:s8+$0x10]  }
0x6ad: {  	v2 =	vld [tilespmem:s8+$0x20]  }
0x6ae: {  	v3 =	vld [tilespmem:s8+$0x30]  }
0x6af: {  	v4 =	vld [tilespmem:s8+$0x40]  }
0x6b0: {  	v5 =	vld [tilespmem:s8+$0x50]  }
0x6b1: {  	v6 =	vld [tilespmem:s8+$0x60]  }
0x6b2: {  	v7 =	vld [tilespmem:s8+$0x70]  }
0x6b3: {  	[tilespmem:s8+$0x12400] =	vst.add.f32.msk $0xffff, v44  }
0x6b4: {  	[tilespmem:s8+$0x12410] =	vst.add.f32.msk $0xffff, v45  }
0x6b5: {  	[tilespmem:s8+$0x12420] =	vst.add.f32.msk $0xffff, v46  }
0x6b6: {  	[tilespmem:s8+$0x12430] =	vst.add.f32.msk $0xffff, v47  }
0x6b7: {  	[tilespmem:s8+$0x12440] =	vst.add.f32.msk $0xffff, v48  }
0x6b8: {  	[tilespmem:s8+$0x12450] =	vst.add.f32.msk $0xffff, v49  }
0x6b9: {  	s12 =	sor.u32 $0x80, s0;
	[tilespmem:s8+$0x12460] =	vst.add.f32.msk $0xffff, v50  }
0x6ba: {  	s11 =	sor.u32 s2, s12;
	[tilespmem:s8+$0x12470] =	vst.add.f32.msk $0xffff, v51  }
0x6bb: {  	v16 =	vld [tilespmem:s11+$0x0]  }
0x6bc: {  	v17 =	vld [tilespmem:s11+$0x10]  }
0x6bd: {  	v18 =	vld [tilespmem:s11+$0x20]  }
0x6be: {  	v19 =	vld [tilespmem:s11+$0x30]  }
0x6bf: {  	v20 =	vld [tilespmem:s11+$0x40]  }
0x6c0: {  	v21 =	vld [tilespmem:s11+$0x50]  }
0x6c1: {  	v22 =	vld [tilespmem:s11+$0x60]  }
0x6c2: {  	v23 =	vld [tilespmem:s11+$0x70]  }
0x6c3: {  	v24 =	vld [tilespmem:s11+$0x400]  }
0x6c4: {  	v25 =	vld [tilespmem:s11+$0x410]  }
0x6c5: {  	v26 =	vld [tilespmem:s11+$0x420]  }
0x6c6: {  	v27 =	vld [tilespmem:s11+$0x430]  }
0x6c7: {  	v28 =	vld [tilespmem:s11+$0x440]  }
0x6c8: {  	v29 =	vld [tilespmem:s11+$0x450]  }
0x6c9: {  	s3 =	sadd.s32 $0x1400, s2;
	v30 =	vld [tilespmem:s11+$0x460]  }
0x6ca: {  	s30 =	sor.u32 s22, s3;
	v31 =	vld [tilespmem:s11+$0x470]  }
0x6cb: {  	v62 =	vld [tilespmem:s30+$0x0]  }
0x6cc: {  	v63 =	vld [tilespmem:s30+$0x10]  }
0x6cd: {  	[tilespmem:s8+$0x12000] =	vst.add.f32.msk $0xffff, v0  }
0x6ce: {  	[tilespmem:s8+$0x12010] =	vst.add.f32.msk $0xffff, v1  }
0x6cf: {  	[tilespmem:s8+$0x12020] =	vst.add.f32.msk $0xffff, v2  }
0x6d0: {  	[tilespmem:s8+$0x12030] =	vst.add.f32.msk $0xffff, v3  }
0x6d1: {  	[tilespmem:s8+$0x12040] =	vst.add.f32.msk $0xffff, v4  }
0x6d2: {  	[tilespmem:s8+$0x12050] =	vst.add.f32.msk $0xffff, v5  }
0x6d3: {  	[tilespmem:s8+$0x12060] =	vst.add.f32.msk $0xffff, v6  }
0x6d4: {  	[tilespmem:s8+$0x12070] =	vst.add.f32.msk $0xffff, v7  }
0x6d5: {  	v0 =	vld [tilespmem:s14+$0x0]  }
0x6d6: {  	v1 =	vld [tilespmem:s14+$0x10]  }
0x6d7: {  	v2 =	vld [tilespmem:s14+$0x20]  }
0x6d8: {  	v3 =	vld [tilespmem:s14+$0x30]  }
0x6d9: {  	v4 =	vld [tilespmem:s14+$0x40]  }
0x6da: {  	v5 =	vld [tilespmem:s14+$0x50]  }
0x6db: {  	v6 =	vld [tilespmem:s14+$0x60]  }
0x6dc: {  	v7 =	vld [tilespmem:s14+$0x70]  }
0x6dd: {  	[tilespmem:s11+$0x12000] =	vst.add.f32.msk $0xffff, v16  }
0x6de: {  	[tilespmem:s11+$0x12010] =	vst.add.f32.msk $0xffff, v17  }
0x6df: {  	[tilespmem:s11+$0x12020] =	vst.add.f32.msk $0xffff, v18  }
0x6e0: {  	[tilespmem:s11+$0x12030] =	vst.add.f32.msk $0xffff, v19  }
0x6e1: {  	[tilespmem:s11+$0x12040] =	vst.add.f32.msk $0xffff, v20  }
0x6e2: {  	[tilespmem:s11+$0x12050] =	vst.add.f32.msk $0xffff, v21  }
0x6e3: {  	[tilespmem:s11+$0x12060] =	vst.add.f32.msk $0xffff, v22  }
0x6e4: {  	[tilespmem:s11+$0x12070] =	vst.add.f32.msk $0xffff, v23  }
0x6e5: {  	[tilespmem:s11+$0x12400] =	vst.add.f32.msk $0xffff, v24  }
0x6e6: {  	[tilespmem:s11+$0x12410] =	vst.add.f32.msk $0xffff, v25  }
0x6e7: {  	[tilespmem:s11+$0x12420] =	vst.add.f32.msk $0xffff, v26  }
0x6e8: {  	[tilespmem:s11+$0x12430] =	vst.add.f32.msk $0xffff, v27  }
0x6e9: {  	[tilespmem:s11+$0x12440] =	vst.add.f32.msk $0xffff, v28  }
0x6ea: {  	[tilespmem:s11+$0x12450] =	vst.add.f32.msk $0xffff, v29  }
0x6eb: {  	[tilespmem:s11+$0x12460] =	vst.add.f32.msk $0xffff, v30  }
0x6ec: {  	[tilespmem:s11+$0x12470] =	vst.add.f32.msk $0xffff, v31  }
0x6ed: {  	[tilespmem:s30+$0x12000] =	vst.add.f32.msk $0xffff, v62  }
0x6ee: {  	[tilespmem:s30+$0x12010] =	vst.add.f32.msk $0xffff, v63  }
0x6ef: {  	[tilespmem:s14+$0x12000] =	vst.add.f32.msk $0xffff, v0  }
0x6f0: {  	[tilespmem:s14+$0x12010] =	vst.add.f32.msk $0xffff, v1  }
0x6f1: {  	[tilespmem:s14+$0x12020] =	vst.add.f32.msk $0xffff, v2  }
0x6f2: {  	[tilespmem:s14+$0x12030] =	vst.add.f32.msk $0xffff, v3  }
0x6f3: {  	[tilespmem:s14+$0x12040] =	vst.add.f32.msk $0xffff, v4  }
0x6f4: {  	[tilespmem:s14+$0x12050] =	vst.add.f32.msk $0xffff, v5  }
0x6f5: {  	[tilespmem:s14+$0x12060] =	vst.add.f32.msk $0xffff, v6  }
0x6f6: {  	s15 =	sor.u32 s0, s10;
	[tilespmem:s14+$0x12070] =	vst.add.f32.msk $0xffff, v7  }
0x6f7: {  	v0 =	vld [tilespmem:s15+$0x0]  }
0x6f8: {  	v1 =	vld [tilespmem:s15+$0x10]  }
0x6f9: {  	v2 =	vld [tilespmem:s15+$0x20]  }
0x6fa: {  	v3 =	vld [tilespmem:s15+$0x30]  }
0x6fb: {  	v4 =	vld [tilespmem:s15+$0x40]  }
0x6fc: {  	v5 =	vld [tilespmem:s15+$0x50]  }
0x6fd: {  	v6 =	vld [tilespmem:s15+$0x60]  }
0x6fe: {  	v7 =	vld [tilespmem:s15+$0x70]  }
0x6ff: {  	[tilespmem:s15+$0x12000] =	vst.add.f32.msk $0xffff, v0  }
0x700: {  	[tilespmem:s15+$0x12010] =	vst.add.f32.msk $0xffff, v1  }
0x701: {  	[tilespmem:s15+$0x12020] =	vst.add.f32.msk $0xffff, v2  }
0x702: {  	[tilespmem:s15+$0x12030] =	vst.add.f32.msk $0xffff, v3  }
0x703: {  	[tilespmem:s15+$0x12040] =	vst.add.f32.msk $0xffff, v4  }
0x704: {  	[tilespmem:s15+$0x12050] =	vst.add.f32.msk $0xffff, v5  }
0x705: {  	[tilespmem:s15+$0x12060] =	vst.add.f32.msk $0xffff, v6  }
0x706: {  	s16 =	sor.u32 s12, s10;
	[tilespmem:s15+$0x12070] =	vst.add.f32.msk $0xffff, v7  }
0x707: {  	v0 =	vld [tilespmem:s16+$0x0]  }
0x708: {  	v1 =	vld [tilespmem:s16+$0x10]  }
0x709: {  	v2 =	vld [tilespmem:s16+$0x20]  }
0x70a: {  	v3 =	vld [tilespmem:s16+$0x30]  }
0x70b: {  	v4 =	vld [tilespmem:s16+$0x40]  }
0x70c: {  	v5 =	vld [tilespmem:s16+$0x50]  }
0x70d: {  	v6 =	vld [tilespmem:s16+$0x60]  }
0x70e: {  	v7 =	vld [tilespmem:s16+$0x70]  }
0x70f: {  	[tilespmem:s16+$0x12000] =	vst.add.f32.msk $0xffff, v0  }
0x710: {  	[tilespmem:s16+$0x12010] =	vst.add.f32.msk $0xffff, v1  }
0x711: {  	[tilespmem:s16+$0x12020] =	vst.add.f32.msk $0xffff, v2  }
0x712: {  	[tilespmem:s16+$0x12030] =	vst.add.f32.msk $0xffff, v3  }
0x713: {  	[tilespmem:s16+$0x12040] =	vst.add.f32.msk $0xffff, v4  }
0x714: {  	[tilespmem:s16+$0x12050] =	vst.add.f32.msk $0xffff, v5  }
0x715: {  	[tilespmem:s16+$0x12060] =	vst.add.f32.msk $0xffff, v6  }
0x716: {  	s10 =	sor.u32 s13, s10;
	[tilespmem:s16+$0x12070] =	vst.add.f32.msk $0xffff, v7  }
0x717: {  	v0 =	vld [tilespmem:s10+$0x0]  }
0x718: {  	v1 =	vld [tilespmem:s10+$0x10]  }
0x719: {  	v2 =	vld [tilespmem:s10+$0x20]  }
0x71a: {  	v3 =	vld [tilespmem:s10+$0x30]  }
0x71b: {  	v4 =	vld [tilespmem:s10+$0x40]  }
0x71c: {  	v5 =	vld [tilespmem:s10+$0x50]  }
0x71d: {  	v6 =	vld [tilespmem:s10+$0x60]  }
0x71e: {  	v7 =	vld [tilespmem:s10+$0x70]  }
0x71f: {  	[tilespmem:s10+$0x12000] =	vst.add.f32.msk $0xffff, v0  }
0x720: {  	[tilespmem:s10+$0x12010] =	vst.add.f32.msk $0xffff, v1  }
0x721: {  	[tilespmem:s10+$0x12020] =	vst.add.f32.msk $0xffff, v2  }
0x722: {  	[tilespmem:s10+$0x12030] =	vst.add.f32.msk $0xffff, v3  }
0x723: {  	[tilespmem:s10+$0x12040] =	vst.add.f32.msk $0xffff, v4  }
0x724: {  	[tilespmem:s10+$0x12050] =	vst.add.f32.msk $0xffff, v5  }
0x725: {  	[tilespmem:s10+$0x12060] =	vst.add.f32.msk $0xffff, v6  }
0x726: {  	s17 =	sor.u32 s0, s9;
	[tilespmem:s10+$0x12070] =	vst.add.f32.msk $0xffff, v7  }
0x727: {  	v0 =	vld [tilespmem:s17+$0x0]  }
0x728: {  	v1 =	vld [tilespmem:s17+$0x10]  }
0x729: {  	v2 =	vld [tilespmem:s17+$0x20]  }
0x72a: {  	v3 =	vld [tilespmem:s17+$0x30]  }
0x72b: {  	v4 =	vld [tilespmem:s17+$0x40]  }
0x72c: {  	v5 =	vld [tilespmem:s17+$0x50]  }
0x72d: {  	v6 =	vld [tilespmem:s17+$0x60]  }
0x72e: {  	v7 =	vld [tilespmem:s17+$0x70]  }
0x72f: {  	[tilespmem:s17+$0x12000] =	vst.add.f32.msk $0xffff, v0  }
0x730: {  	[tilespmem:s17+$0x12010] =	vst.add.f32.msk $0xffff, v1  }
0x731: {  	[tilespmem:s17+$0x12020] =	vst.add.f32.msk $0xffff, v2  }
0x732: {  	[tilespmem:s17+$0x12030] =	vst.add.f32.msk $0xffff, v3  }
0x733: {  	[tilespmem:s17+$0x12040] =	vst.add.f32.msk $0xffff, v4  }
0x734: {  	[tilespmem:s17+$0x12050] =	vst.add.f32.msk $0xffff, v5  }
0x735: {  	[tilespmem:s17+$0x12060] =	vst.add.f32.msk $0xffff, v6  }
0x736: {  	s18 =	sor.u32 s12, s9;
	[tilespmem:s17+$0x12070] =	vst.add.f32.msk $0xffff, v7  }
0x737: {  	v0 =	vld [tilespmem:s18+$0x0]  }
0x738: {  	v1 =	vld [tilespmem:s18+$0x10]  }
0x739: {  	v2 =	vld [tilespmem:s18+$0x20]  }
0x73a: {  	v3 =	vld [tilespmem:s18+$0x30]  }
0x73b: {  	v4 =	vld [tilespmem:s18+$0x40]  }
0x73c: {  	v5 =	vld [tilespmem:s18+$0x50]  }
0x73d: {  	v6 =	vld [tilespmem:s18+$0x60]  }
0x73e: {  	v7 =	vld [tilespmem:s18+$0x70]  }
0x73f: {  	[tilespmem:s18+$0x12000] =	vst.add.f32.msk $0xffff, v0  }
0x740: {  	[tilespmem:s18+$0x12010] =	vst.add.f32.msk $0xffff, v1  }
0x741: {  	[tilespmem:s18+$0x12020] =	vst.add.f32.msk $0xffff, v2  }
0x742: {  	[tilespmem:s18+$0x12030] =	vst.add.f32.msk $0xffff, v3  }
0x743: {  	[tilespmem:s18+$0x12040] =	vst.add.f32.msk $0xffff, v4  }
0x744: {  	[tilespmem:s18+$0x12050] =	vst.add.f32.msk $0xffff, v5  }
0x745: {  	[tilespmem:s18+$0x12060] =	vst.add.f32.msk $0xffff, v6  }
0x746: {  	s9 =	sor.u32 s13, s9;
	[tilespmem:s18+$0x12070] =	vst.add.f32.msk $0xffff, v7  }
0x747: {  	v0 =	vld [tilespmem:s9+$0x0]  }
0x748: {  	v1 =	vld [tilespmem:s9+$0x10]  }
0x749: {  	v2 =	vld [tilespmem:s9+$0x20]  }
0x74a: {  	v3 =	vld [tilespmem:s9+$0x30]  }
0x74b: {  	v4 =	vld [tilespmem:s9+$0x40]  }
0x74c: {  	v5 =	vld [tilespmem:s9+$0x50]  }
0x74d: {  	v6 =	vld [tilespmem:s9+$0x60]  }
0x74e: {  	v7 =	vld [tilespmem:s9+$0x70]  }
0x74f: {  	[tilespmem:s9+$0x12000] =	vst.add.f32.msk $0xffff, v0  }
0x750: {  	[tilespmem:s9+$0x12010] =	vst.add.f32.msk $0xffff, v1  }
0x751: {  	[tilespmem:s9+$0x12020] =	vst.add.f32.msk $0xffff, v2  }
0x752: {  	[tilespmem:s9+$0x12030] =	vst.add.f32.msk $0xffff, v3  }
0x753: {  	[tilespmem:s9+$0x12040] =	vst.add.f32.msk $0xffff, v4  }
0x754: {  	[tilespmem:s9+$0x12050] =	vst.add.f32.msk $0xffff, v5  }
0x755: {  	[tilespmem:s9+$0x12060] =	vst.add.f32.msk $0xffff, v6  }
0x756: {  	s20 =	sor.u32 s0, s7;
	[tilespmem:s9+$0x12070] =	vst.add.f32.msk $0xffff, v7  }
0x757: {  	v0 =	vld [tilespmem:s20+$0x0]  }
0x758: {  	v1 =	vld [tilespmem:s20+$0x10]  }
0x759: {  	v2 =	vld [tilespmem:s20+$0x20]  }
0x75a: {  	v3 =	vld [tilespmem:s20+$0x30]  }
0x75b: {  	v4 =	vld [tilespmem:s20+$0x40]  }
0x75c: {  	v5 =	vld [tilespmem:s20+$0x50]  }
0x75d: {  	v6 =	vld [tilespmem:s20+$0x60]  }
0x75e: {  	v7 =	vld [tilespmem:s20+$0x70]  }
0x75f: {  	[tilespmem:s20+$0x12000] =	vst.add.f32.msk $0xffff, v0  }
0x760: {  	[tilespmem:s20+$0x12010] =	vst.add.f32.msk $0xffff, v1  }
0x761: {  	[tilespmem:s20+$0x12020] =	vst.add.f32.msk $0xffff, v2  }
0x762: {  	[tilespmem:s20+$0x12030] =	vst.add.f32.msk $0xffff, v3  }
0x763: {  	[tilespmem:s20+$0x12040] =	vst.add.f32.msk $0xffff, v4  }
0x764: {  	[tilespmem:s20+$0x12050] =	vst.add.f32.msk $0xffff, v5  }
0x765: {  	[tilespmem:s20+$0x12060] =	vst.add.f32.msk $0xffff, v6  }
0x766: {  	s21 =	sor.u32 s12, s7;
	[tilespmem:s20+$0x12070] =	vst.add.f32.msk $0xffff, v7  }
0x767: {  	v0 =	vld [tilespmem:s21+$0x0]  }
0x768: {  	v1 =	vld [tilespmem:s21+$0x10]  }
0x769: {  	v2 =	vld [tilespmem:s21+$0x20]  }
0x76a: {  	v3 =	vld [tilespmem:s21+$0x30]  }
0x76b: {  	v4 =	vld [tilespmem:s21+$0x40]  }
0x76c: {  	v5 =	vld [tilespmem:s21+$0x50]  }
0x76d: {  	v6 =	vld [tilespmem:s21+$0x60]  }
0x76e: {  	v7 =	vld [tilespmem:s21+$0x70]  }
0x76f: {  	[tilespmem:s21+$0x12000] =	vst.add.f32.msk $0xffff, v0  }
0x770: {  	[tilespmem:s21+$0x12010] =	vst.add.f32.msk $0xffff, v1  }
0x771: {  	[tilespmem:s21+$0x12020] =	vst.add.f32.msk $0xffff, v2  }
0x772: {  	[tilespmem:s21+$0x12030] =	vst.add.f32.msk $0xffff, v3  }
0x773: {  	[tilespmem:s21+$0x12040] =	vst.add.f32.msk $0xffff, v4  }
0x774: {  	[tilespmem:s21+$0x12050] =	vst.add.f32.msk $0xffff, v5  }
0x775: {  	[tilespmem:s21+$0x12060] =	vst.add.f32.msk $0xffff, v6  }
0x776: {  	s7 =	sor.u32 s13, s7;
	[tilespmem:s21+$0x12070] =	vst.add.f32.msk $0xffff, v7  }
0x777: {  	v0 =	vld [tilespmem:s7+$0x0]  }
0x778: {  	v1 =	vld [tilespmem:s7+$0x10]  }
0x779: {  	v2 =	vld [tilespmem:s7+$0x20]  }
0x77a: {  	v3 =	vld [tilespmem:s7+$0x30]  }
0x77b: {  	v4 =	vld [tilespmem:s7+$0x40]  }
0x77c: {  	v5 =	vld [tilespmem:s7+$0x50]  }
0x77d: {  	v6 =	vld [tilespmem:s7+$0x60]  }
0x77e: {  	s22 =	sor.u32 s12, s3;
	v7 =	vld [tilespmem:s7+$0x70]  }
0x77f: {  	v60 =	vld [tilespmem:s22+$0x70]  }
0x780: {  	[tilespmem:s7+$0x12000] =	vst.add.f32.msk $0xffff, v0  }
0x781: {  	[tilespmem:s7+$0x12010] =	vst.add.f32.msk $0xffff, v1  }
0x782: {  	[tilespmem:s7+$0x12020] =	vst.add.f32.msk $0xffff, v2  }
0x783: {  	[tilespmem:s7+$0x12030] =	vst.add.f32.msk $0xffff, v3  }
0x784: {  	[tilespmem:s7+$0x12040] =	vst.add.f32.msk $0xffff, v4  }
0x785: {  	[tilespmem:s7+$0x12050] =	vst.add.f32.msk $0xffff, v5  }
0x786: {  	[tilespmem:s7+$0x12060] =	vst.add.f32.msk $0xffff, v6  }
0x787: {  	s2 =	sor.u32 s0, s3;
	[tilespmem:s7+$0x12070] =	vst.add.f32.msk $0xffff, v7  }
0x788: {  	v0 =	vld [tilespmem:s2+$0x0]  }
0x789: {  	v1 =	vld [tilespmem:s2+$0x10]  }
0x78a: {  	v2 =	vld [tilespmem:s2+$0x20]  }
0x78b: {  	v3 =	vld [tilespmem:s2+$0x30]  }
0x78c: {  	v4 =	vld [tilespmem:s2+$0x40]  }
0x78d: {  	v5 =	vld [tilespmem:s2+$0x50]  }
0x78e: {  	v6 =	vld [tilespmem:s2+$0x60]  }
0x78f: {  	v7 =	vld [tilespmem:s2+$0x70]  }
0x790: {  	s31 =	sor.u32 s13, s3;
	[tilespmem:s22+$0x12070] =	vst.add.f32.msk $0xffff, v60  }
0x791: {  	v61 =	vld [tilespmem:s31+$0x30]  }
0x792: {  	v9 =	vld [tilespmem:s31+$0x40]  }
0x793: {  	v10 =	vld [tilespmem:s31+$0x50]  }
0x794: {  	v11 =	vld [tilespmem:s31+$0x60]  }
0x795: {  	v12 =	vld [tilespmem:s31+$0x70]  }
0x796: {  	[tilespmem:s2+$0x12000] =	vst.add.f32.msk $0xffff, v0  }
0x797: {  	[tilespmem:s2+$0x12010] =	vst.add.f32.msk $0xffff, v1  }
0x798: {  	[tilespmem:s2+$0x12020] =	vst.add.f32.msk $0xffff, v2  }
0x799: {  	[tilespmem:s2+$0x12030] =	vst.add.f32.msk $0xffff, v3  }
0x79a: {  	[tilespmem:s2+$0x12040] =	vst.add.f32.msk $0xffff, v4  }
0x79b: {  	[tilespmem:s2+$0x12050] =	vst.add.f32.msk $0xffff, v5  }
0x79c: {  	[tilespmem:s2+$0x12060] =	vst.add.f32.msk $0xffff, v6  }
0x79d: {  	[tilespmem:s2+$0x12070] =	vst.add.f32.msk $0xffff, v7  }
0x79e: {  	v0 =	vld [tilespmem:s30+$0x70]  }
0x79f: {  	v1 =	vld [tilespmem:s22+$0x0]  }
0x7a0: {  	v2 =	vld [tilespmem:s22+$0x10]  }
0x7a1: {  	v3 =	vld [tilespmem:s22+$0x20]  }
0x7a2: {  	v4 =	vld [tilespmem:s22+$0x30]  }
0x7a3: {  	v5 =	vld [tilespmem:s22+$0x40]  }
0x7a4: {  	v6 =	vld [tilespmem:s22+$0x50]  }
0x7a5: {  	v7 =	vld [tilespmem:s22+$0x60]  }
0x7a6: {  	[tilespmem:s31+$0x12030] =	vst.add.f32.msk $0xffff, v61  }
0x7a7: {  	[tilespmem:s31+$0x12040] =	vst.add.f32.msk $0xffff, v9  }
0x7a8: {  	[tilespmem:s31+$0x12050] =	vst.add.f32.msk $0xffff, v10  }
0x7a9: {  	[tilespmem:s31+$0x12060] =	vst.add.f32.msk $0xffff, v11  }
0x7aa: {  	[tilespmem:s31+$0x12070] =	vst.add.f32.msk $0xffff, v12  }
0x7ab: {  	[tilespmem:s22+$0x12000] =	vst.add.f32.msk $0xffff, v1  }
0x7ac: {  	[tilespmem:s22+$0x12010] =	vst.add.f32.msk $0xffff, v2  }
0x7ad: {  	[tilespmem:s22+$0x12020] =	vst.add.f32.msk $0xffff, v3  }
0x7ae: {  	[tilespmem:s22+$0x12030] =	vst.add.f32.msk $0xffff, v4  }
0x7af: {  	[tilespmem:s22+$0x12040] =	vst.add.f32.msk $0xffff, v5  }
0x7b0: {  	[tilespmem:s22+$0x12050] =	vst.add.f32.msk $0xffff, v6  }
0x7b1: {  	[tilespmem:s22+$0x12060] =	vst.add.f32.msk $0xffff, v7  }
0x7b2: {  	[tilespmem:s30+$0x12070] =	vst.add.f32.msk $0xffff, v0  }
0x7b3: {  	v5 =	vld [tilespmem:s31+$0x0]  }
0x7b4: {  	v6 =	vld [tilespmem:s31+$0x10]  }
0x7b5: {  	v7 =	vld [tilespmem:s31+$0x20]  }
0x7b6: {  	v4 =	vld [tilespmem:s30+$0x20]  }
0x7b7: {  	v3 =	vld [tilespmem:s30+$0x30]  }
0x7b8: {  	v2 =	vld [tilespmem:s30+$0x40]  }
0x7b9: {  	v1 =	vld [tilespmem:s30+$0x50]  }
0x7ba: {  	v0 =	vld [tilespmem:s30+$0x60]  }
0x7bb: {  	[tilespmem:s31+$0x12000] =	vst.add.f32.msk $0xffff, v5  }
0x7bc: {  	[tilespmem:s31+$0x12010] =	vst.add.f32.msk $0xffff, v6  }
0x7bd: {  	s29 =	simm.s32 $0x0;
	[tilespmem:s31+$0x12020] =	vst.add.f32.msk $0xffff, v7  }
.LBB2_10:
0x7be: {  	s29 =	sadd.s32 $0x4, s29;
	[tilespmem:s30+$0x12020] =	vst.add.f32.msk $0xffff, v4  }
0x7bf: {  	s28 =	sadd.s32 $0x200, s28;
	s0 =	sshrl.u32 s29, $0x3;
	p1 =	slt.u32 s29, $0x1C;
	[tilespmem:s30+$0x12030] =	vst.add.f32.msk $0xffff, v3  }
0x7c0: {  	s7 =	smul.u32 $0x1800, s0;
	s0 =	sand.u32 $0x200, s28;
	[tilespmem:s30+$0x12040] =	vst.add.f32.msk $0xffff, v2  }
0x7c1: {  	s15 =	sor.u32 $0x80, s0;
	s2 =	sor.u32 $0x100, s0;
	s16 =	sor.u32 $0x180, s0;
	[tilespmem:s30+$0x12050] =	vst.add.f32.msk $0xffff, v1  }
0x7c2: {  	s13 =	sor.u32 s0, s7;
	s4 =	sor.u32 s7, s15;
	s3 =	sor.u32 s7, s16;
	[tilespmem:s30+$0x12060] =	vst.add.f32.msk $0xffff, v0  }
0x7c3: {  	s14 =	sor.u32 s7, s2;
	v0 =	vld [tilespmem:s3+$0x0]  }
0x7c4: {  	v1 =	vld [tilespmem:s3+$0x10]  }
0x7c5: {  	v2 =	vld [tilespmem:s3+$0x20]  }
0x7c6: {  	v3 =	vld [tilespmem:s3+$0x30]  }
0x7c7: {  	v4 =	vld [tilespmem:s3+$0x40]  }
0x7c8: {  	v5 =	vld [tilespmem:s3+$0x50]  }
0x7c9: {  	v6 =	vld [tilespmem:s3+$0x60]  }
0x7ca: {  	v7 =	vld [tilespmem:s3+$0x70]  }
0x7cb: {  	v8 =	vld [tilespmem:s3+$0x400]  }
0x7cc: {  	v9 =	vld [tilespmem:s3+$0x410]  }
0x7cd: {  	v10 =	vld [tilespmem:s3+$0x420]  }
0x7ce: {  	v11 =	vld [tilespmem:s3+$0x430]  }
0x7cf: {  	v12 =	vld [tilespmem:s3+$0x440]  }
0x7d0: {  	v13 =	vld [tilespmem:s3+$0x450]  }
0x7d1: {  	v14 =	vld [tilespmem:s3+$0x460]  }
0x7d2: {  	v15 =	vld [tilespmem:s3+$0x470]  }
0x7d3: {  	[tilespmem:s3+$0x12000] =	vst.add.f32.msk $0xffff, v0  }
0x7d4: {  	[tilespmem:s3+$0x12010] =	vst.add.f32.msk $0xffff, v1  }
0x7d5: {  	[tilespmem:s3+$0x12020] =	vst.add.f32.msk $0xffff, v2  }
0x7d6: {  	[tilespmem:s3+$0x12030] =	vst.add.f32.msk $0xffff, v3  }
0x7d7: {  	[tilespmem:s3+$0x12040] =	vst.add.f32.msk $0xffff, v4  }
0x7d8: {  	[tilespmem:s3+$0x12050] =	vst.add.f32.msk $0xffff, v5  }
0x7d9: {  	[tilespmem:s3+$0x12060] =	vst.add.f32.msk $0xffff, v6  }
0x7da: {  	[tilespmem:s3+$0x12070] =	vst.add.f32.msk $0xffff, v7  }
0x7db: {  	[tilespmem:s3+$0x12400] =	vst.add.f32.msk $0xffff, v8  }
0x7dc: {  	[tilespmem:s3+$0x12410] =	vst.add.f32.msk $0xffff, v9  }
0x7dd: {  	[tilespmem:s3+$0x12420] =	vst.add.f32.msk $0xffff, v10  }
0x7de: {  	[tilespmem:s3+$0x12430] =	vst.add.f32.msk $0xffff, v11  }
0x7df: {  	[tilespmem:s3+$0x12440] =	vst.add.f32.msk $0xffff, v12  }
0x7e0: {  	[tilespmem:s3+$0x12450] =	vst.add.f32.msk $0xffff, v13  }
0x7e1: {  	s8 =	sadd.s32 $0x800, s7;
	[tilespmem:s3+$0x12460] =	vst.add.f32.msk $0xffff, v14  }
0x7e2: {  	s12 =	sor.u32 s0, s8;
	s20 =	sor.u32 s15, s8;
	s9 =	sor.u32 s16, s8;
	[tilespmem:s3+$0x12470] =	vst.add.f32.msk $0xffff, v15  }
0x7e3: {  	s11 =	sor.u32 s2, s8;
	v0 =	vld [tilespmem:s9+$0x0]  }
0x7e4: {  	v1 =	vld [tilespmem:s9+$0x10]  }
0x7e5: {  	v2 =	vld [tilespmem:s9+$0x20]  }
0x7e6: {  	v3 =	vld [tilespmem:s9+$0x30]  }
0x7e7: {  	v4 =	vld [tilespmem:s9+$0x40]  }
0x7e8: {  	v5 =	vld [tilespmem:s9+$0x50]  }
0x7e9: {  	v6 =	vld [tilespmem:s9+$0x60]  }
0x7ea: {  	v7 =	vld [tilespmem:s9+$0x70]  }
0x7eb: {  	[tilespmem:s9+$0x12000] =	vst.add.f32.msk $0xffff, v0  }
0x7ec: {  	[tilespmem:s9+$0x12010] =	vst.add.f32.msk $0xffff, v1  }
0x7ed: {  	[tilespmem:s9+$0x12020] =	vst.add.f32.msk $0xffff, v2  }
0x7ee: {  	[tilespmem:s9+$0x12030] =	vst.add.f32.msk $0xffff, v3  }
0x7ef: {  	[tilespmem:s9+$0x12040] =	vst.add.f32.msk $0xffff, v4  }
0x7f0: {  	[tilespmem:s9+$0x12050] =	vst.add.f32.msk $0xffff, v5  }
0x7f1: {  	s8 =	sadd.s32 $0xC00, s7;
	[tilespmem:s9+$0x12060] =	vst.add.f32.msk $0xffff, v6  }
0x7f2: {  	s10 =	sor.u32 s0, s8;
	s17 =	sor.u32 s16, s8;
	s3 =	sor.u32 s15, s8;
	[tilespmem:s9+$0x12070] =	vst.add.f32.msk $0xffff, v7  }
0x7f3: {  	s22 =	sor.u32 s2, s8;
	v0 =	vld [tilespmem:s17+$0x0]  }
0x7f4: {  	v1 =	vld [tilespmem:s17+$0x10]  }
0x7f5: {  	v2 =	vld [tilespmem:s17+$0x20]  }
0x7f6: {  	v3 =	vld [tilespmem:s17+$0x30]  }
0x7f7: {  	v4 =	vld [tilespmem:s17+$0x40]  }
0x7f8: {  	v5 =	vld [tilespmem:s17+$0x50]  }
0x7f9: {  	v6 =	vld [tilespmem:s17+$0x60]  }
0x7fa: {  	v7 =	vld [tilespmem:s17+$0x70]  }
0x7fb: {  	[tilespmem:s17+$0x12000] =	vst.add.f32.msk $0xffff, v0  }
0x7fc: {  	[tilespmem:s17+$0x12010] =	vst.add.f32.msk $0xffff, v1  }
0x7fd: {  	[tilespmem:s17+$0x12020] =	vst.add.f32.msk $0xffff, v2  }
0x7fe: {  	[tilespmem:s17+$0x12030] =	vst.add.f32.msk $0xffff, v3  }
0x7ff: {  	[tilespmem:s17+$0x12040] =	vst.add.f32.msk $0xffff, v4  }
0x800: {  	[tilespmem:s17+$0x12050] =	vst.add.f32.msk $0xffff, v5  }
0x801: {  	s8 =	sadd.s32 $0x1000, s7;
	[tilespmem:s17+$0x12060] =	vst.add.f32.msk $0xffff, v6  }
0x802: {  	s21 =	sor.u32 s0, s8;
	s9 =	sor.u32 s15, s8;
	[tilespmem:s17+$0x12070] =	vst.add.f32.msk $0xffff, v7;
	s17 =	sor.u32 s16, s8  }
0x803: {  	s8 =	sor.u32 s2, s8;
	v0 =	vld [tilespmem:s17+$0x0]  }
0x804: {  	v1 =	vld [tilespmem:s17+$0x10]  }
0x805: {  	v2 =	vld [tilespmem:s17+$0x20]  }
0x806: {  	v3 =	vld [tilespmem:s17+$0x30]  }
0x807: {  	v4 =	vld [tilespmem:s17+$0x40]  }
0x808: {  	v5 =	vld [tilespmem:s17+$0x50]  }
0x809: {  	v6 =	vld [tilespmem:s17+$0x60]  }
0x80a: {  	v7 =	vld [tilespmem:s17+$0x70]  }
0x80b: {  	[tilespmem:s17+$0x12000] =	vst.add.f32.msk $0xffff, v0  }
0x80c: {  	[tilespmem:s17+$0x12010] =	vst.add.f32.msk $0xffff, v1  }
0x80d: {  	[tilespmem:s17+$0x12020] =	vst.add.f32.msk $0xffff, v2  }
0x80e: {  	[tilespmem:s17+$0x12030] =	vst.add.f32.msk $0xffff, v3  }
0x80f: {  	[tilespmem:s17+$0x12040] =	vst.add.f32.msk $0xffff, v4  }
0x810: {  	[tilespmem:s17+$0x12050] =	vst.add.f32.msk $0xffff, v5  }
0x811: {  	s18 =	sadd.s32 $0x1400, s7;
	[tilespmem:s17+$0x12060] =	vst.add.f32.msk $0xffff, v6  }
0x812: {  	s30 =	sor.u32 s16, s18;
	s7 =	sor.u32 s0, s18;
	s0 =	sor.u32 s15, s18;
	[tilespmem:s17+$0x12070] =	vst.add.f32.msk $0xffff, v7  }
0x813: {  	s2 =	sor.u32 s2, s18;
	v0 =	vld [tilespmem:s30+$0x70]  }
0x814: {  	v1 =	vld [tilespmem:s13+$0x0]  }
0x815: {  	v2 =	vld [tilespmem:s13+$0x10]  }
0x816: {  	v3 =	vld [tilespmem:s13+$0x20]  }
0x817: {  	v4 =	vld [tilespmem:s13+$0x30]  }
0x818: {  	[tilespmem:s30+$0x12070] =	vst.add.f32.msk $0xffff, v0  }
0x819: {  	v0 =	vld [tilespmem:s13+$0x40]  }
0x81a: {  	v5 =	vld [tilespmem:s13+$0x50]  }
0x81b: {  	v6 =	vld [tilespmem:s13+$0x60]  }
0x81c: {  	v7 =	vld [tilespmem:s13+$0x70]  }
0x81d: {  	v8 =	vld [tilespmem:s13+$0x400]  }
0x81e: {  	v9 =	vld [tilespmem:s13+$0x410]  }
0x81f: {  	v10 =	vld [tilespmem:s13+$0x420]  }
0x820: {  	v11 =	vld [tilespmem:s13+$0x430]  }
0x821: {  	v12 =	vld [tilespmem:s13+$0x440]  }
0x822: {  	v13 =	vld [tilespmem:s13+$0x450]  }
0x823: {  	v14 =	vld [tilespmem:s13+$0x460]  }
0x824: {  	v15 =	vld [tilespmem:s13+$0x470]  }
0x825: {  	v16 =	vld [tilespmem:s4+$0x0]  }
0x826: {  	v17 =	vld [tilespmem:s4+$0x10]  }
0x827: {  	v18 =	vld [tilespmem:s4+$0x20]  }
0x828: {  	v19 =	vld [tilespmem:s4+$0x30]  }
0x829: {  	v20 =	vld [tilespmem:s4+$0x40]  }
0x82a: {  	v21 =	vld [tilespmem:s4+$0x50]  }
0x82b: {  	v22 =	vld [tilespmem:s4+$0x60]  }
0x82c: {  	v23 =	vld [tilespmem:s4+$0x70]  }
0x82d: {  	v24 =	vld [tilespmem:s4+$0x400]  }
0x82e: {  	v25 =	vld [tilespmem:s4+$0x410]  }
0x82f: {  	v26 =	vld [tilespmem:s4+$0x420]  }
0x830: {  	v27 =	vld [tilespmem:s4+$0x430]  }
0x831: {  	v28 =	vld [tilespmem:s4+$0x440]  }
0x832: {  	v29 =	vld [tilespmem:s4+$0x450]  }
0x833: {  	v30 =	vld [tilespmem:s4+$0x460]  }
0x834: {  	v31 =	vld [tilespmem:s4+$0x470]  }
0x835: {  	v32 =	vld [tilespmem:s14+$0x0]  }
0x836: {  	v33 =	vld [tilespmem:s14+$0x10]  }
0x837: {  	v34 =	vld [tilespmem:s14+$0x20]  }
0x838: {  	v35 =	vld [tilespmem:s14+$0x30]  }
0x839: {  	v36 =	vld [tilespmem:s14+$0x40]  }
0x83a: {  	v37 =	vld [tilespmem:s14+$0x50]  }
0x83b: {  	v38 =	vld [tilespmem:s14+$0x60]  }
0x83c: {  	v39 =	vld [tilespmem:s14+$0x70]  }
0x83d: {  	v40 =	vld [tilespmem:s14+$0x400]  }
0x83e: {  	v41 =	vld [tilespmem:s14+$0x410]  }
0x83f: {  	v42 =	vld [tilespmem:s14+$0x420]  }
0x840: {  	v43 =	vld [tilespmem:s14+$0x430]  }
0x841: {  	v44 =	vld [tilespmem:s14+$0x440]  }
0x842: {  	v45 =	vld [tilespmem:s14+$0x450]  }
0x843: {  	v46 =	vld [tilespmem:s14+$0x460]  }
0x844: {  	v47 =	vld [tilespmem:s14+$0x470]  }
0x845: {  	[tilespmem:s13+$0x12000] =	vst.add.f32.msk $0xffff, v1  }
0x846: {  	[tilespmem:s13+$0x12010] =	vst.add.f32.msk $0xffff, v2  }
0x847: {  	[tilespmem:s13+$0x12020] =	vst.add.f32.msk $0xffff, v3  }
0x848: {  	[tilespmem:s13+$0x12030] =	vst.add.f32.msk $0xffff, v4  }
0x849: {  	[tilespmem:s13+$0x12040] =	vst.add.f32.msk $0xffff, v0  }
0x84a: {  	[tilespmem:s13+$0x12050] =	vst.add.f32.msk $0xffff, v5  }
0x84b: {  	[tilespmem:s13+$0x12060] =	vst.add.f32.msk $0xffff, v6  }
0x84c: {  	[tilespmem:s13+$0x12070] =	vst.add.f32.msk $0xffff, v7  }
0x84d: {  	[tilespmem:s13+$0x12400] =	vst.add.f32.msk $0xffff, v8  }
0x84e: {  	[tilespmem:s13+$0x12410] =	vst.add.f32.msk $0xffff, v9  }
0x84f: {  	[tilespmem:s13+$0x12420] =	vst.add.f32.msk $0xffff, v10  }
0x850: {  	[tilespmem:s13+$0x12430] =	vst.add.f32.msk $0xffff, v11  }
0x851: {  	[tilespmem:s13+$0x12440] =	vst.add.f32.msk $0xffff, v12  }
0x852: {  	[tilespmem:s13+$0x12450] =	vst.add.f32.msk $0xffff, v13  }
0x853: {  	[tilespmem:s13+$0x12460] =	vst.add.f32.msk $0xffff, v14  }
0x854: {  	[tilespmem:s13+$0x12470] =	vst.add.f32.msk $0xffff, v15  }
0x855: {  	[tilespmem:s4+$0x12000] =	vst.add.f32.msk $0xffff, v16  }
0x856: {  	[tilespmem:s4+$0x12010] =	vst.add.f32.msk $0xffff, v17  }
0x857: {  	[tilespmem:s4+$0x12020] =	vst.add.f32.msk $0xffff, v18  }
0x858: {  	[tilespmem:s4+$0x12030] =	vst.add.f32.msk $0xffff, v19  }
0x859: {  	[tilespmem:s4+$0x12040] =	vst.add.f32.msk $0xffff, v20  }
0x85a: {  	[tilespmem:s4+$0x12050] =	vst.add.f32.msk $0xffff, v21  }
0x85b: {  	[tilespmem:s4+$0x12060] =	vst.add.f32.msk $0xffff, v22  }
0x85c: {  	[tilespmem:s4+$0x12070] =	vst.add.f32.msk $0xffff, v23  }
0x85d: {  	[tilespmem:s4+$0x12400] =	vst.add.f32.msk $0xffff, v24  }
0x85e: {  	[tilespmem:s4+$0x12410] =	vst.add.f32.msk $0xffff, v25  }
0x85f: {  	[tilespmem:s4+$0x12420] =	vst.add.f32.msk $0xffff, v26  }
0x860: {  	[tilespmem:s4+$0x12430] =	vst.add.f32.msk $0xffff, v27  }
0x861: {  	[tilespmem:s4+$0x12440] =	vst.add.f32.msk $0xffff, v28  }
0x862: {  	[tilespmem:s4+$0x12450] =	vst.add.f32.msk $0xffff, v29  }
0x863: {  	[tilespmem:s4+$0x12460] =	vst.add.f32.msk $0xffff, v30  }
0x864: {  	[tilespmem:s4+$0x12470] =	vst.add.f32.msk $0xffff, v31  }
0x865: {  	[tilespmem:s14+$0x12000] =	vst.add.f32.msk $0xffff, v32  }
0x866: {  	[tilespmem:s14+$0x12010] =	vst.add.f32.msk $0xffff, v33  }
0x867: {  	[tilespmem:s14+$0x12020] =	vst.add.f32.msk $0xffff, v34  }
0x868: {  	[tilespmem:s14+$0x12030] =	vst.add.f32.msk $0xffff, v35  }
0x869: {  	[tilespmem:s14+$0x12040] =	vst.add.f32.msk $0xffff, v36  }
0x86a: {  	[tilespmem:s14+$0x12050] =	vst.add.f32.msk $0xffff, v37  }
0x86b: {  	[tilespmem:s14+$0x12060] =	vst.add.f32.msk $0xffff, v38  }
0x86c: {  	[tilespmem:s14+$0x12070] =	vst.add.f32.msk $0xffff, v39  }
0x86d: {  	[tilespmem:s14+$0x12400] =	vst.add.f32.msk $0xffff, v40  }
0x86e: {  	[tilespmem:s14+$0x12410] =	vst.add.f32.msk $0xffff, v41  }
0x86f: {  	[tilespmem:s14+$0x12420] =	vst.add.f32.msk $0xffff, v42  }
0x870: {  	[tilespmem:s14+$0x12430] =	vst.add.f32.msk $0xffff, v43  }
0x871: {  	[tilespmem:s14+$0x12440] =	vst.add.f32.msk $0xffff, v44  }
0x872: {  	[tilespmem:s14+$0x12450] =	vst.add.f32.msk $0xffff, v45  }
0x873: {  	[tilespmem:s14+$0x12460] =	vst.add.f32.msk $0xffff, v46  }
0x874: {  	[tilespmem:s14+$0x12470] =	vst.add.f32.msk $0xffff, v47  }
0x875: {  	v0 =	vld [tilespmem:s12+$0x0]  }
0x876: {  	v1 =	vld [tilespmem:s12+$0x10]  }
0x877: {  	v2 =	vld [tilespmem:s12+$0x20]  }
0x878: {  	v3 =	vld [tilespmem:s12+$0x30]  }
0x879: {  	v4 =	vld [tilespmem:s12+$0x40]  }
0x87a: {  	v5 =	vld [tilespmem:s12+$0x50]  }
0x87b: {  	v6 =	vld [tilespmem:s12+$0x60]  }
0x87c: {  	v7 =	vld [tilespmem:s12+$0x70]  }
0x87d: {  	v8 =	vld [tilespmem:s20+$0x0]  }
0x87e: {  	v9 =	vld [tilespmem:s20+$0x10]  }
0x87f: {  	v10 =	vld [tilespmem:s20+$0x20]  }
0x880: {  	v11 =	vld [tilespmem:s20+$0x30]  }
0x881: {  	v12 =	vld [tilespmem:s20+$0x40]  }
0x882: {  	v13 =	vld [tilespmem:s20+$0x50]  }
0x883: {  	v14 =	vld [tilespmem:s20+$0x60]  }
0x884: {  	v15 =	vld [tilespmem:s20+$0x70]  }
0x885: {  	v16 =	vld [tilespmem:s11+$0x0]  }
0x886: {  	v17 =	vld [tilespmem:s11+$0x10]  }
0x887: {  	v18 =	vld [tilespmem:s11+$0x20]  }
0x888: {  	v19 =	vld [tilespmem:s11+$0x30]  }
0x889: {  	v20 =	vld [tilespmem:s11+$0x40]  }
0x88a: {  	v21 =	vld [tilespmem:s11+$0x50]  }
0x88b: {  	v22 =	vld [tilespmem:s11+$0x60]  }
0x88c: {  	v23 =	vld [tilespmem:s11+$0x70]  }
0x88d: {  	[tilespmem:s12+$0x12000] =	vst.add.f32.msk $0xffff, v0  }
0x88e: {  	[tilespmem:s12+$0x12010] =	vst.add.f32.msk $0xffff, v1  }
0x88f: {  	[tilespmem:s12+$0x12020] =	vst.add.f32.msk $0xffff, v2  }
0x890: {  	[tilespmem:s12+$0x12030] =	vst.add.f32.msk $0xffff, v3  }
0x891: {  	[tilespmem:s12+$0x12040] =	vst.add.f32.msk $0xffff, v4  }
0x892: {  	[tilespmem:s12+$0x12050] =	vst.add.f32.msk $0xffff, v5  }
0x893: {  	[tilespmem:s12+$0x12060] =	vst.add.f32.msk $0xffff, v6  }
0x894: {  	[tilespmem:s12+$0x12070] =	vst.add.f32.msk $0xffff, v7  }
0x895: {  	[tilespmem:s20+$0x12000] =	vst.add.f32.msk $0xffff, v8  }
0x896: {  	[tilespmem:s20+$0x12010] =	vst.add.f32.msk $0xffff, v9  }
0x897: {  	[tilespmem:s20+$0x12020] =	vst.add.f32.msk $0xffff, v10  }
0x898: {  	[tilespmem:s20+$0x12030] =	vst.add.f32.msk $0xffff, v11  }
0x899: {  	[tilespmem:s20+$0x12040] =	vst.add.f32.msk $0xffff, v12  }
0x89a: {  	[tilespmem:s20+$0x12050] =	vst.add.f32.msk $0xffff, v13  }
0x89b: {  	[tilespmem:s20+$0x12060] =	vst.add.f32.msk $0xffff, v14  }
0x89c: {  	[tilespmem:s20+$0x12070] =	vst.add.f32.msk $0xffff, v15  }
0x89d: {  	[tilespmem:s11+$0x12000] =	vst.add.f32.msk $0xffff, v16  }
0x89e: {  	[tilespmem:s11+$0x12010] =	vst.add.f32.msk $0xffff, v17  }
0x89f: {  	[tilespmem:s11+$0x12020] =	vst.add.f32.msk $0xffff, v18  }
0x8a0: {  	[tilespmem:s11+$0x12030] =	vst.add.f32.msk $0xffff, v19  }
0x8a1: {  	[tilespmem:s11+$0x12040] =	vst.add.f32.msk $0xffff, v20  }
0x8a2: {  	[tilespmem:s11+$0x12050] =	vst.add.f32.msk $0xffff, v21  }
0x8a3: {  	[tilespmem:s11+$0x12060] =	vst.add.f32.msk $0xffff, v22  }
0x8a4: {  	[tilespmem:s11+$0x12070] =	vst.add.f32.msk $0xffff, v23  }
0x8a5: {  	v0 =	vld [tilespmem:s10+$0x0]  }
0x8a6: {  	v1 =	vld [tilespmem:s10+$0x10]  }
0x8a7: {  	v2 =	vld [tilespmem:s10+$0x20]  }
0x8a8: {  	v3 =	vld [tilespmem:s10+$0x30]  }
0x8a9: {  	v4 =	vld [tilespmem:s10+$0x40]  }
0x8aa: {  	v5 =	vld [tilespmem:s10+$0x50]  }
0x8ab: {  	v6 =	vld [tilespmem:s10+$0x60]  }
0x8ac: {  	v7 =	vld [tilespmem:s10+$0x70]  }
0x8ad: {  	v8 =	vld [tilespmem:s3+$0x0]  }
0x8ae: {  	v9 =	vld [tilespmem:s3+$0x10]  }
0x8af: {  	v10 =	vld [tilespmem:s3+$0x20]  }
0x8b0: {  	v11 =	vld [tilespmem:s3+$0x30]  }
0x8b1: {  	v12 =	vld [tilespmem:s3+$0x40]  }
0x8b2: {  	v13 =	vld [tilespmem:s3+$0x50]  }
0x8b3: {  	v14 =	vld [tilespmem:s3+$0x60]  }
0x8b4: {  	v15 =	vld [tilespmem:s3+$0x70]  }
0x8b5: {  	v16 =	vld [tilespmem:s22+$0x0]  }
0x8b6: {  	v17 =	vld [tilespmem:s22+$0x10]  }
0x8b7: {  	v18 =	vld [tilespmem:s22+$0x20]  }
0x8b8: {  	v19 =	vld [tilespmem:s22+$0x30]  }
0x8b9: {  	v20 =	vld [tilespmem:s22+$0x40]  }
0x8ba: {  	v21 =	vld [tilespmem:s22+$0x50]  }
0x8bb: {  	v22 =	vld [tilespmem:s22+$0x60]  }
0x8bc: {  	v23 =	vld [tilespmem:s22+$0x70]  }
0x8bd: {  	[tilespmem:s10+$0x12000] =	vst.add.f32.msk $0xffff, v0  }
0x8be: {  	[tilespmem:s10+$0x12010] =	vst.add.f32.msk $0xffff, v1  }
0x8bf: {  	[tilespmem:s10+$0x12020] =	vst.add.f32.msk $0xffff, v2  }
0x8c0: {  	[tilespmem:s10+$0x12030] =	vst.add.f32.msk $0xffff, v3  }
0x8c1: {  	[tilespmem:s10+$0x12040] =	vst.add.f32.msk $0xffff, v4  }
0x8c2: {  	[tilespmem:s10+$0x12050] =	vst.add.f32.msk $0xffff, v5  }
0x8c3: {  	[tilespmem:s10+$0x12060] =	vst.add.f32.msk $0xffff, v6  }
0x8c4: {  	[tilespmem:s10+$0x12070] =	vst.add.f32.msk $0xffff, v7  }
0x8c5: {  	[tilespmem:s3+$0x12000] =	vst.add.f32.msk $0xffff, v8  }
0x8c6: {  	[tilespmem:s3+$0x12010] =	vst.add.f32.msk $0xffff, v9  }
0x8c7: {  	[tilespmem:s3+$0x12020] =	vst.add.f32.msk $0xffff, v10  }
0x8c8: {  	[tilespmem:s3+$0x12030] =	vst.add.f32.msk $0xffff, v11  }
0x8c9: {  	[tilespmem:s3+$0x12040] =	vst.add.f32.msk $0xffff, v12  }
0x8ca: {  	[tilespmem:s3+$0x12050] =	vst.add.f32.msk $0xffff, v13  }
0x8cb: {  	[tilespmem:s3+$0x12060] =	vst.add.f32.msk $0xffff, v14  }
0x8cc: {  	[tilespmem:s3+$0x12070] =	vst.add.f32.msk $0xffff, v15  }
0x8cd: {  	[tilespmem:s22+$0x12000] =	vst.add.f32.msk $0xffff, v16  }
0x8ce: {  	[tilespmem:s22+$0x12010] =	vst.add.f32.msk $0xffff, v17  }
0x8cf: {  	[tilespmem:s22+$0x12020] =	vst.add.f32.msk $0xffff, v18  }
0x8d0: {  	[tilespmem:s22+$0x12030] =	vst.add.f32.msk $0xffff, v19  }
0x8d1: {  	[tilespmem:s22+$0x12040] =	vst.add.f32.msk $0xffff, v20  }
0x8d2: {  	[tilespmem:s22+$0x12050] =	vst.add.f32.msk $0xffff, v21  }
0x8d3: {  	[tilespmem:s22+$0x12060] =	vst.add.f32.msk $0xffff, v22  }
0x8d4: {  	[tilespmem:s22+$0x12070] =	vst.add.f32.msk $0xffff, v23  }
0x8d5: {  	v0 =	vld [tilespmem:s21+$0x0]  }
0x8d6: {  	v1 =	vld [tilespmem:s21+$0x10]  }
0x8d7: {  	v2 =	vld [tilespmem:s21+$0x20]  }
0x8d8: {  	v3 =	vld [tilespmem:s21+$0x30]  }
0x8d9: {  	v4 =	vld [tilespmem:s21+$0x40]  }
0x8da: {  	v5 =	vld [tilespmem:s21+$0x50]  }
0x8db: {  	v6 =	vld [tilespmem:s21+$0x60]  }
0x8dc: {  	v7 =	vld [tilespmem:s21+$0x70]  }
0x8dd: {  	v8 =	vld [tilespmem:s9+$0x0]  }
0x8de: {  	v9 =	vld [tilespmem:s9+$0x10]  }
0x8df: {  	v10 =	vld [tilespmem:s9+$0x20]  }
0x8e0: {  	v11 =	vld [tilespmem:s9+$0x30]  }
0x8e1: {  	v12 =	vld [tilespmem:s9+$0x40]  }
0x8e2: {  	v13 =	vld [tilespmem:s9+$0x50]  }
0x8e3: {  	v14 =	vld [tilespmem:s9+$0x60]  }
0x8e4: {  	v15 =	vld [tilespmem:s9+$0x70]  }
0x8e5: {  	v16 =	vld [tilespmem:s8+$0x0]  }
0x8e6: {  	v17 =	vld [tilespmem:s8+$0x10]  }
0x8e7: {  	v18 =	vld [tilespmem:s8+$0x20]  }
0x8e8: {  	v19 =	vld [tilespmem:s8+$0x30]  }
0x8e9: {  	v20 =	vld [tilespmem:s8+$0x40]  }
0x8ea: {  	v21 =	vld [tilespmem:s8+$0x50]  }
0x8eb: {  	v22 =	vld [tilespmem:s8+$0x60]  }
0x8ec: {  	v23 =	vld [tilespmem:s8+$0x70]  }
0x8ed: {  	[tilespmem:s21+$0x12000] =	vst.add.f32.msk $0xffff, v0  }
0x8ee: {  	[tilespmem:s21+$0x12010] =	vst.add.f32.msk $0xffff, v1  }
0x8ef: {  	[tilespmem:s21+$0x12020] =	vst.add.f32.msk $0xffff, v2  }
0x8f0: {  	[tilespmem:s21+$0x12030] =	vst.add.f32.msk $0xffff, v3  }
0x8f1: {  	[tilespmem:s21+$0x12040] =	vst.add.f32.msk $0xffff, v4  }
0x8f2: {  	[tilespmem:s21+$0x12050] =	vst.add.f32.msk $0xffff, v5  }
0x8f3: {  	[tilespmem:s21+$0x12060] =	vst.add.f32.msk $0xffff, v6  }
0x8f4: {  	[tilespmem:s21+$0x12070] =	vst.add.f32.msk $0xffff, v7  }
0x8f5: {  	[tilespmem:s9+$0x12000] =	vst.add.f32.msk $0xffff, v8  }
0x8f6: {  	[tilespmem:s9+$0x12010] =	vst.add.f32.msk $0xffff, v9  }
0x8f7: {  	[tilespmem:s9+$0x12020] =	vst.add.f32.msk $0xffff, v10  }
0x8f8: {  	[tilespmem:s9+$0x12030] =	vst.add.f32.msk $0xffff, v11  }
0x8f9: {  	[tilespmem:s9+$0x12040] =	vst.add.f32.msk $0xffff, v12  }
0x8fa: {  	[tilespmem:s9+$0x12050] =	vst.add.f32.msk $0xffff, v13  }
0x8fb: {  	[tilespmem:s9+$0x12060] =	vst.add.f32.msk $0xffff, v14  }
0x8fc: {  	[tilespmem:s9+$0x12070] =	vst.add.f32.msk $0xffff, v15  }
0x8fd: {  	[tilespmem:s8+$0x12000] =	vst.add.f32.msk $0xffff, v16  }
0x8fe: {  	[tilespmem:s8+$0x12010] =	vst.add.f32.msk $0xffff, v17  }
0x8ff: {  	[tilespmem:s8+$0x12020] =	vst.add.f32.msk $0xffff, v18  }
0x900: {  	[tilespmem:s8+$0x12030] =	vst.add.f32.msk $0xffff, v19  }
0x901: {  	[tilespmem:s8+$0x12040] =	vst.add.f32.msk $0xffff, v20  }
0x902: {  	[tilespmem:s8+$0x12050] =	vst.add.f32.msk $0xffff, v21  }
0x903: {  	[tilespmem:s8+$0x12060] =	vst.add.f32.msk $0xffff, v22  }
0x904: {  	[tilespmem:s8+$0x12070] =	vst.add.f32.msk $0xffff, v23  }
0x905: {  	v5 =	vld [tilespmem:s7+$0x0]  }
0x906: {  	v6 =	vld [tilespmem:s7+$0x10]  }
0x907: {  	v7 =	vld [tilespmem:s7+$0x20]  }
0x908: {  	v8 =	vld [tilespmem:s7+$0x30]  }
0x909: {  	v9 =	vld [tilespmem:s7+$0x40]  }
0x90a: {  	v10 =	vld [tilespmem:s7+$0x50]  }
0x90b: {  	v11 =	vld [tilespmem:s7+$0x60]  }
0x90c: {  	v12 =	vld [tilespmem:s7+$0x70]  }
0x90d: {  	v13 =	vld [tilespmem:s0+$0x0]  }
0x90e: {  	v14 =	vld [tilespmem:s0+$0x10]  }
0x90f: {  	v15 =	vld [tilespmem:s0+$0x20]  }
0x910: {  	v16 =	vld [tilespmem:s0+$0x30]  }
0x911: {  	v17 =	vld [tilespmem:s0+$0x40]  }
0x912: {  	v18 =	vld [tilespmem:s0+$0x50]  }
0x913: {  	v19 =	vld [tilespmem:s0+$0x60]  }
0x914: {  	v20 =	vld [tilespmem:s0+$0x70]  }
0x915: {  	v21 =	vld [tilespmem:s2+$0x0]  }
0x916: {  	v22 =	vld [tilespmem:s2+$0x10]  }
0x917: {  	v23 =	vld [tilespmem:s2+$0x20]  }
0x918: {  	v24 =	vld [tilespmem:s2+$0x30]  }
0x919: {  	v25 =	vld [tilespmem:s2+$0x40]  }
0x91a: {  	v26 =	vld [tilespmem:s2+$0x50]  }
0x91b: {  	v27 =	vld [tilespmem:s2+$0x60]  }
0x91c: {  	v28 =	vld [tilespmem:s2+$0x70]  }
0x91d: {  	v29 =	vld [tilespmem:s30+$0x0]  }
0x91e: {  	v30 =	vld [tilespmem:s30+$0x10]  }
0x91f: {  	v4 =	vld [tilespmem:s30+$0x20]  }
0x920: {  	v3 =	vld [tilespmem:s30+$0x30]  }
0x921: {  	v2 =	vld [tilespmem:s30+$0x40]  }
0x922: {  	v1 =	vld [tilespmem:s30+$0x50]  }
0x923: {  	v0 =	vld [tilespmem:s30+$0x60]  }
0x924: {  	[tilespmem:s7+$0x12000] =	vst.add.f32.msk $0xffff, v5  }
0x925: {  	[tilespmem:s7+$0x12010] =	vst.add.f32.msk $0xffff, v6  }
0x926: {  	[tilespmem:s7+$0x12020] =	vst.add.f32.msk $0xffff, v7  }
0x927: {  	[tilespmem:s7+$0x12030] =	vst.add.f32.msk $0xffff, v8  }
0x928: {  	[tilespmem:s7+$0x12040] =	vst.add.f32.msk $0xffff, v9  }
0x929: {  	[tilespmem:s7+$0x12050] =	vst.add.f32.msk $0xffff, v10  }
0x92a: {  	[tilespmem:s7+$0x12060] =	vst.add.f32.msk $0xffff, v11  }
0x92b: {  	[tilespmem:s7+$0x12070] =	vst.add.f32.msk $0xffff, v12  }
0x92c: {  	[tilespmem:s0+$0x12000] =	vst.add.f32.msk $0xffff, v13  }
0x92d: {  	[tilespmem:s0+$0x12010] =	vst.add.f32.msk $0xffff, v14  }
0x92e: {  	[tilespmem:s0+$0x12020] =	vst.add.f32.msk $0xffff, v15  }
0x92f: {  	[tilespmem:s0+$0x12030] =	vst.add.f32.msk $0xffff, v16  }
0x930: {  	[tilespmem:s0+$0x12040] =	vst.add.f32.msk $0xffff, v17  }
0x931: {  	[tilespmem:s0+$0x12050] =	vst.add.f32.msk $0xffff, v18  }
0x932: {  	[tilespmem:s0+$0x12060] =	vst.add.f32.msk $0xffff, v19  }
0x933: {  	[tilespmem:s0+$0x12070] =	vst.add.f32.msk $0xffff, v20  }
0x934: {  	[tilespmem:s2+$0x12000] =	vst.add.f32.msk $0xffff, v21  }
0x935: {  	[tilespmem:s2+$0x12010] =	vst.add.f32.msk $0xffff, v22  }
0x936: {  	[tilespmem:s2+$0x12020] =	vst.add.f32.msk $0xffff, v23  }
0x937: {  	[tilespmem:s2+$0x12030] =	vst.add.f32.msk $0xffff, v24  }
0x938: {  	[tilespmem:s2+$0x12040] =	vst.add.f32.msk $0xffff, v25  }
.Ltmp4:
0x939: {  	[tilespmem:s2+$0x12050] =	vst.add.f32.msk $0xffff, v26;
	(pc) =	sbr.rel @p1 .LBB2_10-.Ltmp4, $4  }
0x93a: {  	[tilespmem:s2+$0x12060] =	vst.add.f32.msk $0xffff, v27  }
0x93b: {  	[tilespmem:s2+$0x12070] =	vst.add.f32.msk $0xffff, v28  }
0x93c: {  	[tilespmem:s30+$0x12000] =	vst.add.f32.msk $0xffff, v29  }
0x93d: {  	[tilespmem:s30+$0x12010] =	vst.add.f32.msk $0xffff, v30  }
0x93e: {  	[tilespmem:s30+$0x12020] =	vst.add.f32.msk $0xffff, v4  }
0x93f: {  	[tilespmem:s30+$0x12030] =	vst.add.f32.msk $0xffff, v3  }
0x940: {  	[tilespmem:s30+$0x12040] =	vst.add.f32.msk $0xffff, v2  }
0x941: {  	[tilespmem:s30+$0x12050] =	vst.add.f32.msk $0xffff, v1;
	s0 =	rddreg [dreg:$0x2]  }
0x942: {  	[tilespmem:s30+$0x12060] =	vst.add.f32.msk $0xffff, v0;
	s29 =	simm.s32 $0x12000;
	s0 =	sadd.s32 s0, s26  }
0x943: {  	[hbm4b:s0+s6] =	stream.linear.scatter [tilespmem:s29], [sflag:$0x7], $0x6000, $0x38;
	[tilespmem:$0x1E000] =	vst v63  }
0x944: {  	s0 =	sadd.s32 @!p0 $0x5, s24  }
0x945: {  	s2 =	sand.u32 @!p0 $0x5, s0  }
0x946: {  	s0 =	sshrl.u32 @!p0 s0, $0x1;
	s2 =	sor.u32 @!p0 s5, s2  }
0x947: {  	s0 =	sand.u32 @!p0 $0xFC, s0;
	s2 =	smul.u32 @!p0 $0x6C000, s2  }
0x948: {  	s3 =	simm.s32 $0x6;
	s0 =	smul.u32 @!p0 $0x1800, s0  }
0x949: {  	_ =	swait.ge [sflag:s3], $0x6000  }
0x94a: {  	s31 =	simm.s32 $0x0;
	[sflag:s3] =	ssyncset.done $0x0;
	s0 =	sadd.s32 @!p0 s0, s2  }
0x94b: {  	s24 =	simm.s32 $0x0;
	[sflag:s3] =	ssyncadd.s32 $0xFFFFA000;
	s0 =	sshrl.u32 @!p0 s0, $0x3  }
0x94c: {  	s3 =	simm.s32 @!p0 $0xC000;
	s2 =	simm.s32 @!p0 $0x0;
	s0 =	sadd.s32 @!p0 s1, s0  }
0x94d: {  	[tilespmem:s3], [sflag:$0x2] =	stream.linear.gather @!p0 [hbm4b:s0+s2], $0x6000, $0x38;
	[tilespmem:$0x1E000] =	vst v63  }
0x94e: {  	s30 =	sand.u32 $0x200, s24;
	s2 =	smul.u32 $0x1800, s31;
	_ =	swait.ge [sflag:s19], $0x6000  }
0x94f: {  	s31 =	sor.u32 $0x180, s30;
	[sflag:s19] =	ssyncset.done $0x0  }
0x950: {  	s4 =	sor.u32 s2, s31;
	[sflag:s19] =	ssyncadd.s32 $0xFFFFA000  }
0x951: {  	v0 =	vld [tilespmem:s4+$0x0]  }
0x952: {  	v1 =	vld [tilespmem:s4+$0x10]  }
0x953: {  	v2 =	vld [tilespmem:s4+$0x20]  }
0x954: {  	v3 =	vld [tilespmem:s4+$0x30]  }
0x955: {  	v4 =	vld [tilespmem:s4+$0x40]  }
0x956: {  	v5 =	vld [tilespmem:s4+$0x50]  }
0x957: {  	v6 =	vld [tilespmem:s4+$0x60]  }
0x958: {  	v7 =	vld [tilespmem:s4+$0x70]  }
0x959: {  	v8 =	vld [tilespmem:s4+$0x400]  }
0x95a: {  	v9 =	vld [tilespmem:s4+$0x410]  }
0x95b: {  	v10 =	vld [tilespmem:s4+$0x420]  }
0x95c: {  	v11 =	vld [tilespmem:s4+$0x430]  }
0x95d: {  	v12 =	vld [tilespmem:s4+$0x440]  }
0x95e: {  	v13 =	vld [tilespmem:s4+$0x450]  }
0x95f: {  	v14 =	vld [tilespmem:s4+$0x460]  }
0x960: {  	s8 =	sor.u32 s30, s2;
	v15 =	vld [tilespmem:s4+$0x470]  }
0x961: {  	v44 =	vld [tilespmem:s8+$0x400]  }
0x962: {  	v45 =	vld [tilespmem:s8+$0x410]  }
0x963: {  	v46 =	vld [tilespmem:s8+$0x420]  }
0x964: {  	v47 =	vld [tilespmem:s8+$0x430]  }
0x965: {  	v48 =	vld [tilespmem:s8+$0x440]  }
0x966: {  	v49 =	vld [tilespmem:s8+$0x450]  }
0x967: {  	s15 =	sor.u32 $0x100, s30;
	v50 =	vld [tilespmem:s8+$0x460]  }
0x968: {  	s16 =	sor.u32 s2, s15;
	v51 =	vld [tilespmem:s8+$0x470]  }
0x969: {  	v52 =	vld [tilespmem:s16+$0x400]  }
0x96a: {  	v53 =	vld [tilespmem:s16+$0x410]  }
0x96b: {  	v54 =	vld [tilespmem:s16+$0x420]  }
0x96c: {  	v55 =	vld [tilespmem:s16+$0x430]  }
0x96d: {  	v56 =	vld [tilespmem:s16+$0x440]  }
0x96e: {  	v57 =	vld [tilespmem:s16+$0x450]  }
0x96f: {  	v58 =	vld [tilespmem:s16+$0x460]  }
0x970: {  	v59 =	vld [tilespmem:s16+$0x470]  }
0x971: {  	[tilespmem:s4+$0x18000] =	vst.add.f32.msk $0xffff, v0  }
0x972: {  	[tilespmem:s4+$0x18010] =	vst.add.f32.msk $0xffff, v1  }
0x973: {  	[tilespmem:s4+$0x18020] =	vst.add.f32.msk $0xffff, v2  }
0x974: {  	[tilespmem:s4+$0x18030] =	vst.add.f32.msk $0xffff, v3  }
0x975: {  	[tilespmem:s4+$0x18040] =	vst.add.f32.msk $0xffff, v4  }
0x976: {  	[tilespmem:s4+$0x18050] =	vst.add.f32.msk $0xffff, v5  }
0x977: {  	[tilespmem:s4+$0x18060] =	vst.add.f32.msk $0xffff, v6  }
0x978: {  	[tilespmem:s4+$0x18070] =	vst.add.f32.msk $0xffff, v7  }
0x979: {  	[tilespmem:s4+$0x18400] =	vst.add.f32.msk $0xffff, v8  }
0x97a: {  	[tilespmem:s4+$0x18410] =	vst.add.f32.msk $0xffff, v9  }
0x97b: {  	[tilespmem:s4+$0x18420] =	vst.add.f32.msk $0xffff, v10  }
0x97c: {  	[tilespmem:s4+$0x18430] =	vst.add.f32.msk $0xffff, v11  }
0x97d: {  	[tilespmem:s4+$0x18440] =	vst.add.f32.msk $0xffff, v12  }
0x97e: {  	[tilespmem:s4+$0x18450] =	vst.add.f32.msk $0xffff, v13  }
0x97f: {  	[tilespmem:s4+$0x18460] =	vst.add.f32.msk $0xffff, v14  }
0x980: {  	[tilespmem:s4+$0x18470] =	vst.add.f32.msk $0xffff, v15  }
0x981: {  	[tilespmem:s8+$0x18400] =	vst.add.f32.msk $0xffff, v44  }
0x982: {  	[tilespmem:s8+$0x18410] =	vst.add.f32.msk $0xffff, v45  }
0x983: {  	[tilespmem:s8+$0x18420] =	vst.add.f32.msk $0xffff, v46  }
0x984: {  	[tilespmem:s8+$0x18430] =	vst.add.f32.msk $0xffff, v47  }
0x985: {  	[tilespmem:s8+$0x18440] =	vst.add.f32.msk $0xffff, v48  }
0x986: {  	[tilespmem:s8+$0x18450] =	vst.add.f32.msk $0xffff, v49  }
0x987: {  	[tilespmem:s8+$0x18460] =	vst.add.f32.msk $0xffff, v50  }
0x988: {  	[tilespmem:s8+$0x18470] =	vst.add.f32.msk $0xffff, v51  }
0x989: {  	[tilespmem:s16+$0x18400] =	vst.add.f32.msk $0xffff, v52  }
0x98a: {  	[tilespmem:s16+$0x18410] =	vst.add.f32.msk $0xffff, v53  }
0x98b: {  	[tilespmem:s16+$0x18420] =	vst.add.f32.msk $0xffff, v54  }
0x98c: {  	[tilespmem:s16+$0x18430] =	vst.add.f32.msk $0xffff, v55  }
0x98d: {  	[tilespmem:s16+$0x18440] =	vst.add.f32.msk $0xffff, v56  }
0x98e: {  	[tilespmem:s16+$0x18450] =	vst.add.f32.msk $0xffff, v57  }
0x98f: {  	s10 =	sadd.s32 $0x800, s2;
	[tilespmem:s16+$0x18460] =	vst.add.f32.msk $0xffff, v58  }
0x990: {  	s11 =	sor.u32 s31, s10;
	[tilespmem:s16+$0x18470] =	vst.add.f32.msk $0xffff, v59  }
0x991: {  	v0 =	vld [tilespmem:s11+$0x0]  }
0x992: {  	v1 =	vld [tilespmem:s11+$0x10]  }
0x993: {  	v2 =	vld [tilespmem:s11+$0x20]  }
0x994: {  	v3 =	vld [tilespmem:s11+$0x30]  }
0x995: {  	v4 =	vld [tilespmem:s11+$0x40]  }
0x996: {  	v5 =	vld [tilespmem:s11+$0x50]  }
0x997: {  	v6 =	vld [tilespmem:s11+$0x60]  }
0x998: {  	v7 =	vld [tilespmem:s11+$0x70]  }
0x999: {  	[tilespmem:s11+$0x18000] =	vst.add.f32.msk $0xffff, v0  }
0x99a: {  	[tilespmem:s11+$0x18010] =	vst.add.f32.msk $0xffff, v1  }
0x99b: {  	[tilespmem:s11+$0x18020] =	vst.add.f32.msk $0xffff, v2  }
0x99c: {  	[tilespmem:s11+$0x18030] =	vst.add.f32.msk $0xffff, v3  }
0x99d: {  	[tilespmem:s11+$0x18040] =	vst.add.f32.msk $0xffff, v4  }
0x99e: {  	[tilespmem:s11+$0x18050] =	vst.add.f32.msk $0xffff, v5  }
0x99f: {  	s9 =	sadd.s32 $0xC00, s2;
	[tilespmem:s11+$0x18060] =	vst.add.f32.msk $0xffff, v6  }
0x9a0: {  	s12 =	sor.u32 s31, s9;
	[tilespmem:s11+$0x18070] =	vst.add.f32.msk $0xffff, v7  }
0x9a1: {  	v0 =	vld [tilespmem:s12+$0x0]  }
0x9a2: {  	v1 =	vld [tilespmem:s12+$0x10]  }
0x9a3: {  	v2 =	vld [tilespmem:s12+$0x20]  }
0x9a4: {  	v3 =	vld [tilespmem:s12+$0x30]  }
0x9a5: {  	v4 =	vld [tilespmem:s12+$0x40]  }
0x9a6: {  	v5 =	vld [tilespmem:s12+$0x50]  }
0x9a7: {  	s14 =	sor.u32 $0x80, s30;
	v6 =	vld [tilespmem:s12+$0x60]  }
0x9a8: {  	s11 =	sor.u32 s2, s14;
	v7 =	vld [tilespmem:s12+$0x70]  }
0x9a9: {  	v16 =	vld [tilespmem:s11+$0x0]  }
0x9aa: {  	v17 =	vld [tilespmem:s11+$0x10]  }
0x9ab: {  	v18 =	vld [tilespmem:s11+$0x20]  }
0x9ac: {  	v19 =	vld [tilespmem:s11+$0x30]  }
0x9ad: {  	v20 =	vld [tilespmem:s11+$0x40]  }
0x9ae: {  	v21 =	vld [tilespmem:s11+$0x50]  }
0x9af: {  	v22 =	vld [tilespmem:s11+$0x60]  }
0x9b0: {  	v23 =	vld [tilespmem:s11+$0x70]  }
0x9b1: {  	v24 =	vld [tilespmem:s11+$0x400]  }
0x9b2: {  	v25 =	vld [tilespmem:s11+$0x410]  }
0x9b3: {  	v26 =	vld [tilespmem:s11+$0x420]  }
0x9b4: {  	v27 =	vld [tilespmem:s11+$0x430]  }
0x9b5: {  	v28 =	vld [tilespmem:s11+$0x440]  }
0x9b6: {  	v29 =	vld [tilespmem:s11+$0x450]  }
0x9b7: {  	v30 =	vld [tilespmem:s11+$0x460]  }
0x9b8: {  	v31 =	vld [tilespmem:s11+$0x470]  }
0x9b9: {  	[tilespmem:s12+$0x18000] =	vst.add.f32.msk $0xffff, v0  }
0x9ba: {  	[tilespmem:s12+$0x18010] =	vst.add.f32.msk $0xffff, v1  }
0x9bb: {  	[tilespmem:s12+$0x18020] =	vst.add.f32.msk $0xffff, v2  }
0x9bc: {  	[tilespmem:s12+$0x18030] =	vst.add.f32.msk $0xffff, v3  }
0x9bd: {  	[tilespmem:s12+$0x18040] =	vst.add.f32.msk $0xffff, v4  }
0x9be: {  	[tilespmem:s12+$0x18050] =	vst.add.f32.msk $0xffff, v5  }
0x9bf: {  	[tilespmem:s12+$0x18060] =	vst.add.f32.msk $0xffff, v6  }
0x9c0: {  	[tilespmem:s12+$0x18070] =	vst.add.f32.msk $0xffff, v7  }
0x9c1: {  	[tilespmem:s11+$0x18000] =	vst.add.f32.msk $0xffff, v16  }
0x9c2: {  	[tilespmem:s11+$0x18010] =	vst.add.f32.msk $0xffff, v17  }
0x9c3: {  	[tilespmem:s11+$0x18020] =	vst.add.f32.msk $0xffff, v18  }
0x9c4: {  	[tilespmem:s11+$0x18030] =	vst.add.f32.msk $0xffff, v19  }
0x9c5: {  	[tilespmem:s11+$0x18040] =	vst.add.f32.msk $0xffff, v20  }
0x9c6: {  	[tilespmem:s11+$0x18050] =	vst.add.f32.msk $0xffff, v21  }
0x9c7: {  	[tilespmem:s11+$0x18060] =	vst.add.f32.msk $0xffff, v22  }
0x9c8: {  	[tilespmem:s11+$0x18070] =	vst.add.f32.msk $0xffff, v23  }
0x9c9: {  	[tilespmem:s11+$0x18400] =	vst.add.f32.msk $0xffff, v24  }
0x9ca: {  	[tilespmem:s11+$0x18410] =	vst.add.f32.msk $0xffff, v25  }
0x9cb: {  	[tilespmem:s11+$0x18420] =	vst.add.f32.msk $0xffff, v26  }
0x9cc: {  	[tilespmem:s11+$0x18430] =	vst.add.f32.msk $0xffff, v27  }
0x9cd: {  	[tilespmem:s11+$0x18440] =	vst.add.f32.msk $0xffff, v28  }
0x9ce: {  	[tilespmem:s11+$0x18450] =	vst.add.f32.msk $0xffff, v29  }
0x9cf: {  	s7 =	sadd.s32 $0x1000, s2;
	[tilespmem:s11+$0x18460] =	vst.add.f32.msk $0xffff, v30  }
0x9d0: {  	s13 =	sor.u32 s31, s7;
	[tilespmem:s11+$0x18470] =	vst.add.f32.msk $0xffff, v31  }
0x9d1: {  	v0 =	vld [tilespmem:s13+$0x0]  }
0x9d2: {  	v1 =	vld [tilespmem:s13+$0x10]  }
0x9d3: {  	v2 =	vld [tilespmem:s13+$0x20]  }
0x9d4: {  	v3 =	vld [tilespmem:s13+$0x30]  }
0x9d5: {  	v4 =	vld [tilespmem:s13+$0x40]  }
0x9d6: {  	v5 =	vld [tilespmem:s13+$0x50]  }
0x9d7: {  	v6 =	vld [tilespmem:s13+$0x60]  }
0x9d8: {  	v7 =	vld [tilespmem:s13+$0x70]  }
0x9d9: {  	[tilespmem:s13+$0x18000] =	vst.add.f32.msk $0xffff, v0  }
0x9da: {  	[tilespmem:s13+$0x18010] =	vst.add.f32.msk $0xffff, v1  }
0x9db: {  	[tilespmem:s13+$0x18020] =	vst.add.f32.msk $0xffff, v2  }
0x9dc: {  	[tilespmem:s13+$0x18030] =	vst.add.f32.msk $0xffff, v3  }
0x9dd: {  	[tilespmem:s13+$0x18040] =	vst.add.f32.msk $0xffff, v4  }
0x9de: {  	[tilespmem:s13+$0x18050] =	vst.add.f32.msk $0xffff, v5  }
0x9df: {  	[tilespmem:s13+$0x18060] =	vst.add.f32.msk $0xffff, v6  }
0x9e0: {  	[tilespmem:s13+$0x18070] =	vst.add.f32.msk $0xffff, v7  }
0x9e1: {  	v0 =	vld [tilespmem:s8+$0x0]  }
0x9e2: {  	v1 =	vld [tilespmem:s8+$0x10]  }
0x9e3: {  	v2 =	vld [tilespmem:s8+$0x20]  }
0x9e4: {  	v3 =	vld [tilespmem:s8+$0x30]  }
0x9e5: {  	v4 =	vld [tilespmem:s8+$0x40]  }
0x9e6: {  	v5 =	vld [tilespmem:s8+$0x50]  }
0x9e7: {  	s3 =	sadd.s32 $0x1400, s2;
	v6 =	vld [tilespmem:s8+$0x60]  }
0x9e8: {  	s28 =	sor.u32 s31, s3;
	v7 =	vld [tilespmem:s8+$0x70]  }
0x9e9: {  	v62 =	vld [tilespmem:s28+$0x0]  }
0x9ea: {  	v63 =	vld [tilespmem:s28+$0x10]  }
0x9eb: {  	[tilespmem:s8+$0x18000] =	vst.add.f32.msk $0xffff, v0  }
0x9ec: {  	[tilespmem:s8+$0x18010] =	vst.add.f32.msk $0xffff, v1  }
0x9ed: {  	[tilespmem:s8+$0x18020] =	vst.add.f32.msk $0xffff, v2  }
0x9ee: {  	[tilespmem:s8+$0x18030] =	vst.add.f32.msk $0xffff, v3  }
0x9ef: {  	[tilespmem:s8+$0x18040] =	vst.add.f32.msk $0xffff, v4  }
0x9f0: {  	[tilespmem:s8+$0x18050] =	vst.add.f32.msk $0xffff, v5  }
0x9f1: {  	[tilespmem:s8+$0x18060] =	vst.add.f32.msk $0xffff, v6  }
0x9f2: {  	[tilespmem:s8+$0x18070] =	vst.add.f32.msk $0xffff, v7  }
0x9f3: {  	v0 =	vld [tilespmem:s16+$0x0]  }
0x9f4: {  	v1 =	vld [tilespmem:s16+$0x10]  }
0x9f5: {  	v2 =	vld [tilespmem:s16+$0x20]  }
0x9f6: {  	v3 =	vld [tilespmem:s16+$0x30]  }
0x9f7: {  	v4 =	vld [tilespmem:s16+$0x40]  }
0x9f8: {  	v5 =	vld [tilespmem:s16+$0x50]  }
0x9f9: {  	v6 =	vld [tilespmem:s16+$0x60]  }
0x9fa: {  	v7 =	vld [tilespmem:s16+$0x70]  }
0x9fb: {  	[tilespmem:s28+$0x18000] =	vst.add.f32.msk $0xffff, v62  }
0x9fc: {  	[tilespmem:s28+$0x18010] =	vst.add.f32.msk $0xffff, v63  }
0x9fd: {  	[tilespmem:s16+$0x18000] =	vst.add.f32.msk $0xffff, v0  }
0x9fe: {  	[tilespmem:s16+$0x18010] =	vst.add.f32.msk $0xffff, v1  }
0x9ff: {  	[tilespmem:s16+$0x18020] =	vst.add.f32.msk $0xffff, v2  }
0xa00: {  	[tilespmem:s16+$0x18030] =	vst.add.f32.msk $0xffff, v3  }
0xa01: {  	[tilespmem:s16+$0x18040] =	vst.add.f32.msk $0xffff, v4  }
0xa02: {  	[tilespmem:s16+$0x18050] =	vst.add.f32.msk $0xffff, v5  }
0xa03: {  	[tilespmem:s16+$0x18060] =	vst.add.f32.msk $0xffff, v6  }
0xa04: {  	s17 =	sor.u32 s30, s10;
	[tilespmem:s16+$0x18070] =	vst.add.f32.msk $0xffff, v7  }
0xa05: {  	v0 =	vld [tilespmem:s17+$0x0]  }
0xa06: {  	v1 =	vld [tilespmem:s17+$0x10]  }
0xa07: {  	v2 =	vld [tilespmem:s17+$0x20]  }
0xa08: {  	v3 =	vld [tilespmem:s17+$0x30]  }
0xa09: {  	v4 =	vld [tilespmem:s17+$0x40]  }
0xa0a: {  	v5 =	vld [tilespmem:s17+$0x50]  }
0xa0b: {  	v6 =	vld [tilespmem:s17+$0x60]  }
0xa0c: {  	v7 =	vld [tilespmem:s17+$0x70]  }
0xa0d: {  	[tilespmem:s17+$0x18000] =	vst.add.f32.msk $0xffff, v0  }
0xa0e: {  	[tilespmem:s17+$0x18010] =	vst.add.f32.msk $0xffff, v1  }
0xa0f: {  	[tilespmem:s17+$0x18020] =	vst.add.f32.msk $0xffff, v2  }
0xa10: {  	[tilespmem:s17+$0x18030] =	vst.add.f32.msk $0xffff, v3  }
0xa11: {  	[tilespmem:s17+$0x18040] =	vst.add.f32.msk $0xffff, v4  }
0xa12: {  	[tilespmem:s17+$0x18050] =	vst.add.f32.msk $0xffff, v5  }
0xa13: {  	[tilespmem:s17+$0x18060] =	vst.add.f32.msk $0xffff, v6  }
0xa14: {  	s18 =	sor.u32 s14, s10;
	[tilespmem:s17+$0x18070] =	vst.add.f32.msk $0xffff, v7  }
0xa15: {  	v0 =	vld [tilespmem:s18+$0x0]  }
0xa16: {  	v1 =	vld [tilespmem:s18+$0x10]  }
0xa17: {  	v2 =	vld [tilespmem:s18+$0x20]  }
0xa18: {  	v3 =	vld [tilespmem:s18+$0x30]  }
0xa19: {  	v4 =	vld [tilespmem:s18+$0x40]  }
0xa1a: {  	v5 =	vld [tilespmem:s18+$0x50]  }
0xa1b: {  	v6 =	vld [tilespmem:s18+$0x60]  }
0xa1c: {  	v7 =	vld [tilespmem:s18+$0x70]  }
0xa1d: {  	[tilespmem:s18+$0x18000] =	vst.add.f32.msk $0xffff, v0  }
0xa1e: {  	[tilespmem:s18+$0x18010] =	vst.add.f32.msk $0xffff, v1  }
0xa1f: {  	[tilespmem:s18+$0x18020] =	vst.add.f32.msk $0xffff, v2  }
0xa20: {  	[tilespmem:s18+$0x18030] =	vst.add.f32.msk $0xffff, v3  }
0xa21: {  	[tilespmem:s18+$0x18040] =	vst.add.f32.msk $0xffff, v4  }
0xa22: {  	[tilespmem:s18+$0x18050] =	vst.add.f32.msk $0xffff, v5  }
0xa23: {  	[tilespmem:s18+$0x18060] =	vst.add.f32.msk $0xffff, v6  }
0xa24: {  	s10 =	sor.u32 s15, s10;
	[tilespmem:s18+$0x18070] =	vst.add.f32.msk $0xffff, v7  }
0xa25: {  	v0 =	vld [tilespmem:s10+$0x0]  }
0xa26: {  	v1 =	vld [tilespmem:s10+$0x10]  }
0xa27: {  	v2 =	vld [tilespmem:s10+$0x20]  }
0xa28: {  	v3 =	vld [tilespmem:s10+$0x30]  }
0xa29: {  	v4 =	vld [tilespmem:s10+$0x40]  }
0xa2a: {  	v5 =	vld [tilespmem:s10+$0x50]  }
0xa2b: {  	v6 =	vld [tilespmem:s10+$0x60]  }
0xa2c: {  	v7 =	vld [tilespmem:s10+$0x70]  }
0xa2d: {  	[tilespmem:s10+$0x18000] =	vst.add.f32.msk $0xffff, v0  }
0xa2e: {  	[tilespmem:s10+$0x18010] =	vst.add.f32.msk $0xffff, v1  }
0xa2f: {  	[tilespmem:s10+$0x18020] =	vst.add.f32.msk $0xffff, v2  }
0xa30: {  	[tilespmem:s10+$0x18030] =	vst.add.f32.msk $0xffff, v3  }
0xa31: {  	[tilespmem:s10+$0x18040] =	vst.add.f32.msk $0xffff, v4  }
0xa32: {  	[tilespmem:s10+$0x18050] =	vst.add.f32.msk $0xffff, v5  }
0xa33: {  	[tilespmem:s10+$0x18060] =	vst.add.f32.msk $0xffff, v6  }
0xa34: {  	s20 =	sor.u32 s30, s9;
	[tilespmem:s10+$0x18070] =	vst.add.f32.msk $0xffff, v7  }
0xa35: {  	v0 =	vld [tilespmem:s20+$0x0]  }
0xa36: {  	v1 =	vld [tilespmem:s20+$0x10]  }
0xa37: {  	v2 =	vld [tilespmem:s20+$0x20]  }
0xa38: {  	v3 =	vld [tilespmem:s20+$0x30]  }
0xa39: {  	v4 =	vld [tilespmem:s20+$0x40]  }
0xa3a: {  	v5 =	vld [tilespmem:s20+$0x50]  }
0xa3b: {  	v6 =	vld [tilespmem:s20+$0x60]  }
0xa3c: {  	v7 =	vld [tilespmem:s20+$0x70]  }
0xa3d: {  	[tilespmem:s20+$0x18000] =	vst.add.f32.msk $0xffff, v0  }
0xa3e: {  	[tilespmem:s20+$0x18010] =	vst.add.f32.msk $0xffff, v1  }
0xa3f: {  	[tilespmem:s20+$0x18020] =	vst.add.f32.msk $0xffff, v2  }
0xa40: {  	[tilespmem:s20+$0x18030] =	vst.add.f32.msk $0xffff, v3  }
0xa41: {  	[tilespmem:s20+$0x18040] =	vst.add.f32.msk $0xffff, v4  }
0xa42: {  	[tilespmem:s20+$0x18050] =	vst.add.f32.msk $0xffff, v5  }
0xa43: {  	[tilespmem:s20+$0x18060] =	vst.add.f32.msk $0xffff, v6  }
0xa44: {  	s21 =	sor.u32 s14, s9;
	[tilespmem:s20+$0x18070] =	vst.add.f32.msk $0xffff, v7  }
0xa45: {  	v0 =	vld [tilespmem:s21+$0x0]  }
0xa46: {  	v1 =	vld [tilespmem:s21+$0x10]  }
0xa47: {  	v2 =	vld [tilespmem:s21+$0x20]  }
0xa48: {  	v3 =	vld [tilespmem:s21+$0x30]  }
0xa49: {  	v4 =	vld [tilespmem:s21+$0x40]  }
0xa4a: {  	v5 =	vld [tilespmem:s21+$0x50]  }
0xa4b: {  	v6 =	vld [tilespmem:s21+$0x60]  }
0xa4c: {  	v7 =	vld [tilespmem:s21+$0x70]  }
0xa4d: {  	[tilespmem:s21+$0x18000] =	vst.add.f32.msk $0xffff, v0  }
0xa4e: {  	[tilespmem:s21+$0x18010] =	vst.add.f32.msk $0xffff, v1  }
0xa4f: {  	[tilespmem:s21+$0x18020] =	vst.add.f32.msk $0xffff, v2  }
0xa50: {  	[tilespmem:s21+$0x18030] =	vst.add.f32.msk $0xffff, v3  }
0xa51: {  	[tilespmem:s21+$0x18040] =	vst.add.f32.msk $0xffff, v4  }
0xa52: {  	[tilespmem:s21+$0x18050] =	vst.add.f32.msk $0xffff, v5  }
0xa53: {  	[tilespmem:s21+$0x18060] =	vst.add.f32.msk $0xffff, v6  }
0xa54: {  	s9 =	sor.u32 s15, s9;
	[tilespmem:s21+$0x18070] =	vst.add.f32.msk $0xffff, v7  }
0xa55: {  	v0 =	vld [tilespmem:s9+$0x0]  }
0xa56: {  	v1 =	vld [tilespmem:s9+$0x10]  }
0xa57: {  	v2 =	vld [tilespmem:s9+$0x20]  }
0xa58: {  	v3 =	vld [tilespmem:s9+$0x30]  }
0xa59: {  	v4 =	vld [tilespmem:s9+$0x40]  }
0xa5a: {  	v5 =	vld [tilespmem:s9+$0x50]  }
0xa5b: {  	v6 =	vld [tilespmem:s9+$0x60]  }
0xa5c: {  	v7 =	vld [tilespmem:s9+$0x70]  }
0xa5d: {  	[tilespmem:s9+$0x18000] =	vst.add.f32.msk $0xffff, v0  }
0xa5e: {  	[tilespmem:s9+$0x18010] =	vst.add.f32.msk $0xffff, v1  }
0xa5f: {  	[tilespmem:s9+$0x18020] =	vst.add.f32.msk $0xffff, v2  }
0xa60: {  	[tilespmem:s9+$0x18030] =	vst.add.f32.msk $0xffff, v3  }
0xa61: {  	[tilespmem:s9+$0x18040] =	vst.add.f32.msk $0xffff, v4  }
0xa62: {  	[tilespmem:s9+$0x18050] =	vst.add.f32.msk $0xffff, v5  }
0xa63: {  	[tilespmem:s9+$0x18060] =	vst.add.f32.msk $0xffff, v6  }
0xa64: {  	s22 =	sor.u32 s30, s7;
	[tilespmem:s9+$0x18070] =	vst.add.f32.msk $0xffff, v7  }
0xa65: {  	v0 =	vld [tilespmem:s22+$0x0]  }
0xa66: {  	v1 =	vld [tilespmem:s22+$0x10]  }
0xa67: {  	v2 =	vld [tilespmem:s22+$0x20]  }
0xa68: {  	v3 =	vld [tilespmem:s22+$0x30]  }
0xa69: {  	v4 =	vld [tilespmem:s22+$0x40]  }
0xa6a: {  	v5 =	vld [tilespmem:s22+$0x50]  }
0xa6b: {  	v6 =	vld [tilespmem:s22+$0x60]  }
0xa6c: {  	v7 =	vld [tilespmem:s22+$0x70]  }
0xa6d: {  	[tilespmem:s22+$0x18000] =	vst.add.f32.msk $0xffff, v0  }
0xa6e: {  	[tilespmem:s22+$0x18010] =	vst.add.f32.msk $0xffff, v1  }
0xa6f: {  	[tilespmem:s22+$0x18020] =	vst.add.f32.msk $0xffff, v2  }
0xa70: {  	[tilespmem:s22+$0x18030] =	vst.add.f32.msk $0xffff, v3  }
0xa71: {  	[tilespmem:s22+$0x18040] =	vst.add.f32.msk $0xffff, v4  }
0xa72: {  	[tilespmem:s22+$0x18050] =	vst.add.f32.msk $0xffff, v5  }
0xa73: {  	[tilespmem:s22+$0x18060] =	vst.add.f32.msk $0xffff, v6  }
0xa74: {  	s26 =	sor.u32 s14, s7;
	[tilespmem:s22+$0x18070] =	vst.add.f32.msk $0xffff, v7  }
0xa75: {  	v0 =	vld [tilespmem:s26+$0x0]  }
0xa76: {  	v1 =	vld [tilespmem:s26+$0x10]  }
0xa77: {  	v2 =	vld [tilespmem:s26+$0x20]  }
0xa78: {  	v3 =	vld [tilespmem:s26+$0x30]  }
0xa79: {  	v4 =	vld [tilespmem:s26+$0x40]  }
0xa7a: {  	v5 =	vld [tilespmem:s26+$0x50]  }
0xa7b: {  	v6 =	vld [tilespmem:s26+$0x60]  }
0xa7c: {  	v7 =	vld [tilespmem:s26+$0x70]  }
0xa7d: {  	[tilespmem:s26+$0x18000] =	vst.add.f32.msk $0xffff, v0  }
0xa7e: {  	[tilespmem:s26+$0x18010] =	vst.add.f32.msk $0xffff, v1  }
0xa7f: {  	[tilespmem:s26+$0x18020] =	vst.add.f32.msk $0xffff, v2  }
0xa80: {  	[tilespmem:s26+$0x18030] =	vst.add.f32.msk $0xffff, v3  }
0xa81: {  	[tilespmem:s26+$0x18040] =	vst.add.f32.msk $0xffff, v4  }
0xa82: {  	[tilespmem:s26+$0x18050] =	vst.add.f32.msk $0xffff, v5  }
0xa83: {  	[tilespmem:s26+$0x18060] =	vst.add.f32.msk $0xffff, v6  }
0xa84: {  	s7 =	sor.u32 s15, s7;
	[tilespmem:s26+$0x18070] =	vst.add.f32.msk $0xffff, v7  }
0xa85: {  	v0 =	vld [tilespmem:s7+$0x0]  }
0xa86: {  	v1 =	vld [tilespmem:s7+$0x10]  }
0xa87: {  	v2 =	vld [tilespmem:s7+$0x20]  }
0xa88: {  	v3 =	vld [tilespmem:s7+$0x30]  }
0xa89: {  	v4 =	vld [tilespmem:s7+$0x40]  }
0xa8a: {  	v5 =	vld [tilespmem:s7+$0x50]  }
0xa8b: {  	v6 =	vld [tilespmem:s7+$0x60]  }
0xa8c: {  	s2 =	sor.u32 s30, s3;
	s30 =	sor.u32 s14, s3;
	v7 =	vld [tilespmem:s7+$0x70]  }
0xa8d: {  	v60 =	vld [tilespmem:s30+$0x70]  }
0xa8e: {  	[tilespmem:s7+$0x18000] =	vst.add.f32.msk $0xffff, v0  }
0xa8f: {  	[tilespmem:s7+$0x18010] =	vst.add.f32.msk $0xffff, v1  }
0xa90: {  	[tilespmem:s7+$0x18020] =	vst.add.f32.msk $0xffff, v2  }
0xa91: {  	[tilespmem:s7+$0x18030] =	vst.add.f32.msk $0xffff, v3  }
0xa92: {  	[tilespmem:s7+$0x18040] =	vst.add.f32.msk $0xffff, v4  }
0xa93: {  	[tilespmem:s7+$0x18050] =	vst.add.f32.msk $0xffff, v5  }
0xa94: {  	[tilespmem:s7+$0x18060] =	vst.add.f32.msk $0xffff, v6  }
0xa95: {  	[tilespmem:s7+$0x18070] =	vst.add.f32.msk $0xffff, v7  }
0xa96: {  	v0 =	vld [tilespmem:s2+$0x0]  }
0xa97: {  	v1 =	vld [tilespmem:s2+$0x10]  }
0xa98: {  	v2 =	vld [tilespmem:s2+$0x20]  }
0xa99: {  	v3 =	vld [tilespmem:s2+$0x30]  }
0xa9a: {  	v4 =	vld [tilespmem:s2+$0x40]  }
0xa9b: {  	v5 =	vld [tilespmem:s2+$0x50]  }
0xa9c: {  	v6 =	vld [tilespmem:s2+$0x60]  }
0xa9d: {  	v7 =	vld [tilespmem:s2+$0x70]  }
0xa9e: {  	s31 =	sor.u32 s15, s3;
	[tilespmem:s30+$0x18070] =	vst.add.f32.msk $0xffff, v60  }
0xa9f: {  	v61 =	vld [tilespmem:s31+$0x30]  }
0xaa0: {  	v9 =	vld [tilespmem:s31+$0x40]  }
0xaa1: {  	v10 =	vld [tilespmem:s31+$0x50]  }
0xaa2: {  	v11 =	vld [tilespmem:s31+$0x60]  }
0xaa3: {  	v12 =	vld [tilespmem:s31+$0x70]  }
0xaa4: {  	[tilespmem:s2+$0x18000] =	vst.add.f32.msk $0xffff, v0  }
0xaa5: {  	[tilespmem:s2+$0x18010] =	vst.add.f32.msk $0xffff, v1  }
0xaa6: {  	[tilespmem:s2+$0x18020] =	vst.add.f32.msk $0xffff, v2  }
0xaa7: {  	[tilespmem:s2+$0x18030] =	vst.add.f32.msk $0xffff, v3  }
0xaa8: {  	[tilespmem:s2+$0x18040] =	vst.add.f32.msk $0xffff, v4  }
0xaa9: {  	[tilespmem:s2+$0x18050] =	vst.add.f32.msk $0xffff, v5  }
0xaaa: {  	[tilespmem:s2+$0x18060] =	vst.add.f32.msk $0xffff, v6  }
0xaab: {  	[tilespmem:s2+$0x18070] =	vst.add.f32.msk $0xffff, v7  }
0xaac: {  	v0 =	vld [tilespmem:s28+$0x70]  }
0xaad: {  	v1 =	vld [tilespmem:s30+$0x0]  }
0xaae: {  	v2 =	vld [tilespmem:s30+$0x10]  }
0xaaf: {  	v3 =	vld [tilespmem:s30+$0x20]  }
0xab0: {  	v4 =	vld [tilespmem:s30+$0x30]  }
0xab1: {  	v5 =	vld [tilespmem:s30+$0x40]  }
0xab2: {  	v6 =	vld [tilespmem:s30+$0x50]  }
0xab3: {  	v7 =	vld [tilespmem:s30+$0x60]  }
0xab4: {  	[tilespmem:s31+$0x18030] =	vst.add.f32.msk $0xffff, v61  }
0xab5: {  	[tilespmem:s31+$0x18040] =	vst.add.f32.msk $0xffff, v9  }
0xab6: {  	[tilespmem:s31+$0x18050] =	vst.add.f32.msk $0xffff, v10  }
0xab7: {  	[tilespmem:s31+$0x18060] =	vst.add.f32.msk $0xffff, v11  }
0xab8: {  	[tilespmem:s31+$0x18070] =	vst.add.f32.msk $0xffff, v12  }
0xab9: {  	[tilespmem:s30+$0x18000] =	vst.add.f32.msk $0xffff, v1  }
0xaba: {  	[tilespmem:s30+$0x18010] =	vst.add.f32.msk $0xffff, v2  }
0xabb: {  	[tilespmem:s30+$0x18020] =	vst.add.f32.msk $0xffff, v3  }
0xabc: {  	[tilespmem:s30+$0x18030] =	vst.add.f32.msk $0xffff, v4  }
0xabd: {  	[tilespmem:s30+$0x18040] =	vst.add.f32.msk $0xffff, v5  }
0xabe: {  	[tilespmem:s30+$0x18050] =	vst.add.f32.msk $0xffff, v6  }
0xabf: {  	[tilespmem:s30+$0x18060] =	vst.add.f32.msk $0xffff, v7  }
0xac0: {  	[tilespmem:s28+$0x18070] =	vst.add.f32.msk $0xffff, v0  }
0xac1: {  	v5 =	vld [tilespmem:s31+$0x0]  }
0xac2: {  	v6 =	vld [tilespmem:s31+$0x10]  }
0xac3: {  	v7 =	vld [tilespmem:s31+$0x20]  }
0xac4: {  	v4 =	vld [tilespmem:s28+$0x20]  }
0xac5: {  	v3 =	vld [tilespmem:s28+$0x30]  }
0xac6: {  	v2 =	vld [tilespmem:s28+$0x40]  }
0xac7: {  	v1 =	vld [tilespmem:s28+$0x50]  }
0xac8: {  	v0 =	vld [tilespmem:s28+$0x60]  }
0xac9: {  	[tilespmem:s31+$0x18000] =	vst.add.f32.msk $0xffff, v5  }
0xaca: {  	[tilespmem:s31+$0x18010] =	vst.add.f32.msk $0xffff, v6  }
0xacb: {  	s26 =	simm.s32 $0x0;
	[tilespmem:s31+$0x18020] =	vst.add.f32.msk $0xffff, v7  }
.LBB2_12:
0xacc: {  	s26 =	sadd.s32 $0x4, s26;
	[tilespmem:s28+$0x18020] =	vst.add.f32.msk $0xffff, v4  }
0xacd: {  	s24 =	sadd.s32 $0x200, s24;
	s0 =	sshrl.u32 s26, $0x3;
	p0 =	slt.u32 s26, $0x1C;
	[tilespmem:s28+$0x18030] =	vst.add.f32.msk $0xffff, v3  }
0xace: {  	s7 =	smul.u32 $0x1800, s0;
	s0 =	sand.u32 $0x200, s24;
	[tilespmem:s28+$0x18040] =	vst.add.f32.msk $0xffff, v2  }
0xacf: {  	s15 =	sor.u32 $0x80, s0;
	s2 =	sor.u32 $0x100, s0;
	s16 =	sor.u32 $0x180, s0;
	[tilespmem:s28+$0x18050] =	vst.add.f32.msk $0xffff, v1  }
0xad0: {  	s13 =	sor.u32 s0, s7;
	s4 =	sor.u32 s7, s15;
	s3 =	sor.u32 s7, s16;
	[tilespmem:s28+$0x18060] =	vst.add.f32.msk $0xffff, v0  }
0xad1: {  	s14 =	sor.u32 s7, s2;
	v0 =	vld [tilespmem:s3+$0x0]  }
0xad2: {  	v1 =	vld [tilespmem:s3+$0x10]  }
0xad3: {  	v2 =	vld [tilespmem:s3+$0x20]  }
0xad4: {  	v3 =	vld [tilespmem:s3+$0x30]  }
0xad5: {  	v4 =	vld [tilespmem:s3+$0x40]  }
0xad6: {  	v5 =	vld [tilespmem:s3+$0x50]  }
0xad7: {  	v6 =	vld [tilespmem:s3+$0x60]  }
0xad8: {  	v7 =	vld [tilespmem:s3+$0x70]  }
0xad9: {  	v8 =	vld [tilespmem:s3+$0x400]  }
0xada: {  	v9 =	vld [tilespmem:s3+$0x410]  }
0xadb: {  	v10 =	vld [tilespmem:s3+$0x420]  }
0xadc: {  	v11 =	vld [tilespmem:s3+$0x430]  }
0xadd: {  	v12 =	vld [tilespmem:s3+$0x440]  }
0xade: {  	v13 =	vld [tilespmem:s3+$0x450]  }
0xadf: {  	v14 =	vld [tilespmem:s3+$0x460]  }
0xae0: {  	v15 =	vld [tilespmem:s3+$0x470]  }
0xae1: {  	[tilespmem:s3+$0x18000] =	vst.add.f32.msk $0xffff, v0  }
0xae2: {  	[tilespmem:s3+$0x18010] =	vst.add.f32.msk $0xffff, v1  }
0xae3: {  	[tilespmem:s3+$0x18020] =	vst.add.f32.msk $0xffff, v2  }
0xae4: {  	[tilespmem:s3+$0x18030] =	vst.add.f32.msk $0xffff, v3  }
0xae5: {  	[tilespmem:s3+$0x18040] =	vst.add.f32.msk $0xffff, v4  }
0xae6: {  	[tilespmem:s3+$0x18050] =	vst.add.f32.msk $0xffff, v5  }
0xae7: {  	[tilespmem:s3+$0x18060] =	vst.add.f32.msk $0xffff, v6  }
0xae8: {  	[tilespmem:s3+$0x18070] =	vst.add.f32.msk $0xffff, v7  }
0xae9: {  	[tilespmem:s3+$0x18400] =	vst.add.f32.msk $0xffff, v8  }
0xaea: {  	[tilespmem:s3+$0x18410] =	vst.add.f32.msk $0xffff, v9  }
0xaeb: {  	[tilespmem:s3+$0x18420] =	vst.add.f32.msk $0xffff, v10  }
0xaec: {  	[tilespmem:s3+$0x18430] =	vst.add.f32.msk $0xffff, v11  }
0xaed: {  	[tilespmem:s3+$0x18440] =	vst.add.f32.msk $0xffff, v12  }
0xaee: {  	[tilespmem:s3+$0x18450] =	vst.add.f32.msk $0xffff, v13  }
0xaef: {  	s8 =	sadd.s32 $0x800, s7;
	[tilespmem:s3+$0x18460] =	vst.add.f32.msk $0xffff, v14  }
0xaf0: {  	s12 =	sor.u32 s0, s8;
	s20 =	sor.u32 s15, s8;
	s9 =	sor.u32 s16, s8;
	[tilespmem:s3+$0x18470] =	vst.add.f32.msk $0xffff, v15  }
0xaf1: {  	s11 =	sor.u32 s2, s8;
	v0 =	vld [tilespmem:s9+$0x0]  }
0xaf2: {  	v1 =	vld [tilespmem:s9+$0x10]  }
0xaf3: {  	v2 =	vld [tilespmem:s9+$0x20]  }
0xaf4: {  	v3 =	vld [tilespmem:s9+$0x30]  }
0xaf5: {  	v4 =	vld [tilespmem:s9+$0x40]  }
0xaf6: {  	v5 =	vld [tilespmem:s9+$0x50]  }
0xaf7: {  	v6 =	vld [tilespmem:s9+$0x60]  }
0xaf8: {  	v7 =	vld [tilespmem:s9+$0x70]  }
0xaf9: {  	[tilespmem:s9+$0x18000] =	vst.add.f32.msk $0xffff, v0  }
0xafa: {  	[tilespmem:s9+$0x18010] =	vst.add.f32.msk $0xffff, v1  }
0xafb: {  	[tilespmem:s9+$0x18020] =	vst.add.f32.msk $0xffff, v2  }
0xafc: {  	[tilespmem:s9+$0x18030] =	vst.add.f32.msk $0xffff, v3  }
0xafd: {  	[tilespmem:s9+$0x18040] =	vst.add.f32.msk $0xffff, v4  }
0xafe: {  	[tilespmem:s9+$0x18050] =	vst.add.f32.msk $0xffff, v5  }
0xaff: {  	s8 =	sadd.s32 $0xC00, s7;
	[tilespmem:s9+$0x18060] =	vst.add.f32.msk $0xffff, v6  }
0xb00: {  	s10 =	sor.u32 s0, s8;
	s17 =	sor.u32 s16, s8;
	s3 =	sor.u32 s15, s8;
	[tilespmem:s9+$0x18070] =	vst.add.f32.msk $0xffff, v7  }
0xb01: {  	s22 =	sor.u32 s2, s8;
	v0 =	vld [tilespmem:s17+$0x0]  }
0xb02: {  	v1 =	vld [tilespmem:s17+$0x10]  }
0xb03: {  	v2 =	vld [tilespmem:s17+$0x20]  }
0xb04: {  	v3 =	vld [tilespmem:s17+$0x30]  }
0xb05: {  	v4 =	vld [tilespmem:s17+$0x40]  }
0xb06: {  	v5 =	vld [tilespmem:s17+$0x50]  }
0xb07: {  	v6 =	vld [tilespmem:s17+$0x60]  }
0xb08: {  	v7 =	vld [tilespmem:s17+$0x70]  }
0xb09: {  	[tilespmem:s17+$0x18000] =	vst.add.f32.msk $0xffff, v0  }
0xb0a: {  	[tilespmem:s17+$0x18010] =	vst.add.f32.msk $0xffff, v1  }
0xb0b: {  	[tilespmem:s17+$0x18020] =	vst.add.f32.msk $0xffff, v2  }
0xb0c: {  	[tilespmem:s17+$0x18030] =	vst.add.f32.msk $0xffff, v3  }
0xb0d: {  	[tilespmem:s17+$0x18040] =	vst.add.f32.msk $0xffff, v4  }
0xb0e: {  	[tilespmem:s17+$0x18050] =	vst.add.f32.msk $0xffff, v5  }
0xb0f: {  	s8 =	sadd.s32 $0x1000, s7;
	[tilespmem:s17+$0x18060] =	vst.add.f32.msk $0xffff, v6  }
0xb10: {  	s21 =	sor.u32 s0, s8;
	s9 =	sor.u32 s15, s8;
	[tilespmem:s17+$0x18070] =	vst.add.f32.msk $0xffff, v7;
	s17 =	sor.u32 s16, s8  }
0xb11: {  	s8 =	sor.u32 s2, s8;
	v0 =	vld [tilespmem:s17+$0x0]  }
0xb12: {  	v1 =	vld [tilespmem:s17+$0x10]  }
0xb13: {  	v2 =	vld [tilespmem:s17+$0x20]  }
0xb14: {  	v3 =	vld [tilespmem:s17+$0x30]  }
0xb15: {  	v4 =	vld [tilespmem:s17+$0x40]  }
0xb16: {  	v5 =	vld [tilespmem:s17+$0x50]  }
0xb17: {  	v6 =	vld [tilespmem:s17+$0x60]  }
0xb18: {  	v7 =	vld [tilespmem:s17+$0x70]  }
0xb19: {  	[tilespmem:s17+$0x18000] =	vst.add.f32.msk $0xffff, v0  }
0xb1a: {  	[tilespmem:s17+$0x18010] =	vst.add.f32.msk $0xffff, v1  }
0xb1b: {  	[tilespmem:s17+$0x18020] =	vst.add.f32.msk $0xffff, v2  }
0xb1c: {  	[tilespmem:s17+$0x18030] =	vst.add.f32.msk $0xffff, v3  }
0xb1d: {  	[tilespmem:s17+$0x18040] =	vst.add.f32.msk $0xffff, v4  }
0xb1e: {  	[tilespmem:s17+$0x18050] =	vst.add.f32.msk $0xffff, v5  }
0xb1f: {  	s18 =	sadd.s32 $0x1400, s7;
	[tilespmem:s17+$0x18060] =	vst.add.f32.msk $0xffff, v6  }
0xb20: {  	s28 =	sor.u32 s16, s18;
	s7 =	sor.u32 s0, s18;
	s0 =	sor.u32 s15, s18;
	[tilespmem:s17+$0x18070] =	vst.add.f32.msk $0xffff, v7  }
0xb21: {  	s2 =	sor.u32 s2, s18;
	v0 =	vld [tilespmem:s28+$0x70]  }
0xb22: {  	v1 =	vld [tilespmem:s13+$0x0]  }
0xb23: {  	v2 =	vld [tilespmem:s13+$0x10]  }
0xb24: {  	v3 =	vld [tilespmem:s13+$0x20]  }
0xb25: {  	v4 =	vld [tilespmem:s13+$0x30]  }
0xb26: {  	[tilespmem:s28+$0x18070] =	vst.add.f32.msk $0xffff, v0  }
0xb27: {  	v0 =	vld [tilespmem:s13+$0x40]  }
0xb28: {  	v5 =	vld [tilespmem:s13+$0x50]  }
0xb29: {  	v6 =	vld [tilespmem:s13+$0x60]  }
0xb2a: {  	v7 =	vld [tilespmem:s13+$0x70]  }
0xb2b: {  	v8 =	vld [tilespmem:s13+$0x400]  }
0xb2c: {  	v9 =	vld [tilespmem:s13+$0x410]  }
0xb2d: {  	v10 =	vld [tilespmem:s13+$0x420]  }
0xb2e: {  	v11 =	vld [tilespmem:s13+$0x430]  }
0xb2f: {  	v12 =	vld [tilespmem:s13+$0x440]  }
0xb30: {  	v13 =	vld [tilespmem:s13+$0x450]  }
0xb31: {  	v14 =	vld [tilespmem:s13+$0x460]  }
0xb32: {  	v15 =	vld [tilespmem:s13+$0x470]  }
0xb33: {  	v16 =	vld [tilespmem:s4+$0x0]  }
0xb34: {  	v17 =	vld [tilespmem:s4+$0x10]  }
0xb35: {  	v18 =	vld [tilespmem:s4+$0x20]  }
0xb36: {  	v19 =	vld [tilespmem:s4+$0x30]  }
0xb37: {  	v20 =	vld [tilespmem:s4+$0x40]  }
0xb38: {  	v21 =	vld [tilespmem:s4+$0x50]  }
0xb39: {  	v22 =	vld [tilespmem:s4+$0x60]  }
0xb3a: {  	v23 =	vld [tilespmem:s4+$0x70]  }
0xb3b: {  	v24 =	vld [tilespmem:s4+$0x400]  }
0xb3c: {  	v25 =	vld [tilespmem:s4+$0x410]  }
0xb3d: {  	v26 =	vld [tilespmem:s4+$0x420]  }
0xb3e: {  	v27 =	vld [tilespmem:s4+$0x430]  }
0xb3f: {  	v28 =	vld [tilespmem:s4+$0x440]  }
0xb40: {  	v29 =	vld [tilespmem:s4+$0x450]  }
0xb41: {  	v30 =	vld [tilespmem:s4+$0x460]  }
0xb42: {  	v31 =	vld [tilespmem:s4+$0x470]  }
0xb43: {  	v32 =	vld [tilespmem:s14+$0x0]  }
0xb44: {  	v33 =	vld [tilespmem:s14+$0x10]  }
0xb45: {  	v34 =	vld [tilespmem:s14+$0x20]  }
0xb46: {  	v35 =	vld [tilespmem:s14+$0x30]  }
0xb47: {  	v36 =	vld [tilespmem:s14+$0x40]  }
0xb48: {  	v37 =	vld [tilespmem:s14+$0x50]  }
0xb49: {  	v38 =	vld [tilespmem:s14+$0x60]  }
0xb4a: {  	v39 =	vld [tilespmem:s14+$0x70]  }
0xb4b: {  	v40 =	vld [tilespmem:s14+$0x400]  }
0xb4c: {  	v41 =	vld [tilespmem:s14+$0x410]  }
0xb4d: {  	v42 =	vld [tilespmem:s14+$0x420]  }
0xb4e: {  	v43 =	vld [tilespmem:s14+$0x430]  }
0xb4f: {  	v44 =	vld [tilespmem:s14+$0x440]  }
0xb50: {  	v45 =	vld [tilespmem:s14+$0x450]  }
0xb51: {  	v46 =	vld [tilespmem:s14+$0x460]  }
0xb52: {  	v47 =	vld [tilespmem:s14+$0x470]  }
0xb53: {  	[tilespmem:s13+$0x18000] =	vst.add.f32.msk $0xffff, v1  }
0xb54: {  	[tilespmem:s13+$0x18010] =	vst.add.f32.msk $0xffff, v2  }
0xb55: {  	[tilespmem:s13+$0x18020] =	vst.add.f32.msk $0xffff, v3  }
0xb56: {  	[tilespmem:s13+$0x18030] =	vst.add.f32.msk $0xffff, v4  }
0xb57: {  	[tilespmem:s13+$0x18040] =	vst.add.f32.msk $0xffff, v0  }
0xb58: {  	[tilespmem:s13+$0x18050] =	vst.add.f32.msk $0xffff, v5  }
0xb59: {  	[tilespmem:s13+$0x18060] =	vst.add.f32.msk $0xffff, v6  }
0xb5a: {  	[tilespmem:s13+$0x18070] =	vst.add.f32.msk $0xffff, v7  }
0xb5b: {  	[tilespmem:s13+$0x18400] =	vst.add.f32.msk $0xffff, v8  }
0xb5c: {  	[tilespmem:s13+$0x18410] =	vst.add.f32.msk $0xffff, v9  }
0xb5d: {  	[tilespmem:s13+$0x18420] =	vst.add.f32.msk $0xffff, v10  }
0xb5e: {  	[tilespmem:s13+$0x18430] =	vst.add.f32.msk $0xffff, v11  }
0xb5f: {  	[tilespmem:s13+$0x18440] =	vst.add.f32.msk $0xffff, v12  }
0xb60: {  	[tilespmem:s13+$0x18450] =	vst.add.f32.msk $0xffff, v13  }
0xb61: {  	[tilespmem:s13+$0x18460] =	vst.add.f32.msk $0xffff, v14  }
0xb62: {  	[tilespmem:s13+$0x18470] =	vst.add.f32.msk $0xffff, v15  }
0xb63: {  	[tilespmem:s4+$0x18000] =	vst.add.f32.msk $0xffff, v16  }
0xb64: {  	[tilespmem:s4+$0x18010] =	vst.add.f32.msk $0xffff, v17  }
0xb65: {  	[tilespmem:s4+$0x18020] =	vst.add.f32.msk $0xffff, v18  }
0xb66: {  	[tilespmem:s4+$0x18030] =	vst.add.f32.msk $0xffff, v19  }
0xb67: {  	[tilespmem:s4+$0x18040] =	vst.add.f32.msk $0xffff, v20  }
0xb68: {  	[tilespmem:s4+$0x18050] =	vst.add.f32.msk $0xffff, v21  }
0xb69: {  	[tilespmem:s4+$0x18060] =	vst.add.f32.msk $0xffff, v22  }
0xb6a: {  	[tilespmem:s4+$0x18070] =	vst.add.f32.msk $0xffff, v23  }
0xb6b: {  	[tilespmem:s4+$0x18400] =	vst.add.f32.msk $0xffff, v24  }
0xb6c: {  	[tilespmem:s4+$0x18410] =	vst.add.f32.msk $0xffff, v25  }
0xb6d: {  	[tilespmem:s4+$0x18420] =	vst.add.f32.msk $0xffff, v26  }
0xb6e: {  	[tilespmem:s4+$0x18430] =	vst.add.f32.msk $0xffff, v27  }
0xb6f: {  	[tilespmem:s4+$0x18440] =	vst.add.f32.msk $0xffff, v28  }
0xb70: {  	[tilespmem:s4+$0x18450] =	vst.add.f32.msk $0xffff, v29  }
0xb71: {  	[tilespmem:s4+$0x18460] =	vst.add.f32.msk $0xffff, v30  }
0xb72: {  	[tilespmem:s4+$0x18470] =	vst.add.f32.msk $0xffff, v31  }
0xb73: {  	[tilespmem:s14+$0x18000] =	vst.add.f32.msk $0xffff, v32  }
0xb74: {  	[tilespmem:s14+$0x18010] =	vst.add.f32.msk $0xffff, v33  }
0xb75: {  	[tilespmem:s14+$0x18020] =	vst.add.f32.msk $0xffff, v34  }
0xb76: {  	[tilespmem:s14+$0x18030] =	vst.add.f32.msk $0xffff, v35  }
0xb77: {  	[tilespmem:s14+$0x18040] =	vst.add.f32.msk $0xffff, v36  }
0xb78: {  	[tilespmem:s14+$0x18050] =	vst.add.f32.msk $0xffff, v37  }
0xb79: {  	[tilespmem:s14+$0x18060] =	vst.add.f32.msk $0xffff, v38  }
0xb7a: {  	[tilespmem:s14+$0x18070] =	vst.add.f32.msk $0xffff, v39  }
0xb7b: {  	[tilespmem:s14+$0x18400] =	vst.add.f32.msk $0xffff, v40  }
0xb7c: {  	[tilespmem:s14+$0x18410] =	vst.add.f32.msk $0xffff, v41  }
0xb7d: {  	[tilespmem:s14+$0x18420] =	vst.add.f32.msk $0xffff, v42  }
0xb7e: {  	[tilespmem:s14+$0x18430] =	vst.add.f32.msk $0xffff, v43  }
0xb7f: {  	[tilespmem:s14+$0x18440] =	vst.add.f32.msk $0xffff, v44  }
0xb80: {  	[tilespmem:s14+$0x18450] =	vst.add.f32.msk $0xffff, v45  }
0xb81: {  	[tilespmem:s14+$0x18460] =	vst.add.f32.msk $0xffff, v46  }
0xb82: {  	[tilespmem:s14+$0x18470] =	vst.add.f32.msk $0xffff, v47  }
0xb83: {  	v0 =	vld [tilespmem:s12+$0x0]  }
0xb84: {  	v1 =	vld [tilespmem:s12+$0x10]  }
0xb85: {  	v2 =	vld [tilespmem:s12+$0x20]  }
0xb86: {  	v3 =	vld [tilespmem:s12+$0x30]  }
0xb87: {  	v4 =	vld [tilespmem:s12+$0x40]  }
0xb88: {  	v5 =	vld [tilespmem:s12+$0x50]  }
0xb89: {  	v6 =	vld [tilespmem:s12+$0x60]  }
0xb8a: {  	v7 =	vld [tilespmem:s12+$0x70]  }
0xb8b: {  	v8 =	vld [tilespmem:s20+$0x0]  }
0xb8c: {  	v9 =	vld [tilespmem:s20+$0x10]  }
0xb8d: {  	v10 =	vld [tilespmem:s20+$0x20]  }
0xb8e: {  	v11 =	vld [tilespmem:s20+$0x30]  }
0xb8f: {  	v12 =	vld [tilespmem:s20+$0x40]  }
0xb90: {  	v13 =	vld [tilespmem:s20+$0x50]  }
0xb91: {  	v14 =	vld [tilespmem:s20+$0x60]  }
0xb92: {  	v15 =	vld [tilespmem:s20+$0x70]  }
0xb93: {  	v16 =	vld [tilespmem:s11+$0x0]  }
0xb94: {  	v17 =	vld [tilespmem:s11+$0x10]  }
0xb95: {  	v18 =	vld [tilespmem:s11+$0x20]  }
0xb96: {  	v19 =	vld [tilespmem:s11+$0x30]  }
0xb97: {  	v20 =	vld [tilespmem:s11+$0x40]  }
0xb98: {  	v21 =	vld [tilespmem:s11+$0x50]  }
0xb99: {  	v22 =	vld [tilespmem:s11+$0x60]  }
0xb9a: {  	v23 =	vld [tilespmem:s11+$0x70]  }
0xb9b: {  	[tilespmem:s12+$0x18000] =	vst.add.f32.msk $0xffff, v0  }
0xb9c: {  	[tilespmem:s12+$0x18010] =	vst.add.f32.msk $0xffff, v1  }
0xb9d: {  	[tilespmem:s12+$0x18020] =	vst.add.f32.msk $0xffff, v2  }
0xb9e: {  	[tilespmem:s12+$0x18030] =	vst.add.f32.msk $0xffff, v3  }
0xb9f: {  	[tilespmem:s12+$0x18040] =	vst.add.f32.msk $0xffff, v4  }
0xba0: {  	[tilespmem:s12+$0x18050] =	vst.add.f32.msk $0xffff, v5  }
0xba1: {  	[tilespmem:s12+$0x18060] =	vst.add.f32.msk $0xffff, v6  }
0xba2: {  	[tilespmem:s12+$0x18070] =	vst.add.f32.msk $0xffff, v7  }
0xba3: {  	[tilespmem:s20+$0x18000] =	vst.add.f32.msk $0xffff, v8  }
0xba4: {  	[tilespmem:s20+$0x18010] =	vst.add.f32.msk $0xffff, v9  }
0xba5: {  	[tilespmem:s20+$0x18020] =	vst.add.f32.msk $0xffff, v10  }
0xba6: {  	[tilespmem:s20+$0x18030] =	vst.add.f32.msk $0xffff, v11  }
0xba7: {  	[tilespmem:s20+$0x18040] =	vst.add.f32.msk $0xffff, v12  }
0xba8: {  	[tilespmem:s20+$0x18050] =	vst.add.f32.msk $0xffff, v13  }
0xba9: {  	[tilespmem:s20+$0x18060] =	vst.add.f32.msk $0xffff, v14  }
0xbaa: {  	[tilespmem:s20+$0x18070] =	vst.add.f32.msk $0xffff, v15  }
0xbab: {  	[tilespmem:s11+$0x18000] =	vst.add.f32.msk $0xffff, v16  }
0xbac: {  	[tilespmem:s11+$0x18010] =	vst.add.f32.msk $0xffff, v17  }
0xbad: {  	[tilespmem:s11+$0x18020] =	vst.add.f32.msk $0xffff, v18  }
0xbae: {  	[tilespmem:s11+$0x18030] =	vst.add.f32.msk $0xffff, v19  }
0xbaf: {  	[tilespmem:s11+$0x18040] =	vst.add.f32.msk $0xffff, v20  }
0xbb0: {  	[tilespmem:s11+$0x18050] =	vst.add.f32.msk $0xffff, v21  }
0xbb1: {  	[tilespmem:s11+$0x18060] =	vst.add.f32.msk $0xffff, v22  }
0xbb2: {  	[tilespmem:s11+$0x18070] =	vst.add.f32.msk $0xffff, v23  }
0xbb3: {  	v0 =	vld [tilespmem:s10+$0x0]  }
0xbb4: {  	v1 =	vld [tilespmem:s10+$0x10]  }
0xbb5: {  	v2 =	vld [tilespmem:s10+$0x20]  }
0xbb6: {  	v3 =	vld [tilespmem:s10+$0x30]  }
0xbb7: {  	v4 =	vld [tilespmem:s10+$0x40]  }
0xbb8: {  	v5 =	vld [tilespmem:s10+$0x50]  }
0xbb9: {  	v6 =	vld [tilespmem:s10+$0x60]  }
0xbba: {  	v7 =	vld [tilespmem:s10+$0x70]  }
0xbbb: {  	v8 =	vld [tilespmem:s3+$0x0]  }
0xbbc: {  	v9 =	vld [tilespmem:s3+$0x10]  }
0xbbd: {  	v10 =	vld [tilespmem:s3+$0x20]  }
0xbbe: {  	v11 =	vld [tilespmem:s3+$0x30]  }
0xbbf: {  	v12 =	vld [tilespmem:s3+$0x40]  }
0xbc0: {  	v13 =	vld [tilespmem:s3+$0x50]  }
0xbc1: {  	v14 =	vld [tilespmem:s3+$0x60]  }
0xbc2: {  	v15 =	vld [tilespmem:s3+$0x70]  }
0xbc3: {  	v16 =	vld [tilespmem:s22+$0x0]  }
0xbc4: {  	v17 =	vld [tilespmem:s22+$0x10]  }
0xbc5: {  	v18 =	vld [tilespmem:s22+$0x20]  }
0xbc6: {  	v19 =	vld [tilespmem:s22+$0x30]  }
0xbc7: {  	v20 =	vld [tilespmem:s22+$0x40]  }
0xbc8: {  	v21 =	vld [tilespmem:s22+$0x50]  }
0xbc9: {  	v22 =	vld [tilespmem:s22+$0x60]  }
0xbca: {  	v23 =	vld [tilespmem:s22+$0x70]  }
0xbcb: {  	[tilespmem:s10+$0x18000] =	vst.add.f32.msk $0xffff, v0  }
0xbcc: {  	[tilespmem:s10+$0x18010] =	vst.add.f32.msk $0xffff, v1  }
0xbcd: {  	[tilespmem:s10+$0x18020] =	vst.add.f32.msk $0xffff, v2  }
0xbce: {  	[tilespmem:s10+$0x18030] =	vst.add.f32.msk $0xffff, v3  }
0xbcf: {  	[tilespmem:s10+$0x18040] =	vst.add.f32.msk $0xffff, v4  }
0xbd0: {  	[tilespmem:s10+$0x18050] =	vst.add.f32.msk $0xffff, v5  }
0xbd1: {  	[tilespmem:s10+$0x18060] =	vst.add.f32.msk $0xffff, v6  }
0xbd2: {  	[tilespmem:s10+$0x18070] =	vst.add.f32.msk $0xffff, v7  }
0xbd3: {  	[tilespmem:s3+$0x18000] =	vst.add.f32.msk $0xffff, v8  }
0xbd4: {  	[tilespmem:s3+$0x18010] =	vst.add.f32.msk $0xffff, v9  }
0xbd5: {  	[tilespmem:s3+$0x18020] =	vst.add.f32.msk $0xffff, v10  }
0xbd6: {  	[tilespmem:s3+$0x18030] =	vst.add.f32.msk $0xffff, v11  }
0xbd7: {  	[tilespmem:s3+$0x18040] =	vst.add.f32.msk $0xffff, v12  }
0xbd8: {  	[tilespmem:s3+$0x18050] =	vst.add.f32.msk $0xffff, v13  }
0xbd9: {  	[tilespmem:s3+$0x18060] =	vst.add.f32.msk $0xffff, v14  }
0xbda: {  	[tilespmem:s3+$0x18070] =	vst.add.f32.msk $0xffff, v15  }
0xbdb: {  	[tilespmem:s22+$0x18000] =	vst.add.f32.msk $0xffff, v16  }
0xbdc: {  	[tilespmem:s22+$0x18010] =	vst.add.f32.msk $0xffff, v17  }
0xbdd: {  	[tilespmem:s22+$0x18020] =	vst.add.f32.msk $0xffff, v18  }
0xbde: {  	[tilespmem:s22+$0x18030] =	vst.add.f32.msk $0xffff, v19  }
0xbdf: {  	[tilespmem:s22+$0x18040] =	vst.add.f32.msk $0xffff, v20  }
0xbe0: {  	[tilespmem:s22+$0x18050] =	vst.add.f32.msk $0xffff, v21  }
0xbe1: {  	[tilespmem:s22+$0x18060] =	vst.add.f32.msk $0xffff, v22  }
0xbe2: {  	[tilespmem:s22+$0x18070] =	vst.add.f32.msk $0xffff, v23  }
0xbe3: {  	v0 =	vld [tilespmem:s21+$0x0]  }
0xbe4: {  	v1 =	vld [tilespmem:s21+$0x10]  }
0xbe5: {  	v2 =	vld [tilespmem:s21+$0x20]  }
0xbe6: {  	v3 =	vld [tilespmem:s21+$0x30]  }
0xbe7: {  	v4 =	vld [tilespmem:s21+$0x40]  }
0xbe8: {  	v5 =	vld [tilespmem:s21+$0x50]  }
0xbe9: {  	v6 =	vld [tilespmem:s21+$0x60]  }
0xbea: {  	v7 =	vld [tilespmem:s21+$0x70]  }
0xbeb: {  	v8 =	vld [tilespmem:s9+$0x0]  }
0xbec: {  	v9 =	vld [tilespmem:s9+$0x10]  }
0xbed: {  	v10 =	vld [tilespmem:s9+$0x20]  }
0xbee: {  	v11 =	vld [tilespmem:s9+$0x30]  }
0xbef: {  	v12 =	vld [tilespmem:s9+$0x40]  }
0xbf0: {  	v13 =	vld [tilespmem:s9+$0x50]  }
0xbf1: {  	v14 =	vld [tilespmem:s9+$0x60]  }
0xbf2: {  	v15 =	vld [tilespmem:s9+$0x70]  }
0xbf3: {  	v16 =	vld [tilespmem:s8+$0x0]  }
0xbf4: {  	v17 =	vld [tilespmem:s8+$0x10]  }
0xbf5: {  	v18 =	vld [tilespmem:s8+$0x20]  }
0xbf6: {  	v19 =	vld [tilespmem:s8+$0x30]  }
0xbf7: {  	v20 =	vld [tilespmem:s8+$0x40]  }
0xbf8: {  	v21 =	vld [tilespmem:s8+$0x50]  }
0xbf9: {  	v22 =	vld [tilespmem:s8+$0x60]  }
0xbfa: {  	v23 =	vld [tilespmem:s8+$0x70]  }
0xbfb: {  	[tilespmem:s21+$0x18000] =	vst.add.f32.msk $0xffff, v0  }
0xbfc: {  	[tilespmem:s21+$0x18010] =	vst.add.f32.msk $0xffff, v1  }
0xbfd: {  	[tilespmem:s21+$0x18020] =	vst.add.f32.msk $0xffff, v2  }
0xbfe: {  	[tilespmem:s21+$0x18030] =	vst.add.f32.msk $0xffff, v3  }
0xbff: {  	[tilespmem:s21+$0x18040] =	vst.add.f32.msk $0xffff, v4  }
0xc00: {  	[tilespmem:s21+$0x18050] =	vst.add.f32.msk $0xffff, v5  }
0xc01: {  	[tilespmem:s21+$0x18060] =	vst.add.f32.msk $0xffff, v6  }
0xc02: {  	[tilespmem:s21+$0x18070] =	vst.add.f32.msk $0xffff, v7  }
0xc03: {  	[tilespmem:s9+$0x18000] =	vst.add.f32.msk $0xffff, v8  }
0xc04: {  	[tilespmem:s9+$0x18010] =	vst.add.f32.msk $0xffff, v9  }
0xc05: {  	[tilespmem:s9+$0x18020] =	vst.add.f32.msk $0xffff, v10  }
0xc06: {  	[tilespmem:s9+$0x18030] =	vst.add.f32.msk $0xffff, v11  }
0xc07: {  	[tilespmem:s9+$0x18040] =	vst.add.f32.msk $0xffff, v12  }
0xc08: {  	[tilespmem:s9+$0x18050] =	vst.add.f32.msk $0xffff, v13  }
0xc09: {  	[tilespmem:s9+$0x18060] =	vst.add.f32.msk $0xffff, v14  }
0xc0a: {  	[tilespmem:s9+$0x18070] =	vst.add.f32.msk $0xffff, v15  }
0xc0b: {  	[tilespmem:s8+$0x18000] =	vst.add.f32.msk $0xffff, v16  }
0xc0c: {  	[tilespmem:s8+$0x18010] =	vst.add.f32.msk $0xffff, v17  }
0xc0d: {  	[tilespmem:s8+$0x18020] =	vst.add.f32.msk $0xffff, v18  }
0xc0e: {  	[tilespmem:s8+$0x18030] =	vst.add.f32.msk $0xffff, v19  }
0xc0f: {  	[tilespmem:s8+$0x18040] =	vst.add.f32.msk $0xffff, v20  }
0xc10: {  	[tilespmem:s8+$0x18050] =	vst.add.f32.msk $0xffff, v21  }
0xc11: {  	[tilespmem:s8+$0x18060] =	vst.add.f32.msk $0xffff, v22  }
0xc12: {  	[tilespmem:s8+$0x18070] =	vst.add.f32.msk $0xffff, v23  }
0xc13: {  	v5 =	vld [tilespmem:s7+$0x0]  }
0xc14: {  	v6 =	vld [tilespmem:s7+$0x10]  }
0xc15: {  	v7 =	vld [tilespmem:s7+$0x20]  }
0xc16: {  	v8 =	vld [tilespmem:s7+$0x30]  }
0xc17: {  	v9 =	vld [tilespmem:s7+$0x40]  }
0xc18: {  	v10 =	vld [tilespmem:s7+$0x50]  }
0xc19: {  	v11 =	vld [tilespmem:s7+$0x60]  }
0xc1a: {  	v12 =	vld [tilespmem:s7+$0x70]  }
0xc1b: {  	v13 =	vld [tilespmem:s0+$0x0]  }
0xc1c: {  	v14 =	vld [tilespmem:s0+$0x10]  }
0xc1d: {  	v15 =	vld [tilespmem:s0+$0x20]  }
0xc1e: {  	v16 =	vld [tilespmem:s0+$0x30]  }
0xc1f: {  	v17 =	vld [tilespmem:s0+$0x40]  }
0xc20: {  	v18 =	vld [tilespmem:s0+$0x50]  }
0xc21: {  	v19 =	vld [tilespmem:s0+$0x60]  }
0xc22: {  	v20 =	vld [tilespmem:s0+$0x70]  }
0xc23: {  	v21 =	vld [tilespmem:s2+$0x0]  }
0xc24: {  	v22 =	vld [tilespmem:s2+$0x10]  }
0xc25: {  	v23 =	vld [tilespmem:s2+$0x20]  }
0xc26: {  	v24 =	vld [tilespmem:s2+$0x30]  }
0xc27: {  	v25 =	vld [tilespmem:s2+$0x40]  }
0xc28: {  	v26 =	vld [tilespmem:s2+$0x50]  }
0xc29: {  	v27 =	vld [tilespmem:s2+$0x60]  }
0xc2a: {  	v28 =	vld [tilespmem:s2+$0x70]  }
0xc2b: {  	v29 =	vld [tilespmem:s28+$0x0]  }
0xc2c: {  	v30 =	vld [tilespmem:s28+$0x10]  }
0xc2d: {  	v4 =	vld [tilespmem:s28+$0x20]  }
0xc2e: {  	v3 =	vld [tilespmem:s28+$0x30]  }
0xc2f: {  	v2 =	vld [tilespmem:s28+$0x40]  }
0xc30: {  	v1 =	vld [tilespmem:s28+$0x50]  }
0xc31: {  	v0 =	vld [tilespmem:s28+$0x60]  }
0xc32: {  	[tilespmem:s7+$0x18000] =	vst.add.f32.msk $0xffff, v5  }
0xc33: {  	[tilespmem:s7+$0x18010] =	vst.add.f32.msk $0xffff, v6  }
0xc34: {  	[tilespmem:s7+$0x18020] =	vst.add.f32.msk $0xffff, v7  }
0xc35: {  	[tilespmem:s7+$0x18030] =	vst.add.f32.msk $0xffff, v8  }
0xc36: {  	[tilespmem:s7+$0x18040] =	vst.add.f32.msk $0xffff, v9  }
0xc37: {  	[tilespmem:s7+$0x18050] =	vst.add.f32.msk $0xffff, v10  }
0xc38: {  	[tilespmem:s7+$0x18060] =	vst.add.f32.msk $0xffff, v11  }
0xc39: {  	[tilespmem:s7+$0x18070] =	vst.add.f32.msk $0xffff, v12  }
0xc3a: {  	[tilespmem:s0+$0x18000] =	vst.add.f32.msk $0xffff, v13  }
0xc3b: {  	[tilespmem:s0+$0x18010] =	vst.add.f32.msk $0xffff, v14  }
0xc3c: {  	[tilespmem:s0+$0x18020] =	vst.add.f32.msk $0xffff, v15  }
0xc3d: {  	[tilespmem:s0+$0x18030] =	vst.add.f32.msk $0xffff, v16  }
0xc3e: {  	[tilespmem:s0+$0x18040] =	vst.add.f32.msk $0xffff, v17  }
0xc3f: {  	[tilespmem:s0+$0x18050] =	vst.add.f32.msk $0xffff, v18  }
0xc40: {  	[tilespmem:s0+$0x18060] =	vst.add.f32.msk $0xffff, v19  }
0xc41: {  	[tilespmem:s0+$0x18070] =	vst.add.f32.msk $0xffff, v20  }
0xc42: {  	[tilespmem:s2+$0x18000] =	vst.add.f32.msk $0xffff, v21  }
0xc43: {  	[tilespmem:s2+$0x18010] =	vst.add.f32.msk $0xffff, v22  }
0xc44: {  	[tilespmem:s2+$0x18020] =	vst.add.f32.msk $0xffff, v23  }
0xc45: {  	[tilespmem:s2+$0x18030] =	vst.add.f32.msk $0xffff, v24  }
0xc46: {  	[tilespmem:s2+$0x18040] =	vst.add.f32.msk $0xffff, v25  }
.Ltmp5:
0xc47: {  	[tilespmem:s2+$0x18050] =	vst.add.f32.msk $0xffff, v26;
	(pc) =	sbr.rel @p0 .LBB2_12-.Ltmp5, $4  }
0xc48: {  	[tilespmem:s2+$0x18060] =	vst.add.f32.msk $0xffff, v27  }
0xc49: {  	[tilespmem:s2+$0x18070] =	vst.add.f32.msk $0xffff, v28  }
0xc4a: {  	[tilespmem:s28+$0x18000] =	vst.add.f32.msk $0xffff, v29  }
0xc4b: {  	[tilespmem:s28+$0x18010] =	vst.add.f32.msk $0xffff, v30  }
0xc4c: {  	s23 =	sadd.s32 $0x1, s23  }
0xc4d: {  	[tilespmem:s28+$0x18020] =	vst.add.f32.msk $0xffff, v4;
	p0 =	sne.s32 s23, $0x24  }
.Ltmp6:
0xc4e: {  	[tilespmem:s28+$0x18030] =	vst.add.f32.msk $0xffff, v3;
	(pc) =	sbr.rel @p0 .LBB2_2-.Ltmp6, $4  }
0xc4f: {  	[tilespmem:s28+$0x18040] =	vst.add.f32.msk $0xffff, v2  }
0xc50: {  	[tilespmem:s28+$0x18050] =	vst.add.f32.msk $0xffff, v1;
	s0 =	rddreg [dreg:$0x2]  }
0xc51: {  	[tilespmem:s28+$0x18060] =	vst.add.f32.msk $0xffff, v0;
	s18 =	simm.s32 $0x18000;
	s0 =	sadd.s32 s0, s25  }
0xc52: {  	[hbm4b:s0+s6] =	stream.linear.scatter [tilespmem:s18], [sflag:$0x8], $0x6000, $0x38;
	[tilespmem:$0x1E000] =	vst v63  }
0xc53: {  	s0 =	simm.s32 $0x7  }
0xc54: {  	_ =	swait.ge [sflag:s0], $0x6000  }
0xc55: {  	[sflag:s0] =	ssyncset.done $0x0  }
0xc56: {  	s2 =	simm.s32 $0x8;
	[sflag:s0] =	ssyncadd.s32 $0xFFFFA000  }
0xc57: {  	_ =	swait.ge [sflag:s2], $0x6000  }
0xc58: {  	s3 =	rddreg [dreg:$0x7]  }
0xc59: {  	s31 =	rddreg [dreg:$0x6];
	s3 =	sadd.s32 $0x1, s3  }
0xc5a: {  	p0 =	sne.s32 s3, s31  }
.Ltmp7:
0xc5b: {  	_ = 	snop;
	(pc) =	sbr.rel @p0 .LBB2_1-.Ltmp7, $3  }
0xc5c: {  	_ =	sdelay $0x1  }
0xc5d: {  	[sflag:s2] =	ssyncset.done $0x0  }
0xc5e: {  	[sflag:s2] =	ssyncadd.s32 $0xFFFFA000  }
0xc5f: {  	_ =	sfence.sel $0x180000  }
0xc60: {  	[bflag:$0x0] =	sbarrier.arrive $0xFFFF  }
0xc61: {  	_ =	strace $0x90000047  }
0xc62: {  	s0 =	stileid.u32;
	[bflag:$0x2] =	sbarrier.arrive $0xFFFF  }
0xc63: {  	p0 =	sne.s32 s0, $0x0;
	s0 =	rddreg [dreg:$0x3]  }
0xc64: {  	s0 =	sadd.s32 @!p0 $0x100000, s0  }
0xc65: {  	[sflag:s0] =	ssyncadd.tile.s32 @!p0 $0x1;
	_ =	shalt  }
.Lfunc_end2:
_tile_overlayer_lowered:
.L_overlay_start_2:
0xc66: {  	(tag) =	ssettag $0x2  }
0xc67: {  	s0 =	rddreg [dreg:$0x0];
	s2 =	stileid.u32  }
0xc68: {  	s1 =	rddreg [dreg:$0x1];
	p0 =	sne.s32 s2, $0x0  }
0xc69: {  	s3 =	rddreg [dreg:$0x2];
	[bflag:$0x3] =	sbarrier.arrive $0xFFFF;
	s2 =	simm.s32 @!p0 $0x1C09  }
0xc6a: {  	[timem:s3], [sflag:s2] =	dma.local @!p0 [hbm:s0], s1  }
0xc6b: {  	s0 =	simm.s32 @!p0 $0x9  }
0xc6c: {  	_ =	swait.ge @!p0 [sflag:s0], s1  }
0xc6d: {  	s1 =	ssub.s32 @!p0 $0x0, s1;
	[sflag:s0] =	ssyncset.done @!p0 $0x0  }
0xc6e: {  	[sflag:s0] =	ssyncadd.s32 @!p0 s1  }
0xc6f: {  	[bflag:$0x3] =	sbarrier.arrive $0xFFFF  }
0xc70: {  	_ =	shalt  }

</sc_bundles>
